<compile_context>
chip_gen: v7x
topology: tpu7x:2x2x1
jax: 0.10.2.dev20260603
libtpu: 0.0.44.dev20260713+nightly
codegen_flags: <defaults>
</compile_context>

<pallas_src>
import dataclasses

import jax
import jax.numpy as jnp
from jax import lax
from jax.experimental import pallas as pl
from jax.experimental.pallas import tpu as pltpu
from jax.experimental.pallas import tpu_sc as plsc

B = 16384
D = 128
NC = 2
NS = 16
L = 16
NW = NC * NS
BPW = B // NW
CH = 64
NCH = BPW // CH


def _body(ci_hbm, table_hbm, out_hbm,
          cidx, buf0, buf1, res0, res1, tr,
          sem0, sem1, semo0, semo1):
    wid = lax.axis_index("s") * NC + lax.axis_index("c")
    base = wid * BPW

    iota = lax.iota(jnp.int32, L)

    pltpu.sync_copy(ci_hbm.at[pl.ds(base * 2, BPW * 2)], cidx)

    slots = ((buf0, sem0, res0, semo0), (buf1, sem1, res1, semo1))
    ROUNDS = NCH // 2

    def stream_desc(c, b):
        buf, sm = slots[b][:2]
        return pltpu.make_async_copy(
            table_hbm.at[cidx.at[pl.ds(c * (2 * CH), 2 * CH)]], buf, sm)

    def out_desc(c, b):
        _, _, res, semo = slots[b]
        return pltpu.make_async_copy(
            res, out_hbm.at[pl.ds(base + c * CH, CH)], semo)

    stream_desc(0, 0).start()
    stream_desc(1, 1).start()

    @pl.loop(0, ROUNDS)
    def _round(r):
      for b in range(2):
        buf, _, res, _ = slots[b]
        c = 2 * r + b
        stream_desc(c, b).wait()

        @pl.when(r > 0)
        def _():
            out_desc(c - 2, b).wait()

        @pl.loop(0, CH, step=L)
        def _grp(p0, vb=buf, ub=buf, res=res):
            DL = D // L

            def loads(i):
                vi = [vb[p0 + i, pl.ds(j * L, L)] for j in range(DL)]
                ui = [ub[CH + p0 + i, pl.ds(j * L, L)] for j in range(DL)]
                return vi, ui

            def dot8(vs_us):
                vs, us = vs_us
                acc0 = vs[0] * us[0]
                acc1 = vs[1] * us[1]
                for j in range(2, DL, 2):
                    acc0 = acc0 + vs[j] * us[j]
                    acc1 = acc1 + vs[j + 1] * us[j + 1]
                return acc0 + acc1

            prev = loads(0)
            for i in range(1, L):
                cur = loads(i)
                tr[i - 1, :] = dot8(prev)
                prev = cur
            tr[L - 1, :] = dot8(prev)
            tot = None
            for j in range(L):
                col = plsc.load_gather(tr, [iota, jnp.full((L,), j, jnp.int32)])
                tot = col if tot is None else tot + col
            sig = 1.0 / (1.0 + jnp.exp(-tot))
            res[pl.ds(p0, L)] = sig

        out_desc(c, b).start()

        @pl.when(r < ROUNDS - 1)
        def _():
            stream_desc(c + 2, b).start()

    out_desc(NCH - 2, 0).wait()
    out_desc(NCH - 1, 1).wait()


def kernel(pairs, kernel):
    table = kernel
    ci = pairs.reshape(NW, NCH, CH, 2)
    ci = jnp.transpose(ci, (0, 1, 3, 2)).reshape(2 * B)
    mesh = plsc.VectorSubcoreMesh(core_axis_name="c", subcore_axis_name="s")
    cp = pltpu.CompilerParams()
    if "needs_layout_passes" in pltpu.CompilerParams.__dataclass_fields__:
        cp = dataclasses.replace(cp, needs_layout_passes=False)
    k = pl.kernel(
        _body,
        out_type=jax.ShapeDtypeStruct((B,), jnp.float32),
        mesh=mesh,
        scratch_types=[
            pltpu.VMEM((2 * BPW,), jnp.int32),
            pltpu.VMEM((2 * CH, D), jnp.float32),
            pltpu.VMEM((2 * CH, D), jnp.float32),
            pltpu.VMEM((CH,), jnp.float32),
            pltpu.VMEM((CH,), jnp.float32),
            pltpu.VMEM((L, L), jnp.float32),
            pltpu.SemaphoreType.DMA,
            pltpu.SemaphoreType.DMA,
            pltpu.SemaphoreType.DMA,
            pltpu.SemaphoreType.DMA,
        ],
        compiler_params=cp,
    )
    out = k(ci, table)
    return out.reshape(B, 1)

# --- scband reference (transcript-rebuilt; emitter-appended) ---
"""Pipeline reference for scband-emb-layer-84567906058604 (READ-ONLY COPY).

The authoritative reference and input builder live on the scoring server;
editing this copy changes nothing except your own understanding.
"""

import jax, jax.numpy as jnp
import numpy as np

NUM_NODES = 100000
EMB_DIM = 128
BATCH = 16384

def setup_inputs(seed: int = 0) -> dict:
    key = jax.random.key(seed)
    k1, k2 = jax.random.split(key)
    pairs = jax.random.randint(k1, (BATCH, 2), 0, NUM_NODES, dtype=jnp.int64 if jax.config.jax_enable_x64 else jnp.int32).astype(jnp.int32)
    # keras 'uniform' initializer: uniform in [-0.05, 0.05]
    kernel = jax.random.uniform(k2, (NUM_NODES, EMB_DIM), dtype=jnp.float32, minval=-0.05, maxval=0.05)
    return {"pairs": pairs, "kernel": kernel}

def reference(pairs, kernel):
    # slice out node indices, keep trailing dim of 1 like keras.backend.slice
    v = pairs[:, 0:1].astype(jnp.int32)  # (B, 1)
    u = pairs[:, 1:2].astype(jnp.int32)  # (B, 1)
    vec1 = jnp.take(kernel, v, axis=0)   # (B, 1, D)
    vec2 = jnp.take(kernel, u, axis=0)   # (B, 1, D)
    prod = vec1 * vec2                   # (B, 1, D)
    s = jnp.sum(prod, axis=2)            # (B, 1)
    res = jax.nn.sigmoid(s)              # (B, 1)
    return res

if __name__ == "__main__":
    import jax
    _d = setup_inputs()
    print(jax.jit(kernel)(*tuple(_d.values())))

</pallas_src>

<mosaic_0001>
#map = affine_map<(d0, d1) -> (0)>
#map1 = affine_map<(d0, d1) -> (0, 0)>
module attributes {stable_mosaic.version = 14 : i64} {
  func.func @_body(%arg0: i32, %arg1: i32, %arg2: memref<32768xi32, #tpu.memory_space<hbm>>, %arg3: memref<100000x128xf32, #tpu.memory_space<hbm>>, %arg4: memref<16384xf32, #tpu.memory_space<hbm>>, %arg5: memref<1024xi32, #tpu.memory_space<vmem>>, %arg6: memref<128x128xf32, #tpu.memory_space<vmem>>, %arg7: memref<128x128xf32, #tpu.memory_space<vmem>>, %arg8: memref<64xf32, #tpu.memory_space<vmem>>, %arg9: memref<64xf32, #tpu.memory_space<vmem>>, %arg10: memref<16x16xf32, #tpu.memory_space<vmem>>, %arg11: memref<!tpu.dma_semaphore, #tpu.memory_space<semaphore_mem>>, %arg12: memref<!tpu.dma_semaphore, #tpu.memory_space<semaphore_mem>>, %arg13: memref<!tpu.dma_semaphore, #tpu.memory_space<semaphore_mem>>, %arg14: memref<!tpu.dma_semaphore, #tpu.memory_space<semaphore_mem>>) attributes {dimension_semantics = [#tpu.dimension_semantics<core_parallel>, #tpu.dimension_semantics<subcore_parallel>], iteration_bounds = array<i64: 2, 16>, scalar_prefetch = 0 : i64, scratch_operands = 10 : i64, tpu.core_type = #tpu.core_type<sc_vector_subcore>, window_params = [{transform_indices = #map}, {transform_indices = #map1}, {transform_indices = #map}]} {
    %mul3A = arith.constant 2 : i32
    %mul3A_0 = arith.muli %arg1, %mul3A : i32
    %add3A = arith.addi %mul3A_0, %arg0 : i32
    %mul3A_1 = arith.constant 512 : i32
    %mul3A_2 = arith.muli %add3A, %mul3A_1 : i32
    %iota3A = tpu.iota {dimensions = array<i32: 0>} : vector<16xi32>
    %mul3A_3 = arith.constant 2 : i32
    %mul3A_4 = arith.muli %mul3A_2, %mul3A_3 : i32
    "tpu.region"() ({
      %run_scoped3A = tpu.sem_alloc : memref<!tpu.dma_semaphore, #tpu.memory_space<semaphore_mem>>
      %dma_start3A_25 = tpu.memref_slice %arg2[%mul3A_4] : memref<32768xi32, #tpu.memory_space<hbm>> -> memref<1024xi32, #tpu.memory_space<hbm>>
      %dma_start3A_26 = tpu.memref_slice %arg2[%mul3A_4] : memref<32768xi32, #tpu.memory_space<hbm>> -> memref<1024xi32, #tpu.memory_space<hbm>>
      tpu.enqueue_dma source(%dma_start3A_26 : memref<1024xi32, #tpu.memory_space<hbm>>) target(%arg5 : memref<1024xi32, #tpu.memory_space<vmem>>) target_semaphore(%run_scoped3A : memref<!tpu.dma_semaphore, #tpu.memory_space<semaphore_mem>>)
      %dma_wait3A_27 = tpu.memref_slice %arg2[%mul3A_4] : memref<32768xi32, #tpu.memory_space<hbm>> -> memref<1024xi32, #tpu.memory_space<hbm>>
      %dma_wait3A_28 = tpu.memref_slice %arg2[%mul3A_4] : memref<32768xi32, #tpu.memory_space<hbm>> -> memref<1024xi32, #tpu.memory_space<hbm>>
      tpu.wait_dma2 semaphore(%run_scoped3A : memref<!tpu.dma_semaphore, #tpu.memory_space<semaphore_mem>>) src(%dma_wait3A_28 : memref<1024xi32, #tpu.memory_space<hbm>>) dst(%arg5 : memref<1024xi32, #tpu.memory_space<vmem>>)
      tpu.yield
    }) : () -> ()
    %dma_start3A = arith.constant 0 : i32
    %dma_start3A_5 = tpu.memref_slice %arg5[%dma_start3A] : memref<1024xi32, #tpu.memory_space<vmem>> -> memref<128xi32, #tpu.memory_space<vmem>>
    %dma_start3A_6 = arith.constant 0 : i32
    %dma_start3A_7 = arith.constant 0 : i32
    %dma_start3A_8 = tpu.memref_slice %arg3[%dma_start3A_6, %dma_start3A_7] : memref<100000x128xf32, #tpu.memory_space<hbm>> -> memref<100000x128xf32, #tpu.memory_space<hbm>>
    tpu.enqueue_indirect_dma source(%dma_start3A_8 : memref<100000x128xf32, #tpu.memory_space<hbm>>) target(%arg6 : memref<128x128xf32, #tpu.memory_space<vmem>>) offsets(%dma_start3A_5 : memref<128xi32, #tpu.memory_space<vmem>>) semaphore(%arg11 : memref<!tpu.dma_semaphore, #tpu.memory_space<semaphore_mem>>)
    %dma_start3A_9 = arith.constant 128 : i32
    %dma_start3A_10 = tpu.memref_slice %arg5[%dma_start3A_9] : memref<1024xi32, #tpu.memory_space<vmem>> -> memref<128xi32, #tpu.memory_space<vmem>>
    %dma_start3A_11 = arith.constant 0 : i32
    %dma_start3A_12 = arith.constant 0 : i32
    %dma_start3A_13 = tpu.memref_slice %arg3[%dma_start3A_11, %dma_start3A_12] : memref<100000x128xf32, #tpu.memory_space<hbm>> -> memref<100000x128xf32, #tpu.memory_space<hbm>>
    tpu.enqueue_indirect_dma source(%dma_start3A_13 : memref<100000x128xf32, #tpu.memory_space<hbm>>) target(%arg7 : memref<128x128xf32, #tpu.memory_space<vmem>>) offsets(%dma_start3A_10 : memref<128xi32, #tpu.memory_space<vmem>>) semaphore(%arg12 : memref<!tpu.dma_semaphore, #tpu.memory_space<semaphore_mem>>)
    %scan3A = arith.constant 0 : i32
    %scan3A_14 = arith.constant 4 : i32
    %scan3A_15 = arith.addi %scan3A, %scan3A_14 : i32
    %scan3A_16 = arith.constant 1 : i32
    scf.for %scan3A_25 = %scan3A to %scan3A_15 step %scan3A_16  : i32 {
      %mul3A_26 = arith.constant 1 : i32
      %mul3A_27 = arith.muli %scan3A_25, %mul3A_26 : i32
      %add3A_28 = arith.constant 0 : i32
      %add3A_29 = arith.addi %add3A_28, %mul3A_27 : i32
      %mul3A_30 = arith.constant 2 : i32
      %mul3A_31 = arith.muli %mul3A_30, %add3A_29 : i32
      %add3A_32 = arith.constant 0 : i32
      %add3A_33 = arith.addi %mul3A_31, %add3A_32 : i32
      %mul3A_34 = arith.constant 128 : i32
      %mul3A_35 = arith.muli %add3A_33, %mul3A_34 : i32
      %dma_wait3A_36 = tpu.memref_slice %arg5[%mul3A_35] : memref<1024xi32, #tpu.memory_space<vmem>> -> memref<128xi32, #tpu.memory_space<vmem>>
      %dma_wait3A_37 = arith.constant 0 : i32
      %dma_wait3A_38 = arith.constant 0 : i32
      %dma_wait3A_39 = tpu.memref_slice %arg3[%dma_wait3A_37, %dma_wait3A_38] : memref<100000x128xf32, #tpu.memory_space<hbm>> -> memref<100000x128xf32, #tpu.memory_space<hbm>>
      tpu.wait_indirect_dma semaphore(%arg11 : memref<!tpu.dma_semaphore, #tpu.memory_space<semaphore_mem>>) src(%dma_wait3A_39 : memref<100000x128xf32, #tpu.memory_space<hbm>>) dst(%arg6 : memref<128x128xf32, #tpu.memory_space<vmem>>)
      %gt3A = arith.constant 0 : i32
      %gt3A_40 = arith.cmpi sgt, %add3A_29, %gt3A : i32
      %convert_element_type3A = arith.extui %gt3A_40 : i1 to i32
      %cond3A = arith.constant 0 : i32
      %cond3A_41 = arith.cmpi ne, %convert_element_type3A, %cond3A : i32
      scf.if %cond3A_41 {
        %sub3A = arith.constant 2 : i32
        %sub3A_86 = arith.subi %add3A_33, %sub3A : i32
        %mul3A_87 = arith.constant 64 : i32
        %mul3A_88 = arith.muli %sub3A_86, %mul3A_87 : i32
        %add3A_89 = arith.addi %mul3A_2, %mul3A_88 : i32
        %dma_wait3A_90 = tpu.memref_slice %arg4[%add3A_89] : memref<16384xf32, #tpu.memory_space<hbm>> -> memref<64xf32, #tpu.memory_space<hbm>>
        %dma_wait3A_91 = tpu.memref_slice %arg4[%add3A_89] : memref<16384xf32, #tpu.memory_space<hbm>> -> memref<64xf32, #tpu.memory_space<hbm>>
        tpu.wait_dma2 semaphore(%arg13 : memref<!tpu.dma_semaphore, #tpu.memory_space<semaphore_mem>>) src(%arg8 : memref<64xf32, #tpu.memory_space<vmem>>) dst(%dma_wait3A_91 : memref<64xf32, #tpu.memory_space<hbm>>)
      } else {
      }
      %scan3A_42 = arith.constant 0 : i32
      %scan3A_43 = arith.constant 4 : i32
      %scan3A_44 = arith.addi %scan3A_42, %scan3A_43 : i32
      %scan3A_45 = arith.constant 1 : i32
      scf.for %scan3A_86 = %scan3A_42 to %scan3A_44 step %scan3A_45  : i32 {
        %mul3A_87 = arith.constant 16 : i32
        %mul3A_88 = arith.muli %scan3A_86, %mul3A_87 : i32
        %add3A_89 = arith.constant 0 : i32
        %add3A_90 = arith.addi %add3A_89, %mul3A_88 : i32
        %add3A_91 = arith.constant 0 : i32
        %add3A_92 = arith.addi %add3A_90, %add3A_91 : i32
        %get3A = arith.index_cast %add3A_92 : i32 to index
        %get3A_93 = arith.constant 0 : index
        %get3A_94 = tpu.vector_load %arg6[%get3A, %get3A_93] {strides = array<i32>} : memref<128x128xf32, #tpu.memory_space<vmem>>, vector<16xf32>,
        %add3A_95 = arith.constant 0 : i32
        %add3A_96 = arith.addi %add3A_90, %add3A_95 : i32
        %get3A_97 = arith.index_cast %add3A_96 : i32 to index
        %get3A_98 = arith.constant 16 : index
        %get3A_99 = tpu.vector_load %arg6[%get3A_97, %get3A_98] {strides = array<i32>} : memref<128x128xf32, #tpu.memory_space<vmem>>, vector<16xf32>,
        %add3A_100 = arith.constant 0 : i32
        %add3A_101 = arith.addi %add3A_90, %add3A_100 : i32
        %get3A_102 = arith.index_cast %add3A_101 : i32 to index
        %get3A_103 = arith.constant 32 : index
        %get3A_104 = tpu.vector_load %arg6[%get3A_102, %get3A_103] {strides = array<i32>} : memref<128x128xf32, #tpu.memory_space<vmem>>, vector<16xf32>,
        %add3A_105 = arith.constant 0 : i32
        %add3A_106 = arith.addi %add3A_90, %add3A_105 : i32
        %get3A_107 = arith.index_cast %add3A_106 : i32 to index
        %get3A_108 = arith.constant 48 : index
        %get3A_109 = tpu.vector_load %arg6[%get3A_107, %get3A_108] {strides = array<i32>} : memref<128x128xf32, #tpu.memory_space<vmem>>, vector<16xf32>,
        %add3A_110 = arith.constant 0 : i32
        %add3A_111 = arith.addi %add3A_90, %add3A_110 : i32
        %get3A_112 = arith.index_cast %add3A_111 : i32 to index
        %get3A_113 = arith.constant 64 : index
        %get3A_114 = tpu.vector_load %arg6[%get3A_112, %get3A_113] {strides = array<i32>} : memref<128x128xf32, #tpu.memory_space<vmem>>, vector<16xf32>,
        %add3A_115 = arith.constant 0 : i32
        %add3A_116 = arith.addi %add3A_90, %add3A_115 : i32
        %get3A_117 = arith.index_cast %add3A_116 : i32 to index
        %get3A_118 = arith.constant 80 : index
        %get3A_119 = tpu.vector_load %arg6[%get3A_117, %get3A_118] {strides = array<i32>} : memref<128x128xf32, #tpu.memory_space<vmem>>, vector<16xf32>,
        %add3A_120 = arith.constant 0 : i32
        %add3A_121 = arith.addi %add3A_90, %add3A_120 : i32
        %get3A_122 = arith.index_cast %add3A_121 : i32 to index
        %get3A_123 = arith.constant 96 : index
        %get3A_124 = tpu.vector_load %arg6[%get3A_122, %get3A_123] {strides = array<i32>} : memref<128x128xf32, #tpu.memory_space<vmem>>, vector<16xf32>,
        %add3A_125 = arith.constant 0 : i32
        %add3A_126 = arith.addi %add3A_90, %add3A_125 : i32
        %get3A_127 = arith.index_cast %add3A_126 : i32 to index
        %get3A_128 = arith.constant 112 : index
        %get3A_129 = tpu.vector_load %arg6[%get3A_127, %get3A_128] {strides = array<i32>} : memref<128x128xf32, #tpu.memory_space<vmem>>, vector<16xf32>,
        %add3A_130 = arith.constant 64 : i32
        %add3A_131 = arith.addi %add3A_130, %add3A_90 : i32
        %add3A_132 = arith.constant 0 : i32
        %add3A_133 = arith.addi %add3A_131, %add3A_132 : i32
        %get3A_134 = arith.index_cast %add3A_133 : i32 to index
        %get3A_135 = arith.constant 0 : index
        %get3A_136 = tpu.vector_load %arg6[%get3A_134, %get3A_135] {strides = array<i32>} : memref<128x128xf32, #tpu.memory_space<vmem>>, vector<16xf32>,
        %add3A_137 = arith.constant 64 : i32
        %add3A_138 = arith.addi %add3A_137, %add3A_90 : i32
        %add3A_139 = arith.constant 0 : i32
        %add3A_140 = arith.addi %add3A_138, %add3A_139 : i32
        %get3A_141 = arith.index_cast %add3A_140 : i32 to index
        %get3A_142 = arith.constant 16 : index
        %get3A_143 = tpu.vector_load %arg6[%get3A_141, %get3A_142] {strides = array<i32>} : memref<128x128xf32, #tpu.memory_space<vmem>>, vector<16xf32>,
        %add3A_144 = arith.constant 64 : i32
        %add3A_145 = arith.addi %add3A_144, %add3A_90 : i32
        %add3A_146 = arith.constant 0 : i32
        %add3A_147 = arith.addi %add3A_145, %add3A_146 : i32
        %get3A_148 = arith.index_cast %add3A_147 : i32 to index
        %get3A_149 = arith.constant 32 : index
        %get3A_150 = tpu.vector_load %arg6[%get3A_148, %get3A_149] {strides = array<i32>} : memref<128x128xf32, #tpu.memory_space<vmem>>, vector<16xf32>,
        %add3A_151 = arith.constant 64 : i32
        %add3A_152 = arith.addi %add3A_151, %add3A_90 : i32
        %add3A_153 = arith.constant 0 : i32
        %add3A_154 = arith.addi %add3A_152, %add3A_153 : i32
        %get3A_155 = arith.index_cast %add3A_154 : i32 to index
        %get3A_156 = arith.constant 48 : index
        %get3A_157 = tpu.vector_load %arg6[%get3A_155, %get3A_156] {strides = array<i32>} : memref<128x128xf32, #tpu.memory_space<vmem>>, vector<16xf32>,
        %add3A_158 = arith.constant 64 : i32
        %add3A_159 = arith.addi %add3A_158, %add3A_90 : i32
        %add3A_160 = arith.constant 0 : i32
        %add3A_161 = arith.addi %add3A_159, %add3A_160 : i32
        %get3A_162 = arith.index_cast %add3A_161 : i32 to index
        %get3A_163 = arith.constant 64 : index
        %get3A_164 = tpu.vector_load %arg6[%get3A_162, %get3A_163] {strides = array<i32>} : memref<128x128xf32, #tpu.memory_space<vmem>>, vector<16xf32>,
        %add3A_165 = arith.constant 64 : i32
        %add3A_166 = arith.addi %add3A_165, %add3A_90 : i32
        %add3A_167 = arith.constant 0 : i32
        %add3A_168 = arith.addi %add3A_166, %add3A_167 : i32
        %get3A_169 = arith.index_cast %add3A_168 : i32 to index
        %get3A_170 = arith.constant 80 : index
        %get3A_171 = tpu.vector_load %arg6[%get3A_169, %get3A_170] {strides = array<i32>} : memref<128x128xf32, #tpu.memory_space<vmem>>, vector<16xf32>,
        %add3A_172 = arith.constant 64 : i32
        %add3A_173 = arith.addi %add3A_172, %add3A_90 : i32
        %add3A_174 = arith.constant 0 : i32
        %add3A_175 = arith.addi %add3A_173, %add3A_174 : i32
        %get3A_176 = arith.index_cast %add3A_175 : i32 to index
        %get3A_177 = arith.constant 96 : index
        %get3A_178 = tpu.vector_load %arg6[%get3A_176, %get3A_177] {strides = array<i32>} : memref<128x128xf32, #tpu.memory_space<vmem>>, vector<16xf32>,
        %add3A_179 = arith.constant 64 : i32
        %add3A_180 = arith.addi %add3A_179, %add3A_90 : i32
        %add3A_181 = arith.constant 0 : i32
        %add3A_182 = arith.addi %add3A_180, %add3A_181 : i32
        %get3A_183 = arith.index_cast %add3A_182 : i32 to index
        %get3A_184 = arith.constant 112 : index
        %get3A_185 = tpu.vector_load %arg6[%get3A_183, %get3A_184] {strides = array<i32>} : memref<128x128xf32, #tpu.memory_space<vmem>>, vector<16xf32>,
        %add3A_186 = arith.constant 1 : i32
        %add3A_187 = arith.addi %add3A_90, %add3A_186 : i32
        %get3A_188 = arith.index_cast %add3A_187 : i32 to index
        %get3A_189 = arith.constant 0 : index
        %get3A_190 = tpu.vector_load %arg6[%get3A_188, %get3A_189] {strides = array<i32>} : memref<128x128xf32, #tpu.memory_space<vmem>>, vector<16xf32>,
        %add3A_191 = arith.constant 1 : i32
        %add3A_192 = arith.addi %add3A_90, %add3A_191 : i32
        %get3A_193 = arith.index_cast %add3A_192 : i32 to index
        %get3A_194 = arith.constant 16 : index
        %get3A_195 = tpu.vector_load %arg6[%get3A_193, %get3A_194] {strides = array<i32>} : memref<128x128xf32, #tpu.memory_space<vmem>>, vector<16xf32>,
        %add3A_196 = arith.constant 1 : i32
        %add3A_197 = arith.addi %add3A_90, %add3A_196 : i32
        %get3A_198 = arith.index_cast %add3A_197 : i32 to index
        %get3A_199 = arith.constant 32 : index
        %get3A_200 = tpu.vector_load %arg6[%get3A_198, %get3A_199] {strides = array<i32>} : memref<128x128xf32, #tpu.memory_space<vmem>>, vector<16xf32>,
        %add3A_201 = arith.constant 1 : i32
        %add3A_202 = arith.addi %add3A_90, %add3A_201 : i32
        %get3A_203 = arith.index_cast %add3A_202 : i32 to index
        %get3A_204 = arith.constant 48 : index
        %get3A_205 = tpu.vector_load %arg6[%get3A_203, %get3A_204] {strides = array<i32>} : memref<128x128xf32, #tpu.memory_space<vmem>>, vector<16xf32>,
        %add3A_206 = arith.constant 1 : i32
        %add3A_207 = arith.addi %add3A_90, %add3A_206 : i32
        %get3A_208 = arith.index_cast %add3A_207 : i32 to index
        %get3A_209 = arith.constant 64 : index
        %get3A_210 = tpu.vector_load %arg6[%get3A_208, %get3A_209] {strides = array<i32>} : memref<128x128xf32, #tpu.memory_space<vmem>>, vector<16xf32>,
        %add3A_211 = arith.constant 1 : i32
        %add3A_212 = arith.addi %add3A_90, %add3A_211 : i32
        %get3A_213 = arith.index_cast %add3A_212 : i32 to index
        %get3A_214 = arith.constant 80 : index
        %get3A_215 = tpu.vector_load %arg6[%get3A_213, %get3A_214] {strides = array<i32>} : memref<128x128xf32, #tpu.memory_space<vmem>>, vector<16xf32>,
        %add3A_216 = arith.constant 1 : i32
        %add3A_217 = arith.addi %add3A_90, %add3A_216 : i32
        %get3A_218 = arith.index_cast %add3A_217 : i32 to index
        %get3A_219 = arith.constant 96 : index
        %get3A_220 = tpu.vector_load %arg6[%get3A_218, %get3A_219] {strides = array<i32>} : memref<128x128xf32, #tpu.memory_space<vmem>>, vector<16xf32>,
        %add3A_221 = arith.constant 1 : i32
        %add3A_222 = arith.addi %add3A_90, %add3A_221 : i32
        %get3A_223 = arith.index_cast %add3A_222 : i32 to index
        %get3A_224 = arith.constant 112 : index
        %get3A_225 = tpu.vector_load %arg6[%get3A_223, %get3A_224] {strides = array<i32>} : memref<128x128xf32, #tpu.memory_space<vmem>>, vector<16xf32>,
        %add3A_226 = arith.constant 64 : i32
        %add3A_227 = arith.addi %add3A_226, %add3A_90 : i32
        %add3A_228 = arith.constant 1 : i32
        %add3A_229 = arith.addi %add3A_227, %add3A_228 : i32
        %get3A_230 = arith.index_cast %add3A_229 : i32 to index
        %get3A_231 = arith.constant 0 : index
        %get3A_232 = tpu.vector_load %arg6[%get3A_230, %get3A_231] {strides = array<i32>} : memref<128x128xf32, #tpu.memory_space<vmem>>, vector<16xf32>,
        %add3A_233 = arith.constant 64 : i32
        %add3A_234 = arith.addi %add3A_233, %add3A_90 : i32
        %add3A_235 = arith.constant 1 : i32
        %add3A_236 = arith.addi %add3A_234, %add3A_235 : i32
        %get3A_237 = arith.index_cast %add3A_236 : i32 to index
        %get3A_238 = arith.constant 16 : index
        %get3A_239 = tpu.vector_load %arg6[%get3A_237, %get3A_238] {strides = array<i32>} : memref<128x128xf32, #tpu.memory_space<vmem>>, vector<16xf32>,
        %add3A_240 = arith.constant 64 : i32
        %add3A_241 = arith.addi %add3A_240, %add3A_90 : i32
        %add3A_242 = arith.constant 1 : i32
        %add3A_243 = arith.addi %add3A_241, %add3A_242 : i32
        %get3A_244 = arith.index_cast %add3A_243 : i32 to index
        %get3A_245 = arith.constant 32 : index
        %get3A_246 = tpu.vector_load %arg6[%get3A_244, %get3A_245] {strides = array<i32>} : memref<128x128xf32, #tpu.memory_space<vmem>>, vector<16xf32>,
        %add3A_247 = arith.constant 64 : i32
        %add3A_248 = arith.addi %add3A_247, %add3A_90 : i32
        %add3A_249 = arith.constant 1 : i32
        %add3A_250 = arith.addi %add3A_248, %add3A_249 : i32
        %get3A_251 = arith.index_cast %add3A_250 : i32 to index
        %get3A_252 = arith.constant 48 : index
        %get3A_253 = tpu.vector_load %arg6[%get3A_251, %get3A_252] {strides = array<i32>} : memref<128x128xf32, #tpu.memory_space<vmem>>, vector<16xf32>,
        %add3A_254 = arith.constant 64 : i32
        %add3A_255 = arith.addi %add3A_254, %add3A_90 : i32
        %add3A_256 = arith.constant 1 : i32
        %add3A_257 = arith.addi %add3A_255, %add3A_256 : i32
        %get3A_258 = arith.index_cast %add3A_257 : i32 to index
        %get3A_259 = arith.constant 64 : index
        %get3A_260 = tpu.vector_load %arg6[%get3A_258, %get3A_259] {strides = array<i32>} : memref<128x128xf32, #tpu.memory_space<vmem>>, vector<16xf32>,
        %add3A_261 = arith.constant 64 : i32
        %add3A_262 = arith.addi %add3A_261, %add3A_90 : i32
        %add3A_263 = arith.constant 1 : i32
        %add3A_264 = arith.addi %add3A_262, %add3A_263 : i32
        %get3A_265 = arith.index_cast %add3A_264 : i32 to index
        %get3A_266 = arith.constant 80 : index
        %get3A_267 = tpu.vector_load %arg6[%get3A_265, %get3A_266] {strides = array<i32>} : memref<128x128xf32, #tpu.memory_space<vmem>>, vector<16xf32>,
        %add3A_268 = arith.constant 64 : i32
        %add3A_269 = arith.addi %add3A_268, %add3A_90 : i32
        %add3A_270 = arith.constant 1 : i32
        %add3A_271 = arith.addi %add3A_269, %add3A_270 : i32
        %get3A_272 = arith.index_cast %add3A_271 : i32 to index
        %get3A_273 = arith.constant 96 : index
        %get3A_274 = tpu.vector_load %arg6[%get3A_272, %get3A_273] {strides = array<i32>} : memref<128x128xf32, #tpu.memory_space<vmem>>, vector<16xf32>,
        %add3A_275 = arith.constant 64 : i32
        %add3A_276 = arith.addi %add3A_275, %add3A_90 : i32
        %add3A_277 = arith.constant 1 : i32
        %add3A_278 = arith.addi %add3A_276, %add3A_277 : i32
        %get3A_279 = arith.index_cast %add3A_278 : i32 to index
        %get3A_280 = arith.constant 112 : index
        %get3A_281 = tpu.vector_load %arg6[%get3A_279, %get3A_280] {strides = array<i32>} : memref<128x128xf32, #tpu.memory_space<vmem>>, vector<16xf32>,
        %mul3A_282 = arith.mulf %get3A_94, %get3A_136 : vector<16xf32>
        %mul3A_283 = arith.mulf %get3A_99, %get3A_143 : vector<16xf32>
        %mul3A_284 = arith.mulf %get3A_104, %get3A_150 : vector<16xf32>
        %add3A_285 = arith.addf %mul3A_282, %mul3A_284 : vector<16xf32>
        %mul3A_286 = arith.mulf %get3A_109, %get3A_157 : vector<16xf32>
        %add3A_287 = arith.addf %mul3A_283, %mul3A_286 : vector<16xf32>
        %mul3A_288 = arith.mulf %get3A_114, %get3A_164 : vector<16xf32>
        %add3A_289 = arith.addf %add3A_285, %mul3A_288 : vector<16xf32>
        %mul3A_290 = arith.mulf %get3A_119, %get3A_171 : vector<16xf32>
        %add3A_291 = arith.addf %add3A_287, %mul3A_290 : vector<16xf32>
        %mul3A_292 = arith.mulf %get3A_124, %get3A_178 : vector<16xf32>
        %add3A_293 = arith.addf %add3A_289, %mul3A_292 : vector<16xf32>
        %mul3A_294 = arith.mulf %get3A_129, %get3A_185 : vector<16xf32>
        %add3A_295 = arith.addf %add3A_291, %mul3A_294 : vector<16xf32>
        %add3A_296 = arith.addf %add3A_293, %add3A_295 : vector<16xf32>
        %swap3A = arith.constant 0 : i32
        %swap3A_297 = arith.index_cast %swap3A : i32 to index
        %swap3A_298 = arith.constant 0 : index
        %swap3A_299 = tpu.vector_load %arg10[%swap3A_297, %swap3A_298] {strides = array<i32>} : memref<16x16xf32, #tpu.memory_space<vmem>>, vector<16xf32>,
        tpu.vector_store %arg10[%swap3A_297, %swap3A_298], %add3A_296 {strides = array<i32>} : memref<16x16xf32, #tpu.memory_space<vmem>>, vector<16xf32>,
        %add3A_300 = arith.constant 2 : i32
        %add3A_301 = arith.addi %add3A_90, %add3A_300 : i32
        %get3A_302 = arith.index_cast %add3A_301 : i32 to index
        %get3A_303 = arith.constant 0 : index
        %get3A_304 = tpu.vector_load %arg6[%get3A_302, %get3A_303] {strides = array<i32>} : memref<128x128xf32, #tpu.memory_space<vmem>>, vector<16xf32>,
        %add3A_305 = arith.constant 2 : i32
        %add3A_306 = arith.addi %add3A_90, %add3A_305 : i32
        %get3A_307 = arith.index_cast %add3A_306 : i32 to index
        %get3A_308 = arith.constant 16 : index
        %get3A_309 = tpu.vector_load %arg6[%get3A_307, %get3A_308] {strides = array<i32>} : memref<128x128xf32, #tpu.memory_space<vmem>>, vector<16xf32>,
        %add3A_310 = arith.constant 2 : i32
        %add3A_311 = arith.addi %add3A_90, %add3A_310 : i32
        %get3A_312 = arith.index_cast %add3A_311 : i32 to index
        %get3A_313 = arith.constant 32 : index
        %get3A_314 = tpu.vector_load %arg6[%get3A_312, %get3A_313] {strides = array<i32>} : memref<128x128xf32, #tpu.memory_space<vmem>>, vector<16xf32>,
        %add3A_315 = arith.constant 2 : i32
        %add3A_316 = arith.addi %add3A_90, %add3A_315 : i32
        %get3A_317 = arith.index_cast %add3A_316 : i32 to index
        %get3A_318 = arith.constant 48 : index
        %get3A_319 = tpu.vector_load %arg6[%get3A_317, %get3A_318] {strides = array<i32>} : memref<128x128xf32, #tpu.memory_space<vmem>>, vector<16xf32>,
        %add3A_320 = arith.constant 2 : i32
        %add3A_321 = arith.addi %add3A_90, %add3A_320 : i32
        %get3A_322 = arith.index_cast %add3A_321 : i32 to index
        %get3A_323 = arith.constant 64 : index
        %get3A_324 = tpu.vector_load %arg6[%get3A_322, %get3A_323] {strides = array<i32>} : memref<128x128xf32, #tpu.memory_space<vmem>>, vector<16xf32>,
        %add3A_325 = arith.constant 2 : i32
        %add3A_326 = arith.addi %add3A_90, %add3A_325 : i32
        %get3A_327 = arith.index_cast %add3A_326 : i32 to index
        %get3A_328 = arith.constant 80 : index
        %get3A_329 = tpu.vector_load %arg6[%get3A_327, %get3A_328] {strides = array<i32>} : memref<128x128xf32, #tpu.memory_space<vmem>>, vector<16xf32>,
        %add3A_330 = arith.constant 2 : i32
        %add3A_331 = arith.addi %add3A_90, %add3A_330 : i32
        %get3A_332 = arith.index_cast %add3A_331 : i32 to index
        %get3A_333 = arith.constant 96 : index
        %get3A_334 = tpu.vector_load %arg6[%get3A_332, %get3A_333] {strides = array<i32>} : memref<128x128xf32, #tpu.memory_space<vmem>>, vector<16xf32>,
        %add3A_335 = arith.constant 2 : i32
        %add3A_336 = arith.addi %add3A_90, %add3A_335 : i32
        %get3A_337 = arith.index_cast %add3A_336 : i32 to index
        %get3A_338 = arith.constant 112 : index
        %get3A_339 = tpu.vector_load %arg6[%get3A_337, %get3A_338] {strides = array<i32>} : memref<128x128xf32, #tpu.memory_space<vmem>>, vector<16xf32>,
        %add3A_340 = arith.constant 64 : i32
        %add3A_341 = arith.addi %add3A_340, %add3A_90 : i32
        %add3A_342 = arith.constant 2 : i32
        %add3A_343 = arith.addi %add3A_341, %add3A_342 : i32
        %get3A_344 = arith.index_cast %add3A_343 : i32 to index
        %get3A_345 = arith.constant 0 : index
        %get3A_346 = tpu.vector_load %arg6[%get3A_344, %get3A_345] {strides = array<i32>} : memref<128x128xf32, #tpu.memory_space<vmem>>, vector<16xf32>,
        %add3A_347 = arith.constant 64 : i32
        %add3A_348 = arith.addi %add3A_347, %add3A_90 : i32
        %add3A_349 = arith.constant 2 : i32
        %add3A_350 = arith.addi %add3A_348, %add3A_349 : i32
        %get3A_351 = arith.index_cast %add3A_350 : i32 to index
        %get3A_352 = arith.constant 16 : index
        %get3A_353 = tpu.vector_load %arg6[%get3A_351, %get3A_352] {strides = array<i32>} : memref<128x128xf32, #tpu.memory_space<vmem>>, vector<16xf32>,
        %add3A_354 = arith.constant 64 : i32
        %add3A_355 = arith.addi %add3A_354, %add3A_90 : i32
        %add3A_356 = arith.constant 2 : i32
        %add3A_357 = arith.addi %add3A_355, %add3A_356 : i32
        %get3A_358 = arith.index_cast %add3A_357 : i32 to index
        %get3A_359 = arith.constant 32 : index
        %get3A_360 = tpu.vector_load %arg6[%get3A_358, %get3A_359] {strides = array<i32>} : memref<128x128xf32, #tpu.memory_space<vmem>>, vector<16xf32>,
        %add3A_361 = arith.constant 64 : i32
        %add3A_362 = arith.addi %add3A_361, %add3A_90 : i32
        %add3A_363 = arith.constant 2 : i32
        %add3A_364 = arith.addi %add3A_362, %add3A_363 : i32
        %get3A_365 = arith.index_cast %add3A_364 : i32 to index
        %get3A_366 = arith.constant 48 : index
        %get3A_367 = tpu.vector_load %arg6[%get3A_365, %get3A_366] {strides = array<i32>} : memref<128x128xf32, #tpu.memory_space<vmem>>, vector<16xf32>,
        %add3A_368 = arith.constant 64 : i32
        %add3A_369 = arith.addi %add3A_368, %add3A_90 : i32
        %add3A_370 = arith.constant 2 : i32
        %add3A_371 = arith.addi %add3A_369, %add3A_370 : i32
        %get3A_372 = arith.index_cast %add3A_371 : i32 to index
        %get3A_373 = arith.constant 64 : index
        %get3A_374 = tpu.vector_load %arg6[%get3A_372, %get3A_373] {strides = array<i32>} : memref<128x128xf32, #tpu.memory_space<vmem>>, vector<16xf32>,
        %add3A_375 = arith.constant 64 : i32
        %add3A_376 = arith.addi %add3A_375, %add3A_90 : i32
        %add3A_377 = arith.constant 2 : i32
        %add3A_378 = arith.addi %add3A_376, %add3A_377 : i32
        %get3A_379 = arith.index_cast %add3A_378 : i32 to index
        %get3A_380 = arith.constant 80 : index
        %get3A_381 = tpu.vector_load %arg6[%get3A_379, %get3A_380] {strides = array<i32>} : memref<128x128xf32, #tpu.memory_space<vmem>>, vector<16xf32>,
        %add3A_382 = arith.constant 64 : i32
        %add3A_383 = arith.addi %add3A_382, %add3A_90 : i32
        %add3A_384 = arith.constant 2 : i32
        %add3A_385 = arith.addi %add3A_383, %add3A_384 : i32
        %get3A_386 = arith.index_cast %add3A_385 : i32 to index
        %get3A_387 = arith.constant 96 : index
        %get3A_388 = tpu.vector_load %arg6[%get3A_386, %get3A_387] {strides = array<i32>} : memref<128x128xf32, #tpu.memory_space<vmem>>, vector<16xf32>,
        %add3A_389 = arith.constant 64 : i32
        %add3A_390 = arith.addi %add3A_389, %add3A_90 : i32
        %add3A_391 = arith.constant 2 : i32
        %add3A_392 = arith.addi %add3A_390, %add3A_391 : i32
        %get3A_393 = arith.index_cast %add3A_392 : i32 to index
        %get3A_394 = arith.constant 112 : index
        %get3A_395 = tpu.vector_load %arg6[%get3A_393, %get3A_394] {strides = array<i32>} : memref<128x128xf32, #tpu.memory_space<vmem>>, vector<16xf32>,
        %mul3A_396 = arith.mulf %get3A_190, %get3A_232 : vector<16xf32>
        %mul3A_397 = arith.mulf %get3A_195, %get3A_239 : vector<16xf32>
        %mul3A_398 = arith.mulf %get3A_200, %get3A_246 : vector<16xf32>
        %add3A_399 = arith.addf %mul3A_396, %mul3A_398 : vector<16xf32>
        %mul3A_400 = arith.mulf %get3A_205, %get3A_253 : vector<16xf32>
        %add3A_401 = arith.addf %mul3A_397, %mul3A_400 : vector<16xf32>
        %mul3A_402 = arith.mulf %get3A_210, %get3A_260 : vector<16xf32>
        %add3A_403 = arith.addf %add3A_399, %mul3A_402 : vector<16xf32>
        %mul3A_404 = arith.mulf %get3A_215, %get3A_267 : vector<16xf32>
        %add3A_405 = arith.addf %add3A_401, %mul3A_404 : vector<16xf32>
        %mul3A_406 = arith.mulf %get3A_220, %get3A_274 : vector<16xf32>
        %add3A_407 = arith.addf %add3A_403, %mul3A_406 : vector<16xf32>
        %mul3A_408 = arith.mulf %get3A_225, %get3A_281 : vector<16xf32>
        %add3A_409 = arith.addf %add3A_405, %mul3A_408 : vector<16xf32>
        %add3A_410 = arith.addf %add3A_407, %add3A_409 : vector<16xf32>
        %swap3A_411 = arith.constant 1 : i32
        %swap3A_412 = arith.index_cast %swap3A_411 : i32 to index
        %swap3A_413 = arith.constant 0 : index
        %swap3A_414 = tpu.vector_load %arg10[%swap3A_412, %swap3A_413] {strides = array<i32>} : memref<16x16xf32, #tpu.memory_space<vmem>>, vector<16xf32>,
        tpu.vector_store %arg10[%swap3A_412, %swap3A_413], %add3A_410 {strides = array<i32>} : memref<16x16xf32, #tpu.memory_space<vmem>>, vector<16xf32>,
        %add3A_415 = arith.constant 3 : i32
        %add3A_416 = arith.addi %add3A_90, %add3A_415 : i32
        %get3A_417 = arith.index_cast %add3A_416 : i32 to index
        %get3A_418 = arith.constant 0 : index
        %get3A_419 = tpu.vector_load %arg6[%get3A_417, %get3A_418] {strides = array<i32>} : memref<128x128xf32, #tpu.memory_space<vmem>>, vector<16xf32>,
        %add3A_420 = arith.constant 3 : i32
        %add3A_421 = arith.addi %add3A_90, %add3A_420 : i32
        %get3A_422 = arith.index_cast %add3A_421 : i32 to index
        %get3A_423 = arith.constant 16 : index
        %get3A_424 = tpu.vector_load %arg6[%get3A_422, %get3A_423] {strides = array<i32>} : memref<128x128xf32, #tpu.memory_space<vmem>>, vector<16xf32>,
        %add3A_425 = arith.constant 3 : i32
        %add3A_426 = arith.addi %add3A_90, %add3A_425 : i32
        %get3A_427 = arith.index_cast %add3A_426 : i32 to index
        %get3A_428 = arith.constant 32 : index
        %get3A_429 = tpu.vector_load %arg6[%get3A_427, %get3A_428] {strides = array<i32>} : memref<128x128xf32, #tpu.memory_space<vmem>>, vector<16xf32>,
        %add3A_430 = arith.constant 3 : i32
        %add3A_431 = arith.addi %add3A_90, %add3A_430 : i32
        %get3A_432 = arith.index_cast %add3A_431 : i32 to index
        %get3A_433 = arith.constant 48 : index
        %get3A_434 = tpu.vector_load %arg6[%get3A_432, %get3A_433] {strides = array<i32>} : memref<128x128xf32, #tpu.memory_space<vmem>>, vector<16xf32>,
        %add3A_435 = arith.constant 3 : i32
        %add3A_436 = arith.addi %add3A_90, %add3A_435 : i32
        %get3A_437 = arith.index_cast %add3A_436 : i32 to index
        %get3A_438 = arith.constant 64 : index
        %get3A_439 = tpu.vector_load %arg6[%get3A_437, %get3A_438] {strides = array<i32>} : memref<128x128xf32, #tpu.memory_space<vmem>>, vector<16xf32>,
        %add3A_440 = arith.constant 3 : i32
        %add3A_441 = arith.addi %add3A_90, %add3A_440 : i32
        %get3A_442 = arith.index_cast %add3A_441 : i32 to index
        %get3A_443 = arith.constant 80 : index
        %get3A_444 = tpu.vector_load %arg6[%get3A_442, %get3A_443] {strides = array<i32>} : memref<128x128xf32, #tpu.memory_space<vmem>>, vector<16xf32>,
        %add3A_445 = arith.constant 3 : i32
        %add3A_446 = arith.addi %add3A_90, %add3A_445 : i32
        %get3A_447 = arith.index_cast %add3A_446 : i32 to index
        %get3A_448 = arith.constant 96 : index
        %get3A_449 = tpu.vector_load %arg6[%get3A_447, %get3A_448] {strides = array<i32>} : memref<128x128xf32, #tpu.memory_space<vmem>>, vector<16xf32>,
        %add3A_450 = arith.constant 3 : i32
        %add3A_451 = arith.addi %add3A_90, %add3A_450 : i32
        %get3A_452 = arith.index_cast %add3A_451 : i32 to index
        %get3A_453 = arith.constant 112 : index
        %get3A_454 = tpu.vector_load %arg6[%get3A_452, %get3A_453] {strides = array<i32>} : memref<128x128xf32, #tpu.memory_space<vmem>>, vector<16xf32>,
        %add3A_455 = arith.constant 64 : i32
        %add3A_456 = arith.addi %add3A_455, %add3A_90 : i32
        %add3A_457 = arith.constant 3 : i32
        %add3A_458 = arith.addi %add3A_456, %add3A_457 : i32
        %get3A_459 = arith.index_cast %add3A_458 : i32 to index
        %get3A_460 = arith.constant 0 : index
        %get3A_461 = tpu.vector_load %arg6[%get3A_459, %get3A_460] {strides = array<i32>} : memref<128x128xf32, #tpu.memory_space<vmem>>, vector<16xf32>,
        %add3A_462 = arith.constant 64 : i32
        %add3A_463 = arith.addi %add3A_462, %add3A_90 : i32
        %add3A_464 = arith.constant 3 : i32
        %add3A_465 = arith.addi %add3A_463, %add3A_464 : i32
        %get3A_466 = arith.index_cast %add3A_465 : i32 to index
        %get3A_467 = arith.constant 16 : index
        %get3A_468 = tpu.vector_load %arg6[%get3A_466, %get3A_467] {strides = array<i32>} : memref<128x128xf32, #tpu.memory_space<vmem>>, vector<16xf32>,
        %add3A_469 = arith.constant 64 : i32
        %add3A_470 = arith.addi %add3A_469, %add3A_90 : i32
        %add3A_471 = arith.constant 3 : i32
        %add3A_472 = arith.addi %add3A_470, %add3A_471 : i32
        %get3A_473 = arith.index_cast %add3A_472 : i32 to index
        %get3A_474 = arith.constant 32 : index
        %get3A_475 = tpu.vector_load %arg6[%get3A_473, %get3A_474] {strides = array<i32>} : memref<128x128xf32, #tpu.memory_space<vmem>>, vector<16xf32>,
        %add3A_476 = arith.constant 64 : i32
        %add3A_477 = arith.addi %add3A_476, %add3A_90 : i32
        %add3A_478 = arith.constant 3 : i32
        %add3A_479 = arith.addi %add3A_477, %add3A_478 : i32
        %get3A_480 = arith.index_cast %add3A_479 : i32 to index
        %get3A_481 = arith.constant 48 : index
        %get3A_482 = tpu.vector_load %arg6[%get3A_480, %get3A_481] {strides = array<i32>} : memref<128x128xf32, #tpu.memory_space<vmem>>, vector<16xf32>,
        %add3A_483 = arith.constant 64 : i32
        %add3A_484 = arith.addi %add3A_483, %add3A_90 : i32
        %add3A_485 = arith.constant 3 : i32
        %add3A_486 = arith.addi %add3A_484, %add3A_485 : i32
        %get3A_487 = arith.index_cast %add3A_486 : i32 to index
        %get3A_488 = arith.constant 64 : index
        %get3A_489 = tpu.vector_load %arg6[%get3A_487, %get3A_488] {strides = array<i32>} : memref<128x128xf32, #tpu.memory_space<vmem>>, vector<16xf32>,
        %add3A_490 = arith.constant 64 : i32
        %add3A_491 = arith.addi %add3A_490, %add3A_90 : i32
        %add3A_492 = arith.constant 3 : i32
        %add3A_493 = arith.addi %add3A_491, %add3A_492 : i32
        %get3A_494 = arith.index_cast %add3A_493 : i32 to index
        %get3A_495 = arith.constant 80 : index
        %get3A_496 = tpu.vector_load %arg6[%get3A_494, %get3A_495] {strides = array<i32>} : memref<128x128xf32, #tpu.memory_space<vmem>>, vector<16xf32>,
        %add3A_497 = arith.constant 64 : i32
        %add3A_498 = arith.addi %add3A_497, %add3A_90 : i32
        %add3A_499 = arith.constant 3 : i32
        %add3A_500 = arith.addi %add3A_498, %add3A_499 : i32
        %get3A_501 = arith.index_cast %add3A_500 : i32 to index
        %get3A_502 = arith.constant 96 : index
        %get3A_503 = tpu.vector_load %arg6[%get3A_501, %get3A_502] {strides = array<i32>} : memref<128x128xf32, #tpu.memory_space<vmem>>, vector<16xf32>,
        %add3A_504 = arith.constant 64 : i32
        %add3A_505 = arith.addi %add3A_504, %add3A_90 : i32
        %add3A_506 = arith.constant 3 : i32
        %add3A_507 = arith.addi %add3A_505, %add3A_506 : i32
        %get3A_508 = arith.index_cast %add3A_507 : i32 to index
        %get3A_509 = arith.constant 112 : index
        %get3A_510 = tpu.vector_load %arg6[%get3A_508, %get3A_509] {strides = array<i32>} : memref<128x128xf32, #tpu.memory_space<vmem>>, vector<16xf32>,
        %mul3A_511 = arith.mulf %get3A_304, %get3A_346 : vector<16xf32>
        %mul3A_512 = arith.mulf %get3A_309, %get3A_353 : vector<16xf32>
        %mul3A_513 = arith.mulf %get3A_314, %get3A_360 : vector<16xf32>
        %add3A_514 = arith.addf %mul3A_511, %mul3A_513 : vector<16xf32>
        %mul3A_515 = arith.mulf %get3A_319, %get3A_367 : vector<16xf32>
        %add3A_516 = arith.addf %mul3A_512, %mul3A_515 : vector<16xf32>
        %mul3A_517 = arith.mulf %get3A_324, %get3A_374 : vector<16xf32>
        %add3A_518 = arith.addf %add3A_514, %mul3A_517 : vector<16xf32>
        %mul3A_519 = arith.mulf %get3A_329, %get3A_381 : vector<16xf32>
        %add3A_520 = arith.addf %add3A_516, %mul3A_519 : vector<16xf32>
        %mul3A_521 = arith.mulf %get3A_334, %get3A_388 : vector<16xf32>
        %add3A_522 = arith.addf %add3A_518, %mul3A_521 : vector<16xf32>
        %mul3A_523 = arith.mulf %get3A_339, %get3A_395 : vector<16xf32>
        %add3A_524 = arith.addf %add3A_520, %mul3A_523 : vector<16xf32>
        %add3A_525 = arith.addf %add3A_522, %add3A_524 : vector<16xf32>
        %swap3A_526 = arith.constant 2 : i32
        %swap3A_527 = arith.index_cast %swap3A_526 : i32 to index
        %swap3A_528 = arith.constant 0 : index
        %swap3A_529 = tpu.vector_load %arg10[%swap3A_527, %swap3A_528] {strides = array<i32>} : memref<16x16xf32, #tpu.memory_space<vmem>>, vector<16xf32>,
        tpu.vector_store %arg10[%swap3A_527, %swap3A_528], %add3A_525 {strides = array<i32>} : memref<16x16xf32, #tpu.memory_space<vmem>>, vector<16xf32>,
        %add3A_530 = arith.constant 4 : i32
        %add3A_531 = arith.addi %add3A_90, %add3A_530 : i32
        %get3A_532 = arith.index_cast %add3A_531 : i32 to index
        %get3A_533 = arith.constant 0 : index
        %get3A_534 = tpu.vector_load %arg6[%get3A_532, %get3A_533] {strides = array<i32>} : memref<128x128xf32, #tpu.memory_space<vmem>>, vector<16xf32>,
        %add3A_535 = arith.constant 4 : i32
        %add3A_536 = arith.addi %add3A_90, %add3A_535 : i32
        %get3A_537 = arith.index_cast %add3A_536 : i32 to index
        %get3A_538 = arith.constant 16 : index
        %get3A_539 = tpu.vector_load %arg6[%get3A_537, %get3A_538] {strides = array<i32>} : memref<128x128xf32, #tpu.memory_space<vmem>>, vector<16xf32>,
        %add3A_540 = arith.constant 4 : i32
        %add3A_541 = arith.addi %add3A_90, %add3A_540 : i32
        %get3A_542 = arith.index_cast %add3A_541 : i32 to index
        %get3A_543 = arith.constant 32 : index
        %get3A_544 = tpu.vector_load %arg6[%get3A_542, %get3A_543] {strides = array<i32>} : memref<128x128xf32, #tpu.memory_space<vmem>>, vector<16xf32>,
        %add3A_545 = arith.constant 4 : i32
        %add3A_546 = arith.addi %add3A_90, %add3A_545 : i32
        %get3A_547 = arith.index_cast %add3A_546 : i32 to index
        %get3A_548 = arith.constant 48 : index
        %get3A_549 = tpu.vector_load %arg6[%get3A_547, %get3A_548] {strides = array<i32>} : memref<128x128xf32, #tpu.memory_space<vmem>>, vector<16xf32>,
        %add3A_550 = arith.constant 4 : i32
        %add3A_551 = arith.addi %add3A_90, %add3A_550 : i32
        %get3A_552 = arith.index_cast %add3A_551 : i32 to index
        %get3A_553 = arith.constant 64 : index
        %get3A_554 = tpu.vector_load %arg6[%get3A_552, %get3A_553] {strides = array<i32>} : memref<128x128xf32, #tpu.memory_space<vmem>>, vector<16xf32>,
        %add3A_555 = arith.constant 4 : i32
        %add3A_556 = arith.addi %add3A_90, %add3A_555 : i32
        %get3A_557 = arith.index_cast %add3A_556 : i32 to index
        %get3A_558 = arith.constant 80 : index
        %get3A_559 = tpu.vector_load %arg6[%get3A_557, %get3A_558] {strides = array<i32>} : memref<128x128xf32, #tpu.memory_space<vmem>>, vector<16xf32>,
        %add3A_560 = arith.constant 4 : i32
        %add3A_561 = arith.addi %add3A_90, %add3A_560 : i32
        %get3A_562 = arith.index_cast %add3A_561 : i32 to index
        %get3A_563 = arith.constant 96 : index
        %get3A_564 = tpu.vector_load %arg6[%get3A_562, %get3A_563] {strides = array<i32>} : memref<128x128xf32, #tpu.memory_space<vmem>>, vector<16xf32>,
        %add3A_565 = arith.constant 4 : i32
        %add3A_566 = arith.addi %add3A_90, %add3A_565 : i32
        %get3A_567 = arith.index_cast %add3A_566 : i32 to index
        %get3A_568 = arith.constant 112 : index
        %get3A_569 = tpu.vector_load %arg6[%get3A_567, %get3A_568] {strides = array<i32>} : memref<128x128xf32, #tpu.memory_space<vmem>>, vector<16xf32>,
        %add3A_570 = arith.constant 64 : i32
        %add3A_571 = arith.addi %add3A_570, %add3A_90 : i32
        %add3A_572 = arith.constant 4 : i32
        %add3A_573 = arith.addi %add3A_571, %add3A_572 : i32
        %get3A_574 = arith.index_cast %add3A_573 : i32 to index
        %get3A_575 = arith.constant 0 : index
        %get3A_576 = tpu.vector_load %arg6[%get3A_574, %get3A_575] {strides = array<i32>} : memref<128x128xf32, #tpu.memory_space<vmem>>, vector<16xf32>,
        %add3A_577 = arith.constant 64 : i32
        %add3A_578 = arith.addi %add3A_577, %add3A_90 : i32
        %add3A_579 = arith.constant 4 : i32
        %add3A_580 = arith.addi %add3A_578, %add3A_579 : i32
        %get3A_581 = arith.index_cast %add3A_580 : i32 to index
        %get3A_582 = arith.constant 16 : index
        %get3A_583 = tpu.vector_load %arg6[%get3A_581, %get3A_582] {strides = array<i32>} : memref<128x128xf32, #tpu.memory_space<vmem>>, vector<16xf32>,
        %add3A_584 = arith.constant 64 : i32
        %add3A_585 = arith.addi %add3A_584, %add3A_90 : i32
        %add3A_586 = arith.constant 4 : i32
        %add3A_587 = arith.addi %add3A_585, %add3A_586 : i32
        %get3A_588 = arith.index_cast %add3A_587 : i32 to index
        %get3A_589 = arith.constant 32 : index
        %get3A_590 = tpu.vector_load %arg6[%get3A_588, %get3A_589] {strides = array<i32>} : memref<128x128xf32, #tpu.memory_space<vmem>>, vector<16xf32>,
        %add3A_591 = arith.constant 64 : i32
        %add3A_592 = arith.addi %add3A_591, %add3A_90 : i32
        %add3A_593 = arith.constant 4 : i32
        %add3A_594 = arith.addi %add3A_592, %add3A_593 : i32
        %get3A_595 = arith.index_cast %add3A_594 : i32 to index
        %get3A_596 = arith.constant 48 : index
        %get3A_597 = tpu.vector_load %arg6[%get3A_595, %get3A_596] {strides = array<i32>} : memref<128x128xf32, #tpu.memory_space<vmem>>, vector<16xf32>,
        %add3A_598 = arith.constant 64 : i32
        %add3A_599 = arith.addi %add3A_598, %add3A_90 : i32
        %add3A_600 = arith.constant 4 : i32
        %add3A_601 = arith.addi %add3A_599, %add3A_600 : i32
        %get3A_602 = arith.index_cast %add3A_601 : i32 to index
        %get3A_603 = arith.constant 64 : index
        %get3A_604 = tpu.vector_load %arg6[%get3A_602, %get3A_603] {strides = array<i32>} : memref<128x128xf32, #tpu.memory_space<vmem>>, vector<16xf32>,
        %add3A_605 = arith.constant 64 : i32
        %add3A_606 = arith.addi %add3A_605, %add3A_90 : i32
        %add3A_607 = arith.constant 4 : i32
        %add3A_608 = arith.addi %add3A_606, %add3A_607 : i32
        %get3A_609 = arith.index_cast %add3A_608 : i32 to index
        %get3A_610 = arith.constant 80 : index
        %get3A_611 = tpu.vector_load %arg6[%get3A_609, %get3A_610] {strides = array<i32>} : memref<128x128xf32, #tpu.memory_space<vmem>>, vector<16xf32>,
        %add3A_612 = arith.constant 64 : i32
        %add3A_613 = arith.addi %add3A_612, %add3A_90 : i32
        %add3A_614 = arith.constant 4 : i32
        %add3A_615 = arith.addi %add3A_613, %add3A_614 : i32
        %get3A_616 = arith.index_cast %add3A_615 : i32 to index
        %get3A_617 = arith.constant 96 : index
        %get3A_618 = tpu.vector_load %arg6[%get3A_616, %get3A_617] {strides = array<i32>} : memref<128x128xf32, #tpu.memory_space<vmem>>, vector<16xf32>,
        %add3A_619 = arith.constant 64 : i32
        %add3A_620 = arith.addi %add3A_619, %add3A_90 : i32
        %add3A_621 = arith.constant 4 : i32
        %add3A_622 = arith.addi %add3A_620, %add3A_621 : i32
        %get3A_623 = arith.index_cast %add3A_622 : i32 to index
        %get3A_624 = arith.constant 112 : index
        %get3A_625 = tpu.vector_load %arg6[%get3A_623, %get3A_624] {strides = array<i32>} : memref<128x128xf32, #tpu.memory_space<vmem>>, vector<16xf32>,
        %mul3A_626 = arith.mulf %get3A_419, %get3A_461 : vector<16xf32>
        %mul3A_627 = arith.mulf %get3A_424, %get3A_468 : vector<16xf32>
        %mul3A_628 = arith.mulf %get3A_429, %get3A_475 : vector<16xf32>
        %add3A_629 = arith.addf %mul3A_626, %mul3A_628 : vector<16xf32>
        %mul3A_630 = arith.mulf %get3A_434, %get3A_482 : vector<16xf32>
        %add3A_631 = arith.addf %mul3A_627, %mul3A_630 : vector<16xf32>
        %mul3A_632 = arith.mulf %get3A_439, %get3A_489 : vector<16xf32>
        %add3A_633 = arith.addf %add3A_629, %mul3A_632 : vector<16xf32>
        %mul3A_634 = arith.mulf %get3A_444, %get3A_496 : vector<16xf32>
        %add3A_635 = arith.addf %add3A_631, %mul3A_634 : vector<16xf32>
        %mul3A_636 = arith.mulf %get3A_449, %get3A_503 : vector<16xf32>
        %add3A_637 = arith.addf %add3A_633, %mul3A_636 : vector<16xf32>
        %mul3A_638 = arith.mulf %get3A_454, %get3A_510 : vector<16xf32>
        %add3A_639 = arith.addf %add3A_635, %mul3A_638 : vector<16xf32>
        %add3A_640 = arith.addf %add3A_637, %add3A_639 : vector<16xf32>
        %swap3A_641 = arith.constant 3 : i32
        %swap3A_642 = arith.index_cast %swap3A_641 : i32 to index
        %swap3A_643 = arith.constant 0 : index
        %swap3A_644 = tpu.vector_load %arg10[%swap3A_642, %swap3A_643] {strides = array<i32>} : memref<16x16xf32, #tpu.memory_space<vmem>>, vector<16xf32>,
        tpu.vector_store %arg10[%swap3A_642, %swap3A_643], %add3A_640 {strides = array<i32>} : memref<16x16xf32, #tpu.memory_space<vmem>>, vector<16xf32>,
        %add3A_645 = arith.constant 5 : i32
        %add3A_646 = arith.addi %add3A_90, %add3A_645 : i32
        %get3A_647 = arith.index_cast %add3A_646 : i32 to index
        %get3A_648 = arith.constant 0 : index
        %get3A_649 = tpu.vector_load %arg6[%get3A_647, %get3A_648] {strides = array<i32>} : memref<128x128xf32, #tpu.memory_space<vmem>>, vector<16xf32>,
        %add3A_650 = arith.constant 5 : i32
        %add3A_651 = arith.addi %add3A_90, %add3A_650 : i32
        %get3A_652 = arith.index_cast %add3A_651 : i32 to index
        %get3A_653 = arith.constant 16 : index
        %get3A_654 = tpu.vector_load %arg6[%get3A_652, %get3A_653] {strides = array<i32>} : memref<128x128xf32, #tpu.memory_space<vmem>>, vector<16xf32>,
        %add3A_655 = arith.constant 5 : i32
        %add3A_656 = arith.addi %add3A_90, %add3A_655 : i32
        %get3A_657 = arith.index_cast %add3A_656 : i32 to index
        %get3A_658 = arith.constant 32 : index
        %get3A_659 = tpu.vector_load %arg6[%get3A_657, %get3A_658] {strides = array<i32>} : memref<128x128xf32, #tpu.memory_space<vmem>>, vector<16xf32>,
        %add3A_660 = arith.constant 5 : i32
        %add3A_661 = arith.addi %add3A_90, %add3A_660 : i32
        %get3A_662 = arith.index_cast %add3A_661 : i32 to index
        %get3A_663 = arith.constant 48 : index
        %get3A_664 = tpu.vector_load %arg6[%get3A_662, %get3A_663] {strides = array<i32>} : memref<128x128xf32, #tpu.memory_space<vmem>>, vector<16xf32>,
        %add3A_665 = arith.constant 5 : i32
        %add3A_666 = arith.addi %add3A_90, %add3A_665 : i32
        %get3A_667 = arith.index_cast %add3A_666 : i32 to index
        %get3A_668 = arith.constant 64 : index
        %get3A_669 = tpu.vector_load %arg6[%get3A_667, %get3A_668] {strides = array<i32>} : memref<128x128xf32, #tpu.memory_space<vmem>>, vector<16xf32>,
        %add3A_670 = arith.constant 5 : i32
        %add3A_671 = arith.addi %add3A_90, %add3A_670 : i32
        %get3A_672 = arith.index_cast %add3A_671 : i32 to index
        %get3A_673 = arith.constant 80 : index
        %get3A_674 = tpu.vector_load %arg6[%get3A_672, %get3A_673] {strides = array<i32>} : memref<128x128xf32, #tpu.memory_space<vmem>>, vector<16xf32>,
        %add3A_675 = arith.constant 5 : i32
        %add3A_676 = arith.addi %add3A_90, %add3A_675 : i32
        %get3A_677 = arith.index_cast %add3A_676 : i32 to index
        %get3A_678 = arith.constant 96 : index
        %get3A_679 = tpu.vector_load %arg6[%get3A_677, %get3A_678] {strides = array<i32>} : memref<128x128xf32, #tpu.memory_space<vmem>>, vector<16xf32>,
        %add3A_680 = arith.constant 5 : i32
        %add3A_681 = arith.addi %add3A_90, %add3A_680 : i32
        %get3A_682 = arith.index_cast %add3A_681 : i32 to index
        %get3A_683 = arith.constant 112 : index
        %get3A_684 = tpu.vector_load %arg6[%get3A_682, %get3A_683] {strides = array<i32>} : memref<128x128xf32, #tpu.memory_space<vmem>>, vector<16xf32>,
        %add3A_685 = arith.constant 64 : i32
        %add3A_686 = arith.addi %add3A_685, %add3A_90 : i32
        %add3A_687 = arith.constant 5 : i32
        %add3A_688 = arith.addi %add3A_686, %add3A_687 : i32
        %get3A_689 = arith.index_cast %add3A_688 : i32 to index
        %get3A_690 = arith.constant 0 : index
        %get3A_691 = tpu.vector_load %arg6[%get3A_689, %get3A_690] {strides = array<i32>} : memref<128x128xf32, #tpu.memory_space<vmem>>, vector<16xf32>,
        %add3A_692 = arith.constant 64 : i32
        %add3A_693 = arith.addi %add3A_692, %add3A_90 : i32
        %add3A_694 = arith.constant 5 : i32
        %add3A_695 = arith.addi %add3A_693, %add3A_694 : i32
        %get3A_696 = arith.index_cast %add3A_695 : i32 to index
        %get3A_697 = arith.constant 16 : index
        %get3A_698 = tpu.vector_load %arg6[%get3A_696, %get3A_697] {strides = array<i32>} : memref<128x128xf32, #tpu.memory_space<vmem>>, vector<16xf32>,
        %add3A_699 = arith.constant 64 : i32
        %add3A_700 = arith.addi %add3A_699, %add3A_90 : i32
        %add3A_701 = arith.constant 5 : i32
        %add3A_702 = arith.addi %add3A_700, %add3A_701 : i32
        %get3A_703 = arith.index_cast %add3A_702 : i32 to index
        %get3A_704 = arith.constant 32 : index
        %get3A_705 = tpu.vector_load %arg6[%get3A_703, %get3A_704] {strides = array<i32>} : memref<128x128xf32, #tpu.memory_space<vmem>>, vector<16xf32>,
        %add3A_706 = arith.constant 64 : i32
        %add3A_707 = arith.addi %add3A_706, %add3A_90 : i32
        %add3A_708 = arith.constant 5 : i32
        %add3A_709 = arith.addi %add3A_707, %add3A_708 : i32
        %get3A_710 = arith.index_cast %add3A_709 : i32 to index
        %get3A_711 = arith.constant 48 : index
        %get3A_712 = tpu.vector_load %arg6[%get3A_710, %get3A_711] {strides = array<i32>} : memref<128x128xf32, #tpu.memory_space<vmem>>, vector<16xf32>,
        %add3A_713 = arith.constant 64 : i32
        %add3A_714 = arith.addi %add3A_713, %add3A_90 : i32
        %add3A_715 = arith.constant 5 : i32
        %add3A_716 = arith.addi %add3A_714, %add3A_715 : i32
        %get3A_717 = arith.index_cast %add3A_716 : i32 to index
        %get3A_718 = arith.constant 64 : index
        %get3A_719 = tpu.vector_load %arg6[%get3A_717, %get3A_718] {strides = array<i32>} : memref<128x128xf32, #tpu.memory_space<vmem>>, vector<16xf32>,
        %add3A_720 = arith.constant 64 : i32
        %add3A_721 = arith.addi %add3A_720, %add3A_90 : i32
        %add3A_722 = arith.constant 5 : i32
        %add3A_723 = arith.addi %add3A_721, %add3A_722 : i32
        %get3A_724 = arith.index_cast %add3A_723 : i32 to index
        %get3A_725 = arith.constant 80 : index
        %get3A_726 = tpu.vector_load %arg6[%get3A_724, %get3A_725] {strides = array<i32>} : memref<128x128xf32, #tpu.memory_space<vmem>>, vector<16xf32>,
        %add3A_727 = arith.constant 64 : i32
        %add3A_728 = arith.addi %add3A_727, %add3A_90 : i32
        %add3A_729 = arith.constant 5 : i32
        %add3A_730 = arith.addi %add3A_728, %add3A_729 : i32
        %get3A_731 = arith.index_cast %add3A_730 : i32 to index
        %get3A_732 = arith.constant 96 : index
        %get3A_733 = tpu.vector_load %arg6[%get3A_731, %get3A_732] {strides = array<i32>} : memref<128x128xf32, #tpu.memory_space<vmem>>, vector<16xf32>,
        %add3A_734 = arith.constant 64 : i32
        %add3A_735 = arith.addi %add3A_734, %add3A_90 : i32
        %add3A_736 = arith.constant 5 : i32
        %add3A_737 = arith.addi %add3A_735, %add3A_736 : i32
        %get3A_738 = arith.index_cast %add3A_737 : i32 to index
        %get3A_739 = arith.constant 112 : index
        %get3A_740 = tpu.vector_load %arg6[%get3A_738, %get3A_739] {strides = array<i32>} : memref<128x128xf32, #tpu.memory_space<vmem>>, vector<16xf32>,
        %mul3A_741 = arith.mulf %get3A_534, %get3A_576 : vector<16xf32>
        %mul3A_742 = arith.mulf %get3A_539, %get3A_583 : vector<16xf32>
        %mul3A_743 = arith.mulf %get3A_544, %get3A_590 : vector<16xf32>
        %add3A_744 = arith.addf %mul3A_741, %mul3A_743 : vector<16xf32>
        %mul3A_745 = arith.mulf %get3A_549, %get3A_597 : vector<16xf32>
        %add3A_746 = arith.addf %mul3A_742, %mul3A_745 : vector<16xf32>
        %mul3A_747 = arith.mulf %get3A_554, %get3A_604 : vector<16xf32>
        %add3A_748 = arith.addf %add3A_744, %mul3A_747 : vector<16xf32>
        %mul3A_749 = arith.mulf %get3A_559, %get3A_611 : vector<16xf32>
        %add3A_750 = arith.addf %add3A_746, %mul3A_749 : vector<16xf32>
        %mul3A_751 = arith.mulf %get3A_564, %get3A_618 : vector<16xf32>
        %add3A_752 = arith.addf %add3A_748, %mul3A_751 : vector<16xf32>
        %mul3A_753 = arith.mulf %get3A_569, %get3A_625 : vector<16xf32>
        %add3A_754 = arith.addf %add3A_750, %mul3A_753 : vector<16xf32>
        %add3A_755 = arith.addf %add3A_752, %add3A_754 : vector<16xf32>
        %swap3A_756 = arith.constant 4 : i32
        %swap3A_757 = arith.index_cast %swap3A_756 : i32 to index
        %swap3A_758 = arith.constant 0 : index
        %swap3A_759 = tpu.vector_load %arg10[%swap3A_757, %swap3A_758] {strides = array<i32>} : memref<16x16xf32, #tpu.memory_space<vmem>>, vector<16xf32>,
        tpu.vector_store %arg10[%swap3A_757, %swap3A_758], %add3A_755 {strides = array<i32>} : memref<16x16xf32, #tpu.memory_space<vmem>>, vector<16xf32>,
        %add3A_760 = arith.constant 6 : i32
        %add3A_761 = arith.addi %add3A_90, %add3A_760 : i32
        %get3A_762 = arith.index_cast %add3A_761 : i32 to index
        %get3A_763 = arith.constant 0 : index
        %get3A_764 = tpu.vector_load %arg6[%get3A_762, %get3A_763] {strides = array<i32>} : memref<128x128xf32, #tpu.memory_space<vmem>>, vector<16xf32>,
        %add3A_765 = arith.constant 6 : i32
        %add3A_766 = arith.addi %add3A_90, %add3A_765 : i32
        %get3A_767 = arith.index_cast %add3A_766 : i32 to index
        %get3A_768 = arith.constant 16 : index
        %get3A_769 = tpu.vector_load %arg6[%get3A_767, %get3A_768] {strides = array<i32>} : memref<128x128xf32, #tpu.memory_space<vmem>>, vector<16xf32>,
        %add3A_770 = arith.constant 6 : i32
        %add3A_771 = arith.addi %add3A_90, %add3A_770 : i32
        %get3A_772 = arith.index_cast %add3A_771 : i32 to index
        %get3A_773 = arith.constant 32 : index
        %get3A_774 = tpu.vector_load %arg6[%get3A_772, %get3A_773] {strides = array<i32>} : memref<128x128xf32, #tpu.memory_space<vmem>>, vector<16xf32>,
        %add3A_775 = arith.constant 6 : i32
        %add3A_776 = arith.addi %add3A_90, %add3A_775 : i32
        %get3A_777 = arith.index_cast %add3A_776 : i32 to index
        %get3A_778 = arith.constant 48 : index
        %get3A_779 = tpu.vector_load %arg6[%get3A_777, %get3A_778] {strides = array<i32>} : memref<128x128xf32, #tpu.memory_space<vmem>>, vector<16xf32>,
        %add3A_780 = arith.constant 6 : i32
        %add3A_781 = arith.addi %add3A_90, %add3A_780 : i32
        %get3A_782 = arith.index_cast %add3A_781 : i32 to index
        %get3A_783 = arith.constant 64 : index
        %get3A_784 = tpu.vector_load %arg6[%get3A_782, %get3A_783] {strides = array<i32>} : memref<128x128xf32, #tpu.memory_space<vmem>>, vector<16xf32>,
        %add3A_785 = arith.constant 6 : i32
        %add3A_786 = arith.addi %add3A_90, %add3A_785 : i32
        %get3A_787 = arith.index_cast %add3A_786 : i32 to index
        %get3A_788 = arith.constant 80 : index
        %get3A_789 = tpu.vector_load %arg6[%get3A_787, %get3A_788] {strides = array<i32>} : memref<128x128xf32, #tpu.memory_space<vmem>>, vector<16xf32>,
        %add3A_790 = arith.constant 6 : i32
        %add3A_791 = arith.addi %add3A_90, %add3A_790 : i32
        %get3A_792 = arith.index_cast %add3A_791 : i32 to index
        %get3A_793 = arith.constant 96 : index
        %get3A_794 = tpu.vector_load %arg6[%get3A_792, %get3A_793] {strides = array<i32>} : memref<128x128xf32, #tpu.memory_space<vmem>>, vector<16xf32>,
        %add3A_795 = arith.constant 6 : i32
        %add3A_796 = arith.addi %add3A_90, %add3A_795 : i32
        %get3A_797 = arith.index_cast %add3A_796 : i32 to index
        %get3A_798 = arith.constant 112 : index
        %get3A_799 = tpu.vector_load %arg6[%get3A_797, %get3A_798] {strides = array<i32>} : memref<128x128xf32, #tpu.memory_space<vmem>>, vector<16xf32>,
        %add3A_800 = arith.constant 64 : i32
        %add3A_801 = arith.addi %add3A_800, %add3A_90 : i32
        %add3A_802 = arith.constant 6 : i32
        %add3A_803 = arith.addi %add3A_801, %add3A_802 : i32
        %get3A_804 = arith.index_cast %add3A_803 : i32 to index
        %get3A_805 = arith.constant 0 : index
        %get3A_806 = tpu.vector_load %arg6[%get3A_804, %get3A_805] {strides = array<i32>} : memref<128x128xf32, #tpu.memory_space<vmem>>, vector<16xf32>,
        %add3A_807 = arith.constant 64 : i32
        %add3A_808 = arith.addi %add3A_807, %add3A_90 : i32
        %add3A_809 = arith.constant 6 : i32
        %add3A_810 = arith.addi %add3A_808, %add3A_809 : i32
        %get3A_811 = arith.index_cast %add3A_810 : i32 to index
        %get3A_812 = arith.constant 16 : index
        %get3A_813 = tpu.vector_load %arg6[%get3A_811, %get3A_812] {strides = array<i32>} : memref<128x128xf32, #tpu.memory_space<vmem>>, vector<16xf32>,
        %add3A_814 = arith.constant 64 : i32
        %add3A_815 = arith.addi %add3A_814, %add3A_90 : i32
        %add3A_816 = arith.constant 6 : i32
        %add3A_817 = arith.addi %add3A_815, %add3A_816 : i32
        %get3A_818 = arith.index_cast %add3A_817 : i32 to index
        %get3A_819 = arith.constant 32 : index
        %get3A_820 = tpu.vector_load %arg6[%get3A_818, %get3A_819] {strides = array<i32>} : memref<128x128xf32, #tpu.memory_space<vmem>>, vector<16xf32>,
        %add3A_821 = arith.constant 64 : i32
        %add3A_822 = arith.addi %add3A_821, %add3A_90 : i32
        %add3A_823 = arith.constant 6 : i32
        %add3A_824 = arith.addi %add3A_822, %add3A_823 : i32
        %get3A_825 = arith.index_cast %add3A_824 : i32 to index
        %get3A_826 = arith.constant 48 : index
        %get3A_827 = tpu.vector_load %arg6[%get3A_825, %get3A_826] {strides = array<i32>} : memref<128x128xf32, #tpu.memory_space<vmem>>, vector<16xf32>,
        %add3A_828 = arith.constant 64 : i32
        %add3A_829 = arith.addi %add3A_828, %add3A_90 : i32
        %add3A_830 = arith.constant 6 : i32
        %add3A_831 = arith.addi %add3A_829, %add3A_830 : i32
        %get3A_832 = arith.index_cast %add3A_831 : i32 to index
        %get3A_833 = arith.constant 64 : index
        %get3A_834 = tpu.vector_load %arg6[%get3A_832, %get3A_833] {strides = array<i32>} : memref<128x128xf32, #tpu.memory_space<vmem>>, vector<16xf32>,
        %add3A_835 = arith.constant 64 : i32
        %add3A_836 = arith.addi %add3A_835, %add3A_90 : i32
        %add3A_837 = arith.constant 6 : i32
        %add3A_838 = arith.addi %add3A_836, %add3A_837 : i32
        %get3A_839 = arith.index_cast %add3A_838 : i32 to index
        %get3A_840 = arith.constant 80 : index
        %get3A_841 = tpu.vector_load %arg6[%get3A_839, %get3A_840] {strides = array<i32>} : memref<128x128xf32, #tpu.memory_space<vmem>>, vector<16xf32>,
        %add3A_842 = arith.constant 64 : i32
        %add3A_843 = arith.addi %add3A_842, %add3A_90 : i32
        %add3A_844 = arith.constant 6 : i32
        %add3A_845 = arith.addi %add3A_843, %add3A_844 : i32
        %get3A_846 = arith.index_cast %add3A_845 : i32 to index
        %get3A_847 = arith.constant 96 : index
        %get3A_848 = tpu.vector_load %arg6[%get3A_846, %get3A_847] {strides = array<i32>} : memref<128x128xf32, #tpu.memory_space<vmem>>, vector<16xf32>,
        %add3A_849 = arith.constant 64 : i32
        %add3A_850 = arith.addi %add3A_849, %add3A_90 : i32
        %add3A_851 = arith.constant 6 : i32
        %add3A_852 = arith.addi %add3A_850, %add3A_851 : i32
        %get3A_853 = arith.index_cast %add3A_852 : i32 to index
        %get3A_854 = arith.constant 112 : index
        %get3A_855 = tpu.vector_load %arg6[%get3A_853, %get3A_854] {strides = array<i32>} : memref<128x128xf32, #tpu.memory_space<vmem>>, vector<16xf32>,
        %mul3A_856 = arith.mulf %get3A_649, %get3A_691 : vector<16xf32>
        %mul3A_857 = arith.mulf %get3A_654, %get3A_698 : vector<16xf32>
        %mul3A_858 = arith.mulf %get3A_659, %get3A_705 : vector<16xf32>
        %add3A_859 = arith.addf %mul3A_856, %mul3A_858 : vector<16xf32>
        %mul3A_860 = arith.mulf %get3A_664, %get3A_712 : vector<16xf32>
        %add3A_861 = arith.addf %mul3A_857, %mul3A_860 : vector<16xf32>
        %mul3A_862 = arith.mulf %get3A_669, %get3A_719 : vector<16xf32>
        %add3A_863 = arith.addf %add3A_859, %mul3A_862 : vector<16xf32>
        %mul3A_864 = arith.mulf %get3A_674, %get3A_726 : vector<16xf32>
        %add3A_865 = arith.addf %add3A_861, %mul3A_864 : vector<16xf32>
        %mul3A_866 = arith.mulf %get3A_679, %get3A_733 : vector<16xf32>
        %add3A_867 = arith.addf %add3A_863, %mul3A_866 : vector<16xf32>
        %mul3A_868 = arith.mulf %get3A_684, %get3A_740 : vector<16xf32>
        %add3A_869 = arith.addf %add3A_865, %mul3A_868 : vector<16xf32>
        %add3A_870 = arith.addf %add3A_867, %add3A_869 : vector<16xf32>
        %swap3A_871 = arith.constant 5 : i32
        %swap3A_872 = arith.index_cast %swap3A_871 : i32 to index
        %swap3A_873 = arith.constant 0 : index
        %swap3A_874 = tpu.vector_load %arg10[%swap3A_872, %swap3A_873] {strides = array<i32>} : memref<16x16xf32, #tpu.memory_space<vmem>>, vector<16xf32>,
        tpu.vector_store %arg10[%swap3A_872, %swap3A_873], %add3A_870 {strides = array<i32>} : memref<16x16xf32, #tpu.memory_space<vmem>>, vector<16xf32>,
        %add3A_875 = arith.constant 7 : i32
        %add3A_876 = arith.addi %add3A_90, %add3A_875 : i32
        %get3A_877 = arith.index_cast %add3A_876 : i32 to index
        %get3A_878 = arith.constant 0 : index
        %get3A_879 = tpu.vector_load %arg6[%get3A_877, %get3A_878] {strides = array<i32>} : memref<128x128xf32, #tpu.memory_space<vmem>>, vector<16xf32>,
        %add3A_880 = arith.constant 7 : i32
        %add3A_881 = arith.addi %add3A_90, %add3A_880 : i32
        %get3A_882 = arith.index_cast %add3A_881 : i32 to index
        %get3A_883 = arith.constant 16 : index
        %get3A_884 = tpu.vector_load %arg6[%get3A_882, %get3A_883] {strides = array<i32>} : memref<128x128xf32, #tpu.memory_space<vmem>>, vector<16xf32>,
        %add3A_885 = arith.constant 7 : i32
        %add3A_886 = arith.addi %add3A_90, %add3A_885 : i32
        %get3A_887 = arith.index_cast %add3A_886 : i32 to index
        %get3A_888 = arith.constant 32 : index
        %get3A_889 = tpu.vector_load %arg6[%get3A_887, %get3A_888] {strides = array<i32>} : memref<128x128xf32, #tpu.memory_space<vmem>>, vector<16xf32>,
        %add3A_890 = arith.constant 7 : i32
        %add3A_891 = arith.addi %add3A_90, %add3A_890 : i32
        %get3A_892 = arith.index_cast %add3A_891 : i32 to index
        %get3A_893 = arith.constant 48 : index
        %get3A_894 = tpu.vector_load %arg6[%get3A_892, %get3A_893] {strides = array<i32>} : memref<128x128xf32, #tpu.memory_space<vmem>>, vector<16xf32>,
        %add3A_895 = arith.constant 7 : i32
        %add3A_896 = arith.addi %add3A_90, %add3A_895 : i32
        %get3A_897 = arith.index_cast %add3A_896 : i32 to index
        %get3A_898 = arith.constant 64 : index
        %get3A_899 = tpu.vector_load %arg6[%get3A_897, %get3A_898] {strides = array<i32>} : memref<128x128xf32, #tpu.memory_space<vmem>>, vector<16xf32>,
        %add3A_900 = arith.constant 7 : i32
        %add3A_901 = arith.addi %add3A_90, %add3A_900 : i32
        %get3A_902 = arith.index_cast %add3A_901 : i32 to index
        %get3A_903 = arith.constant 80 : index
        %get3A_904 = tpu.vector_load %arg6[%get3A_902, %get3A_903] {strides = array<i32>} : memref<128x128xf32, #tpu.memory_space<vmem>>, vector<16xf32>,
        %add3A_905 = arith.constant 7 : i32
        %add3A_906 = arith.addi %add3A_90, %add3A_905 : i32
        %get3A_907 = arith.index_cast %add3A_906 : i32 to index
        %get3A_908 = arith.constant 96 : index
        %get3A_909 = tpu.vector_load %arg6[%get3A_907, %get3A_908] {strides = array<i32>} : memref<128x128xf32, #tpu.memory_space<vmem>>, vector<16xf32>,
        %add3A_910 = arith.constant 7 : i32
        %add3A_911 = arith.addi %add3A_90, %add3A_910 : i32
        %get3A_912 = arith.index_cast %add3A_911 : i32 to index
        %get3A_913 = arith.constant 112 : index
        %get3A_914 = tpu.vector_load %arg6[%get3A_912, %get3A_913] {strides = array<i32>} : memref<128x128xf32, #tpu.memory_space<vmem>>, vector<16xf32>,
        %add3A_915 = arith.constant 64 : i32
        %add3A_916 = arith.addi %add3A_915, %add3A_90 : i32
        %add3A_917 = arith.constant 7 : i32
        %add3A_918 = arith.addi %add3A_916, %add3A_917 : i32
        %get3A_919 = arith.index_cast %add3A_918 : i32 to index
        %get3A_920 = arith.constant 0 : index
        %get3A_921 = tpu.vector_load %arg6[%get3A_919, %get3A_920] {strides = array<i32>} : memref<128x128xf32, #tpu.memory_space<vmem>>, vector<16xf32>,
        %add3A_922 = arith.constant 64 : i32
        %add3A_923 = arith.addi %add3A_922, %add3A_90 : i32
        %add3A_924 = arith.constant 7 : i32
        %add3A_925 = arith.addi %add3A_923, %add3A_924 : i32
        %get3A_926 = arith.index_cast %add3A_925 : i32 to index
        %get3A_927 = arith.constant 16 : index
        %get3A_928 = tpu.vector_load %arg6[%get3A_926, %get3A_927] {strides = array<i32>} : memref<128x128xf32, #tpu.memory_space<vmem>>, vector<16xf32>,
        %add3A_929 = arith.constant 64 : i32
        %add3A_930 = arith.addi %add3A_929, %add3A_90 : i32
        %add3A_931 = arith.constant 7 : i32
        %add3A_932 = arith.addi %add3A_930, %add3A_931 : i32
        %get3A_933 = arith.index_cast %add3A_932 : i32 to index
        %get3A_934 = arith.constant 32 : index
        %get3A_935 = tpu.vector_load %arg6[%get3A_933, %get3A_934] {strides = array<i32>} : memref<128x128xf32, #tpu.memory_space<vmem>>, vector<16xf32>,
        %add3A_936 = arith.constant 64 : i32
        %add3A_937 = arith.addi %add3A_936, %add3A_90 : i32
        %add3A_938 = arith.constant 7 : i32
        %add3A_939 = arith.addi %add3A_937, %add3A_938 : i32
        %get3A_940 = arith.index_cast %add3A_939 : i32 to index
        %get3A_941 = arith.constant 48 : index
        %get3A_942 = tpu.vector_load %arg6[%get3A_940, %get3A_941] {strides = array<i32>} : memref<128x128xf32, #tpu.memory_space<vmem>>, vector<16xf32>,
        %add3A_943 = arith.constant 64 : i32
        %add3A_944 = arith.addi %add3A_943, %add3A_90 : i32
        %add3A_945 = arith.constant 7 : i32
        %add3A_946 = arith.addi %add3A_944, %add3A_945 : i32
        %get3A_947 = arith.index_cast %add3A_946 : i32 to index
        %get3A_948 = arith.constant 64 : index
        %get3A_949 = tpu.vector_load %arg6[%get3A_947, %get3A_948] {strides = array<i32>} : memref<128x128xf32, #tpu.memory_space<vmem>>, vector<16xf32>,
        %add3A_950 = arith.constant 64 : i32
        %add3A_951 = arith.addi %add3A_950, %add3A_90 : i32
        %add3A_952 = arith.constant 7 : i32
        %add3A_953 = arith.addi %add3A_951, %add3A_952 : i32
        %get3A_954 = arith.index_cast %add3A_953 : i32 to index
        %get3A_955 = arith.constant 80 : index
        %get3A_956 = tpu.vector_load %arg6[%get3A_954, %get3A_955] {strides = array<i32>} : memref<128x128xf32, #tpu.memory_space<vmem>>, vector<16xf32>,
        %add3A_957 = arith.constant 64 : i32
        %add3A_958 = arith.addi %add3A_957, %add3A_90 : i32
        %add3A_959 = arith.constant 7 : i32
        %add3A_960 = arith.addi %add3A_958, %add3A_959 : i32
        %get3A_961 = arith.index_cast %add3A_960 : i32 to index
        %get3A_962 = arith.constant 96 : index
        %get3A_963 = tpu.vector_load %arg6[%get3A_961, %get3A_962] {strides = array<i32>} : memref<128x128xf32, #tpu.memory_space<vmem>>, vector<16xf32>,
        %add3A_964 = arith.constant 64 : i32
        %add3A_965 = arith.addi %add3A_964, %add3A_90 : i32
        %add3A_966 = arith.constant 7 : i32
        %add3A_967 = arith.addi %add3A_965, %add3A_966 : i32
        %get3A_968 = arith.index_cast %add3A_967 : i32 to index
        %get3A_969 = arith.constant 112 : index
        %get3A_970 = tpu.vector_load %arg6[%get3A_968, %get3A_969] {strides = array<i32>} : memref<128x128xf32, #tpu.memory_space<vmem>>, vector<16xf32>,
        %mul3A_971 = arith.mulf %get3A_764, %get3A_806 : vector<16xf32>
        %mul3A_972 = arith.mulf %get3A_769, %get3A_813 : vector<16xf32>
        %mul3A_973 = arith.mulf %get3A_774, %get3A_820 : vector<16xf32>
        %add3A_974 = arith.addf %mul3A_971, %mul3A_973 : vector<16xf32>
        %mul3A_975 = arith.mulf %get3A_779, %get3A_827 : vector<16xf32>
        %add3A_976 = arith.addf %mul3A_972, %mul3A_975 : vector<16xf32>
        %mul3A_977 = arith.mulf %get3A_784, %get3A_834 : vector<16xf32>
        %add3A_978 = arith.addf %add3A_974, %mul3A_977 : vector<16xf32>
        %mul3A_979 = arith.mulf %get3A_789, %get3A_841 : vector<16xf32>
        %add3A_980 = arith.addf %add3A_976, %mul3A_979 : vector<16xf32>
        %mul3A_981 = arith.mulf %get3A_794, %get3A_848 : vector<16xf32>
        %add3A_982 = arith.addf %add3A_978, %mul3A_981 : vector<16xf32>
        %mul3A_983 = arith.mulf %get3A_799, %get3A_855 : vector<16xf32>
        %add3A_984 = arith.addf %add3A_980, %mul3A_983 : vector<16xf32>
        %add3A_985 = arith.addf %add3A_982, %add3A_984 : vector<16xf32>
        %swap3A_986 = arith.constant 6 : i32
        %swap3A_987 = arith.index_cast %swap3A_986 : i32 to index
        %swap3A_988 = arith.constant 0 : index
        %swap3A_989 = tpu.vector_load %arg10[%swap3A_987, %swap3A_988] {strides = array<i32>} : memref<16x16xf32, #tpu.memory_space<vmem>>, vector<16xf32>,
        tpu.vector_store %arg10[%swap3A_987, %swap3A_988], %add3A_985 {strides = array<i32>} : memref<16x16xf32, #tpu.memory_space<vmem>>, vector<16xf32>,
        %add3A_990 = arith.constant 8 : i32
        %add3A_991 = arith.addi %add3A_90, %add3A_990 : i32
        %get3A_992 = arith.index_cast %add3A_991 : i32 to index
        %get3A_993 = arith.constant 0 : index
        %get3A_994 = tpu.vector_load %arg6[%get3A_992, %get3A_993] {strides = array<i32>} : memref<128x128xf32, #tpu.memory_space<vmem>>, vector<16xf32>,
        %add3A_995 = arith.constant 8 : i32
        %add3A_996 = arith.addi %add3A_90, %add3A_995 : i32
        %get3A_997 = arith.index_cast %add3A_996 : i32 to index
        %get3A_998 = arith.constant 16 : index
        %get3A_999 = tpu.vector_load %arg6[%get3A_997, %get3A_998] {strides = array<i32>} : memref<128x128xf32, #tpu.memory_space<vmem>>, vector<16xf32>,
        %add3A_1000 = arith.constant 8 : i32
        %add3A_1001 = arith.addi %add3A_90, %add3A_1000 : i32
        %get3A_1002 = arith.index_cast %add3A_1001 : i32 to index
        %get3A_1003 = arith.constant 32 : index
        %get3A_1004 = tpu.vector_load %arg6[%get3A_1002, %get3A_1003] {strides = array<i32>} : memref<128x128xf32, #tpu.memory_space<vmem>>, vector<16xf32>,
        %add3A_1005 = arith.constant 8 : i32
        %add3A_1006 = arith.addi %add3A_90, %add3A_1005 : i32
        %get3A_1007 = arith.index_cast %add3A_1006 : i32 to index
        %get3A_1008 = arith.constant 48 : index
        %get3A_1009 = tpu.vector_load %arg6[%get3A_1007, %get3A_1008] {strides = array<i32>} : memref<128x128xf32, #tpu.memory_space<vmem>>, vector<16xf32>,
        %add3A_1010 = arith.constant 8 : i32
        %add3A_1011 = arith.addi %add3A_90, %add3A_1010 : i32
        %get3A_1012 = arith.index_cast %add3A_1011 : i32 to index
        %get3A_1013 = arith.constant 64 : index
        %get3A_1014 = tpu.vector_load %arg6[%get3A_1012, %get3A_1013] {strides = array<i32>} : memref<128x128xf32, #tpu.memory_space<vmem>>, vector<16xf32>,
        %add3A_1015 = arith.constant 8 : i32
        %add3A_1016 = arith.addi %add3A_90, %add3A_1015 : i32
        %get3A_1017 = arith.index_cast %add3A_1016 : i32 to index
        %get3A_1018 = arith.constant 80 : index
        %get3A_1019 = tpu.vector_load %arg6[%get3A_1017, %get3A_1018] {strides = array<i32>} : memref<128x128xf32, #tpu.memory_space<vmem>>, vector<16xf32>,
        %add3A_1020 = arith.constant 8 : i32
        %add3A_1021 = arith.addi %add3A_90, %add3A_1020 : i32
        %get3A_1022 = arith.index_cast %add3A_1021 : i32 to index
        %get3A_1023 = arith.constant 96 : index
        %get3A_1024 = tpu.vector_load %arg6[%get3A_1022, %get3A_1023] {strides = array<i32>} : memref<128x128xf32, #tpu.memory_space<vmem>>, vector<16xf32>,
        %add3A_1025 = arith.constant 8 : i32
        %add3A_1026 = arith.addi %add3A_90, %add3A_1025 : i32
        %get3A_1027 = arith.index_cast %add3A_1026 : i32 to index
        %get3A_1028 = arith.constant 112 : index
        %get3A_1029 = tpu.vector_load %arg6[%get3A_1027, %get3A_1028] {strides = array<i32>} : memref<128x128xf32, #tpu.memory_space<vmem>>, vector<16xf32>,
        %add3A_1030 = arith.constant 64 : i32
        %add3A_1031 = arith.addi %add3A_1030, %add3A_90 : i32
        %add3A_1032 = arith.constant 8 : i32
        %add3A_1033 = arith.addi %add3A_1031, %add3A_1032 : i32
        %get3A_1034 = arith.index_cast %add3A_1033 : i32 to index
        %get3A_1035 = arith.constant 0 : index
        %get3A_1036 = tpu.vector_load %arg6[%get3A_1034, %get3A_1035] {strides = array<i32>} : memref<128x128xf32, #tpu.memory_space<vmem>>, vector<16xf32>,
        %add3A_1037 = arith.constant 64 : i32
        %add3A_1038 = arith.addi %add3A_1037, %add3A_90 : i32
        %add3A_1039 = arith.constant 8 : i32
        %add3A_1040 = arith.addi %add3A_1038, %add3A_1039 : i32
        %get3A_1041 = arith.index_cast %add3A_1040 : i32 to index
        %get3A_1042 = arith.constant 16 : index
        %get3A_1043 = tpu.vector_load %arg6[%get3A_1041, %get3A_1042] {strides = array<i32>} : memref<128x128xf32, #tpu.memory_space<vmem>>, vector<16xf32>,
        %add3A_1044 = arith.constant 64 : i32
        %add3A_1045 = arith.addi %add3A_1044, %add3A_90 : i32
        %add3A_1046 = arith.constant 8 : i32
        %add3A_1047 = arith.addi %add3A_1045, %add3A_1046 : i32
        %get3A_1048 = arith.index_cast %add3A_1047 : i32 to index
        %get3A_1049 = arith.constant 32 : index
        %get3A_1050 = tpu.vector_load %arg6[%get3A_1048, %get3A_1049] {strides = array<i32>} : memref<128x128xf32, #tpu.memory_space<vmem>>, vector<16xf32>,
        %add3A_1051 = arith.constant 64 : i32
        %add3A_1052 = arith.addi %add3A_1051, %add3A_90 : i32
        %add3A_1053 = arith.constant 8 : i32
        %add3A_1054 = arith.addi %add3A_1052, %add3A_1053 : i32
        %get3A_1055 = arith.index_cast %add3A_1054 : i32 to index
        %get3A_1056 = arith.constant 48 : index
        %get3A_1057 = tpu.vector_load %arg6[%get3A_1055, %get3A_1056] {strides = array<i32>} : memref<128x128xf32, #tpu.memory_space<vmem>>, vector<16xf32>,
        %add3A_1058 = arith.constant 64 : i32
        %add3A_1059 = arith.addi %add3A_1058, %add3A_90 : i32
        %add3A_1060 = arith.constant 8 : i32
        %add3A_1061 = arith.addi %add3A_1059, %add3A_1060 : i32
        %get3A_1062 = arith.index_cast %add3A_1061 : i32 to index
        %get3A_1063 = arith.constant 64 : index
        %get3A_1064 = tpu.vector_load %arg6[%get3A_1062, %get3A_1063] {strides = array<i32>} : memref<128x128xf32, #tpu.memory_space<vmem>>, vector<16xf32>,
        %add3A_1065 = arith.constant 64 : i32
        %add3A_1066 = arith.addi %add3A_1065, %add3A_90 : i32
        %add3A_1067 = arith.constant 8 : i32
        %add3A_1068 = arith.addi %add3A_1066, %add3A_1067 : i32
        %get3A_1069 = arith.index_cast %add3A_1068 : i32 to index
        %get3A_1070 = arith.constant 80 : index
        %get3A_1071 = tpu.vector_load %arg6[%get3A_1069, %get3A_1070] {strides = array<i32>} : memref<128x128xf32, #tpu.memory_space<vmem>>, vector<16xf32>,
        %add3A_1072 = arith.constant 64 : i32
        %add3A_1073 = arith.addi %add3A_1072, %add3A_90 : i32
        %add3A_1074 = arith.constant 8 : i32
        %add3A_1075 = arith.addi %add3A_1073, %add3A_1074 : i32
        %get3A_1076 = arith.index_cast %add3A_1075 : i32 to index
        %get3A_1077 = arith.constant 96 : index
        %get3A_1078 = tpu.vector_load %arg6[%get3A_1076, %get3A_1077] {strides = array<i32>} : memref<128x128xf32, #tpu.memory_space<vmem>>, vector<16xf32>,
        %add3A_1079 = arith.constant 64 : i32
        %add3A_1080 = arith.addi %add3A_1079, %add3A_90 : i32
        %add3A_1081 = arith.constant 8 : i32
        %add3A_1082 = arith.addi %add3A_1080, %add3A_1081 : i32
        %get3A_1083 = arith.index_cast %add3A_1082 : i32 to index
        %get3A_1084 = arith.constant 112 : index
        %get3A_1085 = tpu.vector_load %arg6[%get3A_1083, %get3A_1084] {strides = array<i32>} : memref<128x128xf32, #tpu.memory_space<vmem>>, vector<16xf32>,
        %mul3A_1086 = arith.mulf %get3A_879, %get3A_921 : vector<16xf32>
        %mul3A_1087 = arith.mulf %get3A_884, %get3A_928 : vector<16xf32>
        %mul3A_1088 = arith.mulf %get3A_889, %get3A_935 : vector<16xf32>
        %add3A_1089 = arith.addf %mul3A_1086, %mul3A_1088 : vector<16xf32>
        %mul3A_1090 = arith.mulf %get3A_894, %get3A_942 : vector<16xf32>
        %add3A_1091 = arith.addf %mul3A_1087, %mul3A_1090 : vector<16xf32>
        %mul3A_1092 = arith.mulf %get3A_899, %get3A_949 : vector<16xf32>
        %add3A_1093 = arith.addf %add3A_1089, %mul3A_1092 : vector<16xf32>
        %mul3A_1094 = arith.mulf %get3A_904, %get3A_956 : vector<16xf32>
        %add3A_1095 = arith.addf %add3A_1091, %mul3A_1094 : vector<16xf32>
        %mul3A_1096 = arith.mulf %get3A_909, %get3A_963 : vector<16xf32>
        %add3A_1097 = arith.addf %add3A_1093, %mul3A_1096 : vector<16xf32>
        %mul3A_1098 = arith.mulf %get3A_914, %get3A_970 : vector<16xf32>
        %add3A_1099 = arith.addf %add3A_1095, %mul3A_1098 : vector<16xf32>
        %add3A_1100 = arith.addf %add3A_1097, %add3A_1099 : vector<16xf32>
        %swap3A_1101 = arith.constant 7 : i32
        %swap3A_1102 = arith.index_cast %swap3A_1101 : i32 to index
        %swap3A_1103 = arith.constant 0 : index
        %swap3A_1104 = tpu.vector_load %arg10[%swap3A_1102, %swap3A_1103] {strides = array<i32>} : memref<16x16xf32, #tpu.memory_space<vmem>>, vector<16xf32>,
        tpu.vector_store %arg10[%swap3A_1102, %swap3A_1103], %add3A_1100 {strides = array<i32>} : memref<16x16xf32, #tpu.memory_space<vmem>>, vector<16xf32>,
        %add3A_1105 = arith.constant 9 : i32
        %add3A_1106 = arith.addi %add3A_90, %add3A_1105 : i32
        %get3A_1107 = arith.index_cast %add3A_1106 : i32 to index
        %get3A_1108 = arith.constant 0 : index
        %get3A_1109 = tpu.vector_load %arg6[%get3A_1107, %get3A_1108] {strides = array<i32>} : memref<128x128xf32, #tpu.memory_space<vmem>>, vector<16xf32>,
        %add3A_1110 = arith.constant 9 : i32
        %add3A_1111 = arith.addi %add3A_90, %add3A_1110 : i32
        %get3A_1112 = arith.index_cast %add3A_1111 : i32 to index
        %get3A_1113 = arith.constant 16 : index
        %get3A_1114 = tpu.vector_load %arg6[%get3A_1112, %get3A_1113] {strides = array<i32>} : memref<128x128xf32, #tpu.memory_space<vmem>>, vector<16xf32>,
        %add3A_1115 = arith.constant 9 : i32
        %add3A_1116 = arith.addi %add3A_90, %add3A_1115 : i32
        %get3A_1117 = arith.index_cast %add3A_1116 : i32 to index
        %get3A_1118 = arith.constant 32 : index
        %get3A_1119 = tpu.vector_load %arg6[%get3A_1117, %get3A_1118] {strides = array<i32>} : memref<128x128xf32, #tpu.memory_space<vmem>>, vector<16xf32>,
        %add3A_1120 = arith.constant 9 : i32
        %add3A_1121 = arith.addi %add3A_90, %add3A_1120 : i32
        %get3A_1122 = arith.index_cast %add3A_1121 : i32 to index
        %get3A_1123 = arith.constant 48 : index
        %get3A_1124 = tpu.vector_load %arg6[%get3A_1122, %get3A_1123] {strides = array<i32>} : memref<128x128xf32, #tpu.memory_space<vmem>>, vector<16xf32>,
        %add3A_1125 = arith.constant 9 : i32
        %add3A_1126 = arith.addi %add3A_90, %add3A_1125 : i32
        %get3A_1127 = arith.index_cast %add3A_1126 : i32 to index
        %get3A_1128 = arith.constant 64 : index
        %get3A_1129 = tpu.vector_load %arg6[%get3A_1127, %get3A_1128] {strides = array<i32>} : memref<128x128xf32, #tpu.memory_space<vmem>>, vector<16xf32>,
        %add3A_1130 = arith.constant 9 : i32
        %add3A_1131 = arith.addi %add3A_90, %add3A_1130 : i32
        %get3A_1132 = arith.index_cast %add3A_1131 : i32 to index
        %get3A_1133 = arith.constant 80 : index
        %get3A_1134 = tpu.vector_load %arg6[%get3A_1132, %get3A_1133] {strides = array<i32>} : memref<128x128xf32, #tpu.memory_space<vmem>>, vector<16xf32>,
        %add3A_1135 = arith.constant 9 : i32
        %add3A_1136 = arith.addi %add3A_90, %add3A_1135 : i32
        %get3A_1137 = arith.index_cast %add3A_1136 : i32 to index
        %get3A_1138 = arith.constant 96 : index
        %get3A_1139 = tpu.vector_load %arg6[%get3A_1137, %get3A_1138] {strides = array<i32>} : memref<128x128xf32, #tpu.memory_space<vmem>>, vector<16xf32>,
        %add3A_1140 = arith.constant 9 : i32
        %add3A_1141 = arith.addi %add3A_90, %add3A_1140 : i32
        %get3A_1142 = arith.index_cast %add3A_1141 : i32 to index
        %get3A_1143 = arith.constant 112 : index
        %get3A_1144 = tpu.vector_load %arg6[%get3A_1142, %get3A_1143] {strides = array<i32>} : memref<128x128xf32, #tpu.memory_space<vmem>>, vector<16xf32>,
        %add3A_1145 = arith.constant 64 : i32
        %add3A_1146 = arith.addi %add3A_1145, %add3A_90 : i32
        %add3A_1147 = arith.constant 9 : i32
        %add3A_1148 = arith.addi %add3A_1146, %add3A_1147 : i32
        %get3A_1149 = arith.index_cast %add3A_1148 : i32 to index
        %get3A_1150 = arith.constant 0 : index
        %get3A_1151 = tpu.vector_load %arg6[%get3A_1149, %get3A_1150] {strides = array<i32>} : memref<128x128xf32, #tpu.memory_space<vmem>>, vector<16xf32>,
        %add3A_1152 = arith.constant 64 : i32
        %add3A_1153 = arith.addi %add3A_1152, %add3A_90 : i32
        %add3A_1154 = arith.constant 9 : i32
        %add3A_1155 = arith.addi %add3A_1153, %add3A_1154 : i32
        %get3A_1156 = arith.index_cast %add3A_1155 : i32 to index
        %get3A_1157 = arith.constant 16 : index
        %get3A_1158 = tpu.vector_load %arg6[%get3A_1156, %get3A_1157] {strides = array<i32>} : memref<128x128xf32, #tpu.memory_space<vmem>>, vector<16xf32>,
        %add3A_1159 = arith.constant 64 : i32
        %add3A_1160 = arith.addi %add3A_1159, %add3A_90 : i32
        %add3A_1161 = arith.constant 9 : i32
        %add3A_1162 = arith.addi %add3A_1160, %add3A_1161 : i32
        %get3A_1163 = arith.index_cast %add3A_1162 : i32 to index
        %get3A_1164 = arith.constant 32 : index
        %get3A_1165 = tpu.vector_load %arg6[%get3A_1163, %get3A_1164] {strides = array<i32>} : memref<128x128xf32, #tpu.memory_space<vmem>>, vector<16xf32>,
        %add3A_1166 = arith.constant 64 : i32
        %add3A_1167 = arith.addi %add3A_1166, %add3A_90 : i32
        %add3A_1168 = arith.constant 9 : i32
        %add3A_1169 = arith.addi %add3A_1167, %add3A_1168 : i32
        %get3A_1170 = arith.index_cast %add3A_1169 : i32 to index
        %get3A_1171 = arith.constant 48 : index
        %get3A_1172 = tpu.vector_load %arg6[%get3A_1170, %get3A_1171] {strides = array<i32>} : memref<128x128xf32, #tpu.memory_space<vmem>>, vector<16xf32>,
        %add3A_1173 = arith.constant 64 : i32
        %add3A_1174 = arith.addi %add3A_1173, %add3A_90 : i32
        %add3A_1175 = arith.constant 9 : i32
        %add3A_1176 = arith.addi %add3A_1174, %add3A_1175 : i32
        %get3A_1177 = arith.index_cast %add3A_1176 : i32 to index
        %get3A_1178 = arith.constant 64 : index
        %get3A_1179 = tpu.vector_load %arg6[%get3A_1177, %get3A_1178] {strides = array<i32>} : memref<128x128xf32, #tpu.memory_space<vmem>>, vector<16xf32>,
        %add3A_1180 = arith.constant 64 : i32
        %add3A_1181 = arith.addi %add3A_1180, %add3A_90 : i32
        %add3A_1182 = arith.constant 9 : i32
        %add3A_1183 = arith.addi %add3A_1181, %add3A_1182 : i32
        %get3A_1184 = arith.index_cast %add3A_1183 : i32 to index
        %get3A_1185 = arith.constant 80 : index
        %get3A_1186 = tpu.vector_load %arg6[%get3A_1184, %get3A_1185] {strides = array<i32>} : memref<128x128xf32, #tpu.memory_space<vmem>>, vector<16xf32>,
        %add3A_1187 = arith.constant 64 : i32
        %add3A_1188 = arith.addi %add3A_1187, %add3A_90 : i32
        %add3A_1189 = arith.constant 9 : i32
        %add3A_1190 = arith.addi %add3A_1188, %add3A_1189 : i32
        %get3A_1191 = arith.index_cast %add3A_1190 : i32 to index
        %get3A_1192 = arith.constant 96 : index
        %get3A_1193 = tpu.vector_load %arg6[%get3A_1191, %get3A_1192] {strides = array<i32>} : memref<128x128xf32, #tpu.memory_space<vmem>>, vector<16xf32>,
        %add3A_1194 = arith.constant 64 : i32
        %add3A_1195 = arith.addi %add3A_1194, %add3A_90 : i32
        %add3A_1196 = arith.constant 9 : i32
        %add3A_1197 = arith.addi %add3A_1195, %add3A_1196 : i32
        %get3A_1198 = arith.index_cast %add3A_1197 : i32 to index
        %get3A_1199 = arith.constant 112 : index
        %get3A_1200 = tpu.vector_load %arg6[%get3A_1198, %get3A_1199] {strides = array<i32>} : memref<128x128xf32, #tpu.memory_space<vmem>>, vector<16xf32>,
        %mul3A_1201 = arith.mulf %get3A_994, %get3A_1036 : vector<16xf32>
        %mul3A_1202 = arith.mulf %get3A_999, %get3A_1043 : vector<16xf32>
        %mul3A_1203 = arith.mulf %get3A_1004, %get3A_1050 : vector<16xf32>
        %add3A_1204 = arith.addf %mul3A_1201, %mul3A_1203 : vector<16xf32>
        %mul3A_1205 = arith.mulf %get3A_1009, %get3A_1057 : vector<16xf32>
        %add3A_1206 = arith.addf %mul3A_1202, %mul3A_1205 : vector<16xf32>
        %mul3A_1207 = arith.mulf %get3A_1014, %get3A_1064 : vector<16xf32>
        %add3A_1208 = arith.addf %add3A_1204, %mul3A_1207 : vector<16xf32>
        %mul3A_1209 = arith.mulf %get3A_1019, %get3A_1071 : vector<16xf32>
        %add3A_1210 = arith.addf %add3A_1206, %mul3A_1209 : vector<16xf32>
        %mul3A_1211 = arith.mulf %get3A_1024, %get3A_1078 : vector<16xf32>
        %add3A_1212 = arith.addf %add3A_1208, %mul3A_1211 : vector<16xf32>
        %mul3A_1213 = arith.mulf %get3A_1029, %get3A_1085 : vector<16xf32>
        %add3A_1214 = arith.addf %add3A_1210, %mul3A_1213 : vector<16xf32>
        %add3A_1215 = arith.addf %add3A_1212, %add3A_1214 : vector<16xf32>
        %swap3A_1216 = arith.constant 8 : i32
        %swap3A_1217 = arith.index_cast %swap3A_1216 : i32 to index
        %swap3A_1218 = arith.constant 0 : index
        %swap3A_1219 = tpu.vector_load %arg10[%swap3A_1217, %swap3A_1218] {strides = array<i32>} : memref<16x16xf32, #tpu.memory_space<vmem>>, vector<16xf32>,
        tpu.vector_store %arg10[%swap3A_1217, %swap3A_1218], %add3A_1215 {strides = array<i32>} : memref<16x16xf32, #tpu.memory_space<vmem>>, vector<16xf32>,
        %add3A_1220 = arith.constant 10 : i32
        %add3A_1221 = arith.addi %add3A_90, %add3A_1220 : i32
        %get3A_1222 = arith.index_cast %add3A_1221 : i32 to index
        %get3A_1223 = arith.constant 0 : index
        %get3A_1224 = tpu.vector_load %arg6[%get3A_1222, %get3A_1223] {strides = array<i32>} : memref<128x128xf32, #tpu.memory_space<vmem>>, vector<16xf32>,
        %add3A_1225 = arith.constant 10 : i32
        %add3A_1226 = arith.addi %add3A_90, %add3A_1225 : i32
        %get3A_1227 = arith.index_cast %add3A_1226 : i32 to index
        %get3A_1228 = arith.constant 16 : index
        %get3A_1229 = tpu.vector_load %arg6[%get3A_1227, %get3A_1228] {strides = array<i32>} : memref<128x128xf32, #tpu.memory_space<vmem>>, vector<16xf32>,
        %add3A_1230 = arith.constant 10 : i32
        %add3A_1231 = arith.addi %add3A_90, %add3A_1230 : i32
        %get3A_1232 = arith.index_cast %add3A_1231 : i32 to index
        %get3A_1233 = arith.constant 32 : index
        %get3A_1234 = tpu.vector_load %arg6[%get3A_1232, %get3A_1233] {strides = array<i32>} : memref<128x128xf32, #tpu.memory_space<vmem>>, vector<16xf32>,
        %add3A_1235 = arith.constant 10 : i32
        %add3A_1236 = arith.addi %add3A_90, %add3A_1235 : i32
        %get3A_1237 = arith.index_cast %add3A_1236 : i32 to index
        %get3A_1238 = arith.constant 48 : index
        %get3A_1239 = tpu.vector_load %arg6[%get3A_1237, %get3A_1238] {strides = array<i32>} : memref<128x128xf32, #tpu.memory_space<vmem>>, vector<16xf32>,
        %add3A_1240 = arith.constant 10 : i32
        %add3A_1241 = arith.addi %add3A_90, %add3A_1240 : i32
        %get3A_1242 = arith.index_cast %add3A_1241 : i32 to index
        %get3A_1243 = arith.constant 64 : index
        %get3A_1244 = tpu.vector_load %arg6[%get3A_1242, %get3A_1243] {strides = array<i32>} : memref<128x128xf32, #tpu.memory_space<vmem>>, vector<16xf32>,
        %add3A_1245 = arith.constant 10 : i32
        %add3A_1246 = arith.addi %add3A_90, %add3A_1245 : i32
        %get3A_1247 = arith.index_cast %add3A_1246 : i32 to index
        %get3A_1248 = arith.constant 80 : index
        %get3A_1249 = tpu.vector_load %arg6[%get3A_1247, %get3A_1248] {strides = array<i32>} : memref<128x128xf32, #tpu.memory_space<vmem>>, vector<16xf32>,
        %add3A_1250 = arith.constant 10 : i32
        %add3A_1251 = arith.addi %add3A_90, %add3A_1250 : i32
        %get3A_1252 = arith.index_cast %add3A_1251 : i32 to index
        %get3A_1253 = arith.constant 96 : index
        %get3A_1254 = tpu.vector_load %arg6[%get3A_1252, %get3A_1253] {strides = array<i32>} : memref<128x128xf32, #tpu.memory_space<vmem>>, vector<16xf32>,
        %add3A_1255 = arith.constant 10 : i32
        %add3A_1256 = arith.addi %add3A_90, %add3A_1255 : i32
        %get3A_1257 = arith.index_cast %add3A_1256 : i32 to index
        %get3A_1258 = arith.constant 112 : index
        %get3A_1259 = tpu.vector_load %arg6[%get3A_1257, %get3A_1258] {strides = array<i32>} : memref<128x128xf32, #tpu.memory_space<vmem>>, vector<16xf32>,
        %add3A_1260 = arith.constant 64 : i32
        %add3A_1261 = arith.addi %add3A_1260, %add3A_90 : i32
        %add3A_1262 = arith.constant 10 : i32
        %add3A_1263 = arith.addi %add3A_1261, %add3A_1262 : i32
        %get3A_1264 = arith.index_cast %add3A_1263 : i32 to index
        %get3A_1265 = arith.constant 0 : index
        %get3A_1266 = tpu.vector_load %arg6[%get3A_1264, %get3A_1265] {strides = array<i32>} : memref<128x128xf32, #tpu.memory_space<vmem>>, vector<16xf32>,
        %add3A_1267 = arith.constant 64 : i32
        %add3A_1268 = arith.addi %add3A_1267, %add3A_90 : i32
        %add3A_1269 = arith.constant 10 : i32
        %add3A_1270 = arith.addi %add3A_1268, %add3A_1269 : i32
        %get3A_1271 = arith.index_cast %add3A_1270 : i32 to index
        %get3A_1272 = arith.constant 16 : index
        %get3A_1273 = tpu.vector_load %arg6[%get3A_1271, %get3A_1272] {strides = array<i32>} : memref<128x128xf32, #tpu.memory_space<vmem>>, vector<16xf32>,
        %add3A_1274 = arith.constant 64 : i32
        %add3A_1275 = arith.addi %add3A_1274, %add3A_90 : i32
        %add3A_1276 = arith.constant 10 : i32
        %add3A_1277 = arith.addi %add3A_1275, %add3A_1276 : i32
        %get3A_1278 = arith.index_cast %add3A_1277 : i32 to index
        %get3A_1279 = arith.constant 32 : index
        %get3A_1280 = tpu.vector_load %arg6[%get3A_1278, %get3A_1279] {strides = array<i32>} : memref<128x128xf32, #tpu.memory_space<vmem>>, vector<16xf32>,
        %add3A_1281 = arith.constant 64 : i32
        %add3A_1282 = arith.addi %add3A_1281, %add3A_90 : i32
        %add3A_1283 = arith.constant 10 : i32
        %add3A_1284 = arith.addi %add3A_1282, %add3A_1283 : i32
        %get3A_1285 = arith.index_cast %add3A_1284 : i32 to index
        %get3A_1286 = arith.constant 48 : index
        %get3A_1287 = tpu.vector_load %arg6[%get3A_1285, %get3A_1286] {strides = array<i32>} : memref<128x128xf32, #tpu.memory_space<vmem>>, vector<16xf32>,
        %add3A_1288 = arith.constant 64 : i32
        %add3A_1289 = arith.addi %add3A_1288, %add3A_90 : i32
        %add3A_1290 = arith.constant 10 : i32
        %add3A_1291 = arith.addi %add3A_1289, %add3A_1290 : i32
        %get3A_1292 = arith.index_cast %add3A_1291 : i32 to index
        %get3A_1293 = arith.constant 64 : index
        %get3A_1294 = tpu.vector_load %arg6[%get3A_1292, %get3A_1293] {strides = array<i32>} : memref<128x128xf32, #tpu.memory_space<vmem>>, vector<16xf32>,
        %add3A_1295 = arith.constant 64 : i32
        %add3A_1296 = arith.addi %add3A_1295, %add3A_90 : i32
        %add3A_1297 = arith.constant 10 : i32
        %add3A_1298 = arith.addi %add3A_1296, %add3A_1297 : i32
        %get3A_1299 = arith.index_cast %add3A_1298 : i32 to index
        %get3A_1300 = arith.constant 80 : index
        %get3A_1301 = tpu.vector_load %arg6[%get3A_1299, %get3A_1300] {strides = array<i32>} : memref<128x128xf32, #tpu.memory_space<vmem>>, vector<16xf32>,
        %add3A_1302 = arith.constant 64 : i32
        %add3A_1303 = arith.addi %add3A_1302, %add3A_90 : i32
        %add3A_1304 = arith.constant 10 : i32
        %add3A_1305 = arith.addi %add3A_1303, %add3A_1304 : i32
        %get3A_1306 = arith.index_cast %add3A_1305 : i32 to index
        %get3A_1307 = arith.constant 96 : index
        %get3A_1308 = tpu.vector_load %arg6[%get3A_1306, %get3A_1307] {strides = array<i32>} : memref<128x128xf32, #tpu.memory_space<vmem>>, vector<16xf32>,
        %add3A_1309 = arith.constant 64 : i32
        %add3A_1310 = arith.addi %add3A_1309, %add3A_90 : i32
        %add3A_1311 = arith.constant 10 : i32
        %add3A_1312 = arith.addi %add3A_1310, %add3A_1311 : i32
        %get3A_1313 = arith.index_cast %add3A_1312 : i32 to index
        %get3A_1314 = arith.constant 112 : index
        %get3A_1315 = tpu.vector_load %arg6[%get3A_1313, %get3A_1314] {strides = array<i32>} : memref<128x128xf32, #tpu.memory_space<vmem>>, vector<16xf32>,
        %mul3A_1316 = arith.mulf %get3A_1109, %get3A_1151 : vector<16xf32>
        %mul3A_1317 = arith.mulf %get3A_1114, %get3A_1158 : vector<16xf32>
        %mul3A_1318 = arith.mulf %get3A_1119, %get3A_1165 : vector<16xf32>
        %add3A_1319 = arith.addf %mul3A_1316, %mul3A_1318 : vector<16xf32>
        %mul3A_1320 = arith.mulf %get3A_1124, %get3A_1172 : vector<16xf32>
        %add3A_1321 = arith.addf %mul3A_1317, %mul3A_1320 : vector<16xf32>
        %mul3A_1322 = arith.mulf %get3A_1129, %get3A_1179 : vector<16xf32>
        %add3A_1323 = arith.addf %add3A_1319, %mul3A_1322 : vector<16xf32>
        %mul3A_1324 = arith.mulf %get3A_1134, %get3A_1186 : vector<16xf32>
        %add3A_1325 = arith.addf %add3A_1321, %mul3A_1324 : vector<16xf32>
        %mul3A_1326 = arith.mulf %get3A_1139, %get3A_1193 : vector<16xf32>
        %add3A_1327 = arith.addf %add3A_1323, %mul3A_1326 : vector<16xf32>
        %mul3A_1328 = arith.mulf %get3A_1144, %get3A_1200 : vector<16xf32>
        %add3A_1329 = arith.addf %add3A_1325, %mul3A_1328 : vector<16xf32>
        %add3A_1330 = arith.addf %add3A_1327, %add3A_1329 : vector<16xf32>
        %swap3A_1331 = arith.constant 9 : i32
        %swap3A_1332 = arith.index_cast %swap3A_1331 : i32 to index
        %swap3A_1333 = arith.constant 0 : index
        %swap3A_1334 = tpu.vector_load %arg10[%swap3A_1332, %swap3A_1333] {strides = array<i32>} : memref<16x16xf32, #tpu.memory_space<vmem>>, vector<16xf32>,
        tpu.vector_store %arg10[%swap3A_1332, %swap3A_1333], %add3A_1330 {strides = array<i32>} : memref<16x16xf32, #tpu.memory_space<vmem>>, vector<16xf32>,
        %add3A_1335 = arith.constant 11 : i32
        %add3A_1336 = arith.addi %add3A_90, %add3A_1335 : i32
        %get3A_1337 = arith.index_cast %add3A_1336 : i32 to index
        %get3A_1338 = arith.constant 0 : index
        %get3A_1339 = tpu.vector_load %arg6[%get3A_1337, %get3A_1338] {strides = array<i32>} : memref<128x128xf32, #tpu.memory_space<vmem>>, vector<16xf32>,
        %add3A_1340 = arith.constant 11 : i32
        %add3A_1341 = arith.addi %add3A_90, %add3A_1340 : i32
        %get3A_1342 = arith.index_cast %add3A_1341 : i32 to index
        %get3A_1343 = arith.constant 16 : index
        %get3A_1344 = tpu.vector_load %arg6[%get3A_1342, %get3A_1343] {strides = array<i32>} : memref<128x128xf32, #tpu.memory_space<vmem>>, vector<16xf32>,
        %add3A_1345 = arith.constant 11 : i32
        %add3A_1346 = arith.addi %add3A_90, %add3A_1345 : i32
        %get3A_1347 = arith.index_cast %add3A_1346 : i32 to index
        %get3A_1348 = arith.constant 32 : index
        %get3A_1349 = tpu.vector_load %arg6[%get3A_1347, %get3A_1348] {strides = array<i32>} : memref<128x128xf32, #tpu.memory_space<vmem>>, vector<16xf32>,
        %add3A_1350 = arith.constant 11 : i32
        %add3A_1351 = arith.addi %add3A_90, %add3A_1350 : i32
        %get3A_1352 = arith.index_cast %add3A_1351 : i32 to index
        %get3A_1353 = arith.constant 48 : index
        %get3A_1354 = tpu.vector_load %arg6[%get3A_1352, %get3A_1353] {strides = array<i32>} : memref<128x128xf32, #tpu.memory_space<vmem>>, vector<16xf32>,
        %add3A_1355 = arith.constant 11 : i32
        %add3A_1356 = arith.addi %add3A_90, %add3A_1355 : i32
        %get3A_1357 = arith.index_cast %add3A_1356 : i32 to index
        %get3A_1358 = arith.constant 64 : index
        %get3A_1359 = tpu.vector_load %arg6[%get3A_1357, %get3A_1358] {strides = array<i32>} : memref<128x128xf32, #tpu.memory_space<vmem>>, vector<16xf32>,
        %add3A_1360 = arith.constant 11 : i32
        %add3A_1361 = arith.addi %add3A_90, %add3A_1360 : i32
        %get3A_1362 = arith.index_cast %add3A_1361 : i32 to index
        %get3A_1363 = arith.constant 80 : index
        %get3A_1364 = tpu.vector_load %arg6[%get3A_1362, %get3A_1363] {strides = array<i32>} : memref<128x128xf32, #tpu.memory_space<vmem>>, vector<16xf32>,
        %add3A_1365 = arith.constant 11 : i32
        %add3A_1366 = arith.addi %add3A_90, %add3A_1365 : i32
        %get3A_1367 = arith.index_cast %add3A_1366 : i32 to index
        %get3A_1368 = arith.constant 96 : index
        %get3A_1369 = tpu.vector_load %arg6[%get3A_1367, %get3A_1368] {strides = array<i32>} : memref<128x128xf32, #tpu.memory_space<vmem>>, vector<16xf32>,
        %add3A_1370 = arith.constant 11 : i32
        %add3A_1371 = arith.addi %add3A_90, %add3A_1370 : i32
        %get3A_1372 = arith.index_cast %add3A_1371 : i32 to index
        %get3A_1373 = arith.constant 112 : index
        %get3A_1374 = tpu.vector_load %arg6[%get3A_1372, %get3A_1373] {strides = array<i32>} : memref<128x128xf32, #tpu.memory_space<vmem>>, vector<16xf32>,
        %add3A_1375 = arith.constant 64 : i32
        %add3A_1376 = arith.addi %add3A_1375, %add3A_90 : i32
        %add3A_1377 = arith.constant 11 : i32
        %add3A_1378 = arith.addi %add3A_1376, %add3A_1377 : i32
        %get3A_1379 = arith.index_cast %add3A_1378 : i32 to index
        %get3A_1380 = arith.constant 0 : index
        %get3A_1381 = tpu.vector_load %arg6[%get3A_1379, %get3A_1380] {strides = array<i32>} : memref<128x128xf32, #tpu.memory_space<vmem>>, vector<16xf32>,
        %add3A_1382 = arith.constant 64 : i32
        %add3A_1383 = arith.addi %add3A_1382, %add3A_90 : i32
        %add3A_1384 = arith.constant 11 : i32
        %add3A_1385 = arith.addi %add3A_1383, %add3A_1384 : i32
        %get3A_1386 = arith.index_cast %add3A_1385 : i32 to index
        %get3A_1387 = arith.constant 16 : index
        %get3A_1388 = tpu.vector_load %arg6[%get3A_1386, %get3A_1387] {strides = array<i32>} : memref<128x128xf32, #tpu.memory_space<vmem>>, vector<16xf32>,
        %add3A_1389 = arith.constant 64 : i32
        %add3A_1390 = arith.addi %add3A_1389, %add3A_90 : i32
        %add3A_1391 = arith.constant 11 : i32
        %add3A_1392 = arith.addi %add3A_1390, %add3A_1391 : i32
        %get3A_1393 = arith.index_cast %add3A_1392 : i32 to index
        %get3A_1394 = arith.constant 32 : index
        %get3A_1395 = tpu.vector_load %arg6[%get3A_1393, %get3A_1394] {strides = array<i32>} : memref<128x128xf32, #tpu.memory_space<vmem>>, vector<16xf32>,
        %add3A_1396 = arith.constant 64 : i32
        %add3A_1397 = arith.addi %add3A_1396, %add3A_90 : i32
        %add3A_1398 = arith.constant 11 : i32
        %add3A_1399 = arith.addi %add3A_1397, %add3A_1398 : i32
        %get3A_1400 = arith.index_cast %add3A_1399 : i32 to index
        %get3A_1401 = arith.constant 48 : index
        %get3A_1402 = tpu.vector_load %arg6[%get3A_1400, %get3A_1401] {strides = array<i32>} : memref<128x128xf32, #tpu.memory_space<vmem>>, vector<16xf32>,
        %add3A_1403 = arith.constant 64 : i32
        %add3A_1404 = arith.addi %add3A_1403, %add3A_90 : i32
        %add3A_1405 = arith.constant 11 : i32
        %add3A_1406 = arith.addi %add3A_1404, %add3A_1405 : i32
        %get3A_1407 = arith.index_cast %add3A_1406 : i32 to index
        %get3A_1408 = arith.constant 64 : index
        %get3A_1409 = tpu.vector_load %arg6[%get3A_1407, %get3A_1408] {strides = array<i32>} : memref<128x128xf32, #tpu.memory_space<vmem>>, vector<16xf32>,
        %add3A_1410 = arith.constant 64 : i32
        %add3A_1411 = arith.addi %add3A_1410, %add3A_90 : i32
        %add3A_1412 = arith.constant 11 : i32
        %add3A_1413 = arith.addi %add3A_1411, %add3A_1412 : i32
        %get3A_1414 = arith.index_cast %add3A_1413 : i32 to index
        %get3A_1415 = arith.constant 80 : index
        %get3A_1416 = tpu.vector_load %arg6[%get3A_1414, %get3A_1415] {strides = array<i32>} : memref<128x128xf32, #tpu.memory_space<vmem>>, vector<16xf32>,
        %add3A_1417 = arith.constant 64 : i32
        %add3A_1418 = arith.addi %add3A_1417, %add3A_90 : i32
        %add3A_1419 = arith.constant 11 : i32
        %add3A_1420 = arith.addi %add3A_1418, %add3A_1419 : i32
        %get3A_1421 = arith.index_cast %add3A_1420 : i32 to index
        %get3A_1422 = arith.constant 96 : index
        %get3A_1423 = tpu.vector_load %arg6[%get3A_1421, %get3A_1422] {strides = array<i32>} : memref<128x128xf32, #tpu.memory_space<vmem>>, vector<16xf32>,
        %add3A_1424 = arith.constant 64 : i32
        %add3A_1425 = arith.addi %add3A_1424, %add3A_90 : i32
        %add3A_1426 = arith.constant 11 : i32
        %add3A_1427 = arith.addi %add3A_1425, %add3A_1426 : i32
        %get3A_1428 = arith.index_cast %add3A_1427 : i32 to index
        %get3A_1429 = arith.constant 112 : index
        %get3A_1430 = tpu.vector_load %arg6[%get3A_1428, %get3A_1429] {strides = array<i32>} : memref<128x128xf32, #tpu.memory_space<vmem>>, vector<16xf32>,
        %mul3A_1431 = arith.mulf %get3A_1224, %get3A_1266 : vector<16xf32>
        %mul3A_1432 = arith.mulf %get3A_1229, %get3A_1273 : vector<16xf32>
        %mul3A_1433 = arith.mulf %get3A_1234, %get3A_1280 : vector<16xf32>
        %add3A_1434 = arith.addf %mul3A_1431, %mul3A_1433 : vector<16xf32>
        %mul3A_1435 = arith.mulf %get3A_1239, %get3A_1287 : vector<16xf32>
        %add3A_1436 = arith.addf %mul3A_1432, %mul3A_1435 : vector<16xf32>
        %mul3A_1437 = arith.mulf %get3A_1244, %get3A_1294 : vector<16xf32>
        %add3A_1438 = arith.addf %add3A_1434, %mul3A_1437 : vector<16xf32>
        %mul3A_1439 = arith.mulf %get3A_1249, %get3A_1301 : vector<16xf32>
        %add3A_1440 = arith.addf %add3A_1436, %mul3A_1439 : vector<16xf32>
        %mul3A_1441 = arith.mulf %get3A_1254, %get3A_1308 : vector<16xf32>
        %add3A_1442 = arith.addf %add3A_1438, %mul3A_1441 : vector<16xf32>
        %mul3A_1443 = arith.mulf %get3A_1259, %get3A_1315 : vector<16xf32>
        %add3A_1444 = arith.addf %add3A_1440, %mul3A_1443 : vector<16xf32>
        %add3A_1445 = arith.addf %add3A_1442, %add3A_1444 : vector<16xf32>
        %swap3A_1446 = arith.constant 10 : i32
        %swap3A_1447 = arith.index_cast %swap3A_1446 : i32 to index
        %swap3A_1448 = arith.constant 0 : index
        %swap3A_1449 = tpu.vector_load %arg10[%swap3A_1447, %swap3A_1448] {strides = array<i32>} : memref<16x16xf32, #tpu.memory_space<vmem>>, vector<16xf32>,
        tpu.vector_store %arg10[%swap3A_1447, %swap3A_1448], %add3A_1445 {strides = array<i32>} : memref<16x16xf32, #tpu.memory_space<vmem>>, vector<16xf32>,
        %add3A_1450 = arith.constant 12 : i32
        %add3A_1451 = arith.addi %add3A_90, %add3A_1450 : i32
        %get3A_1452 = arith.index_cast %add3A_1451 : i32 to index
        %get3A_1453 = arith.constant 0 : index
        %get3A_1454 = tpu.vector_load %arg6[%get3A_1452, %get3A_1453] {strides = array<i32>} : memref<128x128xf32, #tpu.memory_space<vmem>>, vector<16xf32>,
        %add3A_1455 = arith.constant 12 : i32
        %add3A_1456 = arith.addi %add3A_90, %add3A_1455 : i32
        %get3A_1457 = arith.index_cast %add3A_1456 : i32 to index
        %get3A_1458 = arith.constant 16 : index
        %get3A_1459 = tpu.vector_load %arg6[%get3A_1457, %get3A_1458] {strides = array<i32>} : memref<128x128xf32, #tpu.memory_space<vmem>>, vector<16xf32>,
        %add3A_1460 = arith.constant 12 : i32
        %add3A_1461 = arith.addi %add3A_90, %add3A_1460 : i32
        %get3A_1462 = arith.index_cast %add3A_1461 : i32 to index
        %get3A_1463 = arith.constant 32 : index
        %get3A_1464 = tpu.vector_load %arg6[%get3A_1462, %get3A_1463] {strides = array<i32>} : memref<128x128xf32, #tpu.memory_space<vmem>>, vector<16xf32>,
        %add3A_1465 = arith.constant 12 : i32
        %add3A_1466 = arith.addi %add3A_90, %add3A_1465 : i32
        %get3A_1467 = arith.index_cast %add3A_1466 : i32 to index
        %get3A_1468 = arith.constant 48 : index
        %get3A_1469 = tpu.vector_load %arg6[%get3A_1467, %get3A_1468] {strides = array<i32>} : memref<128x128xf32, #tpu.memory_space<vmem>>, vector<16xf32>,
        %add3A_1470 = arith.constant 12 : i32
        %add3A_1471 = arith.addi %add3A_90, %add3A_1470 : i32
        %get3A_1472 = arith.index_cast %add3A_1471 : i32 to index
        %get3A_1473 = arith.constant 64 : index
        %get3A_1474 = tpu.vector_load %arg6[%get3A_1472, %get3A_1473] {strides = array<i32>} : memref<128x128xf32, #tpu.memory_space<vmem>>, vector<16xf32>,
        %add3A_1475 = arith.constant 12 : i32
        %add3A_1476 = arith.addi %add3A_90, %add3A_1475 : i32
        %get3A_1477 = arith.index_cast %add3A_1476 : i32 to index
        %get3A_1478 = arith.constant 80 : index
        %get3A_1479 = tpu.vector_load %arg6[%get3A_1477, %get3A_1478] {strides = array<i32>} : memref<128x128xf32, #tpu.memory_space<vmem>>, vector<16xf32>,
        %add3A_1480 = arith.constant 12 : i32
        %add3A_1481 = arith.addi %add3A_90, %add3A_1480 : i32
        %get3A_1482 = arith.index_cast %add3A_1481 : i32 to index
        %get3A_1483 = arith.constant 96 : index
        %get3A_1484 = tpu.vector_load %arg6[%get3A_1482, %get3A_1483] {strides = array<i32>} : memref<128x128xf32, #tpu.memory_space<vmem>>, vector<16xf32>,
        %add3A_1485 = arith.constant 12 : i32
        %add3A_1486 = arith.addi %add3A_90, %add3A_1485 : i32
        %get3A_1487 = arith.index_cast %add3A_1486 : i32 to index
        %get3A_1488 = arith.constant 112 : index
        %get3A_1489 = tpu.vector_load %arg6[%get3A_1487, %get3A_1488] {strides = array<i32>} : memref<128x128xf32, #tpu.memory_space<vmem>>, vector<16xf32>,
        %add3A_1490 = arith.constant 64 : i32
        %add3A_1491 = arith.addi %add3A_1490, %add3A_90 : i32
        %add3A_1492 = arith.constant 12 : i32
        %add3A_1493 = arith.addi %add3A_1491, %add3A_1492 : i32
        %get3A_1494 = arith.index_cast %add3A_1493 : i32 to index
        %get3A_1495 = arith.constant 0 : index
        %get3A_1496 = tpu.vector_load %arg6[%get3A_1494, %get3A_1495] {strides = array<i32>} : memref<128x128xf32, #tpu.memory_space<vmem>>, vector<16xf32>,
        %add3A_1497 = arith.constant 64 : i32
        %add3A_1498 = arith.addi %add3A_1497, %add3A_90 : i32
        %add3A_1499 = arith.constant 12 : i32
        %add3A_1500 = arith.addi %add3A_1498, %add3A_1499 : i32
        %get3A_1501 = arith.index_cast %add3A_1500 : i32 to index
        %get3A_1502 = arith.constant 16 : index
        %get3A_1503 = tpu.vector_load %arg6[%get3A_1501, %get3A_1502] {strides = array<i32>} : memref<128x128xf32, #tpu.memory_space<vmem>>, vector<16xf32>,
        %add3A_1504 = arith.constant 64 : i32
        %add3A_1505 = arith.addi %add3A_1504, %add3A_90 : i32
        %add3A_1506 = arith.constant 12 : i32
        %add3A_1507 = arith.addi %add3A_1505, %add3A_1506 : i32
        %get3A_1508 = arith.index_cast %add3A_1507 : i32 to index
        %get3A_1509 = arith.constant 32 : index
        %get3A_1510 = tpu.vector_load %arg6[%get3A_1508, %get3A_1509] {strides = array<i32>} : memref<128x128xf32, #tpu.memory_space<vmem>>, vector<16xf32>,
        %add3A_1511 = arith.constant 64 : i32
        %add3A_1512 = arith.addi %add3A_1511, %add3A_90 : i32
        %add3A_1513 = arith.constant 12 : i32
        %add3A_1514 = arith.addi %add3A_1512, %add3A_1513 : i32
        %get3A_1515 = arith.index_cast %add3A_1514 : i32 to index
        %get3A_1516 = arith.constant 48 : index
        %get3A_1517 = tpu.vector_load %arg6[%get3A_1515, %get3A_1516] {strides = array<i32>} : memref<128x128xf32, #tpu.memory_space<vmem>>, vector<16xf32>,
        %add3A_1518 = arith.constant 64 : i32
        %add3A_1519 = arith.addi %add3A_1518, %add3A_90 : i32
        %add3A_1520 = arith.constant 12 : i32
        %add3A_1521 = arith.addi %add3A_1519, %add3A_1520 : i32
        %get3A_1522 = arith.index_cast %add3A_1521 : i32 to index
        %get3A_1523 = arith.constant 64 : index
        %get3A_1524 = tpu.vector_load %arg6[%get3A_1522, %get3A_1523] {strides = array<i32>} : memref<128x128xf32, #tpu.memory_space<vmem>>, vector<16xf32>,
        %add3A_1525 = arith.constant 64 : i32
        %add3A_1526 = arith.addi %add3A_1525, %add3A_90 : i32
        %add3A_1527 = arith.constant 12 : i32
        %add3A_1528 = arith.addi %add3A_1526, %add3A_1527 : i32
        %get3A_1529 = arith.index_cast %add3A_1528 : i32 to index
        %get3A_1530 = arith.constant 80 : index
        %get3A_1531 = tpu.vector_load %arg6[%get3A_1529, %get3A_1530] {strides = array<i32>} : memref<128x128xf32, #tpu.memory_space<vmem>>, vector<16xf32>,
        %add3A_1532 = arith.constant 64 : i32
        %add3A_1533 = arith.addi %add3A_1532, %add3A_90 : i32
        %add3A_1534 = arith.constant 12 : i32
        %add3A_1535 = arith.addi %add3A_1533, %add3A_1534 : i32
        %get3A_1536 = arith.index_cast %add3A_1535 : i32 to index
        %get3A_1537 = arith.constant 96 : index
        %get3A_1538 = tpu.vector_load %arg6[%get3A_1536, %get3A_1537] {strides = array<i32>} : memref<128x128xf32, #tpu.memory_space<vmem>>, vector<16xf32>,
        %add3A_1539 = arith.constant 64 : i32
        %add3A_1540 = arith.addi %add3A_1539, %add3A_90 : i32
        %add3A_1541 = arith.constant 12 : i32
        %add3A_1542 = arith.addi %add3A_1540, %add3A_1541 : i32
        %get3A_1543 = arith.index_cast %add3A_1542 : i32 to index
        %get3A_1544 = arith.constant 112 : index
        %get3A_1545 = tpu.vector_load %arg6[%get3A_1543, %get3A_1544] {strides = array<i32>} : memref<128x128xf32, #tpu.memory_space<vmem>>, vector<16xf32>,
        %mul3A_1546 = arith.mulf %get3A_1339, %get3A_1381 : vector<16xf32>
        %mul3A_1547 = arith.mulf %get3A_1344, %get3A_1388 : vector<16xf32>
        %mul3A_1548 = arith.mulf %get3A_1349, %get3A_1395 : vector<16xf32>
        %add3A_1549 = arith.addf %mul3A_1546, %mul3A_1548 : vector<16xf32>
        %mul3A_1550 = arith.mulf %get3A_1354, %get3A_1402 : vector<16xf32>
        %add3A_1551 = arith.addf %mul3A_1547, %mul3A_1550 : vector<16xf32>
        %mul3A_1552 = arith.mulf %get3A_1359, %get3A_1409 : vector<16xf32>
        %add3A_1553 = arith.addf %add3A_1549, %mul3A_1552 : vector<16xf32>
        %mul3A_1554 = arith.mulf %get3A_1364, %get3A_1416 : vector<16xf32>
        %add3A_1555 = arith.addf %add3A_1551, %mul3A_1554 : vector<16xf32>
        %mul3A_1556 = arith.mulf %get3A_1369, %get3A_1423 : vector<16xf32>
        %add3A_1557 = arith.addf %add3A_1553, %mul3A_1556 : vector<16xf32>
        %mul3A_1558 = arith.mulf %get3A_1374, %get3A_1430 : vector<16xf32>
        %add3A_1559 = arith.addf %add3A_1555, %mul3A_1558 : vector<16xf32>
        %add3A_1560 = arith.addf %add3A_1557, %add3A_1559 : vector<16xf32>
        %swap3A_1561 = arith.constant 11 : i32
        %swap3A_1562 = arith.index_cast %swap3A_1561 : i32 to index
        %swap3A_1563 = arith.constant 0 : index
        %swap3A_1564 = tpu.vector_load %arg10[%swap3A_1562, %swap3A_1563] {strides = array<i32>} : memref<16x16xf32, #tpu.memory_space<vmem>>, vector<16xf32>,
        tpu.vector_store %arg10[%swap3A_1562, %swap3A_1563], %add3A_1560 {strides = array<i32>} : memref<16x16xf32, #tpu.memory_space<vmem>>, vector<16xf32>,
        %add3A_1565 = arith.constant 13 : i32
        %add3A_1566 = arith.addi %add3A_90, %add3A_1565 : i32
        %get3A_1567 = arith.index_cast %add3A_1566 : i32 to index
        %get3A_1568 = arith.constant 0 : index
        %get3A_1569 = tpu.vector_load %arg6[%get3A_1567, %get3A_1568] {strides = array<i32>} : memref<128x128xf32, #tpu.memory_space<vmem>>, vector<16xf32>,
        %add3A_1570 = arith.constant 13 : i32
        %add3A_1571 = arith.addi %add3A_90, %add3A_1570 : i32
        %get3A_1572 = arith.index_cast %add3A_1571 : i32 to index
        %get3A_1573 = arith.constant 16 : index
        %get3A_1574 = tpu.vector_load %arg6[%get3A_1572, %get3A_1573] {strides = array<i32>} : memref<128x128xf32, #tpu.memory_space<vmem>>, vector<16xf32>,
        %add3A_1575 = arith.constant 13 : i32
        %add3A_1576 = arith.addi %add3A_90, %add3A_1575 : i32
        %get3A_1577 = arith.index_cast %add3A_1576 : i32 to index
        %get3A_1578 = arith.constant 32 : index
        %get3A_1579 = tpu.vector_load %arg6[%get3A_1577, %get3A_1578] {strides = array<i32>} : memref<128x128xf32, #tpu.memory_space<vmem>>, vector<16xf32>,
        %add3A_1580 = arith.constant 13 : i32
        %add3A_1581 = arith.addi %add3A_90, %add3A_1580 : i32
        %get3A_1582 = arith.index_cast %add3A_1581 : i32 to index
        %get3A_1583 = arith.constant 48 : index
        %get3A_1584 = tpu.vector_load %arg6[%get3A_1582, %get3A_1583] {strides = array<i32>} : memref<128x128xf32, #tpu.memory_space<vmem>>, vector<16xf32>,
        %add3A_1585 = arith.constant 13 : i32
        %add3A_1586 = arith.addi %add3A_90, %add3A_1585 : i32
        %get3A_1587 = arith.index_cast %add3A_1586 : i32 to index
        %get3A_1588 = arith.constant 64 : index
        %get3A_1589 = tpu.vector_load %arg6[%get3A_1587, %get3A_1588] {strides = array<i32>} : memref<128x128xf32, #tpu.memory_space<vmem>>, vector<16xf32>,
        %add3A_1590 = arith.constant 13 : i32
        %add3A_1591 = arith.addi %add3A_90, %add3A_1590 : i32
        %get3A_1592 = arith.index_cast %add3A_1591 : i32 to index
        %get3A_1593 = arith.constant 80 : index
        %get3A_1594 = tpu.vector_load %arg6[%get3A_1592, %get3A_1593] {strides = array<i32>} : memref<128x128xf32, #tpu.memory_space<vmem>>, vector<16xf32>,
        %add3A_1595 = arith.constant 13 : i32
        %add3A_1596 = arith.addi %add3A_90, %add3A_1595 : i32
        %get3A_1597 = arith.index_cast %add3A_1596 : i32 to index
        %get3A_1598 = arith.constant 96 : index
        %get3A_1599 = tpu.vector_load %arg6[%get3A_1597, %get3A_1598] {strides = array<i32>} : memref<128x128xf32, #tpu.memory_space<vmem>>, vector<16xf32>,
        %add3A_1600 = arith.constant 13 : i32
        %add3A_1601 = arith.addi %add3A_90, %add3A_1600 : i32
        %get3A_1602 = arith.index_cast %add3A_1601 : i32 to index
        %get3A_1603 = arith.constant 112 : index
        %get3A_1604 = tpu.vector_load %arg6[%get3A_1602, %get3A_1603] {strides = array<i32>} : memref<128x128xf32, #tpu.memory_space<vmem>>, vector<16xf32>,
        %add3A_1605 = arith.constant 64 : i32
        %add3A_1606 = arith.addi %add3A_1605, %add3A_90 : i32
        %add3A_1607 = arith.constant 13 : i32
        %add3A_1608 = arith.addi %add3A_1606, %add3A_1607 : i32
        %get3A_1609 = arith.index_cast %add3A_1608 : i32 to index
        %get3A_1610 = arith.constant 0 : index
        %get3A_1611 = tpu.vector_load %arg6[%get3A_1609, %get3A_1610] {strides = array<i32>} : memref<128x128xf32, #tpu.memory_space<vmem>>, vector<16xf32>,
        %add3A_1612 = arith.constant 64 : i32
        %add3A_1613 = arith.addi %add3A_1612, %add3A_90 : i32
        %add3A_1614 = arith.constant 13 : i32
        %add3A_1615 = arith.addi %add3A_1613, %add3A_1614 : i32
        %get3A_1616 = arith.index_cast %add3A_1615 : i32 to index
        %get3A_1617 = arith.constant 16 : index
        %get3A_1618 = tpu.vector_load %arg6[%get3A_1616, %get3A_1617] {strides = array<i32>} : memref<128x128xf32, #tpu.memory_space<vmem>>, vector<16xf32>,
        %add3A_1619 = arith.constant 64 : i32
        %add3A_1620 = arith.addi %add3A_1619, %add3A_90 : i32
        %add3A_1621 = arith.constant 13 : i32
        %add3A_1622 = arith.addi %add3A_1620, %add3A_1621 : i32
        %get3A_1623 = arith.index_cast %add3A_1622 : i32 to index
        %get3A_1624 = arith.constant 32 : index
        %get3A_1625 = tpu.vector_load %arg6[%get3A_1623, %get3A_1624] {strides = array<i32>} : memref<128x128xf32, #tpu.memory_space<vmem>>, vector<16xf32>,
        %add3A_1626 = arith.constant 64 : i32
        %add3A_1627 = arith.addi %add3A_1626, %add3A_90 : i32
        %add3A_1628 = arith.constant 13 : i32
        %add3A_1629 = arith.addi %add3A_1627, %add3A_1628 : i32
        %get3A_1630 = arith.index_cast %add3A_1629 : i32 to index
        %get3A_1631 = arith.constant 48 : index
        %get3A_1632 = tpu.vector_load %arg6[%get3A_1630, %get3A_1631] {strides = array<i32>} : memref<128x128xf32, #tpu.memory_space<vmem>>, vector<16xf32>,
        %add3A_1633 = arith.constant 64 : i32
        %add3A_1634 = arith.addi %add3A_1633, %add3A_90 : i32
        %add3A_1635 = arith.constant 13 : i32
        %add3A_1636 = arith.addi %add3A_1634, %add3A_1635 : i32
        %get3A_1637 = arith.index_cast %add3A_1636 : i32 to index
        %get3A_1638 = arith.constant 64 : index
        %get3A_1639 = tpu.vector_load %arg6[%get3A_1637, %get3A_1638] {strides = array<i32>} : memref<128x128xf32, #tpu.memory_space<vmem>>, vector<16xf32>,
        %add3A_1640 = arith.constant 64 : i32
        %add3A_1641 = arith.addi %add3A_1640, %add3A_90 : i32
        %add3A_1642 = arith.constant 13 : i32
        %add3A_1643 = arith.addi %add3A_1641, %add3A_1642 : i32
        %get3A_1644 = arith.index_cast %add3A_1643 : i32 to index
        %get3A_1645 = arith.constant 80 : index
        %get3A_1646 = tpu.vector_load %arg6[%get3A_1644, %get3A_1645] {strides = array<i32>} : memref<128x128xf32, #tpu.memory_space<vmem>>, vector<16xf32>,
        %add3A_1647 = arith.constant 64 : i32
        %add3A_1648 = arith.addi %add3A_1647, %add3A_90 : i32
        %add3A_1649 = arith.constant 13 : i32
        %add3A_1650 = arith.addi %add3A_1648, %add3A_1649 : i32
        %get3A_1651 = arith.index_cast %add3A_1650 : i32 to index
        %get3A_1652 = arith.constant 96 : index
        %get3A_1653 = tpu.vector_load %arg6[%get3A_1651, %get3A_1652] {strides = array<i32>} : memref<128x128xf32, #tpu.memory_space<vmem>>, vector<16xf32>,
        %add3A_1654 = arith.constant 64 : i32
        %add3A_1655 = arith.addi %add3A_1654, %add3A_90 : i32
        %add3A_1656 = arith.constant 13 : i32
        %add3A_1657 = arith.addi %add3A_1655, %add3A_1656 : i32
        %get3A_1658 = arith.index_cast %add3A_1657 : i32 to index
        %get3A_1659 = arith.constant 112 : index
        %get3A_1660 = tpu.vector_load %arg6[%get3A_1658, %get3A_1659] {strides = array<i32>} : memref<128x128xf32, #tpu.memory_space<vmem>>, vector<16xf32>,
        %mul3A_1661 = arith.mulf %get3A_1454, %get3A_1496 : vector<16xf32>
        %mul3A_1662 = arith.mulf %get3A_1459, %get3A_1503 : vector<16xf32>
        %mul3A_1663 = arith.mulf %get3A_1464, %get3A_1510 : vector<16xf32>
        %add3A_1664 = arith.addf %mul3A_1661, %mul3A_1663 : vector<16xf32>
        %mul3A_1665 = arith.mulf %get3A_1469, %get3A_1517 : vector<16xf32>
        %add3A_1666 = arith.addf %mul3A_1662, %mul3A_1665 : vector<16xf32>
        %mul3A_1667 = arith.mulf %get3A_1474, %get3A_1524 : vector<16xf32>
        %add3A_1668 = arith.addf %add3A_1664, %mul3A_1667 : vector<16xf32>
        %mul3A_1669 = arith.mulf %get3A_1479, %get3A_1531 : vector<16xf32>
        %add3A_1670 = arith.addf %add3A_1666, %mul3A_1669 : vector<16xf32>
        %mul3A_1671 = arith.mulf %get3A_1484, %get3A_1538 : vector<16xf32>
        %add3A_1672 = arith.addf %add3A_1668, %mul3A_1671 : vector<16xf32>
        %mul3A_1673 = arith.mulf %get3A_1489, %get3A_1545 : vector<16xf32>
        %add3A_1674 = arith.addf %add3A_1670, %mul3A_1673 : vector<16xf32>
        %add3A_1675 = arith.addf %add3A_1672, %add3A_1674 : vector<16xf32>
        %swap3A_1676 = arith.constant 12 : i32
        %swap3A_1677 = arith.index_cast %swap3A_1676 : i32 to index
        %swap3A_1678 = arith.constant 0 : index
        %swap3A_1679 = tpu.vector_load %arg10[%swap3A_1677, %swap3A_1678] {strides = array<i32>} : memref<16x16xf32, #tpu.memory_space<vmem>>, vector<16xf32>,
        tpu.vector_store %arg10[%swap3A_1677, %swap3A_1678], %add3A_1675 {strides = array<i32>} : memref<16x16xf32, #tpu.memory_space<vmem>>, vector<16xf32>,
        %add3A_1680 = arith.constant 14 : i32
        %add3A_1681 = arith.addi %add3A_90, %add3A_1680 : i32
        %get3A_1682 = arith.index_cast %add3A_1681 : i32 to index
        %get3A_1683 = arith.constant 0 : index
        %get3A_1684 = tpu.vector_load %arg6[%get3A_1682, %get3A_1683] {strides = array<i32>} : memref<128x128xf32, #tpu.memory_space<vmem>>, vector<16xf32>,
        %add3A_1685 = arith.constant 14 : i32
        %add3A_1686 = arith.addi %add3A_90, %add3A_1685 : i32
        %get3A_1687 = arith.index_cast %add3A_1686 : i32 to index
        %get3A_1688 = arith.constant 16 : index
        %get3A_1689 = tpu.vector_load %arg6[%get3A_1687, %get3A_1688] {strides = array<i32>} : memref<128x128xf32, #tpu.memory_space<vmem>>, vector<16xf32>,
        %add3A_1690 = arith.constant 14 : i32
        %add3A_1691 = arith.addi %add3A_90, %add3A_1690 : i32
        %get3A_1692 = arith.index_cast %add3A_1691 : i32 to index
        %get3A_1693 = arith.constant 32 : index
        %get3A_1694 = tpu.vector_load %arg6[%get3A_1692, %get3A_1693] {strides = array<i32>} : memref<128x128xf32, #tpu.memory_space<vmem>>, vector<16xf32>,
        %add3A_1695 = arith.constant 14 : i32
        %add3A_1696 = arith.addi %add3A_90, %add3A_1695 : i32
        %get3A_1697 = arith.index_cast %add3A_1696 : i32 to index
        %get3A_1698 = arith.constant 48 : index
        %get3A_1699 = tpu.vector_load %arg6[%get3A_1697, %get3A_1698] {strides = array<i32>} : memref<128x128xf32, #tpu.memory_space<vmem>>, vector<16xf32>,
        %add3A_1700 = arith.constant 14 : i32
        %add3A_1701 = arith.addi %add3A_90, %add3A_1700 : i32
        %get3A_1702 = arith.index_cast %add3A_1701 : i32 to index
        %get3A_1703 = arith.constant 64 : index
        %get3A_1704 = tpu.vector_load %arg6[%get3A_1702, %get3A_1703] {strides = array<i32>} : memref<128x128xf32, #tpu.memory_space<vmem>>, vector<16xf32>,
        %add3A_1705 = arith.constant 14 : i32
        %add3A_1706 = arith.addi %add3A_90, %add3A_1705 : i32
        %get3A_1707 = arith.index_cast %add3A_1706 : i32 to index
        %get3A_1708 = arith.constant 80 : index
        %get3A_1709 = tpu.vector_load %arg6[%get3A_1707, %get3A_1708] {strides = array<i32>} : memref<128x128xf32, #tpu.memory_space<vmem>>, vector<16xf32>,
        %add3A_1710 = arith.constant 14 : i32
        %add3A_1711 = arith.addi %add3A_90, %add3A_1710 : i32
        %get3A_1712 = arith.index_cast %add3A_1711 : i32 to index
        %get3A_1713 = arith.constant 96 : index
        %get3A_1714 = tpu.vector_load %arg6[%get3A_1712, %get3A_1713] {strides = array<i32>} : memref<128x128xf32, #tpu.memory_space<vmem>>, vector<16xf32>,
        %add3A_1715 = arith.constant 14 : i32
        %add3A_1716 = arith.addi %add3A_90, %add3A_1715 : i32
        %get3A_1717 = arith.index_cast %add3A_1716 : i32 to index
        %get3A_1718 = arith.constant 112 : index
        %get3A_1719 = tpu.vector_load %arg6[%get3A_1717, %get3A_1718] {strides = array<i32>} : memref<128x128xf32, #tpu.memory_space<vmem>>, vector<16xf32>,
        %add3A_1720 = arith.constant 64 : i32
        %add3A_1721 = arith.addi %add3A_1720, %add3A_90 : i32
        %add3A_1722 = arith.constant 14 : i32
        %add3A_1723 = arith.addi %add3A_1721, %add3A_1722 : i32
        %get3A_1724 = arith.index_cast %add3A_1723 : i32 to index
        %get3A_1725 = arith.constant 0 : index
        %get3A_1726 = tpu.vector_load %arg6[%get3A_1724, %get3A_1725] {strides = array<i32>} : memref<128x128xf32, #tpu.memory_space<vmem>>, vector<16xf32>,
        %add3A_1727 = arith.constant 64 : i32
        %add3A_1728 = arith.addi %add3A_1727, %add3A_90 : i32
        %add3A_1729 = arith.constant 14 : i32
        %add3A_1730 = arith.addi %add3A_1728, %add3A_1729 : i32
        %get3A_1731 = arith.index_cast %add3A_1730 : i32 to index
        %get3A_1732 = arith.constant 16 : index
        %get3A_1733 = tpu.vector_load %arg6[%get3A_1731, %get3A_1732] {strides = array<i32>} : memref<128x128xf32, #tpu.memory_space<vmem>>, vector<16xf32>,
        %add3A_1734 = arith.constant 64 : i32
        %add3A_1735 = arith.addi %add3A_1734, %add3A_90 : i32
        %add3A_1736 = arith.constant 14 : i32
        %add3A_1737 = arith.addi %add3A_1735, %add3A_1736 : i32
        %get3A_1738 = arith.index_cast %add3A_1737 : i32 to index
        %get3A_1739 = arith.constant 32 : index
        %get3A_1740 = tpu.vector_load %arg6[%get3A_1738, %get3A_1739] {strides = array<i32>} : memref<128x128xf32, #tpu.memory_space<vmem>>, vector<16xf32>,
        %add3A_1741 = arith.constant 64 : i32
        %add3A_1742 = arith.addi %add3A_1741, %add3A_90 : i32
        %add3A_1743 = arith.constant 14 : i32
        %add3A_1744 = arith.addi %add3A_1742, %add3A_1743 : i32
        %get3A_1745 = arith.index_cast %add3A_1744 : i32 to index
        %get3A_1746 = arith.constant 48 : index
        %get3A_1747 = tpu.vector_load %arg6[%get3A_1745, %get3A_1746] {strides = array<i32>} : memref<128x128xf32, #tpu.memory_space<vmem>>, vector<16xf32>,
        %add3A_1748 = arith.constant 64 : i32
        %add3A_1749 = arith.addi %add3A_1748, %add3A_90 : i32
        %add3A_1750 = arith.constant 14 : i32
        %add3A_1751 = arith.addi %add3A_1749, %add3A_1750 : i32
        %get3A_1752 = arith.index_cast %add3A_1751 : i32 to index
        %get3A_1753 = arith.constant 64 : index
        %get3A_1754 = tpu.vector_load %arg6[%get3A_1752, %get3A_1753] {strides = array<i32>} : memref<128x128xf32, #tpu.memory_space<vmem>>, vector<16xf32>,
        %add3A_1755 = arith.constant 64 : i32
        %add3A_1756 = arith.addi %add3A_1755, %add3A_90 : i32
        %add3A_1757 = arith.constant 14 : i32
        %add3A_1758 = arith.addi %add3A_1756, %add3A_1757 : i32
        %get3A_1759 = arith.index_cast %add3A_1758 : i32 to index
        %get3A_1760 = arith.constant 80 : index
        %get3A_1761 = tpu.vector_load %arg6[%get3A_1759, %get3A_1760] {strides = array<i32>} : memref<128x128xf32, #tpu.memory_space<vmem>>, vector<16xf32>,
        %add3A_1762 = arith.constant 64 : i32
        %add3A_1763 = arith.addi %add3A_1762, %add3A_90 : i32
        %add3A_1764 = arith.constant 14 : i32
        %add3A_1765 = arith.addi %add3A_1763, %add3A_1764 : i32
        %get3A_1766 = arith.index_cast %add3A_1765 : i32 to index
        %get3A_1767 = arith.constant 96 : index
        %get3A_1768 = tpu.vector_load %arg6[%get3A_1766, %get3A_1767] {strides = array<i32>} : memref<128x128xf32, #tpu.memory_space<vmem>>, vector<16xf32>,
        %add3A_1769 = arith.constant 64 : i32
        %add3A_1770 = arith.addi %add3A_1769, %add3A_90 : i32
        %add3A_1771 = arith.constant 14 : i32
        %add3A_1772 = arith.addi %add3A_1770, %add3A_1771 : i32
        %get3A_1773 = arith.index_cast %add3A_1772 : i32 to index
        %get3A_1774 = arith.constant 112 : index
        %get3A_1775 = tpu.vector_load %arg6[%get3A_1773, %get3A_1774] {strides = array<i32>} : memref<128x128xf32, #tpu.memory_space<vmem>>, vector<16xf32>,
        %mul3A_1776 = arith.mulf %get3A_1569, %get3A_1611 : vector<16xf32>
        %mul3A_1777 = arith.mulf %get3A_1574, %get3A_1618 : vector<16xf32>
        %mul3A_1778 = arith.mulf %get3A_1579, %get3A_1625 : vector<16xf32>
        %add3A_1779 = arith.addf %mul3A_1776, %mul3A_1778 : vector<16xf32>
        %mul3A_1780 = arith.mulf %get3A_1584, %get3A_1632 : vector<16xf32>
        %add3A_1781 = arith.addf %mul3A_1777, %mul3A_1780 : vector<16xf32>
        %mul3A_1782 = arith.mulf %get3A_1589, %get3A_1639 : vector<16xf32>
        %add3A_1783 = arith.addf %add3A_1779, %mul3A_1782 : vector<16xf32>
        %mul3A_1784 = arith.mulf %get3A_1594, %get3A_1646 : vector<16xf32>
        %add3A_1785 = arith.addf %add3A_1781, %mul3A_1784 : vector<16xf32>
        %mul3A_1786 = arith.mulf %get3A_1599, %get3A_1653 : vector<16xf32>
        %add3A_1787 = arith.addf %add3A_1783, %mul3A_1786 : vector<16xf32>
        %mul3A_1788 = arith.mulf %get3A_1604, %get3A_1660 : vector<16xf32>
        %add3A_1789 = arith.addf %add3A_1785, %mul3A_1788 : vector<16xf32>
        %add3A_1790 = arith.addf %add3A_1787, %add3A_1789 : vector<16xf32>
        %swap3A_1791 = arith.constant 13 : i32
        %swap3A_1792 = arith.index_cast %swap3A_1791 : i32 to index
        %swap3A_1793 = arith.constant 0 : index
        %swap3A_1794 = tpu.vector_load %arg10[%swap3A_1792, %swap3A_1793] {strides = array<i32>} : memref<16x16xf32, #tpu.memory_space<vmem>>, vector<16xf32>,
        tpu.vector_store %arg10[%swap3A_1792, %swap3A_1793], %add3A_1790 {strides = array<i32>} : memref<16x16xf32, #tpu.memory_space<vmem>>, vector<16xf32>,
        %add3A_1795 = arith.constant 15 : i32
        %add3A_1796 = arith.addi %add3A_90, %add3A_1795 : i32
        %get3A_1797 = arith.index_cast %add3A_1796 : i32 to index
        %get3A_1798 = arith.constant 0 : index
        %get3A_1799 = tpu.vector_load %arg6[%get3A_1797, %get3A_1798] {strides = array<i32>} : memref<128x128xf32, #tpu.memory_space<vmem>>, vector<16xf32>,
        %add3A_1800 = arith.constant 15 : i32
        %add3A_1801 = arith.addi %add3A_90, %add3A_1800 : i32
        %get3A_1802 = arith.index_cast %add3A_1801 : i32 to index
        %get3A_1803 = arith.constant 16 : index
        %get3A_1804 = tpu.vector_load %arg6[%get3A_1802, %get3A_1803] {strides = array<i32>} : memref<128x128xf32, #tpu.memory_space<vmem>>, vector<16xf32>,
        %add3A_1805 = arith.constant 15 : i32
        %add3A_1806 = arith.addi %add3A_90, %add3A_1805 : i32
        %get3A_1807 = arith.index_cast %add3A_1806 : i32 to index
        %get3A_1808 = arith.constant 32 : index
        %get3A_1809 = tpu.vector_load %arg6[%get3A_1807, %get3A_1808] {strides = array<i32>} : memref<128x128xf32, #tpu.memory_space<vmem>>, vector<16xf32>,
        %add3A_1810 = arith.constant 15 : i32
        %add3A_1811 = arith.addi %add3A_90, %add3A_1810 : i32
        %get3A_1812 = arith.index_cast %add3A_1811 : i32 to index
        %get3A_1813 = arith.constant 48 : index
        %get3A_1814 = tpu.vector_load %arg6[%get3A_1812, %get3A_1813] {strides = array<i32>} : memref<128x128xf32, #tpu.memory_space<vmem>>, vector<16xf32>,
        %add3A_1815 = arith.constant 15 : i32
        %add3A_1816 = arith.addi %add3A_90, %add3A_1815 : i32
        %get3A_1817 = arith.index_cast %add3A_1816 : i32 to index
        %get3A_1818 = arith.constant 64 : index
        %get3A_1819 = tpu.vector_load %arg6[%get3A_1817, %get3A_1818] {strides = array<i32>} : memref<128x128xf32, #tpu.memory_space<vmem>>, vector<16xf32>,
        %add3A_1820 = arith.constant 15 : i32
        %add3A_1821 = arith.addi %add3A_90, %add3A_1820 : i32
        %get3A_1822 = arith.index_cast %add3A_1821 : i32 to index
        %get3A_1823 = arith.constant 80 : index
        %get3A_1824 = tpu.vector_load %arg6[%get3A_1822, %get3A_1823] {strides = array<i32>} : memref<128x128xf32, #tpu.memory_space<vmem>>, vector<16xf32>,
        %add3A_1825 = arith.constant 15 : i32
        %add3A_1826 = arith.addi %add3A_90, %add3A_1825 : i32
        %get3A_1827 = arith.index_cast %add3A_1826 : i32 to index
        %get3A_1828 = arith.constant 96 : index
        %get3A_1829 = tpu.vector_load %arg6[%get3A_1827, %get3A_1828] {strides = array<i32>} : memref<128x128xf32, #tpu.memory_space<vmem>>, vector<16xf32>,
        %add3A_1830 = arith.constant 15 : i32
        %add3A_1831 = arith.addi %add3A_90, %add3A_1830 : i32
        %get3A_1832 = arith.index_cast %add3A_1831 : i32 to index
        %get3A_1833 = arith.constant 112 : index
        %get3A_1834 = tpu.vector_load %arg6[%get3A_1832, %get3A_1833] {strides = array<i32>} : memref<128x128xf32, #tpu.memory_space<vmem>>, vector<16xf32>,
        %add3A_1835 = arith.constant 64 : i32
        %add3A_1836 = arith.addi %add3A_1835, %add3A_90 : i32
        %add3A_1837 = arith.constant 15 : i32
        %add3A_1838 = arith.addi %add3A_1836, %add3A_1837 : i32
        %get3A_1839 = arith.index_cast %add3A_1838 : i32 to index
        %get3A_1840 = arith.constant 0 : index
        %get3A_1841 = tpu.vector_load %arg6[%get3A_1839, %get3A_1840] {strides = array<i32>} : memref<128x128xf32, #tpu.memory_space<vmem>>, vector<16xf32>,
        %add3A_1842 = arith.constant 64 : i32
        %add3A_1843 = arith.addi %add3A_1842, %add3A_90 : i32
        %add3A_1844 = arith.constant 15 : i32
        %add3A_1845 = arith.addi %add3A_1843, %add3A_1844 : i32
        %get3A_1846 = arith.index_cast %add3A_1845 : i32 to index
        %get3A_1847 = arith.constant 16 : index
        %get3A_1848 = tpu.vector_load %arg6[%get3A_1846, %get3A_1847] {strides = array<i32>} : memref<128x128xf32, #tpu.memory_space<vmem>>, vector<16xf32>,
        %add3A_1849 = arith.constant 64 : i32
        %add3A_1850 = arith.addi %add3A_1849, %add3A_90 : i32
        %add3A_1851 = arith.constant 15 : i32
        %add3A_1852 = arith.addi %add3A_1850, %add3A_1851 : i32
        %get3A_1853 = arith.index_cast %add3A_1852 : i32 to index
        %get3A_1854 = arith.constant 32 : index
        %get3A_1855 = tpu.vector_load %arg6[%get3A_1853, %get3A_1854] {strides = array<i32>} : memref<128x128xf32, #tpu.memory_space<vmem>>, vector<16xf32>,
        %add3A_1856 = arith.constant 64 : i32
        %add3A_1857 = arith.addi %add3A_1856, %add3A_90 : i32
        %add3A_1858 = arith.constant 15 : i32
        %add3A_1859 = arith.addi %add3A_1857, %add3A_1858 : i32
        %get3A_1860 = arith.index_cast %add3A_1859 : i32 to index
        %get3A_1861 = arith.constant 48 : index
        %get3A_1862 = tpu.vector_load %arg6[%get3A_1860, %get3A_1861] {strides = array<i32>} : memref<128x128xf32, #tpu.memory_space<vmem>>, vector<16xf32>,
        %add3A_1863 = arith.constant 64 : i32
        %add3A_1864 = arith.addi %add3A_1863, %add3A_90 : i32
        %add3A_1865 = arith.constant 15 : i32
        %add3A_1866 = arith.addi %add3A_1864, %add3A_1865 : i32
        %get3A_1867 = arith.index_cast %add3A_1866 : i32 to index
        %get3A_1868 = arith.constant 64 : index
        %get3A_1869 = tpu.vector_load %arg6[%get3A_1867, %get3A_1868] {strides = array<i32>} : memref<128x128xf32, #tpu.memory_space<vmem>>, vector<16xf32>,
        %add3A_1870 = arith.constant 64 : i32
        %add3A_1871 = arith.addi %add3A_1870, %add3A_90 : i32
        %add3A_1872 = arith.constant 15 : i32
        %add3A_1873 = arith.addi %add3A_1871, %add3A_1872 : i32
        %get3A_1874 = arith.index_cast %add3A_1873 : i32 to index
        %get3A_1875 = arith.constant 80 : index
        %get3A_1876 = tpu.vector_load %arg6[%get3A_1874, %get3A_1875] {strides = array<i32>} : memref<128x128xf32, #tpu.memory_space<vmem>>, vector<16xf32>,
        %add3A_1877 = arith.constant 64 : i32
        %add3A_1878 = arith.addi %add3A_1877, %add3A_90 : i32
        %add3A_1879 = arith.constant 15 : i32
        %add3A_1880 = arith.addi %add3A_1878, %add3A_1879 : i32
        %get3A_1881 = arith.index_cast %add3A_1880 : i32 to index
        %get3A_1882 = arith.constant 96 : index
        %get3A_1883 = tpu.vector_load %arg6[%get3A_1881, %get3A_1882] {strides = array<i32>} : memref<128x128xf32, #tpu.memory_space<vmem>>, vector<16xf32>,
        %add3A_1884 = arith.constant 64 : i32
        %add3A_1885 = arith.addi %add3A_1884, %add3A_90 : i32
        %add3A_1886 = arith.constant 15 : i32
        %add3A_1887 = arith.addi %add3A_1885, %add3A_1886 : i32
        %get3A_1888 = arith.index_cast %add3A_1887 : i32 to index
        %get3A_1889 = arith.constant 112 : index
        %get3A_1890 = tpu.vector_load %arg6[%get3A_1888, %get3A_1889] {strides = array<i32>} : memref<128x128xf32, #tpu.memory_space<vmem>>, vector<16xf32>,
        %mul3A_1891 = arith.mulf %get3A_1684, %get3A_1726 : vector<16xf32>
        %mul3A_1892 = arith.mulf %get3A_1689, %get3A_1733 : vector<16xf32>
        %mul3A_1893 = arith.mulf %get3A_1694, %get3A_1740 : vector<16xf32>
        %add3A_1894 = arith.addf %mul3A_1891, %mul3A_1893 : vector<16xf32>
        %mul3A_1895 = arith.mulf %get3A_1699, %get3A_1747 : vector<16xf32>
        %add3A_1896 = arith.addf %mul3A_1892, %mul3A_1895 : vector<16xf32>
        %mul3A_1897 = arith.mulf %get3A_1704, %get3A_1754 : vector<16xf32>
        %add3A_1898 = arith.addf %add3A_1894, %mul3A_1897 : vector<16xf32>
        %mul3A_1899 = arith.mulf %get3A_1709, %get3A_1761 : vector<16xf32>
        %add3A_1900 = arith.addf %add3A_1896, %mul3A_1899 : vector<16xf32>
        %mul3A_1901 = arith.mulf %get3A_1714, %get3A_1768 : vector<16xf32>
        %add3A_1902 = arith.addf %add3A_1898, %mul3A_1901 : vector<16xf32>
        %mul3A_1903 = arith.mulf %get3A_1719, %get3A_1775 : vector<16xf32>
        %add3A_1904 = arith.addf %add3A_1900, %mul3A_1903 : vector<16xf32>
        %add3A_1905 = arith.addf %add3A_1902, %add3A_1904 : vector<16xf32>
        %swap3A_1906 = arith.constant 14 : i32
        %swap3A_1907 = arith.index_cast %swap3A_1906 : i32 to index
        %swap3A_1908 = arith.constant 0 : index
        %swap3A_1909 = tpu.vector_load %arg10[%swap3A_1907, %swap3A_1908] {strides = array<i32>} : memref<16x16xf32, #tpu.memory_space<vmem>>, vector<16xf32>,
        tpu.vector_store %arg10[%swap3A_1907, %swap3A_1908], %add3A_1905 {strides = array<i32>} : memref<16x16xf32, #tpu.memory_space<vmem>>, vector<16xf32>,
        %mul3A_1910 = arith.mulf %get3A_1799, %get3A_1841 : vector<16xf32>
        %mul3A_1911 = arith.mulf %get3A_1804, %get3A_1848 : vector<16xf32>
        %mul3A_1912 = arith.mulf %get3A_1809, %get3A_1855 : vector<16xf32>
        %add3A_1913 = arith.addf %mul3A_1910, %mul3A_1912 : vector<16xf32>
        %mul3A_1914 = arith.mulf %get3A_1814, %get3A_1862 : vector<16xf32>
        %add3A_1915 = arith.addf %mul3A_1911, %mul3A_1914 : vector<16xf32>
        %mul3A_1916 = arith.mulf %get3A_1819, %get3A_1869 : vector<16xf32>
        %add3A_1917 = arith.addf %add3A_1913, %mul3A_1916 : vector<16xf32>
        %mul3A_1918 = arith.mulf %get3A_1824, %get3A_1876 : vector<16xf32>
        %add3A_1919 = arith.addf %add3A_1915, %mul3A_1918 : vector<16xf32>
        %mul3A_1920 = arith.mulf %get3A_1829, %get3A_1883 : vector<16xf32>
        %add3A_1921 = arith.addf %add3A_1917, %mul3A_1920 : vector<16xf32>
        %mul3A_1922 = arith.mulf %get3A_1834, %get3A_1890 : vector<16xf32>
        %add3A_1923 = arith.addf %add3A_1919, %mul3A_1922 : vector<16xf32>
        %add3A_1924 = arith.addf %add3A_1921, %add3A_1923 : vector<16xf32>
        %swap3A_1925 = arith.constant 15 : i32
        %swap3A_1926 = arith.index_cast %swap3A_1925 : i32 to index
        %swap3A_1927 = arith.constant 0 : index
        %swap3A_1928 = tpu.vector_load %arg10[%swap3A_1926, %swap3A_1927] {strides = array<i32>} : memref<16x16xf32, #tpu.memory_space<vmem>>, vector<16xf32>,
        tpu.vector_store %arg10[%swap3A_1926, %swap3A_1927], %add3A_1924 {strides = array<i32>} : memref<16x16xf32, #tpu.memory_space<vmem>>, vector<16xf32>,
        %broadcast_in_dim3A = arith.constant 0 : i32
        %broadcast_in_dim3A_1929 = vector.broadcast %broadcast_in_dim3A : i32 to vector<16xi32>
        %gather3A = tpu.vector_load_idx %arg10[%iota3A, %broadcast_in_dim3A_1929] : memref<16x16xf32, #tpu.memory_space<vmem>>[vector<16xi32>, vector<16xi32>], vector<16xf32>,
        %broadcast_in_dim3A_1930 = arith.constant 1 : i32
        %broadcast_in_dim3A_1931 = vector.broadcast %broadcast_in_dim3A_1930 : i32 to vector<16xi32>
        %gather3A_1932 = tpu.vector_load_idx %arg10[%iota3A, %broadcast_in_dim3A_1931] : memref<16x16xf32, #tpu.memory_space<vmem>>[vector<16xi32>, vector<16xi32>], vector<16xf32>,
        %add3A_1933 = arith.addf %gather3A, %gather3A_1932 : vector<16xf32>
        %broadcast_in_dim3A_1934 = arith.constant 2 : i32
        %broadcast_in_dim3A_1935 = vector.broadcast %broadcast_in_dim3A_1934 : i32 to vector<16xi32>
        %gather3A_1936 = tpu.vector_load_idx %arg10[%iota3A, %broadcast_in_dim3A_1935] : memref<16x16xf32, #tpu.memory_space<vmem>>[vector<16xi32>, vector<16xi32>], vector<16xf32>,
        %add3A_1937 = arith.addf %add3A_1933, %gather3A_1936 : vector<16xf32>
        %broadcast_in_dim3A_1938 = arith.constant 3 : i32
        %broadcast_in_dim3A_1939 = vector.broadcast %broadcast_in_dim3A_1938 : i32 to vector<16xi32>
        %gather3A_1940 = tpu.vector_load_idx %arg10[%iota3A, %broadcast_in_dim3A_1939] : memref<16x16xf32, #tpu.memory_space<vmem>>[vector<16xi32>, vector<16xi32>], vector<16xf32>,
        %add3A_1941 = arith.addf %add3A_1937, %gather3A_1940 : vector<16xf32>
        %broadcast_in_dim3A_1942 = arith.constant 4 : i32
        %broadcast_in_dim3A_1943 = vector.broadcast %broadcast_in_dim3A_1942 : i32 to vector<16xi32>
        %gather3A_1944 = tpu.vector_load_idx %arg10[%iota3A, %broadcast_in_dim3A_1943] : memref<16x16xf32, #tpu.memory_space<vmem>>[vector<16xi32>, vector<16xi32>], vector<16xf32>,
        %add3A_1945 = arith.addf %add3A_1941, %gather3A_1944 : vector<16xf32>
        %broadcast_in_dim3A_1946 = arith.constant 5 : i32
        %broadcast_in_dim3A_1947 = vector.broadcast %broadcast_in_dim3A_1946 : i32 to vector<16xi32>
        %gather3A_1948 = tpu.vector_load_idx %arg10[%iota3A, %broadcast_in_dim3A_1947] : memref<16x16xf32, #tpu.memory_space<vmem>>[vector<16xi32>, vector<16xi32>], vector<16xf32>,
        %add3A_1949 = arith.addf %add3A_1945, %gather3A_1948 : vector<16xf32>
        %broadcast_in_dim3A_1950 = arith.constant 6 : i32
        %broadcast_in_dim3A_1951 = vector.broadcast %broadcast_in_dim3A_1950 : i32 to vector<16xi32>
        %gather3A_1952 = tpu.vector_load_idx %arg10[%iota3A, %broadcast_in_dim3A_1951] : memref<16x16xf32, #tpu.memory_space<vmem>>[vector<16xi32>, vector<16xi32>], vector<16xf32>,
        %add3A_1953 = arith.addf %add3A_1949, %gather3A_1952 : vector<16xf32>
        %broadcast_in_dim3A_1954 = arith.constant 7 : i32
        %broadcast_in_dim3A_1955 = vector.broadcast %broadcast_in_dim3A_1954 : i32 to vector<16xi32>
        %gather3A_1956 = tpu.vector_load_idx %arg10[%iota3A, %broadcast_in_dim3A_1955] : memref<16x16xf32, #tpu.memory_space<vmem>>[vector<16xi32>, vector<16xi32>], vector<16xf32>,
        %add3A_1957 = arith.addf %add3A_1953, %gather3A_1956 : vector<16xf32>
        %broadcast_in_dim3A_1958 = arith.constant 8 : i32
        %broadcast_in_dim3A_1959 = vector.broadcast %broadcast_in_dim3A_1958 : i32 to vector<16xi32>
        %gather3A_1960 = tpu.vector_load_idx %arg10[%iota3A, %broadcast_in_dim3A_1959] : memref<16x16xf32, #tpu.memory_space<vmem>>[vector<16xi32>, vector<16xi32>], vector<16xf32>,
        %add3A_1961 = arith.addf %add3A_1957, %gather3A_1960 : vector<16xf32>
        %broadcast_in_dim3A_1962 = arith.constant 9 : i32
        %broadcast_in_dim3A_1963 = vector.broadcast %broadcast_in_dim3A_1962 : i32 to vector<16xi32>
        %gather3A_1964 = tpu.vector_load_idx %arg10[%iota3A, %broadcast_in_dim3A_1963] : memref<16x16xf32, #tpu.memory_space<vmem>>[vector<16xi32>, vector<16xi32>], vector<16xf32>,
        %add3A_1965 = arith.addf %add3A_1961, %gather3A_1964 : vector<16xf32>
        %broadcast_in_dim3A_1966 = arith.constant 10 : i32
        %broadcast_in_dim3A_1967 = vector.broadcast %broadcast_in_dim3A_1966 : i32 to vector<16xi32>
        %gather3A_1968 = tpu.vector_load_idx %arg10[%iota3A, %broadcast_in_dim3A_1967] : memref<16x16xf32, #tpu.memory_space<vmem>>[vector<16xi32>, vector<16xi32>], vector<16xf32>,
        %add3A_1969 = arith.addf %add3A_1965, %gather3A_1968 : vector<16xf32>
        %broadcast_in_dim3A_1970 = arith.constant 11 : i32
        %broadcast_in_dim3A_1971 = vector.broadcast %broadcast_in_dim3A_1970 : i32 to vector<16xi32>
        %gather3A_1972 = tpu.vector_load_idx %arg10[%iota3A, %broadcast_in_dim3A_1971] : memref<16x16xf32, #tpu.memory_space<vmem>>[vector<16xi32>, vector<16xi32>], vector<16xf32>,
        %add3A_1973 = arith.addf %add3A_1969, %gather3A_1972 : vector<16xf32>
        %broadcast_in_dim3A_1974 = arith.constant 12 : i32
        %broadcast_in_dim3A_1975 = vector.broadcast %broadcast_in_dim3A_1974 : i32 to vector<16xi32>
        %gather3A_1976 = tpu.vector_load_idx %arg10[%iota3A, %broadcast_in_dim3A_1975] : memref<16x16xf32, #tpu.memory_space<vmem>>[vector<16xi32>, vector<16xi32>], vector<16xf32>,
        %add3A_1977 = arith.addf %add3A_1973, %gather3A_1976 : vector<16xf32>
        %broadcast_in_dim3A_1978 = arith.constant 13 : i32
        %broadcast_in_dim3A_1979 = vector.broadcast %broadcast_in_dim3A_1978 : i32 to vector<16xi32>
        %gather3A_1980 = tpu.vector_load_idx %arg10[%iota3A, %broadcast_in_dim3A_1979] : memref<16x16xf32, #tpu.memory_space<vmem>>[vector<16xi32>, vector<16xi32>], vector<16xf32>,
        %add3A_1981 = arith.addf %add3A_1977, %gather3A_1980 : vector<16xf32>
        %broadcast_in_dim3A_1982 = arith.constant 14 : i32
        %broadcast_in_dim3A_1983 = vector.broadcast %broadcast_in_dim3A_1982 : i32 to vector<16xi32>
        %gather3A_1984 = tpu.vector_load_idx %arg10[%iota3A, %broadcast_in_dim3A_1983] : memref<16x16xf32, #tpu.memory_space<vmem>>[vector<16xi32>, vector<16xi32>], vector<16xf32>,
        %add3A_1985 = arith.addf %add3A_1981, %gather3A_1984 : vector<16xf32>
        %broadcast_in_dim3A_1986 = arith.constant 15 : i32
        %broadcast_in_dim3A_1987 = vector.broadcast %broadcast_in_dim3A_1986 : i32 to vector<16xi32>
        %gather3A_1988 = tpu.vector_load_idx %arg10[%iota3A, %broadcast_in_dim3A_1987] : memref<16x16xf32, #tpu.memory_space<vmem>>[vector<16xi32>, vector<16xi32>], vector<16xf32>,
        %add3A_1989 = arith.addf %add3A_1985, %gather3A_1988 : vector<16xf32>
        %neg3A = arith.constant 0.000000e+00 : f32
        %neg3A_1990 = vector.broadcast %neg3A : f32 to vector<16xf32>
        %neg3A_1991 = arith.subf %neg3A_1990, %add3A_1989 : vector<16xf32>
        %exp3A = math.exp %neg3A_1991 : vector<16xf32>
        %add3A_1992 = arith.constant 1.000000e+00 : f32
        %add3A_1993 = vector.broadcast %add3A_1992 : f32 to vector<16xf32>
        %add3A_1994 = arith.addf %add3A_1993, %exp3A : vector<16xf32>
        %div3A = arith.constant 1.000000e+00 : f32
        %div3A_1995 = vector.broadcast %div3A : f32 to vector<16xf32>
        %div3A_1996 = arith.divf %div3A_1995, %add3A_1994 : vector<16xf32>
        %swap3A_1997 = arith.index_cast %add3A_90 : i32 to index
        %swap3A_1998 = tpu.vector_load %arg8[%swap3A_1997] {strides = array<i32>} : memref<64xf32, #tpu.memory_space<vmem>>, vector<16xf32>,
        tpu.vector_store %arg8[%swap3A_1997], %div3A_1996 {strides = array<i32>} : memref<64xf32, #tpu.memory_space<vmem>>, vector<16xf32>,
      }
      %scan3A_46 = arith.constant 4 : i32
      %mul3A_47 = arith.constant 64 : i32
      %mul3A_48 = arith.muli %add3A_33, %mul3A_47 : i32
      %add3A_49 = arith.addi %mul3A_2, %mul3A_48 : i32
      %dma_start3A_50 = tpu.memref_slice %arg4[%add3A_49] : memref<16384xf32, #tpu.memory_space<hbm>> -> memref<64xf32, #tpu.memory_space<hbm>>
      %dma_start3A_51 = tpu.memref_slice %arg4[%add3A_49] : memref<16384xf32, #tpu.memory_space<hbm>> -> memref<64xf32, #tpu.memory_space<hbm>>
      tpu.enqueue_dma source(%arg8 : memref<64xf32, #tpu.memory_space<vmem>>) target(%dma_start3A_51 : memref<64xf32, #tpu.memory_space<hbm>>) target_semaphore(%arg13 : memref<!tpu.dma_semaphore, #tpu.memory_space<semaphore_mem>>)
      %lt3A = arith.constant 3 : i32
      %lt3A_52 = arith.cmpi slt, %add3A_29, %lt3A : i32
      %convert_element_type3A_53 = arith.extui %lt3A_52 : i1 to i32
      %cond3A_54 = arith.constant 0 : i32
      %cond3A_55 = arith.cmpi ne, %convert_element_type3A_53, %cond3A_54 : i32
      scf.if %cond3A_55 {
        %add3A_86 = arith.constant 2 : i32
        %add3A_87 = arith.addi %add3A_33, %add3A_86 : i32
        %mul3A_88 = arith.constant 128 : i32
        %mul3A_89 = arith.muli %add3A_87, %mul3A_88 : i32
        %dma_start3A_90 = tpu.memref_slice %arg5[%mul3A_89] : memref<1024xi32, #tpu.memory_space<vmem>> -> memref<128xi32, #tpu.memory_space<vmem>>
        %dma_start3A_91 = arith.constant 0 : i32
        %dma_start3A_92 = arith.constant 0 : i32
        %dma_start3A_93 = tpu.memref_slice %arg3[%dma_start3A_91, %dma_start3A_92] : memref<100000x128xf32, #tpu.memory_space<hbm>> -> memref<100000x128xf32, #tpu.memory_space<hbm>>
        tpu.enqueue_indirect_dma source(%dma_start3A_93 : memref<100000x128xf32, #tpu.memory_space<hbm>>) target(%arg6 : memref<128x128xf32, #tpu.memory_space<vmem>>) offsets(%dma_start3A_90 : memref<128xi32, #tpu.memory_space<vmem>>) semaphore(%arg11 : memref<!tpu.dma_semaphore, #tpu.memory_space<semaphore_mem>>)
      } else {
      }
      %mul3A_56 = arith.constant 2 : i32
      %mul3A_57 = arith.muli %mul3A_56, %add3A_29 : i32
      %add3A_58 = arith.constant 1 : i32
      %add3A_59 = arith.addi %mul3A_57, %add3A_58 : i32
      %mul3A_60 = arith.constant 128 : i32
      %mul3A_61 = arith.muli %add3A_59, %mul3A_60 : i32
      %dma_wait3A_62 = tpu.memref_slice %arg5[%mul3A_61] : memref<1024xi32, #tpu.memory_space<vmem>> -> memref<128xi32, #tpu.memory_space<vmem>>
      %dma_wait3A_63 = arith.constant 0 : i32
      %dma_wait3A_64 = arith.constant 0 : i32
      %dma_wait3A_65 = tpu.memref_slice %arg3[%dma_wait3A_63, %dma_wait3A_64] : memref<100000x128xf32, #tpu.memory_space<hbm>> -> memref<100000x128xf32, #tpu.memory_space<hbm>>
      tpu.wait_indirect_dma semaphore(%arg12 : memref<!tpu.dma_semaphore, #tpu.memory_space<semaphore_mem>>) src(%dma_wait3A_65 : memref<100000x128xf32, #tpu.memory_space<hbm>>) dst(%arg7 : memref<128x128xf32, #tpu.memory_space<vmem>>)
      %gt3A_66 = arith.constant 0 : i32
      %gt3A_67 = arith.cmpi sgt, %add3A_29, %gt3A_66 : i32
      %convert_element_type3A_68 = arith.extui %gt3A_67 : i1 to i32
      %cond3A_69 = arith.constant 0 : i32
      %cond3A_70 = arith.cmpi ne, %convert_element_type3A_68, %cond3A_69 : i32
      scf.if %cond3A_70 {
        %sub3A = arith.constant 2 : i32
        %sub3A_86 = arith.subi %add3A_59, %sub3A : i32
        %mul3A_87 = arith.constant 64 : i32
        %mul3A_88 = arith.muli %sub3A_86, %mul3A_87 : i32
        %add3A_89 = arith.addi %mul3A_2, %mul3A_88 : i32
        %dma_wait3A_90 = tpu.memref_slice %arg4[%add3A_89] : memref<16384xf32, #tpu.memory_space<hbm>> -> memref<64xf32, #tpu.memory_space<hbm>>
        %dma_wait3A_91 = tpu.memref_slice %arg4[%add3A_89] : memref<16384xf32, #tpu.memory_space<hbm>> -> memref<64xf32, #tpu.memory_space<hbm>>
        tpu.wait_dma2 semaphore(%arg14 : memref<!tpu.dma_semaphore, #tpu.memory_space<semaphore_mem>>) src(%arg9 : memref<64xf32, #tpu.memory_space<vmem>>) dst(%dma_wait3A_91 : memref<64xf32, #tpu.memory_space<hbm>>)
      } else {
      }
      %scan3A_71 = arith.constant 0 : i32
      %scan3A_72 = arith.constant 4 : i32
      %scan3A_73 = arith.addi %scan3A_71, %scan3A_72 : i32
      %scan3A_74 = arith.constant 1 : i32
      scf.for %scan3A_86 = %scan3A_71 to %scan3A_73 step %scan3A_74  : i32 {
        %mul3A_87 = arith.constant 16 : i32
        %mul3A_88 = arith.muli %scan3A_86, %mul3A_87 : i32
        %add3A_89 = arith.constant 0 : i32
        %add3A_90 = arith.addi %add3A_89, %mul3A_88 : i32
        %add3A_91 = arith.constant 0 : i32
        %add3A_92 = arith.addi %add3A_90, %add3A_91 : i32
        %get3A = arith.index_cast %add3A_92 : i32 to index
        %get3A_93 = arith.constant 0 : index
        %get3A_94 = tpu.vector_load %arg7[%get3A, %get3A_93] {strides = array<i32>} : memref<128x128xf32, #tpu.memory_space<vmem>>, vector<16xf32>,
        %add3A_95 = arith.constant 0 : i32
        %add3A_96 = arith.addi %add3A_90, %add3A_95 : i32
        %get3A_97 = arith.index_cast %add3A_96 : i32 to index
        %get3A_98 = arith.constant 16 : index
        %get3A_99 = tpu.vector_load %arg7[%get3A_97, %get3A_98] {strides = array<i32>} : memref<128x128xf32, #tpu.memory_space<vmem>>, vector<16xf32>,
        %add3A_100 = arith.constant 0 : i32
        %add3A_101 = arith.addi %add3A_90, %add3A_100 : i32
        %get3A_102 = arith.index_cast %add3A_101 : i32 to index
        %get3A_103 = arith.constant 32 : index
        %get3A_104 = tpu.vector_load %arg7[%get3A_102, %get3A_103] {strides = array<i32>} : memref<128x128xf32, #tpu.memory_space<vmem>>, vector<16xf32>,
        %add3A_105 = arith.constant 0 : i32
        %add3A_106 = arith.addi %add3A_90, %add3A_105 : i32
        %get3A_107 = arith.index_cast %add3A_106 : i32 to index
        %get3A_108 = arith.constant 48 : index
        %get3A_109 = tpu.vector_load %arg7[%get3A_107, %get3A_108] {strides = array<i32>} : memref<128x128xf32, #tpu.memory_space<vmem>>, vector<16xf32>,
        %add3A_110 = arith.constant 0 : i32
        %add3A_111 = arith.addi %add3A_90, %add3A_110 : i32
        %get3A_112 = arith.index_cast %add3A_111 : i32 to index
        %get3A_113 = arith.constant 64 : index
        %get3A_114 = tpu.vector_load %arg7[%get3A_112, %get3A_113] {strides = array<i32>} : memref<128x128xf32, #tpu.memory_space<vmem>>, vector<16xf32>,
        %add3A_115 = arith.constant 0 : i32
        %add3A_116 = arith.addi %add3A_90, %add3A_115 : i32
        %get3A_117 = arith.index_cast %add3A_116 : i32 to index
        %get3A_118 = arith.constant 80 : index
        %get3A_119 = tpu.vector_load %arg7[%get3A_117, %get3A_118] {strides = array<i32>} : memref<128x128xf32, #tpu.memory_space<vmem>>, vector<16xf32>,
        %add3A_120 = arith.constant 0 : i32
        %add3A_121 = arith.addi %add3A_90, %add3A_120 : i32
        %get3A_122 = arith.index_cast %add3A_121 : i32 to index
        %get3A_123 = arith.constant 96 : index
        %get3A_124 = tpu.vector_load %arg7[%get3A_122, %get3A_123] {strides = array<i32>} : memref<128x128xf32, #tpu.memory_space<vmem>>, vector<16xf32>,
        %add3A_125 = arith.constant 0 : i32
        %add3A_126 = arith.addi %add3A_90, %add3A_125 : i32
        %get3A_127 = arith.index_cast %add3A_126 : i32 to index
        %get3A_128 = arith.constant 112 : index
        %get3A_129 = tpu.vector_load %arg7[%get3A_127, %get3A_128] {strides = array<i32>} : memref<128x128xf32, #tpu.memory_space<vmem>>, vector<16xf32>,
        %add3A_130 = arith.constant 64 : i32
        %add3A_131 = arith.addi %add3A_130, %add3A_90 : i32
        %add3A_132 = arith.constant 0 : i32
        %add3A_133 = arith.addi %add3A_131, %add3A_132 : i32
        %get3A_134 = arith.index_cast %add3A_133 : i32 to index
        %get3A_135 = arith.constant 0 : index
        %get3A_136 = tpu.vector_load %arg7[%get3A_134, %get3A_135] {strides = array<i32>} : memref<128x128xf32, #tpu.memory_space<vmem>>, vector<16xf32>,
        %add3A_137 = arith.constant 64 : i32
        %add3A_138 = arith.addi %add3A_137, %add3A_90 : i32
        %add3A_139 = arith.constant 0 : i32
        %add3A_140 = arith.addi %add3A_138, %add3A_139 : i32
        %get3A_141 = arith.index_cast %add3A_140 : i32 to index
        %get3A_142 = arith.constant 16 : index
        %get3A_143 = tpu.vector_load %arg7[%get3A_141, %get3A_142] {strides = array<i32>} : memref<128x128xf32, #tpu.memory_space<vmem>>, vector<16xf32>,
        %add3A_144 = arith.constant 64 : i32
        %add3A_145 = arith.addi %add3A_144, %add3A_90 : i32
        %add3A_146 = arith.constant 0 : i32
        %add3A_147 = arith.addi %add3A_145, %add3A_146 : i32
        %get3A_148 = arith.index_cast %add3A_147 : i32 to index
        %get3A_149 = arith.constant 32 : index
        %get3A_150 = tpu.vector_load %arg7[%get3A_148, %get3A_149] {strides = array<i32>} : memref<128x128xf32, #tpu.memory_space<vmem>>, vector<16xf32>,
        %add3A_151 = arith.constant 64 : i32
        %add3A_152 = arith.addi %add3A_151, %add3A_90 : i32
        %add3A_153 = arith.constant 0 : i32
        %add3A_154 = arith.addi %add3A_152, %add3A_153 : i32
        %get3A_155 = arith.index_cast %add3A_154 : i32 to index
        %get3A_156 = arith.constant 48 : index
        %get3A_157 = tpu.vector_load %arg7[%get3A_155, %get3A_156] {strides = array<i32>} : memref<128x128xf32, #tpu.memory_space<vmem>>, vector<16xf32>,
        %add3A_158 = arith.constant 64 : i32
        %add3A_159 = arith.addi %add3A_158, %add3A_90 : i32
        %add3A_160 = arith.constant 0 : i32
        %add3A_161 = arith.addi %add3A_159, %add3A_160 : i32
        %get3A_162 = arith.index_cast %add3A_161 : i32 to index
        %get3A_163 = arith.constant 64 : index
        %get3A_164 = tpu.vector_load %arg7[%get3A_162, %get3A_163] {strides = array<i32>} : memref<128x128xf32, #tpu.memory_space<vmem>>, vector<16xf32>,
        %add3A_165 = arith.constant 64 : i32
        %add3A_166 = arith.addi %add3A_165, %add3A_90 : i32
        %add3A_167 = arith.constant 0 : i32
        %add3A_168 = arith.addi %add3A_166, %add3A_167 : i32
        %get3A_169 = arith.index_cast %add3A_168 : i32 to index
        %get3A_170 = arith.constant 80 : index
        %get3A_171 = tpu.vector_load %arg7[%get3A_169, %get3A_170] {strides = array<i32>} : memref<128x128xf32, #tpu.memory_space<vmem>>, vector<16xf32>,
        %add3A_172 = arith.constant 64 : i32
        %add3A_173 = arith.addi %add3A_172, %add3A_90 : i32
        %add3A_174 = arith.constant 0 : i32
        %add3A_175 = arith.addi %add3A_173, %add3A_174 : i32
        %get3A_176 = arith.index_cast %add3A_175 : i32 to index
        %get3A_177 = arith.constant 96 : index
        %get3A_178 = tpu.vector_load %arg7[%get3A_176, %get3A_177] {strides = array<i32>} : memref<128x128xf32, #tpu.memory_space<vmem>>, vector<16xf32>,
        %add3A_179 = arith.constant 64 : i32
        %add3A_180 = arith.addi %add3A_179, %add3A_90 : i32
        %add3A_181 = arith.constant 0 : i32
        %add3A_182 = arith.addi %add3A_180, %add3A_181 : i32
        %get3A_183 = arith.index_cast %add3A_182 : i32 to index
        %get3A_184 = arith.constant 112 : index
        %get3A_185 = tpu.vector_load %arg7[%get3A_183, %get3A_184] {strides = array<i32>} : memref<128x128xf32, #tpu.memory_space<vmem>>, vector<16xf32>,
        %add3A_186 = arith.constant 1 : i32
        %add3A_187 = arith.addi %add3A_90, %add3A_186 : i32
        %get3A_188 = arith.index_cast %add3A_187 : i32 to index
        %get3A_189 = arith.constant 0 : index
        %get3A_190 = tpu.vector_load %arg7[%get3A_188, %get3A_189] {strides = array<i32>} : memref<128x128xf32, #tpu.memory_space<vmem>>, vector<16xf32>,
        %add3A_191 = arith.constant 1 : i32
        %add3A_192 = arith.addi %add3A_90, %add3A_191 : i32
        %get3A_193 = arith.index_cast %add3A_192 : i32 to index
        %get3A_194 = arith.constant 16 : index
        %get3A_195 = tpu.vector_load %arg7[%get3A_193, %get3A_194] {strides = array<i32>} : memref<128x128xf32, #tpu.memory_space<vmem>>, vector<16xf32>,
        %add3A_196 = arith.constant 1 : i32
        %add3A_197 = arith.addi %add3A_90, %add3A_196 : i32
        %get3A_198 = arith.index_cast %add3A_197 : i32 to index
        %get3A_199 = arith.constant 32 : index
        %get3A_200 = tpu.vector_load %arg7[%get3A_198, %get3A_199] {strides = array<i32>} : memref<128x128xf32, #tpu.memory_space<vmem>>, vector<16xf32>,
        %add3A_201 = arith.constant 1 : i32
        %add3A_202 = arith.addi %add3A_90, %add3A_201 : i32
        %get3A_203 = arith.index_cast %add3A_202 : i32 to index
        %get3A_204 = arith.constant 48 : index
        %get3A_205 = tpu.vector_load %arg7[%get3A_203, %get3A_204] {strides = array<i32>} : memref<128x128xf32, #tpu.memory_space<vmem>>, vector<16xf32>,
        %add3A_206 = arith.constant 1 : i32
        %add3A_207 = arith.addi %add3A_90, %add3A_206 : i32
        %get3A_208 = arith.index_cast %add3A_207 : i32 to index
        %get3A_209 = arith.constant 64 : index
        %get3A_210 = tpu.vector_load %arg7[%get3A_208, %get3A_209] {strides = array<i32>} : memref<128x128xf32, #tpu.memory_space<vmem>>, vector<16xf32>,
        %add3A_211 = arith.constant 1 : i32
        %add3A_212 = arith.addi %add3A_90, %add3A_211 : i32
        %get3A_213 = arith.index_cast %add3A_212 : i32 to index
        %get3A_214 = arith.constant 80 : index
        %get3A_215 = tpu.vector_load %arg7[%get3A_213, %get3A_214] {strides = array<i32>} : memref<128x128xf32, #tpu.memory_space<vmem>>, vector<16xf32>,
        %add3A_216 = arith.constant 1 : i32
        %add3A_217 = arith.addi %add3A_90, %add3A_216 : i32
        %get3A_218 = arith.index_cast %add3A_217 : i32 to index
        %get3A_219 = arith.constant 96 : index
        %get3A_220 = tpu.vector_load %arg7[%get3A_218, %get3A_219] {strides = array<i32>} : memref<128x128xf32, #tpu.memory_space<vmem>>, vector<16xf32>,
        %add3A_221 = arith.constant 1 : i32
        %add3A_222 = arith.addi %add3A_90, %add3A_221 : i32
        %get3A_223 = arith.index_cast %add3A_222 : i32 to index
        %get3A_224 = arith.constant 112 : index
        %get3A_225 = tpu.vector_load %arg7[%get3A_223, %get3A_224] {strides = array<i32>} : memref<128x128xf32, #tpu.memory_space<vmem>>, vector<16xf32>,
        %add3A_226 = arith.constant 64 : i32
        %add3A_227 = arith.addi %add3A_226, %add3A_90 : i32
        %add3A_228 = arith.constant 1 : i32
        %add3A_229 = arith.addi %add3A_227, %add3A_228 : i32
        %get3A_230 = arith.index_cast %add3A_229 : i32 to index
        %get3A_231 = arith.constant 0 : index
        %get3A_232 = tpu.vector_load %arg7[%get3A_230, %get3A_231] {strides = array<i32>} : memref<128x128xf32, #tpu.memory_space<vmem>>, vector<16xf32>,
        %add3A_233 = arith.constant 64 : i32
        %add3A_234 = arith.addi %add3A_233, %add3A_90 : i32
        %add3A_235 = arith.constant 1 : i32
        %add3A_236 = arith.addi %add3A_234, %add3A_235 : i32
        %get3A_237 = arith.index_cast %add3A_236 : i32 to index
        %get3A_238 = arith.constant 16 : index
        %get3A_239 = tpu.vector_load %arg7[%get3A_237, %get3A_238] {strides = array<i32>} : memref<128x128xf32, #tpu.memory_space<vmem>>, vector<16xf32>,
        %add3A_240 = arith.constant 64 : i32
        %add3A_241 = arith.addi %add3A_240, %add3A_90 : i32
        %add3A_242 = arith.constant 1 : i32
        %add3A_243 = arith.addi %add3A_241, %add3A_242 : i32
        %get3A_244 = arith.index_cast %add3A_243 : i32 to index
        %get3A_245 = arith.constant 32 : index
        %get3A_246 = tpu.vector_load %arg7[%get3A_244, %get3A_245] {strides = array<i32>} : memref<128x128xf32, #tpu.memory_space<vmem>>, vector<16xf32>,
        %add3A_247 = arith.constant 64 : i32
        %add3A_248 = arith.addi %add3A_247, %add3A_90 : i32
        %add3A_249 = arith.constant 1 : i32
        %add3A_250 = arith.addi %add3A_248, %add3A_249 : i32
        %get3A_251 = arith.index_cast %add3A_250 : i32 to index
        %get3A_252 = arith.constant 48 : index
        %get3A_253 = tpu.vector_load %arg7[%get3A_251, %get3A_252] {strides = array<i32>} : memref<128x128xf32, #tpu.memory_space<vmem>>, vector<16xf32>,
        %add3A_254 = arith.constant 64 : i32
        %add3A_255 = arith.addi %add3A_254, %add3A_90 : i32
        %add3A_256 = arith.constant 1 : i32
        %add3A_257 = arith.addi %add3A_255, %add3A_256 : i32
        %get3A_258 = arith.index_cast %add3A_257 : i32 to index
        %get3A_259 = arith.constant 64 : index
        %get3A_260 = tpu.vector_load %arg7[%get3A_258, %get3A_259] {strides = array<i32>} : memref<128x128xf32, #tpu.memory_space<vmem>>, vector<16xf32>,
        %add3A_261 = arith.constant 64 : i32
        %add3A_262 = arith.addi %add3A_261, %add3A_90 : i32
        %add3A_263 = arith.constant 1 : i32
        %add3A_264 = arith.addi %add3A_262, %add3A_263 : i32
        %get3A_265 = arith.index_cast %add3A_264 : i32 to index
        %get3A_266 = arith.constant 80 : index
        %get3A_267 = tpu.vector_load %arg7[%get3A_265, %get3A_266] {strides = array<i32>} : memref<128x128xf32, #tpu.memory_space<vmem>>, vector<16xf32>,
        %add3A_268 = arith.constant 64 : i32
        %add3A_269 = arith.addi %add3A_268, %add3A_90 : i32
        %add3A_270 = arith.constant 1 : i32
        %add3A_271 = arith.addi %add3A_269, %add3A_270 : i32
        %get3A_272 = arith.index_cast %add3A_271 : i32 to index
        %get3A_273 = arith.constant 96 : index
        %get3A_274 = tpu.vector_load %arg7[%get3A_272, %get3A_273] {strides = array<i32>} : memref<128x128xf32, #tpu.memory_space<vmem>>, vector<16xf32>,
        %add3A_275 = arith.constant 64 : i32
        %add3A_276 = arith.addi %add3A_275, %add3A_90 : i32
        %add3A_277 = arith.constant 1 : i32
        %add3A_278 = arith.addi %add3A_276, %add3A_277 : i32
        %get3A_279 = arith.index_cast %add3A_278 : i32 to index
        %get3A_280 = arith.constant 112 : index
        %get3A_281 = tpu.vector_load %arg7[%get3A_279, %get3A_280] {strides = array<i32>} : memref<128x128xf32, #tpu.memory_space<vmem>>, vector<16xf32>,
        %mul3A_282 = arith.mulf %get3A_94, %get3A_136 : vector<16xf32>
        %mul3A_283 = arith.mulf %get3A_99, %get3A_143 : vector<16xf32>
        %mul3A_284 = arith.mulf %get3A_104, %get3A_150 : vector<16xf32>
        %add3A_285 = arith.addf %mul3A_282, %mul3A_284 : vector<16xf32>
        %mul3A_286 = arith.mulf %get3A_109, %get3A_157 : vector<16xf32>
        %add3A_287 = arith.addf %mul3A_283, %mul3A_286 : vector<16xf32>
        %mul3A_288 = arith.mulf %get3A_114, %get3A_164 : vector<16xf32>
        %add3A_289 = arith.addf %add3A_285, %mul3A_288 : vector<16xf32>
        %mul3A_290 = arith.mulf %get3A_119, %get3A_171 : vector<16xf32>
        %add3A_291 = arith.addf %add3A_287, %mul3A_290 : vector<16xf32>
        %mul3A_292 = arith.mulf %get3A_124, %get3A_178 : vector<16xf32>
        %add3A_293 = arith.addf %add3A_289, %mul3A_292 : vector<16xf32>
        %mul3A_294 = arith.mulf %get3A_129, %get3A_185 : vector<16xf32>
        %add3A_295 = arith.addf %add3A_291, %mul3A_294 : vector<16xf32>
        %add3A_296 = arith.addf %add3A_293, %add3A_295 : vector<16xf32>
        %swap3A = arith.constant 0 : i32
        %swap3A_297 = arith.index_cast %swap3A : i32 to index
        %swap3A_298 = arith.constant 0 : index
        %swap3A_299 = tpu.vector_load %arg10[%swap3A_297, %swap3A_298] {strides = array<i32>} : memref<16x16xf32, #tpu.memory_space<vmem>>, vector<16xf32>,
        tpu.vector_store %arg10[%swap3A_297, %swap3A_298], %add3A_296 {strides = array<i32>} : memref<16x16xf32, #tpu.memory_space<vmem>>, vector<16xf32>,
        %add3A_300 = arith.constant 2 : i32
        %add3A_301 = arith.addi %add3A_90, %add3A_300 : i32
        %get3A_302 = arith.index_cast %add3A_301 : i32 to index
        %get3A_303 = arith.constant 0 : index
        %get3A_304 = tpu.vector_load %arg7[%get3A_302, %get3A_303] {strides = array<i32>} : memref<128x128xf32, #tpu.memory_space<vmem>>, vector<16xf32>,
        %add3A_305 = arith.constant 2 : i32
        %add3A_306 = arith.addi %add3A_90, %add3A_305 : i32
        %get3A_307 = arith.index_cast %add3A_306 : i32 to index
        %get3A_308 = arith.constant 16 : index
        %get3A_309 = tpu.vector_load %arg7[%get3A_307, %get3A_308] {strides = array<i32>} : memref<128x128xf32, #tpu.memory_space<vmem>>, vector<16xf32>,
        %add3A_310 = arith.constant 2 : i32
        %add3A_311 = arith.addi %add3A_90, %add3A_310 : i32
        %get3A_312 = arith.index_cast %add3A_311 : i32 to index
        %get3A_313 = arith.constant 32 : index
        %get3A_314 = tpu.vector_load %arg7[%get3A_312, %get3A_313] {strides = array<i32>} : memref<128x128xf32, #tpu.memory_space<vmem>>, vector<16xf32>,
        %add3A_315 = arith.constant 2 : i32
        %add3A_316 = arith.addi %add3A_90, %add3A_315 : i32
        %get3A_317 = arith.index_cast %add3A_316 : i32 to index
        %get3A_318 = arith.constant 48 : index
        %get3A_319 = tpu.vector_load %arg7[%get3A_317, %get3A_318] {strides = array<i32>} : memref<128x128xf32, #tpu.memory_space<vmem>>, vector<16xf32>,
        %add3A_320 = arith.constant 2 : i32
        %add3A_321 = arith.addi %add3A_90, %add3A_320 : i32
        %get3A_322 = arith.index_cast %add3A_321 : i32 to index
        %get3A_323 = arith.constant 64 : index
        %get3A_324 = tpu.vector_load %arg7[%get3A_322, %get3A_323] {strides = array<i32>} : memref<128x128xf32, #tpu.memory_space<vmem>>, vector<16xf32>,
        %add3A_325 = arith.constant 2 : i32
        %add3A_326 = arith.addi %add3A_90, %add3A_325 : i32
        %get3A_327 = arith.index_cast %add3A_326 : i32 to index
        %get3A_328 = arith.constant 80 : index
        %get3A_329 = tpu.vector_load %arg7[%get3A_327, %get3A_328] {strides = array<i32>} : memref<128x128xf32, #tpu.memory_space<vmem>>, vector<16xf32>,
        %add3A_330 = arith.constant 2 : i32
        %add3A_331 = arith.addi %add3A_90, %add3A_330 : i32
        %get3A_332 = arith.index_cast %add3A_331 : i32 to index
        %get3A_333 = arith.constant 96 : index
        %get3A_334 = tpu.vector_load %arg7[%get3A_332, %get3A_333] {strides = array<i32>} : memref<128x128xf32, #tpu.memory_space<vmem>>, vector<16xf32>,
        %add3A_335 = arith.constant 2 : i32
        %add3A_336 = arith.addi %add3A_90, %add3A_335 : i32
        %get3A_337 = arith.index_cast %add3A_336 : i32 to index
        %get3A_338 = arith.constant 112 : index
        %get3A_339 = tpu.vector_load %arg7[%get3A_337, %get3A_338] {strides = array<i32>} : memref<128x128xf32, #tpu.memory_space<vmem>>, vector<16xf32>,
        %add3A_340 = arith.constant 64 : i32
        %add3A_341 = arith.addi %add3A_340, %add3A_90 : i32
        %add3A_342 = arith.constant 2 : i32
        %add3A_343 = arith.addi %add3A_341, %add3A_342 : i32
        %get3A_344 = arith.index_cast %add3A_343 : i32 to index
        %get3A_345 = arith.constant 0 : index
        %get3A_346 = tpu.vector_load %arg7[%get3A_344, %get3A_345] {strides = array<i32>} : memref<128x128xf32, #tpu.memory_space<vmem>>, vector<16xf32>,
        %add3A_347 = arith.constant 64 : i32
        %add3A_348 = arith.addi %add3A_347, %add3A_90 : i32
        %add3A_349 = arith.constant 2 : i32
        %add3A_350 = arith.addi %add3A_348, %add3A_349 : i32
        %get3A_351 = arith.index_cast %add3A_350 : i32 to index
        %get3A_352 = arith.constant 16 : index
        %get3A_353 = tpu.vector_load %arg7[%get3A_351, %get3A_352] {strides = array<i32>} : memref<128x128xf32, #tpu.memory_space<vmem>>, vector<16xf32>,
        %add3A_354 = arith.constant 64 : i32
        %add3A_355 = arith.addi %add3A_354, %add3A_90 : i32
        %add3A_356 = arith.constant 2 : i32
        %add3A_357 = arith.addi %add3A_355, %add3A_356 : i32
        %get3A_358 = arith.index_cast %add3A_357 : i32 to index
        %get3A_359 = arith.constant 32 : index
        %get3A_360 = tpu.vector_load %arg7[%get3A_358, %get3A_359] {strides = array<i32>} : memref<128x128xf32, #tpu.memory_space<vmem>>, vector<16xf32>,
        %add3A_361 = arith.constant 64 : i32
        %add3A_362 = arith.addi %add3A_361, %add3A_90 : i32
        %add3A_363 = arith.constant 2 : i32
        %add3A_364 = arith.addi %add3A_362, %add3A_363 : i32
        %get3A_365 = arith.index_cast %add3A_364 : i32 to index
        %get3A_366 = arith.constant 48 : index
        %get3A_367 = tpu.vector_load %arg7[%get3A_365, %get3A_366] {strides = array<i32>} : memref<128x128xf32, #tpu.memory_space<vmem>>, vector<16xf32>,
        %add3A_368 = arith.constant 64 : i32
        %add3A_369 = arith.addi %add3A_368, %add3A_90 : i32
        %add3A_370 = arith.constant 2 : i32
        %add3A_371 = arith.addi %add3A_369, %add3A_370 : i32
        %get3A_372 = arith.index_cast %add3A_371 : i32 to index
        %get3A_373 = arith.constant 64 : index
        %get3A_374 = tpu.vector_load %arg7[%get3A_372, %get3A_373] {strides = array<i32>} : memref<128x128xf32, #tpu.memory_space<vmem>>, vector<16xf32>,
        %add3A_375 = arith.constant 64 : i32
        %add3A_376 = arith.addi %add3A_375, %add3A_90 : i32
        %add3A_377 = arith.constant 2 : i32
        %add3A_378 = arith.addi %add3A_376, %add3A_377 : i32
        %get3A_379 = arith.index_cast %add3A_378 : i32 to index
        %get3A_380 = arith.constant 80 : index
        %get3A_381 = tpu.vector_load %arg7[%get3A_379, %get3A_380] {strides = array<i32>} : memref<128x128xf32, #tpu.memory_space<vmem>>, vector<16xf32>,
        %add3A_382 = arith.constant 64 : i32
        %add3A_383 = arith.addi %add3A_382, %add3A_90 : i32
        %add3A_384 = arith.constant 2 : i32
        %add3A_385 = arith.addi %add3A_383, %add3A_384 : i32
        %get3A_386 = arith.index_cast %add3A_385 : i32 to index
        %get3A_387 = arith.constant 96 : index
        %get3A_388 = tpu.vector_load %arg7[%get3A_386, %get3A_387] {strides = array<i32>} : memref<128x128xf32, #tpu.memory_space<vmem>>, vector<16xf32>,
        %add3A_389 = arith.constant 64 : i32
        %add3A_390 = arith.addi %add3A_389, %add3A_90 : i32
        %add3A_391 = arith.constant 2 : i32
        %add3A_392 = arith.addi %add3A_390, %add3A_391 : i32
        %get3A_393 = arith.index_cast %add3A_392 : i32 to index
        %get3A_394 = arith.constant 112 : index
        %get3A_395 = tpu.vector_load %arg7[%get3A_393, %get3A_394] {strides = array<i32>} : memref<128x128xf32, #tpu.memory_space<vmem>>, vector<16xf32>,
        %mul3A_396 = arith.mulf %get3A_190, %get3A_232 : vector<16xf32>
        %mul3A_397 = arith.mulf %get3A_195, %get3A_239 : vector<16xf32>
        %mul3A_398 = arith.mulf %get3A_200, %get3A_246 : vector<16xf32>
        %add3A_399 = arith.addf %mul3A_396, %mul3A_398 : vector<16xf32>
        %mul3A_400 = arith.mulf %get3A_205, %get3A_253 : vector<16xf32>
        %add3A_401 = arith.addf %mul3A_397, %mul3A_400 : vector<16xf32>
        %mul3A_402 = arith.mulf %get3A_210, %get3A_260 : vector<16xf32>
        %add3A_403 = arith.addf %add3A_399, %mul3A_402 : vector<16xf32>
        %mul3A_404 = arith.mulf %get3A_215, %get3A_267 : vector<16xf32>
        %add3A_405 = arith.addf %add3A_401, %mul3A_404 : vector<16xf32>
        %mul3A_406 = arith.mulf %get3A_220, %get3A_274 : vector<16xf32>
        %add3A_407 = arith.addf %add3A_403, %mul3A_406 : vector<16xf32>
        %mul3A_408 = arith.mulf %get3A_225, %get3A_281 : vector<16xf32>
        %add3A_409 = arith.addf %add3A_405, %mul3A_408 : vector<16xf32>
        %add3A_410 = arith.addf %add3A_407, %add3A_409 : vector<16xf32>
        %swap3A_411 = arith.constant 1 : i32
        %swap3A_412 = arith.index_cast %swap3A_411 : i32 to index
        %swap3A_413 = arith.constant 0 : index
        %swap3A_414 = tpu.vector_load %arg10[%swap3A_412, %swap3A_413] {strides = array<i32>} : memref<16x16xf32, #tpu.memory_space<vmem>>, vector<16xf32>,
        tpu.vector_store %arg10[%swap3A_412, %swap3A_413], %add3A_410 {strides = array<i32>} : memref<16x16xf32, #tpu.memory_space<vmem>>, vector<16xf32>,
        %add3A_415 = arith.constant 3 : i32
        %add3A_416 = arith.addi %add3A_90, %add3A_415 : i32
        %get3A_417 = arith.index_cast %add3A_416 : i32 to index
        %get3A_418 = arith.constant 0 : index
        %get3A_419 = tpu.vector_load %arg7[%get3A_417, %get3A_418] {strides = array<i32>} : memref<128x128xf32, #tpu.memory_space<vmem>>, vector<16xf32>,
        %add3A_420 = arith.constant 3 : i32
        %add3A_421 = arith.addi %add3A_90, %add3A_420 : i32
        %get3A_422 = arith.index_cast %add3A_421 : i32 to index
        %get3A_423 = arith.constant 16 : index
        %get3A_424 = tpu.vector_load %arg7[%get3A_422, %get3A_423] {strides = array<i32>} : memref<128x128xf32, #tpu.memory_space<vmem>>, vector<16xf32>,
        %add3A_425 = arith.constant 3 : i32
        %add3A_426 = arith.addi %add3A_90, %add3A_425 : i32
        %get3A_427 = arith.index_cast %add3A_426 : i32 to index
        %get3A_428 = arith.constant 32 : index
        %get3A_429 = tpu.vector_load %arg7[%get3A_427, %get3A_428] {strides = array<i32>} : memref<128x128xf32, #tpu.memory_space<vmem>>, vector<16xf32>,
        %add3A_430 = arith.constant 3 : i32
        %add3A_431 = arith.addi %add3A_90, %add3A_430 : i32
        %get3A_432 = arith.index_cast %add3A_431 : i32 to index
        %get3A_433 = arith.constant 48 : index
        %get3A_434 = tpu.vector_load %arg7[%get3A_432, %get3A_433] {strides = array<i32>} : memref<128x128xf32, #tpu.memory_space<vmem>>, vector<16xf32>,
        %add3A_435 = arith.constant 3 : i32
        %add3A_436 = arith.addi %add3A_90, %add3A_435 : i32
        %get3A_437 = arith.index_cast %add3A_436 : i32 to index
        %get3A_438 = arith.constant 64 : index
        %get3A_439 = tpu.vector_load %arg7[%get3A_437, %get3A_438] {strides = array<i32>} : memref<128x128xf32, #tpu.memory_space<vmem>>, vector<16xf32>,
        %add3A_440 = arith.constant 3 : i32
        %add3A_441 = arith.addi %add3A_90, %add3A_440 : i32
        %get3A_442 = arith.index_cast %add3A_441 : i32 to index
        %get3A_443 = arith.constant 80 : index
        %get3A_444 = tpu.vector_load %arg7[%get3A_442, %get3A_443] {strides = array<i32>} : memref<128x128xf32, #tpu.memory_space<vmem>>, vector<16xf32>,
        %add3A_445 = arith.constant 3 : i32
        %add3A_446 = arith.addi %add3A_90, %add3A_445 : i32
        %get3A_447 = arith.index_cast %add3A_446 : i32 to index
        %get3A_448 = arith.constant 96 : index
        %get3A_449 = tpu.vector_load %arg7[%get3A_447, %get3A_448] {strides = array<i32>} : memref<128x128xf32, #tpu.memory_space<vmem>>, vector<16xf32>,
        %add3A_450 = arith.constant 3 : i32
        %add3A_451 = arith.addi %add3A_90, %add3A_450 : i32
        %get3A_452 = arith.index_cast %add3A_451 : i32 to index
        %get3A_453 = arith.constant 112 : index
        %get3A_454 = tpu.vector_load %arg7[%get3A_452, %get3A_453] {strides = array<i32>} : memref<128x128xf32, #tpu.memory_space<vmem>>, vector<16xf32>,
        %add3A_455 = arith.constant 64 : i32
        %add3A_456 = arith.addi %add3A_455, %add3A_90 : i32
        %add3A_457 = arith.constant 3 : i32
        %add3A_458 = arith.addi %add3A_456, %add3A_457 : i32
        %get3A_459 = arith.index_cast %add3A_458 : i32 to index
        %get3A_460 = arith.constant 0 : index
        %get3A_461 = tpu.vector_load %arg7[%get3A_459, %get3A_460] {strides = array<i32>} : memref<128x128xf32, #tpu.memory_space<vmem>>, vector<16xf32>,
        %add3A_462 = arith.constant 64 : i32
        %add3A_463 = arith.addi %add3A_462, %add3A_90 : i32
        %add3A_464 = arith.constant 3 : i32
        %add3A_465 = arith.addi %add3A_463, %add3A_464 : i32
        %get3A_466 = arith.index_cast %add3A_465 : i32 to index
        %get3A_467 = arith.constant 16 : index
        %get3A_468 = tpu.vector_load %arg7[%get3A_466, %get3A_467] {strides = array<i32>} : memref<128x128xf32, #tpu.memory_space<vmem>>, vector<16xf32>,
        %add3A_469 = arith.constant 64 : i32
        %add3A_470 = arith.addi %add3A_469, %add3A_90 : i32
        %add3A_471 = arith.constant 3 : i32
        %add3A_472 = arith.addi %add3A_470, %add3A_471 : i32
        %get3A_473 = arith.index_cast %add3A_472 : i32 to index
        %get3A_474 = arith.constant 32 : index
        %get3A_475 = tpu.vector_load %arg7[%get3A_473, %get3A_474] {strides = array<i32>} : memref<128x128xf32, #tpu.memory_space<vmem>>, vector<16xf32>,
        %add3A_476 = arith.constant 64 : i32
        %add3A_477 = arith.addi %add3A_476, %add3A_90 : i32
        %add3A_478 = arith.constant 3 : i32
        %add3A_479 = arith.addi %add3A_477, %add3A_478 : i32
        %get3A_480 = arith.index_cast %add3A_479 : i32 to index
        %get3A_481 = arith.constant 48 : index
        %get3A_482 = tpu.vector_load %arg7[%get3A_480, %get3A_481] {strides = array<i32>} : memref<128x128xf32, #tpu.memory_space<vmem>>, vector<16xf32>,
        %add3A_483 = arith.constant 64 : i32
        %add3A_484 = arith.addi %add3A_483, %add3A_90 : i32
        %add3A_485 = arith.constant 3 : i32
        %add3A_486 = arith.addi %add3A_484, %add3A_485 : i32
        %get3A_487 = arith.index_cast %add3A_486 : i32 to index
        %get3A_488 = arith.constant 64 : index
        %get3A_489 = tpu.vector_load %arg7[%get3A_487, %get3A_488] {strides = array<i32>} : memref<128x128xf32, #tpu.memory_space<vmem>>, vector<16xf32>,
        %add3A_490 = arith.constant 64 : i32
        %add3A_491 = arith.addi %add3A_490, %add3A_90 : i32
        %add3A_492 = arith.constant 3 : i32
        %add3A_493 = arith.addi %add3A_491, %add3A_492 : i32
        %get3A_494 = arith.index_cast %add3A_493 : i32 to index
        %get3A_495 = arith.constant 80 : index
        %get3A_496 = tpu.vector_load %arg7[%get3A_494, %get3A_495] {strides = array<i32>} : memref<128x128xf32, #tpu.memory_space<vmem>>, vector<16xf32>,
        %add3A_497 = arith.constant 64 : i32
        %add3A_498 = arith.addi %add3A_497, %add3A_90 : i32
        %add3A_499 = arith.constant 3 : i32
        %add3A_500 = arith.addi %add3A_498, %add3A_499 : i32
        %get3A_501 = arith.index_cast %add3A_500 : i32 to index
        %get3A_502 = arith.constant 96 : index
        %get3A_503 = tpu.vector_load %arg7[%get3A_501, %get3A_502] {strides = array<i32>} : memref<128x128xf32, #tpu.memory_space<vmem>>, vector<16xf32>,
        %add3A_504 = arith.constant 64 : i32
        %add3A_505 = arith.addi %add3A_504, %add3A_90 : i32
        %add3A_506 = arith.constant 3 : i32
        %add3A_507 = arith.addi %add3A_505, %add3A_506 : i32
        %get3A_508 = arith.index_cast %add3A_507 : i32 to index
        %get3A_509 = arith.constant 112 : index
        %get3A_510 = tpu.vector_load %arg7[%get3A_508, %get3A_509] {strides = array<i32>} : memref<128x128xf32, #tpu.memory_space<vmem>>, vector<16xf32>,
        %mul3A_511 = arith.mulf %get3A_304, %get3A_346 : vector<16xf32>
        %mul3A_512 = arith.mulf %get3A_309, %get3A_353 : vector<16xf32>
        %mul3A_513 = arith.mulf %get3A_314, %get3A_360 : vector<16xf32>
        %add3A_514 = arith.addf %mul3A_511, %mul3A_513 : vector<16xf32>
        %mul3A_515 = arith.mulf %get3A_319, %get3A_367 : vector<16xf32>
        %add3A_516 = arith.addf %mul3A_512, %mul3A_515 : vector<16xf32>
        %mul3A_517 = arith.mulf %get3A_324, %get3A_374 : vector<16xf32>
        %add3A_518 = arith.addf %add3A_514, %mul3A_517 : vector<16xf32>
        %mul3A_519 = arith.mulf %get3A_329, %get3A_381 : vector<16xf32>
        %add3A_520 = arith.addf %add3A_516, %mul3A_519 : vector<16xf32>
        %mul3A_521 = arith.mulf %get3A_334, %get3A_388 : vector<16xf32>
        %add3A_522 = arith.addf %add3A_518, %mul3A_521 : vector<16xf32>
        %mul3A_523 = arith.mulf %get3A_339, %get3A_395 : vector<16xf32>
        %add3A_524 = arith.addf %add3A_520, %mul3A_523 : vector<16xf32>
        %add3A_525 = arith.addf %add3A_522, %add3A_524 : vector<16xf32>
        %swap3A_526 = arith.constant 2 : i32
        %swap3A_527 = arith.index_cast %swap3A_526 : i32 to index
        %swap3A_528 = arith.constant 0 : index
        %swap3A_529 = tpu.vector_load %arg10[%swap3A_527, %swap3A_528] {strides = array<i32>} : memref<16x16xf32, #tpu.memory_space<vmem>>, vector<16xf32>,
        tpu.vector_store %arg10[%swap3A_527, %swap3A_528], %add3A_525 {strides = array<i32>} : memref<16x16xf32, #tpu.memory_space<vmem>>, vector<16xf32>,
        %add3A_530 = arith.constant 4 : i32
        %add3A_531 = arith.addi %add3A_90, %add3A_530 : i32
        %get3A_532 = arith.index_cast %add3A_531 : i32 to index
        %get3A_533 = arith.constant 0 : index
        %get3A_534 = tpu.vector_load %arg7[%get3A_532, %get3A_533] {strides = array<i32>} : memref<128x128xf32, #tpu.memory_space<vmem>>, vector<16xf32>,
        %add3A_535 = arith.constant 4 : i32
        %add3A_536 = arith.addi %add3A_90, %add3A_535 : i32
        %get3A_537 = arith.index_cast %add3A_536 : i32 to index
        %get3A_538 = arith.constant 16 : index
        %get3A_539 = tpu.vector_load %arg7[%get3A_537, %get3A_538] {strides = array<i32>} : memref<128x128xf32, #tpu.memory_space<vmem>>, vector<16xf32>,
        %add3A_540 = arith.constant 4 : i32
        %add3A_541 = arith.addi %add3A_90, %add3A_540 : i32
        %get3A_542 = arith.index_cast %add3A_541 : i32 to index
        %get3A_543 = arith.constant 32 : index
        %get3A_544 = tpu.vector_load %arg7[%get3A_542, %get3A_543] {strides = array<i32>} : memref<128x128xf32, #tpu.memory_space<vmem>>, vector<16xf32>,
        %add3A_545 = arith.constant 4 : i32
        %add3A_546 = arith.addi %add3A_90, %add3A_545 : i32
        %get3A_547 = arith.index_cast %add3A_546 : i32 to index
        %get3A_548 = arith.constant 48 : index
        %get3A_549 = tpu.vector_load %arg7[%get3A_547, %get3A_548] {strides = array<i32>} : memref<128x128xf32, #tpu.memory_space<vmem>>, vector<16xf32>,
        %add3A_550 = arith.constant 4 : i32
        %add3A_551 = arith.addi %add3A_90, %add3A_550 : i32
        %get3A_552 = arith.index_cast %add3A_551 : i32 to index
        %get3A_553 = arith.constant 64 : index
        %get3A_554 = tpu.vector_load %arg7[%get3A_552, %get3A_553] {strides = array<i32>} : memref<128x128xf32, #tpu.memory_space<vmem>>, vector<16xf32>,
        %add3A_555 = arith.constant 4 : i32
        %add3A_556 = arith.addi %add3A_90, %add3A_555 : i32
        %get3A_557 = arith.index_cast %add3A_556 : i32 to index
        %get3A_558 = arith.constant 80 : index
        %get3A_559 = tpu.vector_load %arg7[%get3A_557, %get3A_558] {strides = array<i32>} : memref<128x128xf32, #tpu.memory_space<vmem>>, vector<16xf32>,
        %add3A_560 = arith.constant 4 : i32
        %add3A_561 = arith.addi %add3A_90, %add3A_560 : i32
        %get3A_562 = arith.index_cast %add3A_561 : i32 to index
        %get3A_563 = arith.constant 96 : index
        %get3A_564 = tpu.vector_load %arg7[%get3A_562, %get3A_563] {strides = array<i32>} : memref<128x128xf32, #tpu.memory_space<vmem>>, vector<16xf32>,
        %add3A_565 = arith.constant 4 : i32
        %add3A_566 = arith.addi %add3A_90, %add3A_565 : i32
        %get3A_567 = arith.index_cast %add3A_566 : i32 to index
        %get3A_568 = arith.constant 112 : index
        %get3A_569 = tpu.vector_load %arg7[%get3A_567, %get3A_568] {strides = array<i32>} : memref<128x128xf32, #tpu.memory_space<vmem>>, vector<16xf32>,
        %add3A_570 = arith.constant 64 : i32
        %add3A_571 = arith.addi %add3A_570, %add3A_90 : i32
        %add3A_572 = arith.constant 4 : i32
        %add3A_573 = arith.addi %add3A_571, %add3A_572 : i32
        %get3A_574 = arith.index_cast %add3A_573 : i32 to index
        %get3A_575 = arith.constant 0 : index
        %get3A_576 = tpu.vector_load %arg7[%get3A_574, %get3A_575] {strides = array<i32>} : memref<128x128xf32, #tpu.memory_space<vmem>>, vector<16xf32>,
        %add3A_577 = arith.constant 64 : i32
        %add3A_578 = arith.addi %add3A_577, %add3A_90 : i32
        %add3A_579 = arith.constant 4 : i32
        %add3A_580 = arith.addi %add3A_578, %add3A_579 : i32
        %get3A_581 = arith.index_cast %add3A_580 : i32 to index
        %get3A_582 = arith.constant 16 : index
        %get3A_583 = tpu.vector_load %arg7[%get3A_581, %get3A_582] {strides = array<i32>} : memref<128x128xf32, #tpu.memory_space<vmem>>, vector<16xf32>,
        %add3A_584 = arith.constant 64 : i32
        %add3A_585 = arith.addi %add3A_584, %add3A_90 : i32
        %add3A_586 = arith.constant 4 : i32
        %add3A_587 = arith.addi %add3A_585, %add3A_586 : i32
        %get3A_588 = arith.index_cast %add3A_587 : i32 to index
        %get3A_589 = arith.constant 32 : index
        %get3A_590 = tpu.vector_load %arg7[%get3A_588, %get3A_589] {strides = array<i32>} : memref<128x128xf32, #tpu.memory_space<vmem>>, vector<16xf32>,
        %add3A_591 = arith.constant 64 : i32
        %add3A_592 = arith.addi %add3A_591, %add3A_90 : i32
        %add3A_593 = arith.constant 4 : i32
        %add3A_594 = arith.addi %add3A_592, %add3A_593 : i32
        %get3A_595 = arith.index_cast %add3A_594 : i32 to index
        %get3A_596 = arith.constant 48 : index
        %get3A_597 = tpu.vector_load %arg7[%get3A_595, %get3A_596] {strides = array<i32>} : memref<128x128xf32, #tpu.memory_space<vmem>>, vector<16xf32>,
        %add3A_598 = arith.constant 64 : i32
        %add3A_599 = arith.addi %add3A_598, %add3A_90 : i32
        %add3A_600 = arith.constant 4 : i32
        %add3A_601 = arith.addi %add3A_599, %add3A_600 : i32
        %get3A_602 = arith.index_cast %add3A_601 : i32 to index
        %get3A_603 = arith.constant 64 : index
        %get3A_604 = tpu.vector_load %arg7[%get3A_602, %get3A_603] {strides = array<i32>} : memref<128x128xf32, #tpu.memory_space<vmem>>, vector<16xf32>,
        %add3A_605 = arith.constant 64 : i32
        %add3A_606 = arith.addi %add3A_605, %add3A_90 : i32
        %add3A_607 = arith.constant 4 : i32
        %add3A_608 = arith.addi %add3A_606, %add3A_607 : i32
        %get3A_609 = arith.index_cast %add3A_608 : i32 to index
        %get3A_610 = arith.constant 80 : index
        %get3A_611 = tpu.vector_load %arg7[%get3A_609, %get3A_610] {strides = array<i32>} : memref<128x128xf32, #tpu.memory_space<vmem>>, vector<16xf32>,
        %add3A_612 = arith.constant 64 : i32
        %add3A_613 = arith.addi %add3A_612, %add3A_90 : i32
        %add3A_614 = arith.constant 4 : i32
        %add3A_615 = arith.addi %add3A_613, %add3A_614 : i32
        %get3A_616 = arith.index_cast %add3A_615 : i32 to index
        %get3A_617 = arith.constant 96 : index
        %get3A_618 = tpu.vector_load %arg7[%get3A_616, %get3A_617] {strides = array<i32>} : memref<128x128xf32, #tpu.memory_space<vmem>>, vector<16xf32>,
        %add3A_619 = arith.constant 64 : i32
        %add3A_620 = arith.addi %add3A_619, %add3A_90 : i32
        %add3A_621 = arith.constant 4 : i32
        %add3A_622 = arith.addi %add3A_620, %add3A_621 : i32
        %get3A_623 = arith.index_cast %add3A_622 : i32 to index
        %get3A_624 = arith.constant 112 : index
        %get3A_625 = tpu.vector_load %arg7[%get3A_623, %get3A_624] {strides = array<i32>} : memref<128x128xf32, #tpu.memory_space<vmem>>, vector<16xf32>,
        %mul3A_626 = arith.mulf %get3A_419, %get3A_461 : vector<16xf32>
        %mul3A_627 = arith.mulf %get3A_424, %get3A_468 : vector<16xf32>
        %mul3A_628 = arith.mulf %get3A_429, %get3A_475 : vector<16xf32>
        %add3A_629 = arith.addf %mul3A_626, %mul3A_628 : vector<16xf32>
        %mul3A_630 = arith.mulf %get3A_434, %get3A_482 : vector<16xf32>
        %add3A_631 = arith.addf %mul3A_627, %mul3A_630 : vector<16xf32>
        %mul3A_632 = arith.mulf %get3A_439, %get3A_489 : vector<16xf32>
        %add3A_633 = arith.addf %add3A_629, %mul3A_632 : vector<16xf32>
        %mul3A_634 = arith.mulf %get3A_444, %get3A_496 : vector<16xf32>
        %add3A_635 = arith.addf %add3A_631, %mul3A_634 : vector<16xf32>
        %mul3A_636 = arith.mulf %get3A_449, %get3A_503 : vector<16xf32>
        %add3A_637 = arith.addf %add3A_633, %mul3A_636 : vector<16xf32>
        %mul3A_638 = arith.mulf %get3A_454, %get3A_510 : vector<16xf32>
        %add3A_639 = arith.addf %add3A_635, %mul3A_638 : vector<16xf32>
        %add3A_640 = arith.addf %add3A_637, %add3A_639 : vector<16xf32>
        %swap3A_641 = arith.constant 3 : i32
        %swap3A_642 = arith.index_cast %swap3A_641 : i32 to index
        %swap3A_643 = arith.constant 0 : index
        %swap3A_644 = tpu.vector_load %arg10[%swap3A_642, %swap3A_643] {strides = array<i32>} : memref<16x16xf32, #tpu.memory_space<vmem>>, vector<16xf32>,
        tpu.vector_store %arg10[%swap3A_642, %swap3A_643], %add3A_640 {strides = array<i32>} : memref<16x16xf32, #tpu.memory_space<vmem>>, vector<16xf32>,
        %add3A_645 = arith.constant 5 : i32
        %add3A_646 = arith.addi %add3A_90, %add3A_645 : i32
        %get3A_647 = arith.index_cast %add3A_646 : i32 to index
        %get3A_648 = arith.constant 0 : index
        %get3A_649 = tpu.vector_load %arg7[%get3A_647, %get3A_648] {strides = array<i32>} : memref<128x128xf32, #tpu.memory_space<vmem>>, vector<16xf32>,
        %add3A_650 = arith.constant 5 : i32
        %add3A_651 = arith.addi %add3A_90, %add3A_650 : i32
        %get3A_652 = arith.index_cast %add3A_651 : i32 to index
        %get3A_653 = arith.constant 16 : index
        %get3A_654 = tpu.vector_load %arg7[%get3A_652, %get3A_653] {strides = array<i32>} : memref<128x128xf32, #tpu.memory_space<vmem>>, vector<16xf32>,
        %add3A_655 = arith.constant 5 : i32
        %add3A_656 = arith.addi %add3A_90, %add3A_655 : i32
        %get3A_657 = arith.index_cast %add3A_656 : i32 to index
        %get3A_658 = arith.constant 32 : index
        %get3A_659 = tpu.vector_load %arg7[%get3A_657, %get3A_658] {strides = array<i32>} : memref<128x128xf32, #tpu.memory_space<vmem>>, vector<16xf32>,
        %add3A_660 = arith.constant 5 : i32
        %add3A_661 = arith.addi %add3A_90, %add3A_660 : i32
        %get3A_662 = arith.index_cast %add3A_661 : i32 to index
        %get3A_663 = arith.constant 48 : index
        %get3A_664 = tpu.vector_load %arg7[%get3A_662, %get3A_663] {strides = array<i32>} : memref<128x128xf32, #tpu.memory_space<vmem>>, vector<16xf32>,
        %add3A_665 = arith.constant 5 : i32
        %add3A_666 = arith.addi %add3A_90, %add3A_665 : i32
        %get3A_667 = arith.index_cast %add3A_666 : i32 to index
        %get3A_668 = arith.constant 64 : index
        %get3A_669 = tpu.vector_load %arg7[%get3A_667, %get3A_668] {strides = array<i32>} : memref<128x128xf32, #tpu.memory_space<vmem>>, vector<16xf32>,
        %add3A_670 = arith.constant 5 : i32
        %add3A_671 = arith.addi %add3A_90, %add3A_670 : i32
        %get3A_672 = arith.index_cast %add3A_671 : i32 to index
        %get3A_673 = arith.constant 80 : index
        %get3A_674 = tpu.vector_load %arg7[%get3A_672, %get3A_673] {strides = array<i32>} : memref<128x128xf32, #tpu.memory_space<vmem>>, vector<16xf32>,
        %add3A_675 = arith.constant 5 : i32
        %add3A_676 = arith.addi %add3A_90, %add3A_675 : i32
        %get3A_677 = arith.index_cast %add3A_676 : i32 to index
        %get3A_678 = arith.constant 96 : index
        %get3A_679 = tpu.vector_load %arg7[%get3A_677, %get3A_678] {strides = array<i32>} : memref<128x128xf32, #tpu.memory_space<vmem>>, vector<16xf32>,
        %add3A_680 = arith.constant 5 : i32
        %add3A_681 = arith.addi %add3A_90, %add3A_680 : i32
        %get3A_682 = arith.index_cast %add3A_681 : i32 to index
        %get3A_683 = arith.constant 112 : index
        %get3A_684 = tpu.vector_load %arg7[%get3A_682, %get3A_683] {strides = array<i32>} : memref<128x128xf32, #tpu.memory_space<vmem>>, vector<16xf32>,
        %add3A_685 = arith.constant 64 : i32
        %add3A_686 = arith.addi %add3A_685, %add3A_90 : i32
        %add3A_687 = arith.constant 5 : i32
        %add3A_688 = arith.addi %add3A_686, %add3A_687 : i32
        %get3A_689 = arith.index_cast %add3A_688 : i32 to index
        %get3A_690 = arith.constant 0 : index
        %get3A_691 = tpu.vector_load %arg7[%get3A_689, %get3A_690] {strides = array<i32>} : memref<128x128xf32, #tpu.memory_space<vmem>>, vector<16xf32>,
        %add3A_692 = arith.constant 64 : i32
        %add3A_693 = arith.addi %add3A_692, %add3A_90 : i32
        %add3A_694 = arith.constant 5 : i32
        %add3A_695 = arith.addi %add3A_693, %add3A_694 : i32
        %get3A_696 = arith.index_cast %add3A_695 : i32 to index
        %get3A_697 = arith.constant 16 : index
        %get3A_698 = tpu.vector_load %arg7[%get3A_696, %get3A_697] {strides = array<i32>} : memref<128x128xf32, #tpu.memory_space<vmem>>, vector<16xf32>,
        %add3A_699 = arith.constant 64 : i32
        %add3A_700 = arith.addi %add3A_699, %add3A_90 : i32
        %add3A_701 = arith.constant 5 : i32
        %add3A_702 = arith.addi %add3A_700, %add3A_701 : i32
        %get3A_703 = arith.index_cast %add3A_702 : i32 to index
        %get3A_704 = arith.constant 32 : index
        %get3A_705 = tpu.vector_load %arg7[%get3A_703, %get3A_704] {strides = array<i32>} : memref<128x128xf32, #tpu.memory_space<vmem>>, vector<16xf32>,
        %add3A_706 = arith.constant 64 : i32
        %add3A_707 = arith.addi %add3A_706, %add3A_90 : i32
        %add3A_708 = arith.constant 5 : i32
        %add3A_709 = arith.addi %add3A_707, %add3A_708 : i32
        %get3A_710 = arith.index_cast %add3A_709 : i32 to index
        %get3A_711 = arith.constant 48 : index
        %get3A_712 = tpu.vector_load %arg7[%get3A_710, %get3A_711] {strides = array<i32>} : memref<128x128xf32, #tpu.memory_space<vmem>>, vector<16xf32>,
        %add3A_713 = arith.constant 64 : i32
        %add3A_714 = arith.addi %add3A_713, %add3A_90 : i32
        %add3A_715 = arith.constant 5 : i32
        %add3A_716 = arith.addi %add3A_714, %add3A_715 : i32
        %get3A_717 = arith.index_cast %add3A_716 : i32 to index
        %get3A_718 = arith.constant 64 : index
        %get3A_719 = tpu.vector_load %arg7[%get3A_717, %get3A_718] {strides = array<i32>} : memref<128x128xf32, #tpu.memory_space<vmem>>, vector<16xf32>,
        %add3A_720 = arith.constant 64 : i32
        %add3A_721 = arith.addi %add3A_720, %add3A_90 : i32
        %add3A_722 = arith.constant 5 : i32
        %add3A_723 = arith.addi %add3A_721, %add3A_722 : i32
        %get3A_724 = arith.index_cast %add3A_723 : i32 to index
        %get3A_725 = arith.constant 80 : index
        %get3A_726 = tpu.vector_load %arg7[%get3A_724, %get3A_725] {strides = array<i32>} : memref<128x128xf32, #tpu.memory_space<vmem>>, vector<16xf32>,
        %add3A_727 = arith.constant 64 : i32
        %add3A_728 = arith.addi %add3A_727, %add3A_90 : i32
        %add3A_729 = arith.constant 5 : i32
        %add3A_730 = arith.addi %add3A_728, %add3A_729 : i32
        %get3A_731 = arith.index_cast %add3A_730 : i32 to index
        %get3A_732 = arith.constant 96 : index
        %get3A_733 = tpu.vector_load %arg7[%get3A_731, %get3A_732] {strides = array<i32>} : memref<128x128xf32, #tpu.memory_space<vmem>>, vector<16xf32>,
        %add3A_734 = arith.constant 64 : i32
        %add3A_735 = arith.addi %add3A_734, %add3A_90 : i32
        %add3A_736 = arith.constant 5 : i32
        %add3A_737 = arith.addi %add3A_735, %add3A_736 : i32
        %get3A_738 = arith.index_cast %add3A_737 : i32 to index
        %get3A_739 = arith.constant 112 : index
        %get3A_740 = tpu.vector_load %arg7[%get3A_738, %get3A_739] {strides = array<i32>} : memref<128x128xf32, #tpu.memory_space<vmem>>, vector<16xf32>,
        %mul3A_741 = arith.mulf %get3A_534, %get3A_576 : vector<16xf32>
        %mul3A_742 = arith.mulf %get3A_539, %get3A_583 : vector<16xf32>
        %mul3A_743 = arith.mulf %get3A_544, %get3A_590 : vector<16xf32>
        %add3A_744 = arith.addf %mul3A_741, %mul3A_743 : vector<16xf32>
        %mul3A_745 = arith.mulf %get3A_549, %get3A_597 : vector<16xf32>
        %add3A_746 = arith.addf %mul3A_742, %mul3A_745 : vector<16xf32>
        %mul3A_747 = arith.mulf %get3A_554, %get3A_604 : vector<16xf32>
        %add3A_748 = arith.addf %add3A_744, %mul3A_747 : vector<16xf32>
        %mul3A_749 = arith.mulf %get3A_559, %get3A_611 : vector<16xf32>
        %add3A_750 = arith.addf %add3A_746, %mul3A_749 : vector<16xf32>
        %mul3A_751 = arith.mulf %get3A_564, %get3A_618 : vector<16xf32>
        %add3A_752 = arith.addf %add3A_748, %mul3A_751 : vector<16xf32>
        %mul3A_753 = arith.mulf %get3A_569, %get3A_625 : vector<16xf32>
        %add3A_754 = arith.addf %add3A_750, %mul3A_753 : vector<16xf32>
        %add3A_755 = arith.addf %add3A_752, %add3A_754 : vector<16xf32>
        %swap3A_756 = arith.constant 4 : i32
        %swap3A_757 = arith.index_cast %swap3A_756 : i32 to index
        %swap3A_758 = arith.constant 0 : index
        %swap3A_759 = tpu.vector_load %arg10[%swap3A_757, %swap3A_758] {strides = array<i32>} : memref<16x16xf32, #tpu.memory_space<vmem>>, vector<16xf32>,
        tpu.vector_store %arg10[%swap3A_757, %swap3A_758], %add3A_755 {strides = array<i32>} : memref<16x16xf32, #tpu.memory_space<vmem>>, vector<16xf32>,
        %add3A_760 = arith.constant 6 : i32
        %add3A_761 = arith.addi %add3A_90, %add3A_760 : i32
        %get3A_762 = arith.index_cast %add3A_761 : i32 to index
        %get3A_763 = arith.constant 0 : index
        %get3A_764 = tpu.vector_load %arg7[%get3A_762, %get3A_763] {strides = array<i32>} : memref<128x128xf32, #tpu.memory_space<vmem>>, vector<16xf32>,
        %add3A_765 = arith.constant 6 : i32
        %add3A_766 = arith.addi %add3A_90, %add3A_765 : i32
        %get3A_767 = arith.index_cast %add3A_766 : i32 to index
        %get3A_768 = arith.constant 16 : index
        %get3A_769 = tpu.vector_load %arg7[%get3A_767, %get3A_768] {strides = array<i32>} : memref<128x128xf32, #tpu.memory_space<vmem>>, vector<16xf32>,
        %add3A_770 = arith.constant 6 : i32
        %add3A_771 = arith.addi %add3A_90, %add3A_770 : i32
        %get3A_772 = arith.index_cast %add3A_771 : i32 to index
        %get3A_773 = arith.constant 32 : index
        %get3A_774 = tpu.vector_load %arg7[%get3A_772, %get3A_773] {strides = array<i32>} : memref<128x128xf32, #tpu.memory_space<vmem>>, vector<16xf32>,
        %add3A_775 = arith.constant 6 : i32
        %add3A_776 = arith.addi %add3A_90, %add3A_775 : i32
        %get3A_777 = arith.index_cast %add3A_776 : i32 to index
        %get3A_778 = arith.constant 48 : index
        %get3A_779 = tpu.vector_load %arg7[%get3A_777, %get3A_778] {strides = array<i32>} : memref<128x128xf32, #tpu.memory_space<vmem>>, vector<16xf32>,
        %add3A_780 = arith.constant 6 : i32
        %add3A_781 = arith.addi %add3A_90, %add3A_780 : i32
        %get3A_782 = arith.index_cast %add3A_781 : i32 to index
        %get3A_783 = arith.constant 64 : index
        %get3A_784 = tpu.vector_load %arg7[%get3A_782, %get3A_783] {strides = array<i32>} : memref<128x128xf32, #tpu.memory_space<vmem>>, vector<16xf32>,
        %add3A_785 = arith.constant 6 : i32
        %add3A_786 = arith.addi %add3A_90, %add3A_785 : i32
        %get3A_787 = arith.index_cast %add3A_786 : i32 to index
        %get3A_788 = arith.constant 80 : index
        %get3A_789 = tpu.vector_load %arg7[%get3A_787, %get3A_788] {strides = array<i32>} : memref<128x128xf32, #tpu.memory_space<vmem>>, vector<16xf32>,
        %add3A_790 = arith.constant 6 : i32
        %add3A_791 = arith.addi %add3A_90, %add3A_790 : i32
        %get3A_792 = arith.index_cast %add3A_791 : i32 to index
        %get3A_793 = arith.constant 96 : index
        %get3A_794 = tpu.vector_load %arg7[%get3A_792, %get3A_793] {strides = array<i32>} : memref<128x128xf32, #tpu.memory_space<vmem>>, vector<16xf32>,
        %add3A_795 = arith.constant 6 : i32
        %add3A_796 = arith.addi %add3A_90, %add3A_795 : i32
        %get3A_797 = arith.index_cast %add3A_796 : i32 to index
        %get3A_798 = arith.constant 112 : index
        %get3A_799 = tpu.vector_load %arg7[%get3A_797, %get3A_798] {strides = array<i32>} : memref<128x128xf32, #tpu.memory_space<vmem>>, vector<16xf32>,
        %add3A_800 = arith.constant 64 : i32
        %add3A_801 = arith.addi %add3A_800, %add3A_90 : i32
        %add3A_802 = arith.constant 6 : i32
        %add3A_803 = arith.addi %add3A_801, %add3A_802 : i32
        %get3A_804 = arith.index_cast %add3A_803 : i32 to index
        %get3A_805 = arith.constant 0 : index
        %get3A_806 = tpu.vector_load %arg7[%get3A_804, %get3A_805] {strides = array<i32>} : memref<128x128xf32, #tpu.memory_space<vmem>>, vector<16xf32>,
        %add3A_807 = arith.constant 64 : i32
        %add3A_808 = arith.addi %add3A_807, %add3A_90 : i32
        %add3A_809 = arith.constant 6 : i32
        %add3A_810 = arith.addi %add3A_808, %add3A_809 : i32
        %get3A_811 = arith.index_cast %add3A_810 : i32 to index
        %get3A_812 = arith.constant 16 : index
        %get3A_813 = tpu.vector_load %arg7[%get3A_811, %get3A_812] {strides = array<i32>} : memref<128x128xf32, #tpu.memory_space<vmem>>, vector<16xf32>,
        %add3A_814 = arith.constant 64 : i32
        %add3A_815 = arith.addi %add3A_814, %add3A_90 : i32
        %add3A_816 = arith.constant 6 : i32
        %add3A_817 = arith.addi %add3A_815, %add3A_816 : i32
        %get3A_818 = arith.index_cast %add3A_817 : i32 to index
        %get3A_819 = arith.constant 32 : index
        %get3A_820 = tpu.vector_load %arg7[%get3A_818, %get3A_819] {strides = array<i32>} : memref<128x128xf32, #tpu.memory_space<vmem>>, vector<16xf32>,
        %add3A_821 = arith.constant 64 : i32
        %add3A_822 = arith.addi %add3A_821, %add3A_90 : i32
        %add3A_823 = arith.constant 6 : i32
        %add3A_824 = arith.addi %add3A_822, %add3A_823 : i32
        %get3A_825 = arith.index_cast %add3A_824 : i32 to index
        %get3A_826 = arith.constant 48 : index
        %get3A_827 = tpu.vector_load %arg7[%get3A_825, %get3A_826] {strides = array<i32>} : memref<128x128xf32, #tpu.memory_space<vmem>>, vector<16xf32>,
        %add3A_828 = arith.constant 64 : i32
        %add3A_829 = arith.addi %add3A_828, %add3A_90 : i32
        %add3A_830 = arith.constant 6 : i32
        %add3A_831 = arith.addi %add3A_829, %add3A_830 : i32
        %get3A_832 = arith.index_cast %add3A_831 : i32 to index
        %get3A_833 = arith.constant 64 : index
        %get3A_834 = tpu.vector_load %arg7[%get3A_832, %get3A_833] {strides = array<i32>} : memref<128x128xf32, #tpu.memory_space<vmem>>, vector<16xf32>,
        %add3A_835 = arith.constant 64 : i32
        %add3A_836 = arith.addi %add3A_835, %add3A_90 : i32
        %add3A_837 = arith.constant 6 : i32
        %add3A_838 = arith.addi %add3A_836, %add3A_837 : i32
        %get3A_839 = arith.index_cast %add3A_838 : i32 to index
        %get3A_840 = arith.constant 80 : index
        %get3A_841 = tpu.vector_load %arg7[%get3A_839, %get3A_840] {strides = array<i32>} : memref<128x128xf32, #tpu.memory_space<vmem>>, vector<16xf32>,
        %add3A_842 = arith.constant 64 : i32
        %add3A_843 = arith.addi %add3A_842, %add3A_90 : i32
        %add3A_844 = arith.constant 6 : i32
        %add3A_845 = arith.addi %add3A_843, %add3A_844 : i32
        %get3A_846 = arith.index_cast %add3A_845 : i32 to index
        %get3A_847 = arith.constant 96 : index
        %get3A_848 = tpu.vector_load %arg7[%get3A_846, %get3A_847] {strides = array<i32>} : memref<128x128xf32, #tpu.memory_space<vmem>>, vector<16xf32>,
        %add3A_849 = arith.constant 64 : i32
        %add3A_850 = arith.addi %add3A_849, %add3A_90 : i32
        %add3A_851 = arith.constant 6 : i32
        %add3A_852 = arith.addi %add3A_850, %add3A_851 : i32
        %get3A_853 = arith.index_cast %add3A_852 : i32 to index
        %get3A_854 = arith.constant 112 : index
        %get3A_855 = tpu.vector_load %arg7[%get3A_853, %get3A_854] {strides = array<i32>} : memref<128x128xf32, #tpu.memory_space<vmem>>, vector<16xf32>,
        %mul3A_856 = arith.mulf %get3A_649, %get3A_691 : vector<16xf32>
        %mul3A_857 = arith.mulf %get3A_654, %get3A_698 : vector<16xf32>
        %mul3A_858 = arith.mulf %get3A_659, %get3A_705 : vector<16xf32>
        %add3A_859 = arith.addf %mul3A_856, %mul3A_858 : vector<16xf32>
        %mul3A_860 = arith.mulf %get3A_664, %get3A_712 : vector<16xf32>
        %add3A_861 = arith.addf %mul3A_857, %mul3A_860 : vector<16xf32>
        %mul3A_862 = arith.mulf %get3A_669, %get3A_719 : vector<16xf32>
        %add3A_863 = arith.addf %add3A_859, %mul3A_862 : vector<16xf32>
        %mul3A_864 = arith.mulf %get3A_674, %get3A_726 : vector<16xf32>
        %add3A_865 = arith.addf %add3A_861, %mul3A_864 : vector<16xf32>
        %mul3A_866 = arith.mulf %get3A_679, %get3A_733 : vector<16xf32>
        %add3A_867 = arith.addf %add3A_863, %mul3A_866 : vector<16xf32>
        %mul3A_868 = arith.mulf %get3A_684, %get3A_740 : vector<16xf32>
        %add3A_869 = arith.addf %add3A_865, %mul3A_868 : vector<16xf32>
        %add3A_870 = arith.addf %add3A_867, %add3A_869 : vector<16xf32>
        %swap3A_871 = arith.constant 5 : i32
        %swap3A_872 = arith.index_cast %swap3A_871 : i32 to index
        %swap3A_873 = arith.constant 0 : index
        %swap3A_874 = tpu.vector_load %arg10[%swap3A_872, %swap3A_873] {strides = array<i32>} : memref<16x16xf32, #tpu.memory_space<vmem>>, vector<16xf32>,
        tpu.vector_store %arg10[%swap3A_872, %swap3A_873], %add3A_870 {strides = array<i32>} : memref<16x16xf32, #tpu.memory_space<vmem>>, vector<16xf32>,
        %add3A_875 = arith.constant 7 : i32
        %add3A_876 = arith.addi %add3A_90, %add3A_875 : i32
        %get3A_877 = arith.index_cast %add3A_876 : i32 to index
        %get3A_878 = arith.constant 0 : index
        %get3A_879 = tpu.vector_load %arg7[%get3A_877, %get3A_878] {strides = array<i32>} : memref<128x128xf32, #tpu.memory_space<vmem>>, vector<16xf32>,
        %add3A_880 = arith.constant 7 : i32
        %add3A_881 = arith.addi %add3A_90, %add3A_880 : i32
        %get3A_882 = arith.index_cast %add3A_881 : i32 to index
        %get3A_883 = arith.constant 16 : index
        %get3A_884 = tpu.vector_load %arg7[%get3A_882, %get3A_883] {strides = array<i32>} : memref<128x128xf32, #tpu.memory_space<vmem>>, vector<16xf32>,
        %add3A_885 = arith.constant 7 : i32
        %add3A_886 = arith.addi %add3A_90, %add3A_885 : i32
        %get3A_887 = arith.index_cast %add3A_886 : i32 to index
        %get3A_888 = arith.constant 32 : index
        %get3A_889 = tpu.vector_load %arg7[%get3A_887, %get3A_888] {strides = array<i32>} : memref<128x128xf32, #tpu.memory_space<vmem>>, vector<16xf32>,
        %add3A_890 = arith.constant 7 : i32
        %add3A_891 = arith.addi %add3A_90, %add3A_890 : i32
        %get3A_892 = arith.index_cast %add3A_891 : i32 to index
        %get3A_893 = arith.constant 48 : index
        %get3A_894 = tpu.vector_load %arg7[%get3A_892, %get3A_893] {strides = array<i32>} : memref<128x128xf32, #tpu.memory_space<vmem>>, vector<16xf32>,
        %add3A_895 = arith.constant 7 : i32
        %add3A_896 = arith.addi %add3A_90, %add3A_895 : i32
        %get3A_897 = arith.index_cast %add3A_896 : i32 to index
        %get3A_898 = arith.constant 64 : index
        %get3A_899 = tpu.vector_load %arg7[%get3A_897, %get3A_898] {strides = array<i32>} : memref<128x128xf32, #tpu.memory_space<vmem>>, vector<16xf32>,
        %add3A_900 = arith.constant 7 : i32
        %add3A_901 = arith.addi %add3A_90, %add3A_900 : i32
        %get3A_902 = arith.index_cast %add3A_901 : i32 to index
        %get3A_903 = arith.constant 80 : index
        %get3A_904 = tpu.vector_load %arg7[%get3A_902, %get3A_903] {strides = array<i32>} : memref<128x128xf32, #tpu.memory_space<vmem>>, vector<16xf32>,
        %add3A_905 = arith.constant 7 : i32
        %add3A_906 = arith.addi %add3A_90, %add3A_905 : i32
        %get3A_907 = arith.index_cast %add3A_906 : i32 to index
        %get3A_908 = arith.constant 96 : index
        %get3A_909 = tpu.vector_load %arg7[%get3A_907, %get3A_908] {strides = array<i32>} : memref<128x128xf32, #tpu.memory_space<vmem>>, vector<16xf32>,
        %add3A_910 = arith.constant 7 : i32
        %add3A_911 = arith.addi %add3A_90, %add3A_910 : i32
        %get3A_912 = arith.index_cast %add3A_911 : i32 to index
        %get3A_913 = arith.constant 112 : index
        %get3A_914 = tpu.vector_load %arg7[%get3A_912, %get3A_913] {strides = array<i32>} : memref<128x128xf32, #tpu.memory_space<vmem>>, vector<16xf32>,
        %add3A_915 = arith.constant 64 : i32
        %add3A_916 = arith.addi %add3A_915, %add3A_90 : i32
        %add3A_917 = arith.constant 7 : i32
        %add3A_918 = arith.addi %add3A_916, %add3A_917 : i32
        %get3A_919 = arith.index_cast %add3A_918 : i32 to index
        %get3A_920 = arith.constant 0 : index
        %get3A_921 = tpu.vector_load %arg7[%get3A_919, %get3A_920] {strides = array<i32>} : memref<128x128xf32, #tpu.memory_space<vmem>>, vector<16xf32>,
        %add3A_922 = arith.constant 64 : i32
        %add3A_923 = arith.addi %add3A_922, %add3A_90 : i32
        %add3A_924 = arith.constant 7 : i32
        %add3A_925 = arith.addi %add3A_923, %add3A_924 : i32
        %get3A_926 = arith.index_cast %add3A_925 : i32 to index
        %get3A_927 = arith.constant 16 : index
        %get3A_928 = tpu.vector_load %arg7[%get3A_926, %get3A_927] {strides = array<i32>} : memref<128x128xf32, #tpu.memory_space<vmem>>, vector<16xf32>,
        %add3A_929 = arith.constant 64 : i32
        %add3A_930 = arith.addi %add3A_929, %add3A_90 : i32
        %add3A_931 = arith.constant 7 : i32
        %add3A_932 = arith.addi %add3A_930, %add3A_931 : i32
        %get3A_933 = arith.index_cast %add3A_932 : i32 to index
        %get3A_934 = arith.constant 32 : index
        %get3A_935 = tpu.vector_load %arg7[%get3A_933, %get3A_934] {strides = array<i32>} : memref<128x128xf32, #tpu.memory_space<vmem>>, vector<16xf32>,
        %add3A_936 = arith.constant 64 : i32
        %add3A_937 = arith.addi %add3A_936, %add3A_90 : i32
        %add3A_938 = arith.constant 7 : i32
        %add3A_939 = arith.addi %add3A_937, %add3A_938 : i32
        %get3A_940 = arith.index_cast %add3A_939 : i32 to index
        %get3A_941 = arith.constant 48 : index
        %get3A_942 = tpu.vector_load %arg7[%get3A_940, %get3A_941] {strides = array<i32>} : memref<128x128xf32, #tpu.memory_space<vmem>>, vector<16xf32>,
        %add3A_943 = arith.constant 64 : i32
        %add3A_944 = arith.addi %add3A_943, %add3A_90 : i32
        %add3A_945 = arith.constant 7 : i32
        %add3A_946 = arith.addi %add3A_944, %add3A_945 : i32
        %get3A_947 = arith.index_cast %add3A_946 : i32 to index
        %get3A_948 = arith.constant 64 : index
        %get3A_949 = tpu.vector_load %arg7[%get3A_947, %get3A_948] {strides = array<i32>} : memref<128x128xf32, #tpu.memory_space<vmem>>, vector<16xf32>,
        %add3A_950 = arith.constant 64 : i32
        %add3A_951 = arith.addi %add3A_950, %add3A_90 : i32
        %add3A_952 = arith.constant 7 : i32
        %add3A_953 = arith.addi %add3A_951, %add3A_952 : i32
        %get3A_954 = arith.index_cast %add3A_953 : i32 to index
        %get3A_955 = arith.constant 80 : index
        %get3A_956 = tpu.vector_load %arg7[%get3A_954, %get3A_955] {strides = array<i32>} : memref<128x128xf32, #tpu.memory_space<vmem>>, vector<16xf32>,
        %add3A_957 = arith.constant 64 : i32
        %add3A_958 = arith.addi %add3A_957, %add3A_90 : i32
        %add3A_959 = arith.constant 7 : i32
        %add3A_960 = arith.addi %add3A_958, %add3A_959 : i32
        %get3A_961 = arith.index_cast %add3A_960 : i32 to index
        %get3A_962 = arith.constant 96 : index
        %get3A_963 = tpu.vector_load %arg7[%get3A_961, %get3A_962] {strides = array<i32>} : memref<128x128xf32, #tpu.memory_space<vmem>>, vector<16xf32>,
        %add3A_964 = arith.constant 64 : i32
        %add3A_965 = arith.addi %add3A_964, %add3A_90 : i32
        %add3A_966 = arith.constant 7 : i32
        %add3A_967 = arith.addi %add3A_965, %add3A_966 : i32
        %get3A_968 = arith.index_cast %add3A_967 : i32 to index
        %get3A_969 = arith.constant 112 : index
        %get3A_970 = tpu.vector_load %arg7[%get3A_968, %get3A_969] {strides = array<i32>} : memref<128x128xf32, #tpu.memory_space<vmem>>, vector<16xf32>,
        %mul3A_971 = arith.mulf %get3A_764, %get3A_806 : vector<16xf32>
        %mul3A_972 = arith.mulf %get3A_769, %get3A_813 : vector<16xf32>
        %mul3A_973 = arith.mulf %get3A_774, %get3A_820 : vector<16xf32>
        %add3A_974 = arith.addf %mul3A_971, %mul3A_973 : vector<16xf32>
        %mul3A_975 = arith.mulf %get3A_779, %get3A_827 : vector<16xf32>
        %add3A_976 = arith.addf %mul3A_972, %mul3A_975 : vector<16xf32>
        %mul3A_977 = arith.mulf %get3A_784, %get3A_834 : vector<16xf32>
        %add3A_978 = arith.addf %add3A_974, %mul3A_977 : vector<16xf32>
        %mul3A_979 = arith.mulf %get3A_789, %get3A_841 : vector<16xf32>
        %add3A_980 = arith.addf %add3A_976, %mul3A_979 : vector<16xf32>
        %mul3A_981 = arith.mulf %get3A_794, %get3A_848 : vector<16xf32>
        %add3A_982 = arith.addf %add3A_978, %mul3A_981 : vector<16xf32>
        %mul3A_983 = arith.mulf %get3A_799, %get3A_855 : vector<16xf32>
        %add3A_984 = arith.addf %add3A_980, %mul3A_983 : vector<16xf32>
        %add3A_985 = arith.addf %add3A_982, %add3A_984 : vector<16xf32>
        %swap3A_986 = arith.constant 6 : i32
        %swap3A_987 = arith.index_cast %swap3A_986 : i32 to index
        %swap3A_988 = arith.constant 0 : index
        %swap3A_989 = tpu.vector_load %arg10[%swap3A_987, %swap3A_988] {strides = array<i32>} : memref<16x16xf32, #tpu.memory_space<vmem>>, vector<16xf32>,
        tpu.vector_store %arg10[%swap3A_987, %swap3A_988], %add3A_985 {strides = array<i32>} : memref<16x16xf32, #tpu.memory_space<vmem>>, vector<16xf32>,
        %add3A_990 = arith.constant 8 : i32
        %add3A_991 = arith.addi %add3A_90, %add3A_990 : i32
        %get3A_992 = arith.index_cast %add3A_991 : i32 to index
        %get3A_993 = arith.constant 0 : index
        %get3A_994 = tpu.vector_load %arg7[%get3A_992, %get3A_993] {strides = array<i32>} : memref<128x128xf32, #tpu.memory_space<vmem>>, vector<16xf32>,
        %add3A_995 = arith.constant 8 : i32
        %add3A_996 = arith.addi %add3A_90, %add3A_995 : i32
        %get3A_997 = arith.index_cast %add3A_996 : i32 to index
        %get3A_998 = arith.constant 16 : index
        %get3A_999 = tpu.vector_load %arg7[%get3A_997, %get3A_998] {strides = array<i32>} : memref<128x128xf32, #tpu.memory_space<vmem>>, vector<16xf32>,
        %add3A_1000 = arith.constant 8 : i32
        %add3A_1001 = arith.addi %add3A_90, %add3A_1000 : i32
        %get3A_1002 = arith.index_cast %add3A_1001 : i32 to index
        %get3A_1003 = arith.constant 32 : index
        %get3A_1004 = tpu.vector_load %arg7[%get3A_1002, %get3A_1003] {strides = array<i32>} : memref<128x128xf32, #tpu.memory_space<vmem>>, vector<16xf32>,
        %add3A_1005 = arith.constant 8 : i32
        %add3A_1006 = arith.addi %add3A_90, %add3A_1005 : i32
        %get3A_1007 = arith.index_cast %add3A_1006 : i32 to index
        %get3A_1008 = arith.constant 48 : index
        %get3A_1009 = tpu.vector_load %arg7[%get3A_1007, %get3A_1008] {strides = array<i32>} : memref<128x128xf32, #tpu.memory_space<vmem>>, vector<16xf32>,
        %add3A_1010 = arith.constant 8 : i32
        %add3A_1011 = arith.addi %add3A_90, %add3A_1010 : i32
        %get3A_1012 = arith.index_cast %add3A_1011 : i32 to index
        %get3A_1013 = arith.constant 64 : index
        %get3A_1014 = tpu.vector_load %arg7[%get3A_1012, %get3A_1013] {strides = array<i32>} : memref<128x128xf32, #tpu.memory_space<vmem>>, vector<16xf32>,
        %add3A_1015 = arith.constant 8 : i32
        %add3A_1016 = arith.addi %add3A_90, %add3A_1015 : i32
        %get3A_1017 = arith.index_cast %add3A_1016 : i32 to index
        %get3A_1018 = arith.constant 80 : index
        %get3A_1019 = tpu.vector_load %arg7[%get3A_1017, %get3A_1018] {strides = array<i32>} : memref<128x128xf32, #tpu.memory_space<vmem>>, vector<16xf32>,
        %add3A_1020 = arith.constant 8 : i32
        %add3A_1021 = arith.addi %add3A_90, %add3A_1020 : i32
        %get3A_1022 = arith.index_cast %add3A_1021 : i32 to index
        %get3A_1023 = arith.constant 96 : index
        %get3A_1024 = tpu.vector_load %arg7[%get3A_1022, %get3A_1023] {strides = array<i32>} : memref<128x128xf32, #tpu.memory_space<vmem>>, vector<16xf32>,
        %add3A_1025 = arith.constant 8 : i32
        %add3A_1026 = arith.addi %add3A_90, %add3A_1025 : i32
        %get3A_1027 = arith.index_cast %add3A_1026 : i32 to index
        %get3A_1028 = arith.constant 112 : index
        %get3A_1029 = tpu.vector_load %arg7[%get3A_1027, %get3A_1028] {strides = array<i32>} : memref<128x128xf32, #tpu.memory_space<vmem>>, vector<16xf32>,
        %add3A_1030 = arith.constant 64 : i32
        %add3A_1031 = arith.addi %add3A_1030, %add3A_90 : i32
        %add3A_1032 = arith.constant 8 : i32
        %add3A_1033 = arith.addi %add3A_1031, %add3A_1032 : i32
        %get3A_1034 = arith.index_cast %add3A_1033 : i32 to index
        %get3A_1035 = arith.constant 0 : index
        %get3A_1036 = tpu.vector_load %arg7[%get3A_1034, %get3A_1035] {strides = array<i32>} : memref<128x128xf32, #tpu.memory_space<vmem>>, vector<16xf32>,
        %add3A_1037 = arith.constant 64 : i32
        %add3A_1038 = arith.addi %add3A_1037, %add3A_90 : i32
        %add3A_1039 = arith.constant 8 : i32
        %add3A_1040 = arith.addi %add3A_1038, %add3A_1039 : i32
        %get3A_1041 = arith.index_cast %add3A_1040 : i32 to index
        %get3A_1042 = arith.constant 16 : index
        %get3A_1043 = tpu.vector_load %arg7[%get3A_1041, %get3A_1042] {strides = array<i32>} : memref<128x128xf32, #tpu.memory_space<vmem>>, vector<16xf32>,
        %add3A_1044 = arith.constant 64 : i32
        %add3A_1045 = arith.addi %add3A_1044, %add3A_90 : i32
        %add3A_1046 = arith.constant 8 : i32
        %add3A_1047 = arith.addi %add3A_1045, %add3A_1046 : i32
        %get3A_1048 = arith.index_cast %add3A_1047 : i32 to index
        %get3A_1049 = arith.constant 32 : index
        %get3A_1050 = tpu.vector_load %arg7[%get3A_1048, %get3A_1049] {strides = array<i32>} : memref<128x128xf32, #tpu.memory_space<vmem>>, vector<16xf32>,
        %add3A_1051 = arith.constant 64 : i32
        %add3A_1052 = arith.addi %add3A_1051, %add3A_90 : i32
        %add3A_1053 = arith.constant 8 : i32
        %add3A_1054 = arith.addi %add3A_1052, %add3A_1053 : i32
        %get3A_1055 = arith.index_cast %add3A_1054 : i32 to index
        %get3A_1056 = arith.constant 48 : index
        %get3A_1057 = tpu.vector_load %arg7[%get3A_1055, %get3A_1056] {strides = array<i32>} : memref<128x128xf32, #tpu.memory_space<vmem>>, vector<16xf32>,
        %add3A_1058 = arith.constant 64 : i32
        %add3A_1059 = arith.addi %add3A_1058, %add3A_90 : i32
        %add3A_1060 = arith.constant 8 : i32
        %add3A_1061 = arith.addi %add3A_1059, %add3A_1060 : i32
        %get3A_1062 = arith.index_cast %add3A_1061 : i32 to index
        %get3A_1063 = arith.constant 64 : index
        %get3A_1064 = tpu.vector_load %arg7[%get3A_1062, %get3A_1063] {strides = array<i32>} : memref<128x128xf32, #tpu.memory_space<vmem>>, vector<16xf32>,
        %add3A_1065 = arith.constant 64 : i32
        %add3A_1066 = arith.addi %add3A_1065, %add3A_90 : i32
        %add3A_1067 = arith.constant 8 : i32
        %add3A_1068 = arith.addi %add3A_1066, %add3A_1067 : i32
        %get3A_1069 = arith.index_cast %add3A_1068 : i32 to index
        %get3A_1070 = arith.constant 80 : index
        %get3A_1071 = tpu.vector_load %arg7[%get3A_1069, %get3A_1070] {strides = array<i32>} : memref<128x128xf32, #tpu.memory_space<vmem>>, vector<16xf32>,
        %add3A_1072 = arith.constant 64 : i32
        %add3A_1073 = arith.addi %add3A_1072, %add3A_90 : i32
        %add3A_1074 = arith.constant 8 : i32
        %add3A_1075 = arith.addi %add3A_1073, %add3A_1074 : i32
        %get3A_1076 = arith.index_cast %add3A_1075 : i32 to index
        %get3A_1077 = arith.constant 96 : index
        %get3A_1078 = tpu.vector_load %arg7[%get3A_1076, %get3A_1077] {strides = array<i32>} : memref<128x128xf32, #tpu.memory_space<vmem>>, vector<16xf32>,
        %add3A_1079 = arith.constant 64 : i32
        %add3A_1080 = arith.addi %add3A_1079, %add3A_90 : i32
        %add3A_1081 = arith.constant 8 : i32
        %add3A_1082 = arith.addi %add3A_1080, %add3A_1081 : i32
        %get3A_1083 = arith.index_cast %add3A_1082 : i32 to index
        %get3A_1084 = arith.constant 112 : index
        %get3A_1085 = tpu.vector_load %arg7[%get3A_1083, %get3A_1084] {strides = array<i32>} : memref<128x128xf32, #tpu.memory_space<vmem>>, vector<16xf32>,
        %mul3A_1086 = arith.mulf %get3A_879, %get3A_921 : vector<16xf32>
        %mul3A_1087 = arith.mulf %get3A_884, %get3A_928 : vector<16xf32>
        %mul3A_1088 = arith.mulf %get3A_889, %get3A_935 : vector<16xf32>
        %add3A_1089 = arith.addf %mul3A_1086, %mul3A_1088 : vector<16xf32>
        %mul3A_1090 = arith.mulf %get3A_894, %get3A_942 : vector<16xf32>
        %add3A_1091 = arith.addf %mul3A_1087, %mul3A_1090 : vector<16xf32>
        %mul3A_1092 = arith.mulf %get3A_899, %get3A_949 : vector<16xf32>
        %add3A_1093 = arith.addf %add3A_1089, %mul3A_1092 : vector<16xf32>
        %mul3A_1094 = arith.mulf %get3A_904, %get3A_956 : vector<16xf32>
        %add3A_1095 = arith.addf %add3A_1091, %mul3A_1094 : vector<16xf32>
        %mul3A_1096 = arith.mulf %get3A_909, %get3A_963 : vector<16xf32>
        %add3A_1097 = arith.addf %add3A_1093, %mul3A_1096 : vector<16xf32>
        %mul3A_1098 = arith.mulf %get3A_914, %get3A_970 : vector<16xf32>
        %add3A_1099 = arith.addf %add3A_1095, %mul3A_1098 : vector<16xf32>
        %add3A_1100 = arith.addf %add3A_1097, %add3A_1099 : vector<16xf32>
        %swap3A_1101 = arith.constant 7 : i32
        %swap3A_1102 = arith.index_cast %swap3A_1101 : i32 to index
        %swap3A_1103 = arith.constant 0 : index
        %swap3A_1104 = tpu.vector_load %arg10[%swap3A_1102, %swap3A_1103] {strides = array<i32>} : memref<16x16xf32, #tpu.memory_space<vmem>>, vector<16xf32>,
        tpu.vector_store %arg10[%swap3A_1102, %swap3A_1103], %add3A_1100 {strides = array<i32>} : memref<16x16xf32, #tpu.memory_space<vmem>>, vector<16xf32>,
        %add3A_1105 = arith.constant 9 : i32
        %add3A_1106 = arith.addi %add3A_90, %add3A_1105 : i32
        %get3A_1107 = arith.index_cast %add3A_1106 : i32 to index
        %get3A_1108 = arith.constant 0 : index
        %get3A_1109 = tpu.vector_load %arg7[%get3A_1107, %get3A_1108] {strides = array<i32>} : memref<128x128xf32, #tpu.memory_space<vmem>>, vector<16xf32>,
        %add3A_1110 = arith.constant 9 : i32
        %add3A_1111 = arith.addi %add3A_90, %add3A_1110 : i32
        %get3A_1112 = arith.index_cast %add3A_1111 : i32 to index
        %get3A_1113 = arith.constant 16 : index
        %get3A_1114 = tpu.vector_load %arg7[%get3A_1112, %get3A_1113] {strides = array<i32>} : memref<128x128xf32, #tpu.memory_space<vmem>>, vector<16xf32>,
        %add3A_1115 = arith.constant 9 : i32
        %add3A_1116 = arith.addi %add3A_90, %add3A_1115 : i32
        %get3A_1117 = arith.index_cast %add3A_1116 : i32 to index
        %get3A_1118 = arith.constant 32 : index
        %get3A_1119 = tpu.vector_load %arg7[%get3A_1117, %get3A_1118] {strides = array<i32>} : memref<128x128xf32, #tpu.memory_space<vmem>>, vector<16xf32>,
        %add3A_1120 = arith.constant 9 : i32
        %add3A_1121 = arith.addi %add3A_90, %add3A_1120 : i32
        %get3A_1122 = arith.index_cast %add3A_1121 : i32 to index
        %get3A_1123 = arith.constant 48 : index
        %get3A_1124 = tpu.vector_load %arg7[%get3A_1122, %get3A_1123] {strides = array<i32>} : memref<128x128xf32, #tpu.memory_space<vmem>>, vector<16xf32>,
        %add3A_1125 = arith.constant 9 : i32
        %add3A_1126 = arith.addi %add3A_90, %add3A_1125 : i32
        %get3A_1127 = arith.index_cast %add3A_1126 : i32 to index
        %get3A_1128 = arith.constant 64 : index
        %get3A_1129 = tpu.vector_load %arg7[%get3A_1127, %get3A_1128] {strides = array<i32>} : memref<128x128xf32, #tpu.memory_space<vmem>>, vector<16xf32>,
        %add3A_1130 = arith.constant 9 : i32
        %add3A_1131 = arith.addi %add3A_90, %add3A_1130 : i32
        %get3A_1132 = arith.index_cast %add3A_1131 : i32 to index
        %get3A_1133 = arith.constant 80 : index
        %get3A_1134 = tpu.vector_load %arg7[%get3A_1132, %get3A_1133] {strides = array<i32>} : memref<128x128xf32, #tpu.memory_space<vmem>>, vector<16xf32>,
        %add3A_1135 = arith.constant 9 : i32
        %add3A_1136 = arith.addi %add3A_90, %add3A_1135 : i32
        %get3A_1137 = arith.index_cast %add3A_1136 : i32 to index
        %get3A_1138 = arith.constant 96 : index
        %get3A_1139 = tpu.vector_load %arg7[%get3A_1137, %get3A_1138] {strides = array<i32>} : memref<128x128xf32, #tpu.memory_space<vmem>>, vector<16xf32>,
        %add3A_1140 = arith.constant 9 : i32
        %add3A_1141 = arith.addi %add3A_90, %add3A_1140 : i32
        %get3A_1142 = arith.index_cast %add3A_1141 : i32 to index
        %get3A_1143 = arith.constant 112 : index
        %get3A_1144 = tpu.vector_load %arg7[%get3A_1142, %get3A_1143] {strides = array<i32>} : memref<128x128xf32, #tpu.memory_space<vmem>>, vector<16xf32>,
        %add3A_1145 = arith.constant 64 : i32
        %add3A_1146 = arith.addi %add3A_1145, %add3A_90 : i32
        %add3A_1147 = arith.constant 9 : i32
        %add3A_1148 = arith.addi %add3A_1146, %add3A_1147 : i32
        %get3A_1149 = arith.index_cast %add3A_1148 : i32 to index
        %get3A_1150 = arith.constant 0 : index
        %get3A_1151 = tpu.vector_load %arg7[%get3A_1149, %get3A_1150] {strides = array<i32>} : memref<128x128xf32, #tpu.memory_space<vmem>>, vector<16xf32>,
        %add3A_1152 = arith.constant 64 : i32
        %add3A_1153 = arith.addi %add3A_1152, %add3A_90 : i32
        %add3A_1154 = arith.constant 9 : i32
        %add3A_1155 = arith.addi %add3A_1153, %add3A_1154 : i32
        %get3A_1156 = arith.index_cast %add3A_1155 : i32 to index
        %get3A_1157 = arith.constant 16 : index
        %get3A_1158 = tpu.vector_load %arg7[%get3A_1156, %get3A_1157] {strides = array<i32>} : memref<128x128xf32, #tpu.memory_space<vmem>>, vector<16xf32>,
        %add3A_1159 = arith.constant 64 : i32
        %add3A_1160 = arith.addi %add3A_1159, %add3A_90 : i32
        %add3A_1161 = arith.constant 9 : i32
        %add3A_1162 = arith.addi %add3A_1160, %add3A_1161 : i32
        %get3A_1163 = arith.index_cast %add3A_1162 : i32 to index
        %get3A_1164 = arith.constant 32 : index
        %get3A_1165 = tpu.vector_load %arg7[%get3A_1163, %get3A_1164] {strides = array<i32>} : memref<128x128xf32, #tpu.memory_space<vmem>>, vector<16xf32>,
        %add3A_1166 = arith.constant 64 : i32
        %add3A_1167 = arith.addi %add3A_1166, %add3A_90 : i32
        %add3A_1168 = arith.constant 9 : i32
        %add3A_1169 = arith.addi %add3A_1167, %add3A_1168 : i32
        %get3A_1170 = arith.index_cast %add3A_1169 : i32 to index
        %get3A_1171 = arith.constant 48 : index
        %get3A_1172 = tpu.vector_load %arg7[%get3A_1170, %get3A_1171] {strides = array<i32>} : memref<128x128xf32, #tpu.memory_space<vmem>>, vector<16xf32>,
        %add3A_1173 = arith.constant 64 : i32
        %add3A_1174 = arith.addi %add3A_1173, %add3A_90 : i32
        %add3A_1175 = arith.constant 9 : i32
        %add3A_1176 = arith.addi %add3A_1174, %add3A_1175 : i32
        %get3A_1177 = arith.index_cast %add3A_1176 : i32 to index
        %get3A_1178 = arith.constant 64 : index
        %get3A_1179 = tpu.vector_load %arg7[%get3A_1177, %get3A_1178] {strides = array<i32>} : memref<128x128xf32, #tpu.memory_space<vmem>>, vector<16xf32>,
        %add3A_1180 = arith.constant 64 : i32
        %add3A_1181 = arith.addi %add3A_1180, %add3A_90 : i32
        %add3A_1182 = arith.constant 9 : i32
        %add3A_1183 = arith.addi %add3A_1181, %add3A_1182 : i32
        %get3A_1184 = arith.index_cast %add3A_1183 : i32 to index
        %get3A_1185 = arith.constant 80 : index
        %get3A_1186 = tpu.vector_load %arg7[%get3A_1184, %get3A_1185] {strides = array<i32>} : memref<128x128xf32, #tpu.memory_space<vmem>>, vector<16xf32>,
        %add3A_1187 = arith.constant 64 : i32
        %add3A_1188 = arith.addi %add3A_1187, %add3A_90 : i32
        %add3A_1189 = arith.constant 9 : i32
        %add3A_1190 = arith.addi %add3A_1188, %add3A_1189 : i32
        %get3A_1191 = arith.index_cast %add3A_1190 : i32 to index
        %get3A_1192 = arith.constant 96 : index
        %get3A_1193 = tpu.vector_load %arg7[%get3A_1191, %get3A_1192] {strides = array<i32>} : memref<128x128xf32, #tpu.memory_space<vmem>>, vector<16xf32>,
        %add3A_1194 = arith.constant 64 : i32
        %add3A_1195 = arith.addi %add3A_1194, %add3A_90 : i32
        %add3A_1196 = arith.constant 9 : i32
        %add3A_1197 = arith.addi %add3A_1195, %add3A_1196 : i32
        %get3A_1198 = arith.index_cast %add3A_1197 : i32 to index
        %get3A_1199 = arith.constant 112 : index
        %get3A_1200 = tpu.vector_load %arg7[%get3A_1198, %get3A_1199] {strides = array<i32>} : memref<128x128xf32, #tpu.memory_space<vmem>>, vector<16xf32>,
        %mul3A_1201 = arith.mulf %get3A_994, %get3A_1036 : vector<16xf32>
        %mul3A_1202 = arith.mulf %get3A_999, %get3A_1043 : vector<16xf32>
        %mul3A_1203 = arith.mulf %get3A_1004, %get3A_1050 : vector<16xf32>
        %add3A_1204 = arith.addf %mul3A_1201, %mul3A_1203 : vector<16xf32>
        %mul3A_1205 = arith.mulf %get3A_1009, %get3A_1057 : vector<16xf32>
        %add3A_1206 = arith.addf %mul3A_1202, %mul3A_1205 : vector<16xf32>
        %mul3A_1207 = arith.mulf %get3A_1014, %get3A_1064 : vector<16xf32>
        %add3A_1208 = arith.addf %add3A_1204, %mul3A_1207 : vector<16xf32>
        %mul3A_1209 = arith.mulf %get3A_1019, %get3A_1071 : vector<16xf32>
        %add3A_1210 = arith.addf %add3A_1206, %mul3A_1209 : vector<16xf32>
        %mul3A_1211 = arith.mulf %get3A_1024, %get3A_1078 : vector<16xf32>
        %add3A_1212 = arith.addf %add3A_1208, %mul3A_1211 : vector<16xf32>
        %mul3A_1213 = arith.mulf %get3A_1029, %get3A_1085 : vector<16xf32>
        %add3A_1214 = arith.addf %add3A_1210, %mul3A_1213 : vector<16xf32>
        %add3A_1215 = arith.addf %add3A_1212, %add3A_1214 : vector<16xf32>
        %swap3A_1216 = arith.constant 8 : i32
        %swap3A_1217 = arith.index_cast %swap3A_1216 : i32 to index
        %swap3A_1218 = arith.constant 0 : index
        %swap3A_1219 = tpu.vector_load %arg10[%swap3A_1217, %swap3A_1218] {strides = array<i32>} : memref<16x16xf32, #tpu.memory_space<vmem>>, vector<16xf32>,
        tpu.vector_store %arg10[%swap3A_1217, %swap3A_1218], %add3A_1215 {strides = array<i32>} : memref<16x16xf32, #tpu.memory_space<vmem>>, vector<16xf32>,
        %add3A_1220 = arith.constant 10 : i32
        %add3A_1221 = arith.addi %add3A_90, %add3A_1220 : i32
        %get3A_1222 = arith.index_cast %add3A_1221 : i32 to index
        %get3A_1223 = arith.constant 0 : index
        %get3A_1224 = tpu.vector_load %arg7[%get3A_1222, %get3A_1223] {strides = array<i32>} : memref<128x128xf32, #tpu.memory_space<vmem>>, vector<16xf32>,
        %add3A_1225 = arith.constant 10 : i32
        %add3A_1226 = arith.addi %add3A_90, %add3A_1225 : i32
        %get3A_1227 = arith.index_cast %add3A_1226 : i32 to index
        %get3A_1228 = arith.constant 16 : index
        %get3A_1229 = tpu.vector_load %arg7[%get3A_1227, %get3A_1228] {strides = array<i32>} : memref<128x128xf32, #tpu.memory_space<vmem>>, vector<16xf32>,
        %add3A_1230 = arith.constant 10 : i32
        %add3A_1231 = arith.addi %add3A_90, %add3A_1230 : i32
        %get3A_1232 = arith.index_cast %add3A_1231 : i32 to index
        %get3A_1233 = arith.constant 32 : index
        %get3A_1234 = tpu.vector_load %arg7[%get3A_1232, %get3A_1233] {strides = array<i32>} : memref<128x128xf32, #tpu.memory_space<vmem>>, vector<16xf32>,
        %add3A_1235 = arith.constant 10 : i32
        %add3A_1236 = arith.addi %add3A_90, %add3A_1235 : i32
        %get3A_1237 = arith.index_cast %add3A_1236 : i32 to index
        %get3A_1238 = arith.constant 48 : index
        %get3A_1239 = tpu.vector_load %arg7[%get3A_1237, %get3A_1238] {strides = array<i32>} : memref<128x128xf32, #tpu.memory_space<vmem>>, vector<16xf32>,
        %add3A_1240 = arith.constant 10 : i32
        %add3A_1241 = arith.addi %add3A_90, %add3A_1240 : i32
        %get3A_1242 = arith.index_cast %add3A_1241 : i32 to index
        %get3A_1243 = arith.constant 64 : index
        %get3A_1244 = tpu.vector_load %arg7[%get3A_1242, %get3A_1243] {strides = array<i32>} : memref<128x128xf32, #tpu.memory_space<vmem>>, vector<16xf32>,
        %add3A_1245 = arith.constant 10 : i32
        %add3A_1246 = arith.addi %add3A_90, %add3A_1245 : i32
        %get3A_1247 = arith.index_cast %add3A_1246 : i32 to index
        %get3A_1248 = arith.constant 80 : index
        %get3A_1249 = tpu.vector_load %arg7[%get3A_1247, %get3A_1248] {strides = array<i32>} : memref<128x128xf32, #tpu.memory_space<vmem>>, vector<16xf32>,
        %add3A_1250 = arith.constant 10 : i32
        %add3A_1251 = arith.addi %add3A_90, %add3A_1250 : i32
        %get3A_1252 = arith.index_cast %add3A_1251 : i32 to index
        %get3A_1253 = arith.constant 96 : index
        %get3A_1254 = tpu.vector_load %arg7[%get3A_1252, %get3A_1253] {strides = array<i32>} : memref<128x128xf32, #tpu.memory_space<vmem>>, vector<16xf32>,
        %add3A_1255 = arith.constant 10 : i32
        %add3A_1256 = arith.addi %add3A_90, %add3A_1255 : i32
        %get3A_1257 = arith.index_cast %add3A_1256 : i32 to index
        %get3A_1258 = arith.constant 112 : index
        %get3A_1259 = tpu.vector_load %arg7[%get3A_1257, %get3A_1258] {strides = array<i32>} : memref<128x128xf32, #tpu.memory_space<vmem>>, vector<16xf32>,
        %add3A_1260 = arith.constant 64 : i32
        %add3A_1261 = arith.addi %add3A_1260, %add3A_90 : i32
        %add3A_1262 = arith.constant 10 : i32
        %add3A_1263 = arith.addi %add3A_1261, %add3A_1262 : i32
        %get3A_1264 = arith.index_cast %add3A_1263 : i32 to index
        %get3A_1265 = arith.constant 0 : index
        %get3A_1266 = tpu.vector_load %arg7[%get3A_1264, %get3A_1265] {strides = array<i32>} : memref<128x128xf32, #tpu.memory_space<vmem>>, vector<16xf32>,
        %add3A_1267 = arith.constant 64 : i32
        %add3A_1268 = arith.addi %add3A_1267, %add3A_90 : i32
        %add3A_1269 = arith.constant 10 : i32
        %add3A_1270 = arith.addi %add3A_1268, %add3A_1269 : i32
        %get3A_1271 = arith.index_cast %add3A_1270 : i32 to index
        %get3A_1272 = arith.constant 16 : index
        %get3A_1273 = tpu.vector_load %arg7[%get3A_1271, %get3A_1272] {strides = array<i32>} : memref<128x128xf32, #tpu.memory_space<vmem>>, vector<16xf32>,
        %add3A_1274 = arith.constant 64 : i32
        %add3A_1275 = arith.addi %add3A_1274, %add3A_90 : i32
        %add3A_1276 = arith.constant 10 : i32
        %add3A_1277 = arith.addi %add3A_1275, %add3A_1276 : i32
        %get3A_1278 = arith.index_cast %add3A_1277 : i32 to index
        %get3A_1279 = arith.constant 32 : index
        %get3A_1280 = tpu.vector_load %arg7[%get3A_1278, %get3A_1279] {strides = array<i32>} : memref<128x128xf32, #tpu.memory_space<vmem>>, vector<16xf32>,
        %add3A_1281 = arith.constant 64 : i32
        %add3A_1282 = arith.addi %add3A_1281, %add3A_90 : i32
        %add3A_1283 = arith.constant 10 : i32
        %add3A_1284 = arith.addi %add3A_1282, %add3A_1283 : i32
        %get3A_1285 = arith.index_cast %add3A_1284 : i32 to index
        %get3A_1286 = arith.constant 48 : index
        %get3A_1287 = tpu.vector_load %arg7[%get3A_1285, %get3A_1286] {strides = array<i32>} : memref<128x128xf32, #tpu.memory_space<vmem>>, vector<16xf32>,
        %add3A_1288 = arith.constant 64 : i32
        %add3A_1289 = arith.addi %add3A_1288, %add3A_90 : i32
        %add3A_1290 = arith.constant 10 : i32
        %add3A_1291 = arith.addi %add3A_1289, %add3A_1290 : i32
        %get3A_1292 = arith.index_cast %add3A_1291 : i32 to index
        %get3A_1293 = arith.constant 64 : index
        %get3A_1294 = tpu.vector_load %arg7[%get3A_1292, %get3A_1293] {strides = array<i32>} : memref<128x128xf32, #tpu.memory_space<vmem>>, vector<16xf32>,
        %add3A_1295 = arith.constant 64 : i32
        %add3A_1296 = arith.addi %add3A_1295, %add3A_90 : i32
        %add3A_1297 = arith.constant 10 : i32
        %add3A_1298 = arith.addi %add3A_1296, %add3A_1297 : i32
        %get3A_1299 = arith.index_cast %add3A_1298 : i32 to index
        %get3A_1300 = arith.constant 80 : index
        %get3A_1301 = tpu.vector_load %arg7[%get3A_1299, %get3A_1300] {strides = array<i32>} : memref<128x128xf32, #tpu.memory_space<vmem>>, vector<16xf32>,
        %add3A_1302 = arith.constant 64 : i32
        %add3A_1303 = arith.addi %add3A_1302, %add3A_90 : i32
        %add3A_1304 = arith.constant 10 : i32
        %add3A_1305 = arith.addi %add3A_1303, %add3A_1304 : i32
        %get3A_1306 = arith.index_cast %add3A_1305 : i32 to index
        %get3A_1307 = arith.constant 96 : index
        %get3A_1308 = tpu.vector_load %arg7[%get3A_1306, %get3A_1307] {strides = array<i32>} : memref<128x128xf32, #tpu.memory_space<vmem>>, vector<16xf32>,
        %add3A_1309 = arith.constant 64 : i32
        %add3A_1310 = arith.addi %add3A_1309, %add3A_90 : i32
        %add3A_1311 = arith.constant 10 : i32
        %add3A_1312 = arith.addi %add3A_1310, %add3A_1311 : i32
        %get3A_1313 = arith.index_cast %add3A_1312 : i32 to index
        %get3A_1314 = arith.constant 112 : index
        %get3A_1315 = tpu.vector_load %arg7[%get3A_1313, %get3A_1314] {strides = array<i32>} : memref<128x128xf32, #tpu.memory_space<vmem>>, vector<16xf32>,
        %mul3A_1316 = arith.mulf %get3A_1109, %get3A_1151 : vector<16xf32>
        %mul3A_1317 = arith.mulf %get3A_1114, %get3A_1158 : vector<16xf32>
        %mul3A_1318 = arith.mulf %get3A_1119, %get3A_1165 : vector<16xf32>
        %add3A_1319 = arith.addf %mul3A_1316, %mul3A_1318 : vector<16xf32>
        %mul3A_1320 = arith.mulf %get3A_1124, %get3A_1172 : vector<16xf32>
        %add3A_1321 = arith.addf %mul3A_1317, %mul3A_1320 : vector<16xf32>
        %mul3A_1322 = arith.mulf %get3A_1129, %get3A_1179 : vector<16xf32>
        %add3A_1323 = arith.addf %add3A_1319, %mul3A_1322 : vector<16xf32>
        %mul3A_1324 = arith.mulf %get3A_1134, %get3A_1186 : vector<16xf32>
        %add3A_1325 = arith.addf %add3A_1321, %mul3A_1324 : vector<16xf32>
        %mul3A_1326 = arith.mulf %get3A_1139, %get3A_1193 : vector<16xf32>
        %add3A_1327 = arith.addf %add3A_1323, %mul3A_1326 : vector<16xf32>
        %mul3A_1328 = arith.mulf %get3A_1144, %get3A_1200 : vector<16xf32>
        %add3A_1329 = arith.addf %add3A_1325, %mul3A_1328 : vector<16xf32>
        %add3A_1330 = arith.addf %add3A_1327, %add3A_1329 : vector<16xf32>
        %swap3A_1331 = arith.constant 9 : i32
        %swap3A_1332 = arith.index_cast %swap3A_1331 : i32 to index
        %swap3A_1333 = arith.constant 0 : index
        %swap3A_1334 = tpu.vector_load %arg10[%swap3A_1332, %swap3A_1333] {strides = array<i32>} : memref<16x16xf32, #tpu.memory_space<vmem>>, vector<16xf32>,
        tpu.vector_store %arg10[%swap3A_1332, %swap3A_1333], %add3A_1330 {strides = array<i32>} : memref<16x16xf32, #tpu.memory_space<vmem>>, vector<16xf32>,
        %add3A_1335 = arith.constant 11 : i32
        %add3A_1336 = arith.addi %add3A_90, %add3A_1335 : i32
        %get3A_1337 = arith.index_cast %add3A_1336 : i32 to index
        %get3A_1338 = arith.constant 0 : index
        %get3A_1339 = tpu.vector_load %arg7[%get3A_1337, %get3A_1338] {strides = array<i32>} : memref<128x128xf32, #tpu.memory_space<vmem>>, vector<16xf32>,
        %add3A_1340 = arith.constant 11 : i32
        %add3A_1341 = arith.addi %add3A_90, %add3A_1340 : i32
        %get3A_1342 = arith.index_cast %add3A_1341 : i32 to index
        %get3A_1343 = arith.constant 16 : index
        %get3A_1344 = tpu.vector_load %arg7[%get3A_1342, %get3A_1343] {strides = array<i32>} : memref<128x128xf32, #tpu.memory_space<vmem>>, vector<16xf32>,
        %add3A_1345 = arith.constant 11 : i32
        %add3A_1346 = arith.addi %add3A_90, %add3A_1345 : i32
        %get3A_1347 = arith.index_cast %add3A_1346 : i32 to index
        %get3A_1348 = arith.constant 32 : index
        %get3A_1349 = tpu.vector_load %arg7[%get3A_1347, %get3A_1348] {strides = array<i32>} : memref<128x128xf32, #tpu.memory_space<vmem>>, vector<16xf32>,
        %add3A_1350 = arith.constant 11 : i32
        %add3A_1351 = arith.addi %add3A_90, %add3A_1350 : i32
        %get3A_1352 = arith.index_cast %add3A_1351 : i32 to index
        %get3A_1353 = arith.constant 48 : index
        %get3A_1354 = tpu.vector_load %arg7[%get3A_1352, %get3A_1353] {strides = array<i32>} : memref<128x128xf32, #tpu.memory_space<vmem>>, vector<16xf32>,
        %add3A_1355 = arith.constant 11 : i32
        %add3A_1356 = arith.addi %add3A_90, %add3A_1355 : i32
        %get3A_1357 = arith.index_cast %add3A_1356 : i32 to index
        %get3A_1358 = arith.constant 64 : index
        %get3A_1359 = tpu.vector_load %arg7[%get3A_1357, %get3A_1358] {strides = array<i32>} : memref<128x128xf32, #tpu.memory_space<vmem>>, vector<16xf32>,
        %add3A_1360 = arith.constant 11 : i32
        %add3A_1361 = arith.addi %add3A_90, %add3A_1360 : i32
        %get3A_1362 = arith.index_cast %add3A_1361 : i32 to index
        %get3A_1363 = arith.constant 80 : index
        %get3A_1364 = tpu.vector_load %arg7[%get3A_1362, %get3A_1363] {strides = array<i32>} : memref<128x128xf32, #tpu.memory_space<vmem>>, vector<16xf32>,
        %add3A_1365 = arith.constant 11 : i32
        %add3A_1366 = arith.addi %add3A_90, %add3A_1365 : i32
        %get3A_1367 = arith.index_cast %add3A_1366 : i32 to index
        %get3A_1368 = arith.constant 96 : index
        %get3A_1369 = tpu.vector_load %arg7[%get3A_1367, %get3A_1368] {strides = array<i32>} : memref<128x128xf32, #tpu.memory_space<vmem>>, vector<16xf32>,
        %add3A_1370 = arith.constant 11 : i32
        %add3A_1371 = arith.addi %add3A_90, %add3A_1370 : i32
        %get3A_1372 = arith.index_cast %add3A_1371 : i32 to index
        %get3A_1373 = arith.constant 112 : index
        %get3A_1374 = tpu.vector_load %arg7[%get3A_1372, %get3A_1373] {strides = array<i32>} : memref<128x128xf32, #tpu.memory_space<vmem>>, vector<16xf32>,
        %add3A_1375 = arith.constant 64 : i32
        %add3A_1376 = arith.addi %add3A_1375, %add3A_90 : i32
        %add3A_1377 = arith.constant 11 : i32
        %add3A_1378 = arith.addi %add3A_1376, %add3A_1377 : i32
        %get3A_1379 = arith.index_cast %add3A_1378 : i32 to index
        %get3A_1380 = arith.constant 0 : index
        %get3A_1381 = tpu.vector_load %arg7[%get3A_1379, %get3A_1380] {strides = array<i32>} : memref<128x128xf32, #tpu.memory_space<vmem>>, vector<16xf32>,
        %add3A_1382 = arith.constant 64 : i32
        %add3A_1383 = arith.addi %add3A_1382, %add3A_90 : i32
        %add3A_1384 = arith.constant 11 : i32
        %add3A_1385 = arith.addi %add3A_1383, %add3A_1384 : i32
        %get3A_1386 = arith.index_cast %add3A_1385 : i32 to index
        %get3A_1387 = arith.constant 16 : index
        %get3A_1388 = tpu.vector_load %arg7[%get3A_1386, %get3A_1387] {strides = array<i32>} : memref<128x128xf32, #tpu.memory_space<vmem>>, vector<16xf32>,
        %add3A_1389 = arith.constant 64 : i32
        %add3A_1390 = arith.addi %add3A_1389, %add3A_90 : i32
        %add3A_1391 = arith.constant 11 : i32
        %add3A_1392 = arith.addi %add3A_1390, %add3A_1391 : i32
        %get3A_1393 = arith.index_cast %add3A_1392 : i32 to index
        %get3A_1394 = arith.constant 32 : index
        %get3A_1395 = tpu.vector_load %arg7[%get3A_1393, %get3A_1394] {strides = array<i32>} : memref<128x128xf32, #tpu.memory_space<vmem>>, vector<16xf32>,
        %add3A_1396 = arith.constant 64 : i32
        %add3A_1397 = arith.addi %add3A_1396, %add3A_90 : i32
        %add3A_1398 = arith.constant 11 : i32
        %add3A_1399 = arith.addi %add3A_1397, %add3A_1398 : i32
        %get3A_1400 = arith.index_cast %add3A_1399 : i32 to index
        %get3A_1401 = arith.constant 48 : index
        %get3A_1402 = tpu.vector_load %arg7[%get3A_1400, %get3A_1401] {strides = array<i32>} : memref<128x128xf32, #tpu.memory_space<vmem>>, vector<16xf32>,
        %add3A_1403 = arith.constant 64 : i32
        %add3A_1404 = arith.addi %add3A_1403, %add3A_90 : i32
        %add3A_1405 = arith.constant 11 : i32
        %add3A_1406 = arith.addi %add3A_1404, %add3A_1405 : i32
        %get3A_1407 = arith.index_cast %add3A_1406 : i32 to index
        %get3A_1408 = arith.constant 64 : index
        %get3A_1409 = tpu.vector_load %arg7[%get3A_1407, %get3A_1408] {strides = array<i32>} : memref<128x128xf32, #tpu.memory_space<vmem>>, vector<16xf32>,
        %add3A_1410 = arith.constant 64 : i32
        %add3A_1411 = arith.addi %add3A_1410, %add3A_90 : i32
        %add3A_1412 = arith.constant 11 : i32
        %add3A_1413 = arith.addi %add3A_1411, %add3A_1412 : i32
        %get3A_1414 = arith.index_cast %add3A_1413 : i32 to index
        %get3A_1415 = arith.constant 80 : index
        %get3A_1416 = tpu.vector_load %arg7[%get3A_1414, %get3A_1415] {strides = array<i32>} : memref<128x128xf32, #tpu.memory_space<vmem>>, vector<16xf32>,
        %add3A_1417 = arith.constant 64 : i32
        %add3A_1418 = arith.addi %add3A_1417, %add3A_90 : i32
        %add3A_1419 = arith.constant 11 : i32
        %add3A_1420 = arith.addi %add3A_1418, %add3A_1419 : i32
        %get3A_1421 = arith.index_cast %add3A_1420 : i32 to index
        %get3A_1422 = arith.constant 96 : index
        %get3A_1423 = tpu.vector_load %arg7[%get3A_1421, %get3A_1422] {strides = array<i32>} : memref<128x128xf32, #tpu.memory_space<vmem>>, vector<16xf32>,
        %add3A_1424 = arith.constant 64 : i32
        %add3A_1425 = arith.addi %add3A_1424, %add3A_90 : i32
        %add3A_1426 = arith.constant 11 : i32
        %add3A_1427 = arith.addi %add3A_1425, %add3A_1426 : i32
        %get3A_1428 = arith.index_cast %add3A_1427 : i32 to index
        %get3A_1429 = arith.constant 112 : index
        %get3A_1430 = tpu.vector_load %arg7[%get3A_1428, %get3A_1429] {strides = array<i32>} : memref<128x128xf32, #tpu.memory_space<vmem>>, vector<16xf32>,
        %mul3A_1431 = arith.mulf %get3A_1224, %get3A_1266 : vector<16xf32>
        %mul3A_1432 = arith.mulf %get3A_1229, %get3A_1273 : vector<16xf32>
        %mul3A_1433 = arith.mulf %get3A_1234, %get3A_1280 : vector<16xf32>
        %add3A_1434 = arith.addf %mul3A_1431, %mul3A_1433 : vector<16xf32>
        %mul3A_1435 = arith.mulf %get3A_1239, %get3A_1287 : vector<16xf32>
        %add3A_1436 = arith.addf %mul3A_1432, %mul3A_1435 : vector<16xf32>
        %mul3A_1437 = arith.mulf %get3A_1244, %get3A_1294 : vector<16xf32>
        %add3A_1438 = arith.addf %add3A_1434, %mul3A_1437 : vector<16xf32>
        %mul3A_1439 = arith.mulf %get3A_1249, %get3A_1301 : vector<16xf32>
        %add3A_1440 = arith.addf %add3A_1436, %mul3A_1439 : vector<16xf32>
        %mul3A_1441 = arith.mulf %get3A_1254, %get3A_1308 : vector<16xf32>
        %add3A_1442 = arith.addf %add3A_1438, %mul3A_1441 : vector<16xf32>
        %mul3A_1443 = arith.mulf %get3A_1259, %get3A_1315 : vector<16xf32>
        %add3A_1444 = arith.addf %add3A_1440, %mul3A_1443 : vector<16xf32>
        %add3A_1445 = arith.addf %add3A_1442, %add3A_1444 : vector<16xf32>
        %swap3A_1446 = arith.constant 10 : i32
        %swap3A_1447 = arith.index_cast %swap3A_1446 : i32 to index
        %swap3A_1448 = arith.constant 0 : index
        %swap3A_1449 = tpu.vector_load %arg10[%swap3A_1447, %swap3A_1448] {strides = array<i32>} : memref<16x16xf32, #tpu.memory_space<vmem>>, vector<16xf32>,
        tpu.vector_store %arg10[%swap3A_1447, %swap3A_1448], %add3A_1445 {strides = array<i32>} : memref<16x16xf32, #tpu.memory_space<vmem>>, vector<16xf32>,
        %add3A_1450 = arith.constant 12 : i32
        %add3A_1451 = arith.addi %add3A_90, %add3A_1450 : i32
        %get3A_1452 = arith.index_cast %add3A_1451 : i32 to index
        %get3A_1453 = arith.constant 0 : index
        %get3A_1454 = tpu.vector_load %arg7[%get3A_1452, %get3A_1453] {strides = array<i32>} : memref<128x128xf32, #tpu.memory_space<vmem>>, vector<16xf32>,
        %add3A_1455 = arith.constant 12 : i32
        %add3A_1456 = arith.addi %add3A_90, %add3A_1455 : i32
        %get3A_1457 = arith.index_cast %add3A_1456 : i32 to index
        %get3A_1458 = arith.constant 16 : index
        %get3A_1459 = tpu.vector_load %arg7[%get3A_1457, %get3A_1458] {strides = array<i32>} : memref<128x128xf32, #tpu.memory_space<vmem>>, vector<16xf32>,
        %add3A_1460 = arith.constant 12 : i32
        %add3A_1461 = arith.addi %add3A_90, %add3A_1460 : i32
        %get3A_1462 = arith.index_cast %add3A_1461 : i32 to index
        %get3A_1463 = arith.constant 32 : index
        %get3A_1464 = tpu.vector_load %arg7[%get3A_1462, %get3A_1463] {strides = array<i32>} : memref<128x128xf32, #tpu.memory_space<vmem>>, vector<16xf32>,
        %add3A_1465 = arith.constant 12 : i32
        %add3A_1466 = arith.addi %add3A_90, %add3A_1465 : i32
        %get3A_1467 = arith.index_cast %add3A_1466 : i32 to index
        %get3A_1468 = arith.constant 48 : index
        %get3A_1469 = tpu.vector_load %arg7[%get3A_1467, %get3A_1468] {strides = array<i32>} : memref<128x128xf32, #tpu.memory_space<vmem>>, vector<16xf32>,
        %add3A_1470 = arith.constant 12 : i32
        %add3A_1471 = arith.addi %add3A_90, %add3A_1470 : i32
        %get3A_1472 = arith.index_cast %add3A_1471 : i32 to index
        %get3A_1473 = arith.constant 64 : index
        %get3A_1474 = tpu.vector_load %arg7[%get3A_1472, %get3A_1473] {strides = array<i32>} : memref<128x128xf32, #tpu.memory_space<vmem>>, vector<16xf32>,
        %add3A_1475 = arith.constant 12 : i32
        %add3A_1476 = arith.addi %add3A_90, %add3A_1475 : i32
        %get3A_1477 = arith.index_cast %add3A_1476 : i32 to index
        %get3A_1478 = arith.constant 80 : index
        %get3A_1479 = tpu.vector_load %arg7[%get3A_1477, %get3A_1478] {strides = array<i32>} : memref<128x128xf32, #tpu.memory_space<vmem>>, vector<16xf32>,
        %add3A_1480 = arith.constant 12 : i32
        %add3A_1481 = arith.addi %add3A_90, %add3A_1480 : i32
        %get3A_1482 = arith.index_cast %add3A_1481 : i32 to index
        %get3A_1483 = arith.constant 96 : index
        %get3A_1484 = tpu.vector_load %arg7[%get3A_1482, %get3A_1483] {strides = array<i32>} : memref<128x128xf32, #tpu.memory_space<vmem>>, vector<16xf32>,
        %add3A_1485 = arith.constant 12 : i32
        %add3A_1486 = arith.addi %add3A_90, %add3A_1485 : i32
        %get3A_1487 = arith.index_cast %add3A_1486 : i32 to index
        %get3A_1488 = arith.constant 112 : index
        %get3A_1489 = tpu.vector_load %arg7[%get3A_1487, %get3A_1488] {strides = array<i32>} : memref<128x128xf32, #tpu.memory_space<vmem>>, vector<16xf32>,
        %add3A_1490 = arith.constant 64 : i32
        %add3A_1491 = arith.addi %add3A_1490, %add3A_90 : i32
        %add3A_1492 = arith.constant 12 : i32
        %add3A_1493 = arith.addi %add3A_1491, %add3A_1492 : i32
        %get3A_1494 = arith.index_cast %add3A_1493 : i32 to index
        %get3A_1495 = arith.constant 0 : index
        %get3A_1496 = tpu.vector_load %arg7[%get3A_1494, %get3A_1495] {strides = array<i32>} : memref<128x128xf32, #tpu.memory_space<vmem>>, vector<16xf32>,
        %add3A_1497 = arith.constant 64 : i32
        %add3A_1498 = arith.addi %add3A_1497, %add3A_90 : i32
        %add3A_1499 = arith.constant 12 : i32
        %add3A_1500 = arith.addi %add3A_1498, %add3A_1499 : i32
        %get3A_1501 = arith.index_cast %add3A_1500 : i32 to index
        %get3A_1502 = arith.constant 16 : index
        %get3A_1503 = tpu.vector_load %arg7[%get3A_1501, %get3A_1502] {strides = array<i32>} : memref<128x128xf32, #tpu.memory_space<vmem>>, vector<16xf32>,
        %add3A_1504 = arith.constant 64 : i32
        %add3A_1505 = arith.addi %add3A_1504, %add3A_90 : i32
        %add3A_1506 = arith.constant 12 : i32
        %add3A_1507 = arith.addi %add3A_1505, %add3A_1506 : i32
        %get3A_1508 = arith.index_cast %add3A_1507 : i32 to index
        %get3A_1509 = arith.constant 32 : index
        %get3A_1510 = tpu.vector_load %arg7[%get3A_1508, %get3A_1509] {strides = array<i32>} : memref<128x128xf32, #tpu.memory_space<vmem>>, vector<16xf32>,
        %add3A_1511 = arith.constant 64 : i32
        %add3A_1512 = arith.addi %add3A_1511, %add3A_90 : i32
        %add3A_1513 = arith.constant 12 : i32
        %add3A_1514 = arith.addi %add3A_1512, %add3A_1513 : i32
        %get3A_1515 = arith.index_cast %add3A_1514 : i32 to index
        %get3A_1516 = arith.constant 48 : index
        %get3A_1517 = tpu.vector_load %arg7[%get3A_1515, %get3A_1516] {strides = array<i32>} : memref<128x128xf32, #tpu.memory_space<vmem>>, vector<16xf32>,
        %add3A_1518 = arith.constant 64 : i32
        %add3A_1519 = arith.addi %add3A_1518, %add3A_90 : i32
        %add3A_1520 = arith.constant 12 : i32
        %add3A_1521 = arith.addi %add3A_1519, %add3A_1520 : i32
        %get3A_1522 = arith.index_cast %add3A_1521 : i32 to index
        %get3A_1523 = arith.constant 64 : index
        %get3A_1524 = tpu.vector_load %arg7[%get3A_1522, %get3A_1523] {strides = array<i32>} : memref<128x128xf32, #tpu.memory_space<vmem>>, vector<16xf32>,
        %add3A_1525 = arith.constant 64 : i32
        %add3A_1526 = arith.addi %add3A_1525, %add3A_90 : i32
        %add3A_1527 = arith.constant 12 : i32
        %add3A_1528 = arith.addi %add3A_1526, %add3A_1527 : i32
        %get3A_1529 = arith.index_cast %add3A_1528 : i32 to index
        %get3A_1530 = arith.constant 80 : index
        %get3A_1531 = tpu.vector_load %arg7[%get3A_1529, %get3A_1530] {strides = array<i32>} : memref<128x128xf32, #tpu.memory_space<vmem>>, vector<16xf32>,
        %add3A_1532 = arith.constant 64 : i32
        %add3A_1533 = arith.addi %add3A_1532, %add3A_90 : i32
        %add3A_1534 = arith.constant 12 : i32
        %add3A_1535 = arith.addi %add3A_1533, %add3A_1534 : i32
        %get3A_1536 = arith.index_cast %add3A_1535 : i32 to index
        %get3A_1537 = arith.constant 96 : index
        %get3A_1538 = tpu.vector_load %arg7[%get3A_1536, %get3A_1537] {strides = array<i32>} : memref<128x128xf32, #tpu.memory_space<vmem>>, vector<16xf32>,
        %add3A_1539 = arith.constant 64 : i32
        %add3A_1540 = arith.addi %add3A_1539, %add3A_90 : i32
        %add3A_1541 = arith.constant 12 : i32
        %add3A_1542 = arith.addi %add3A_1540, %add3A_1541 : i32
        %get3A_1543 = arith.index_cast %add3A_1542 : i32 to index
        %get3A_1544 = arith.constant 112 : index
        %get3A_1545 = tpu.vector_load %arg7[%get3A_1543, %get3A_1544] {strides = array<i32>} : memref<128x128xf32, #tpu.memory_space<vmem>>, vector<16xf32>,
        %mul3A_1546 = arith.mulf %get3A_1339, %get3A_1381 : vector<16xf32>
        %mul3A_1547 = arith.mulf %get3A_1344, %get3A_1388 : vector<16xf32>
        %mul3A_1548 = arith.mulf %get3A_1349, %get3A_1395 : vector<16xf32>
        %add3A_1549 = arith.addf %mul3A_1546, %mul3A_1548 : vector<16xf32>
        %mul3A_1550 = arith.mulf %get3A_1354, %get3A_1402 : vector<16xf32>
        %add3A_1551 = arith.addf %mul3A_1547, %mul3A_1550 : vector<16xf32>
        %mul3A_1552 = arith.mulf %get3A_1359, %get3A_1409 : vector<16xf32>
        %add3A_1553 = arith.addf %add3A_1549, %mul3A_1552 : vector<16xf32>
        %mul3A_1554 = arith.mulf %get3A_1364, %get3A_1416 : vector<16xf32>
        %add3A_1555 = arith.addf %add3A_1551, %mul3A_1554 : vector<16xf32>
        %mul3A_1556 = arith.mulf %get3A_1369, %get3A_1423 : vector<16xf32>
        %add3A_1557 = arith.addf %add3A_1553, %mul3A_1556 : vector<16xf32>
        %mul3A_1558 = arith.mulf %get3A_1374, %get3A_1430 : vector<16xf32>
        %add3A_1559 = arith.addf %add3A_1555, %mul3A_1558 : vector<16xf32>
        %add3A_1560 = arith.addf %add3A_1557, %add3A_1559 : vector<16xf32>
        %swap3A_1561 = arith.constant 11 : i32
        %swap3A_1562 = arith.index_cast %swap3A_1561 : i32 to index
        %swap3A_1563 = arith.constant 0 : index
        %swap3A_1564 = tpu.vector_load %arg10[%swap3A_1562, %swap3A_1563] {strides = array<i32>} : memref<16x16xf32, #tpu.memory_space<vmem>>, vector<16xf32>,
        tpu.vector_store %arg10[%swap3A_1562, %swap3A_1563], %add3A_1560 {strides = array<i32>} : memref<16x16xf32, #tpu.memory_space<vmem>>, vector<16xf32>,
        %add3A_1565 = arith.constant 13 : i32
        %add3A_1566 = arith.addi %add3A_90, %add3A_1565 : i32
        %get3A_1567 = arith.index_cast %add3A_1566 : i32 to index
        %get3A_1568 = arith.constant 0 : index
        %get3A_1569 = tpu.vector_load %arg7[%get3A_1567, %get3A_1568] {strides = array<i32>} : memref<128x128xf32, #tpu.memory_space<vmem>>, vector<16xf32>,
        %add3A_1570 = arith.constant 13 : i32
        %add3A_1571 = arith.addi %add3A_90, %add3A_1570 : i32
        %get3A_1572 = arith.index_cast %add3A_1571 : i32 to index
        %get3A_1573 = arith.constant 16 : index
        %get3A_1574 = tpu.vector_load %arg7[%get3A_1572, %get3A_1573] {strides = array<i32>} : memref<128x128xf32, #tpu.memory_space<vmem>>, vector<16xf32>,
        %add3A_1575 = arith.constant 13 : i32
        %add3A_1576 = arith.addi %add3A_90, %add3A_1575 : i32
        %get3A_1577 = arith.index_cast %add3A_1576 : i32 to index
        %get3A_1578 = arith.constant 32 : index
        %get3A_1579 = tpu.vector_load %arg7[%get3A_1577, %get3A_1578] {strides = array<i32>} : memref<128x128xf32, #tpu.memory_space<vmem>>, vector<16xf32>,
        %add3A_1580 = arith.constant 13 : i32
        %add3A_1581 = arith.addi %add3A_90, %add3A_1580 : i32
        %get3A_1582 = arith.index_cast %add3A_1581 : i32 to index
        %get3A_1583 = arith.constant 48 : index
        %get3A_1584 = tpu.vector_load %arg7[%get3A_1582, %get3A_1583] {strides = array<i32>} : memref<128x128xf32, #tpu.memory_space<vmem>>, vector<16xf32>,
        %add3A_1585 = arith.constant 13 : i32
        %add3A_1586 = arith.addi %add3A_90, %add3A_1585 : i32
        %get3A_1587 = arith.index_cast %add3A_1586 : i32 to index
        %get3A_1588 = arith.constant 64 : index
        %get3A_1589 = tpu.vector_load %arg7[%get3A_1587, %get3A_1588] {strides = array<i32>} : memref<128x128xf32, #tpu.memory_space<vmem>>, vector<16xf32>,
        %add3A_1590 = arith.constant 13 : i32
        %add3A_1591 = arith.addi %add3A_90, %add3A_1590 : i32
        %get3A_1592 = arith.index_cast %add3A_1591 : i32 to index
        %get3A_1593 = arith.constant 80 : index
        %get3A_1594 = tpu.vector_load %arg7[%get3A_1592, %get3A_1593] {strides = array<i32>} : memref<128x128xf32, #tpu.memory_space<vmem>>, vector<16xf32>,
        %add3A_1595 = arith.constant 13 : i32
        %add3A_1596 = arith.addi %add3A_90, %add3A_1595 : i32
        %get3A_1597 = arith.index_cast %add3A_1596 : i32 to index
        %get3A_1598 = arith.constant 96 : index
        %get3A_1599 = tpu.vector_load %arg7[%get3A_1597, %get3A_1598] {strides = array<i32>} : memref<128x128xf32, #tpu.memory_space<vmem>>, vector<16xf32>,
        %add3A_1600 = arith.constant 13 : i32
        %add3A_1601 = arith.addi %add3A_90, %add3A_1600 : i32
        %get3A_1602 = arith.index_cast %add3A_1601 : i32 to index
        %get3A_1603 = arith.constant 112 : index
        %get3A_1604 = tpu.vector_load %arg7[%get3A_1602, %get3A_1603] {strides = array<i32>} : memref<128x128xf32, #tpu.memory_space<vmem>>, vector<16xf32>,
        %add3A_1605 = arith.constant 64 : i32
        %add3A_1606 = arith.addi %add3A_1605, %add3A_90 : i32
        %add3A_1607 = arith.constant 13 : i32
        %add3A_1608 = arith.addi %add3A_1606, %add3A_1607 : i32
        %get3A_1609 = arith.index_cast %add3A_1608 : i32 to index
        %get3A_1610 = arith.constant 0 : index
        %get3A_1611 = tpu.vector_load %arg7[%get3A_1609, %get3A_1610] {strides = array<i32>} : memref<128x128xf32, #tpu.memory_space<vmem>>, vector<16xf32>,
        %add3A_1612 = arith.constant 64 : i32
        %add3A_1613 = arith.addi %add3A_1612, %add3A_90 : i32
        %add3A_1614 = arith.constant 13 : i32
        %add3A_1615 = arith.addi %add3A_1613, %add3A_1614 : i32
        %get3A_1616 = arith.index_cast %add3A_1615 : i32 to index
        %get3A_1617 = arith.constant 16 : index
        %get3A_1618 = tpu.vector_load %arg7[%get3A_1616, %get3A_1617] {strides = array<i32>} : memref<128x128xf32, #tpu.memory_space<vmem>>, vector<16xf32>,
        %add3A_1619 = arith.constant 64 : i32
        %add3A_1620 = arith.addi %add3A_1619, %add3A_90 : i32
        %add3A_1621 = arith.constant 13 : i32
        %add3A_1622 = arith.addi %add3A_1620, %add3A_1621 : i32
        %get3A_1623 = arith.index_cast %add3A_1622 : i32 to index
        %get3A_1624 = arith.constant 32 : index
        %get3A_1625 = tpu.vector_load %arg7[%get3A_1623, %get3A_1624] {strides = array<i32>} : memref<128x128xf32, #tpu.memory_space<vmem>>, vector<16xf32>,
        %add3A_1626 = arith.constant 64 : i32
        %add3A_1627 = arith.addi %add3A_1626, %add3A_90 : i32
        %add3A_1628 = arith.constant 13 : i32
        %add3A_1629 = arith.addi %add3A_1627, %add3A_1628 : i32
        %get3A_1630 = arith.index_cast %add3A_1629 : i32 to index
        %get3A_1631 = arith.constant 48 : index
        %get3A_1632 = tpu.vector_load %arg7[%get3A_1630, %get3A_1631] {strides = array<i32>} : memref<128x128xf32, #tpu.memory_space<vmem>>, vector<16xf32>,
        %add3A_1633 = arith.constant 64 : i32
        %add3A_1634 = arith.addi %add3A_1633, %add3A_90 : i32
        %add3A_1635 = arith.constant 13 : i32
        %add3A_1636 = arith.addi %add3A_1634, %add3A_1635 : i32
        %get3A_1637 = arith.index_cast %add3A_1636 : i32 to index
        %get3A_1638 = arith.constant 64 : index
        %get3A_1639 = tpu.vector_load %arg7[%get3A_1637, %get3A_1638] {strides = array<i32>} : memref<128x128xf32, #tpu.memory_space<vmem>>, vector<16xf32>,
        %add3A_1640 = arith.constant 64 : i32
        %add3A_1641 = arith.addi %add3A_1640, %add3A_90 : i32
        %add3A_1642 = arith.constant 13 : i32
        %add3A_1643 = arith.addi %add3A_1641, %add3A_1642 : i32
        %get3A_1644 = arith.index_cast %add3A_1643 : i32 to index
        %get3A_1645 = arith.constant 80 : index
        %get3A_1646 = tpu.vector_load %arg7[%get3A_1644, %get3A_1645] {strides = array<i32>} : memref<128x128xf32, #tpu.memory_space<vmem>>, vector<16xf32>,
        %add3A_1647 = arith.constant 64 : i32
        %add3A_1648 = arith.addi %add3A_1647, %add3A_90 : i32
        %add3A_1649 = arith.constant 13 : i32
        %add3A_1650 = arith.addi %add3A_1648, %add3A_1649 : i32
        %get3A_1651 = arith.index_cast %add3A_1650 : i32 to index
        %get3A_1652 = arith.constant 96 : index
        %get3A_1653 = tpu.vector_load %arg7[%get3A_1651, %get3A_1652] {strides = array<i32>} : memref<128x128xf32, #tpu.memory_space<vmem>>, vector<16xf32>,
        %add3A_1654 = arith.constant 64 : i32
        %add3A_1655 = arith.addi %add3A_1654, %add3A_90 : i32
        %add3A_1656 = arith.constant 13 : i32
        %add3A_1657 = arith.addi %add3A_1655, %add3A_1656 : i32
        %get3A_1658 = arith.index_cast %add3A_1657 : i32 to index
        %get3A_1659 = arith.constant 112 : index
        %get3A_1660 = tpu.vector_load %arg7[%get3A_1658, %get3A_1659] {strides = array<i32>} : memref<128x128xf32, #tpu.memory_space<vmem>>, vector<16xf32>,
        %mul3A_1661 = arith.mulf %get3A_1454, %get3A_1496 : vector<16xf32>
        %mul3A_1662 = arith.mulf %get3A_1459, %get3A_1503 : vector<16xf32>
        %mul3A_1663 = arith.mulf %get3A_1464, %get3A_1510 : vector<16xf32>
        %add3A_1664 = arith.addf %mul3A_1661, %mul3A_1663 : vector<16xf32>
        %mul3A_1665 = arith.mulf %get3A_1469, %get3A_1517 : vector<16xf32>
        %add3A_1666 = arith.addf %mul3A_1662, %mul3A_1665 : vector<16xf32>
        %mul3A_1667 = arith.mulf %get3A_1474, %get3A_1524 : vector<16xf32>
        %add3A_1668 = arith.addf %add3A_1664, %mul3A_1667 : vector<16xf32>
        %mul3A_1669 = arith.mulf %get3A_1479, %get3A_1531 : vector<16xf32>
        %add3A_1670 = arith.addf %add3A_1666, %mul3A_1669 : vector<16xf32>
        %mul3A_1671 = arith.mulf %get3A_1484, %get3A_1538 : vector<16xf32>
        %add3A_1672 = arith.addf %add3A_1668, %mul3A_1671 : vector<16xf32>
        %mul3A_1673 = arith.mulf %get3A_1489, %get3A_1545 : vector<16xf32>
        %add3A_1674 = arith.addf %add3A_1670, %mul3A_1673 : vector<16xf32>
        %add3A_1675 = arith.addf %add3A_1672, %add3A_1674 : vector<16xf32>
        %swap3A_1676 = arith.constant 12 : i32
        %swap3A_1677 = arith.index_cast %swap3A_1676 : i32 to index
        %swap3A_1678 = arith.constant 0 : index
        %swap3A_1679 = tpu.vector_load %arg10[%swap3A_1677, %swap3A_1678] {strides = array<i32>} : memref<16x16xf32, #tpu.memory_space<vmem>>, vector<16xf32>,
        tpu.vector_store %arg10[%swap3A_1677, %swap3A_1678], %add3A_1675 {strides = array<i32>} : memref<16x16xf32, #tpu.memory_space<vmem>>, vector<16xf32>,
        %add3A_1680 = arith.constant 14 : i32
        %add3A_1681 = arith.addi %add3A_90, %add3A_1680 : i32
        %get3A_1682 = arith.index_cast %add3A_1681 : i32 to index
        %get3A_1683 = arith.constant 0 : index
        %get3A_1684 = tpu.vector_load %arg7[%get3A_1682, %get3A_1683] {strides = array<i32>} : memref<128x128xf32, #tpu.memory_space<vmem>>, vector<16xf32>,
        %add3A_1685 = arith.constant 14 : i32
        %add3A_1686 = arith.addi %add3A_90, %add3A_1685 : i32
        %get3A_1687 = arith.index_cast %add3A_1686 : i32 to index
        %get3A_1688 = arith.constant 16 : index
        %get3A_1689 = tpu.vector_load %arg7[%get3A_1687, %get3A_1688] {strides = array<i32>} : memref<128x128xf32, #tpu.memory_space<vmem>>, vector<16xf32>,
        %add3A_1690 = arith.constant 14 : i32
        %add3A_1691 = arith.addi %add3A_90, %add3A_1690 : i32
        %get3A_1692 = arith.index_cast %add3A_1691 : i32 to index
        %get3A_1693 = arith.constant 32 : index
        %get3A_1694 = tpu.vector_load %arg7[%get3A_1692, %get3A_1693] {strides = array<i32>} : memref<128x128xf32, #tpu.memory_space<vmem>>, vector<16xf32>,
        %add3A_1695 = arith.constant 14 : i32
        %add3A_1696 = arith.addi %add3A_90, %add3A_1695 : i32
        %get3A_1697 = arith.index_cast %add3A_1696 : i32 to index
        %get3A_1698 = arith.constant 48 : index
        %get3A_1699 = tpu.vector_load %arg7[%get3A_1697, %get3A_1698] {strides = array<i32>} : memref<128x128xf32, #tpu.memory_space<vmem>>, vector<16xf32>,
        %add3A_1700 = arith.constant 14 : i32
        %add3A_1701 = arith.addi %add3A_90, %add3A_1700 : i32
        %get3A_1702 = arith.index_cast %add3A_1701 : i32 to index
        %get3A_1703 = arith.constant 64 : index
        %get3A_1704 = tpu.vector_load %arg7[%get3A_1702, %get3A_1703] {strides = array<i32>} : memref<128x128xf32, #tpu.memory_space<vmem>>, vector<16xf32>,
        %add3A_1705 = arith.constant 14 : i32
        %add3A_1706 = arith.addi %add3A_90, %add3A_1705 : i32
        %get3A_1707 = arith.index_cast %add3A_1706 : i32 to index
        %get3A_1708 = arith.constant 80 : index
        %get3A_1709 = tpu.vector_load %arg7[%get3A_1707, %get3A_1708] {strides = array<i32>} : memref<128x128xf32, #tpu.memory_space<vmem>>, vector<16xf32>,
        %add3A_1710 = arith.constant 14 : i32
        %add3A_1711 = arith.addi %add3A_90, %add3A_1710 : i32
        %get3A_1712 = arith.index_cast %add3A_1711 : i32 to index
        %get3A_1713 = arith.constant 96 : index
        %get3A_1714 = tpu.vector_load %arg7[%get3A_1712, %get3A_1713] {strides = array<i32>} : memref<128x128xf32, #tpu.memory_space<vmem>>, vector<16xf32>,
        %add3A_1715 = arith.constant 14 : i32
        %add3A_1716 = arith.addi %add3A_90, %add3A_1715 : i32
        %get3A_1717 = arith.index_cast %add3A_1716 : i32 to index
        %get3A_1718 = arith.constant 112 : index
        %get3A_1719 = tpu.vector_load %arg7[%get3A_1717, %get3A_1718] {strides = array<i32>} : memref<128x128xf32, #tpu.memory_space<vmem>>, vector<16xf32>,
        %add3A_1720 = arith.constant 64 : i32
        %add3A_1721 = arith.addi %add3A_1720, %add3A_90 : i32
        %add3A_1722 = arith.constant 14 : i32
        %add3A_1723 = arith.addi %add3A_1721, %add3A_1722 : i32
        %get3A_1724 = arith.index_cast %add3A_1723 : i32 to index
        %get3A_1725 = arith.constant 0 : index
        %get3A_1726 = tpu.vector_load %arg7[%get3A_1724, %get3A_1725] {strides = array<i32>} : memref<128x128xf32, #tpu.memory_space<vmem>>, vector<16xf32>,
        %add3A_1727 = arith.constant 64 : i32
        %add3A_1728 = arith.addi %add3A_1727, %add3A_90 : i32
        %add3A_1729 = arith.constant 14 : i32
        %add3A_1730 = arith.addi %add3A_1728, %add3A_1729 : i32
        %get3A_1731 = arith.index_cast %add3A_1730 : i32 to index
        %get3A_1732 = arith.constant 16 : index
        %get3A_1733 = tpu.vector_load %arg7[%get3A_1731, %get3A_1732] {strides = array<i32>} : memref<128x128xf32, #tpu.memory_space<vmem>>, vector<16xf32>,
        %add3A_1734 = arith.constant 64 : i32
        %add3A_1735 = arith.addi %add3A_1734, %add3A_90 : i32
        %add3A_1736 = arith.constant 14 : i32
        %add3A_1737 = arith.addi %add3A_1735, %add3A_1736 : i32
        %get3A_1738 = arith.index_cast %add3A_1737 : i32 to index
        %get3A_1739 = arith.constant 32 : index
        %get3A_1740 = tpu.vector_load %arg7[%get3A_1738, %get3A_1739] {strides = array<i32>} : memref<128x128xf32, #tpu.memory_space<vmem>>, vector<16xf32>,
        %add3A_1741 = arith.constant 64 : i32
        %add3A_1742 = arith.addi %add3A_1741, %add3A_90 : i32
        %add3A_1743 = arith.constant 14 : i32
        %add3A_1744 = arith.addi %add3A_1742, %add3A_1743 : i32
        %get3A_1745 = arith.index_cast %add3A_1744 : i32 to index
        %get3A_1746 = arith.constant 48 : index
        %get3A_1747 = tpu.vector_load %arg7[%get3A_1745, %get3A_1746] {strides = array<i32>} : memref<128x128xf32, #tpu.memory_space<vmem>>, vector<16xf32>,
        %add3A_1748 = arith.constant 64 : i32
        %add3A_1749 = arith.addi %add3A_1748, %add3A_90 : i32
        %add3A_1750 = arith.constant 14 : i32
        %add3A_1751 = arith.addi %add3A_1749, %add3A_1750 : i32
        %get3A_1752 = arith.index_cast %add3A_1751 : i32 to index
        %get3A_1753 = arith.constant 64 : index
        %get3A_1754 = tpu.vector_load %arg7[%get3A_1752, %get3A_1753] {strides = array<i32>} : memref<128x128xf32, #tpu.memory_space<vmem>>, vector<16xf32>,
        %add3A_1755 = arith.constant 64 : i32
        %add3A_1756 = arith.addi %add3A_1755, %add3A_90 : i32
        %add3A_1757 = arith.constant 14 : i32
        %add3A_1758 = arith.addi %add3A_1756, %add3A_1757 : i32
        %get3A_1759 = arith.index_cast %add3A_1758 : i32 to index
        %get3A_1760 = arith.constant 80 : index
        %get3A_1761 = tpu.vector_load %arg7[%get3A_1759, %get3A_1760] {strides = array<i32>} : memref<128x128xf32, #tpu.memory_space<vmem>>, vector<16xf32>,
        %add3A_1762 = arith.constant 64 : i32
        %add3A_1763 = arith.addi %add3A_1762, %add3A_90 : i32
        %add3A_1764 = arith.constant 14 : i32
        %add3A_1765 = arith.addi %add3A_1763, %add3A_1764 : i32
        %get3A_1766 = arith.index_cast %add3A_1765 : i32 to index
        %get3A_1767 = arith.constant 96 : index
        %get3A_1768 = tpu.vector_load %arg7[%get3A_1766, %get3A_1767] {strides = array<i32>} : memref<128x128xf32, #tpu.memory_space<vmem>>, vector<16xf32>,
        %add3A_1769 = arith.constant 64 : i32
        %add3A_1770 = arith.addi %add3A_1769, %add3A_90 : i32
        %add3A_1771 = arith.constant 14 : i32
        %add3A_1772 = arith.addi %add3A_1770, %add3A_1771 : i32
        %get3A_1773 = arith.index_cast %add3A_1772 : i32 to index
        %get3A_1774 = arith.constant 112 : index
        %get3A_1775 = tpu.vector_load %arg7[%get3A_1773, %get3A_1774] {strides = array<i32>} : memref<128x128xf32, #tpu.memory_space<vmem>>, vector<16xf32>,
        %mul3A_1776 = arith.mulf %get3A_1569, %get3A_1611 : vector<16xf32>
        %mul3A_1777 = arith.mulf %get3A_1574, %get3A_1618 : vector<16xf32>
        %mul3A_1778 = arith.mulf %get3A_1579, %get3A_1625 : vector<16xf32>
        %add3A_1779 = arith.addf %mul3A_1776, %mul3A_1778 : vector<16xf32>
        %mul3A_1780 = arith.mulf %get3A_1584, %get3A_1632 : vector<16xf32>
        %add3A_1781 = arith.addf %mul3A_1777, %mul3A_1780 : vector<16xf32>
        %mul3A_1782 = arith.mulf %get3A_1589, %get3A_1639 : vector<16xf32>
        %add3A_1783 = arith.addf %add3A_1779, %mul3A_1782 : vector<16xf32>
        %mul3A_1784 = arith.mulf %get3A_1594, %get3A_1646 : vector<16xf32>
        %add3A_1785 = arith.addf %add3A_1781, %mul3A_1784 : vector<16xf32>
        %mul3A_1786 = arith.mulf %get3A_1599, %get3A_1653 : vector<16xf32>
        %add3A_1787 = arith.addf %add3A_1783, %mul3A_1786 : vector<16xf32>
        %mul3A_1788 = arith.mulf %get3A_1604, %get3A_1660 : vector<16xf32>
        %add3A_1789 = arith.addf %add3A_1785, %mul3A_1788 : vector<16xf32>
        %add3A_1790 = arith.addf %add3A_1787, %add3A_1789 : vector<16xf32>
        %swap3A_1791 = arith.constant 13 : i32
        %swap3A_1792 = arith.index_cast %swap3A_1791 : i32 to index
        %swap3A_1793 = arith.constant 0 : index
        %swap3A_1794 = tpu.vector_load %arg10[%swap3A_1792, %swap3A_1793] {strides = array<i32>} : memref<16x16xf32, #tpu.memory_space<vmem>>, vector<16xf32>,
        tpu.vector_store %arg10[%swap3A_1792, %swap3A_1793], %add3A_1790 {strides = array<i32>} : memref<16x16xf32, #tpu.memory_space<vmem>>, vector<16xf32>,
        %add3A_1795 = arith.constant 15 : i32
        %add3A_1796 = arith.addi %add3A_90, %add3A_1795 : i32
        %get3A_1797 = arith.index_cast %add3A_1796 : i32 to index
        %get3A_1798 = arith.constant 0 : index
        %get3A_1799 = tpu.vector_load %arg7[%get3A_1797, %get3A_1798] {strides = array<i32>} : memref<128x128xf32, #tpu.memory_space<vmem>>, vector<16xf32>,
        %add3A_1800 = arith.constant 15 : i32
        %add3A_1801 = arith.addi %add3A_90, %add3A_1800 : i32
        %get3A_1802 = arith.index_cast %add3A_1801 : i32 to index
        %get3A_1803 = arith.constant 16 : index
        %get3A_1804 = tpu.vector_load %arg7[%get3A_1802, %get3A_1803] {strides = array<i32>} : memref<128x128xf32, #tpu.memory_space<vmem>>, vector<16xf32>,
        %add3A_1805 = arith.constant 15 : i32
        %add3A_1806 = arith.addi %add3A_90, %add3A_1805 : i32
        %get3A_1807 = arith.index_cast %add3A_1806 : i32 to index
        %get3A_1808 = arith.constant 32 : index
        %get3A_1809 = tpu.vector_load %arg7[%get3A_1807, %get3A_1808] {strides = array<i32>} : memref<128x128xf32, #tpu.memory_space<vmem>>, vector<16xf32>,
        %add3A_1810 = arith.constant 15 : i32
        %add3A_1811 = arith.addi %add3A_90, %add3A_1810 : i32
        %get3A_1812 = arith.index_cast %add3A_1811 : i32 to index
        %get3A_1813 = arith.constant 48 : index
        %get3A_1814 = tpu.vector_load %arg7[%get3A_1812, %get3A_1813] {strides = array<i32>} : memref<128x128xf32, #tpu.memory_space<vmem>>, vector<16xf32>,
        %add3A_1815 = arith.constant 15 : i32
        %add3A_1816 = arith.addi %add3A_90, %add3A_1815 : i32
        %get3A_1817 = arith.index_cast %add3A_1816 : i32 to index
        %get3A_1818 = arith.constant 64 : index
        %get3A_1819 = tpu.vector_load %arg7[%get3A_1817, %get3A_1818] {strides = array<i32>} : memref<128x128xf32, #tpu.memory_space<vmem>>, vector<16xf32>,
        %add3A_1820 = arith.constant 15 : i32
        %add3A_1821 = arith.addi %add3A_90, %add3A_1820 : i32
        %get3A_1822 = arith.index_cast %add3A_1821 : i32 to index
        %get3A_1823 = arith.constant 80 : index
        %get3A_1824 = tpu.vector_load %arg7[%get3A_1822, %get3A_1823] {strides = array<i32>} : memref<128x128xf32, #tpu.memory_space<vmem>>, vector<16xf32>,
        %add3A_1825 = arith.constant 15 : i32
        %add3A_1826 = arith.addi %add3A_90, %add3A_1825 : i32
        %get3A_1827 = arith.index_cast %add3A_1826 : i32 to index
        %get3A_1828 = arith.constant 96 : index
        %get3A_1829 = tpu.vector_load %arg7[%get3A_1827, %get3A_1828] {strides = array<i32>} : memref<128x128xf32, #tpu.memory_space<vmem>>, vector<16xf32>,
        %add3A_1830 = arith.constant 15 : i32
        %add3A_1831 = arith.addi %add3A_90, %add3A_1830 : i32
        %get3A_1832 = arith.index_cast %add3A_1831 : i32 to index
        %get3A_1833 = arith.constant 112 : index
        %get3A_1834 = tpu.vector_load %arg7[%get3A_1832, %get3A_1833] {strides = array<i32>} : memref<128x128xf32, #tpu.memory_space<vmem>>, vector<16xf32>,
        %add3A_1835 = arith.constant 64 : i32
        %add3A_1836 = arith.addi %add3A_1835, %add3A_90 : i32
        %add3A_1837 = arith.constant 15 : i32
        %add3A_1838 = arith.addi %add3A_1836, %add3A_1837 : i32
        %get3A_1839 = arith.index_cast %add3A_1838 : i32 to index
        %get3A_1840 = arith.constant 0 : index
        %get3A_1841 = tpu.vector_load %arg7[%get3A_1839, %get3A_1840] {strides = array<i32>} : memref<128x128xf32, #tpu.memory_space<vmem>>, vector<16xf32>,
        %add3A_1842 = arith.constant 64 : i32
        %add3A_1843 = arith.addi %add3A_1842, %add3A_90 : i32
        %add3A_1844 = arith.constant 15 : i32
        %add3A_1845 = arith.addi %add3A_1843, %add3A_1844 : i32
        %get3A_1846 = arith.index_cast %add3A_1845 : i32 to index
        %get3A_1847 = arith.constant 16 : index
        %get3A_1848 = tpu.vector_load %arg7[%get3A_1846, %get3A_1847] {strides = array<i32>} : memref<128x128xf32, #tpu.memory_space<vmem>>, vector<16xf32>,
        %add3A_1849 = arith.constant 64 : i32
        %add3A_1850 = arith.addi %add3A_1849, %add3A_90 : i32
        %add3A_1851 = arith.constant 15 : i32
        %add3A_1852 = arith.addi %add3A_1850, %add3A_1851 : i32
        %get3A_1853 = arith.index_cast %add3A_1852 : i32 to index
        %get3A_1854 = arith.constant 32 : index
        %get3A_1855 = tpu.vector_load %arg7[%get3A_1853, %get3A_1854] {strides = array<i32>} : memref<128x128xf32, #tpu.memory_space<vmem>>, vector<16xf32>,
        %add3A_1856 = arith.constant 64 : i32
        %add3A_1857 = arith.addi %add3A_1856, %add3A_90 : i32
        %add3A_1858 = arith.constant 15 : i32
        %add3A_1859 = arith.addi %add3A_1857, %add3A_1858 : i32
        %get3A_1860 = arith.index_cast %add3A_1859 : i32 to index
        %get3A_1861 = arith.constant 48 : index
        %get3A_1862 = tpu.vector_load %arg7[%get3A_1860, %get3A_1861] {strides = array<i32>} : memref<128x128xf32, #tpu.memory_space<vmem>>, vector<16xf32>,
        %add3A_1863 = arith.constant 64 : i32
        %add3A_1864 = arith.addi %add3A_1863, %add3A_90 : i32
        %add3A_1865 = arith.constant 15 : i32
        %add3A_1866 = arith.addi %add3A_1864, %add3A_1865 : i32
        %get3A_1867 = arith.index_cast %add3A_1866 : i32 to index
        %get3A_1868 = arith.constant 64 : index
        %get3A_1869 = tpu.vector_load %arg7[%get3A_1867, %get3A_1868] {strides = array<i32>} : memref<128x128xf32, #tpu.memory_space<vmem>>, vector<16xf32>,
        %add3A_1870 = arith.constant 64 : i32
        %add3A_1871 = arith.addi %add3A_1870, %add3A_90 : i32
        %add3A_1872 = arith.constant 15 : i32
        %add3A_1873 = arith.addi %add3A_1871, %add3A_1872 : i32
        %get3A_1874 = arith.index_cast %add3A_1873 : i32 to index
        %get3A_1875 = arith.constant 80 : index
        %get3A_1876 = tpu.vector_load %arg7[%get3A_1874, %get3A_1875] {strides = array<i32>} : memref<128x128xf32, #tpu.memory_space<vmem>>, vector<16xf32>,
        %add3A_1877 = arith.constant 64 : i32
        %add3A_1878 = arith.addi %add3A_1877, %add3A_90 : i32
        %add3A_1879 = arith.constant 15 : i32
        %add3A_1880 = arith.addi %add3A_1878, %add3A_1879 : i32
        %get3A_1881 = arith.index_cast %add3A_1880 : i32 to index
        %get3A_1882 = arith.constant 96 : index
        %get3A_1883 = tpu.vector_load %arg7[%get3A_1881, %get3A_1882] {strides = array<i32>} : memref<128x128xf32, #tpu.memory_space<vmem>>, vector<16xf32>,
        %add3A_1884 = arith.constant 64 : i32
        %add3A_1885 = arith.addi %add3A_1884, %add3A_90 : i32
        %add3A_1886 = arith.constant 15 : i32
        %add3A_1887 = arith.addi %add3A_1885, %add3A_1886 : i32
        %get3A_1888 = arith.index_cast %add3A_1887 : i32 to index
        %get3A_1889 = arith.constant 112 : index
        %get3A_1890 = tpu.vector_load %arg7[%get3A_1888, %get3A_1889] {strides = array<i32>} : memref<128x128xf32, #tpu.memory_space<vmem>>, vector<16xf32>,
        %mul3A_1891 = arith.mulf %get3A_1684, %get3A_1726 : vector<16xf32>
        %mul3A_1892 = arith.mulf %get3A_1689, %get3A_1733 : vector<16xf32>
        %mul3A_1893 = arith.mulf %get3A_1694, %get3A_1740 : vector<16xf32>
        %add3A_1894 = arith.addf %mul3A_1891, %mul3A_1893 : vector<16xf32>
        %mul3A_1895 = arith.mulf %get3A_1699, %get3A_1747 : vector<16xf32>
        %add3A_1896 = arith.addf %mul3A_1892, %mul3A_1895 : vector<16xf32>
        %mul3A_1897 = arith.mulf %get3A_1704, %get3A_1754 : vector<16xf32>
        %add3A_1898 = arith.addf %add3A_1894, %mul3A_1897 : vector<16xf32>
        %mul3A_1899 = arith.mulf %get3A_1709, %get3A_1761 : vector<16xf32>
        %add3A_1900 = arith.addf %add3A_1896, %mul3A_1899 : vector<16xf32>
        %mul3A_1901 = arith.mulf %get3A_1714, %get3A_1768 : vector<16xf32>
        %add3A_1902 = arith.addf %add3A_1898, %mul3A_1901 : vector<16xf32>
        %mul3A_1903 = arith.mulf %get3A_1719, %get3A_1775 : vector<16xf32>
        %add3A_1904 = arith.addf %add3A_1900, %mul3A_1903 : vector<16xf32>
        %add3A_1905 = arith.addf %add3A_1902, %add3A_1904 : vector<16xf32>
        %swap3A_1906 = arith.constant 14 : i32
        %swap3A_1907 = arith.index_cast %swap3A_1906 : i32 to index
        %swap3A_1908 = arith.constant 0 : index
        %swap3A_1909 = tpu.vector_load %arg10[%swap3A_1907, %swap3A_1908] {strides = array<i32>} : memref<16x16xf32, #tpu.memory_space<vmem>>, vector<16xf32>,
        tpu.vector_store %arg10[%swap3A_1907, %swap3A_1908], %add3A_1905 {strides = array<i32>} : memref<16x16xf32, #tpu.memory_space<vmem>>, vector<16xf32>,
        %mul3A_1910 = arith.mulf %get3A_1799, %get3A_1841 : vector<16xf32>
        %mul3A_1911 = arith.mulf %get3A_1804, %get3A_1848 : vector<16xf32>
        %mul3A_1912 = arith.mulf %get3A_1809, %get3A_1855 : vector<16xf32>
        %add3A_1913 = arith.addf %mul3A_1910, %mul3A_1912 : vector<16xf32>
        %mul3A_1914 = arith.mulf %get3A_1814, %get3A_1862 : vector<16xf32>
        %add3A_1915 = arith.addf %mul3A_1911, %mul3A_1914 : vector<16xf32>
        %mul3A_1916 = arith.mulf %get3A_1819, %get3A_1869 : vector<16xf32>
        %add3A_1917 = arith.addf %add3A_1913, %mul3A_1916 : vector<16xf32>
        %mul3A_1918 = arith.mulf %get3A_1824, %get3A_1876 : vector<16xf32>
        %add3A_1919 = arith.addf %add3A_1915, %mul3A_1918 : vector<16xf32>
        %mul3A_1920 = arith.mulf %get3A_1829, %get3A_1883 : vector<16xf32>
        %add3A_1921 = arith.addf %add3A_1917, %mul3A_1920 : vector<16xf32>
        %mul3A_1922 = arith.mulf %get3A_1834, %get3A_1890 : vector<16xf32>
        %add3A_1923 = arith.addf %add3A_1919, %mul3A_1922 : vector<16xf32>
        %add3A_1924 = arith.addf %add3A_1921, %add3A_1923 : vector<16xf32>
        %swap3A_1925 = arith.constant 15 : i32
        %swap3A_1926 = arith.index_cast %swap3A_1925 : i32 to index
        %swap3A_1927 = arith.constant 0 : index
        %swap3A_1928 = tpu.vector_load %arg10[%swap3A_1926, %swap3A_1927] {strides = array<i32>} : memref<16x16xf32, #tpu.memory_space<vmem>>, vector<16xf32>,
        tpu.vector_store %arg10[%swap3A_1926, %swap3A_1927], %add3A_1924 {strides = array<i32>} : memref<16x16xf32, #tpu.memory_space<vmem>>, vector<16xf32>,
        %broadcast_in_dim3A = arith.constant 0 : i32
        %broadcast_in_dim3A_1929 = vector.broadcast %broadcast_in_dim3A : i32 to vector<16xi32>
        %gather3A = tpu.vector_load_idx %arg10[%iota3A, %broadcast_in_dim3A_1929] : memref<16x16xf32, #tpu.memory_space<vmem>>[vector<16xi32>, vector<16xi32>], vector<16xf32>,
        %broadcast_in_dim3A_1930 = arith.constant 1 : i32
        %broadcast_in_dim3A_1931 = vector.broadcast %broadcast_in_dim3A_1930 : i32 to vector<16xi32>
        %gather3A_1932 = tpu.vector_load_idx %arg10[%iota3A, %broadcast_in_dim3A_1931] : memref<16x16xf32, #tpu.memory_space<vmem>>[vector<16xi32>, vector<16xi32>], vector<16xf32>,
        %add3A_1933 = arith.addf %gather3A, %gather3A_1932 : vector<16xf32>
        %broadcast_in_dim3A_1934 = arith.constant 2 : i32
        %broadcast_in_dim3A_1935 = vector.broadcast %broadcast_in_dim3A_1934 : i32 to vector<16xi32>
        %gather3A_1936 = tpu.vector_load_idx %arg10[%iota3A, %broadcast_in_dim3A_1935] : memref<16x16xf32, #tpu.memory_space<vmem>>[vector<16xi32>, vector<16xi32>], vector<16xf32>,
        %add3A_1937 = arith.addf %add3A_1933, %gather3A_1936 : vector<16xf32>
        %broadcast_in_dim3A_1938 = arith.constant 3 : i32
        %broadcast_in_dim3A_1939 = vector.broadcast %broadcast_in_dim3A_1938 : i32 to vector<16xi32>
        %gather3A_1940 = tpu.vector_load_idx %arg10[%iota3A, %broadcast_in_dim3A_1939] : memref<16x16xf32, #tpu.memory_space<vmem>>[vector<16xi32>, vector<16xi32>], vector<16xf32>,
        %add3A_1941 = arith.addf %add3A_1937, %gather3A_1940 : vector<16xf32>
        %broadcast_in_dim3A_1942 = arith.constant 4 : i32
        %broadcast_in_dim3A_1943 = vector.broadcast %broadcast_in_dim3A_1942 : i32 to vector<16xi32>
        %gather3A_1944 = tpu.vector_load_idx %arg10[%iota3A, %broadcast_in_dim3A_1943] : memref<16x16xf32, #tpu.memory_space<vmem>>[vector<16xi32>, vector<16xi32>], vector<16xf32>,
        %add3A_1945 = arith.addf %add3A_1941, %gather3A_1944 : vector<16xf32>
        %broadcast_in_dim3A_1946 = arith.constant 5 : i32
        %broadcast_in_dim3A_1947 = vector.broadcast %broadcast_in_dim3A_1946 : i32 to vector<16xi32>
        %gather3A_1948 = tpu.vector_load_idx %arg10[%iota3A, %broadcast_in_dim3A_1947] : memref<16x16xf32, #tpu.memory_space<vmem>>[vector<16xi32>, vector<16xi32>], vector<16xf32>,
        %add3A_1949 = arith.addf %add3A_1945, %gather3A_1948 : vector<16xf32>
        %broadcast_in_dim3A_1950 = arith.constant 6 : i32
        %broadcast_in_dim3A_1951 = vector.broadcast %broadcast_in_dim3A_1950 : i32 to vector<16xi32>
        %gather3A_1952 = tpu.vector_load_idx %arg10[%iota3A, %broadcast_in_dim3A_1951] : memref<16x16xf32, #tpu.memory_space<vmem>>[vector<16xi32>, vector<16xi32>], vector<16xf32>,
        %add3A_1953 = arith.addf %add3A_1949, %gather3A_1952 : vector<16xf32>
        %broadcast_in_dim3A_1954 = arith.constant 7 : i32
        %broadcast_in_dim3A_1955 = vector.broadcast %broadcast_in_dim3A_1954 : i32 to vector<16xi32>
        %gather3A_1956 = tpu.vector_load_idx %arg10[%iota3A, %broadcast_in_dim3A_1955] : memref<16x16xf32, #tpu.memory_space<vmem>>[vector<16xi32>, vector<16xi32>], vector<16xf32>,
        %add3A_1957 = arith.addf %add3A_1953, %gather3A_1956 : vector<16xf32>
        %broadcast_in_dim3A_1958 = arith.constant 8 : i32
        %broadcast_in_dim3A_1959 = vector.broadcast %broadcast_in_dim3A_1958 : i32 to vector<16xi32>
        %gather3A_1960 = tpu.vector_load_idx %arg10[%iota3A, %broadcast_in_dim3A_1959] : memref<16x16xf32, #tpu.memory_space<vmem>>[vector<16xi32>, vector<16xi32>], vector<16xf32>,
        %add3A_1961 = arith.addf %add3A_1957, %gather3A_1960 : vector<16xf32>
        %broadcast_in_dim3A_1962 = arith.constant 9 : i32
        %broadcast_in_dim3A_1963 = vector.broadcast %broadcast_in_dim3A_1962 : i32 to vector<16xi32>
        %gather3A_1964 = tpu.vector_load_idx %arg10[%iota3A, %broadcast_in_dim3A_1963] : memref<16x16xf32, #tpu.memory_space<vmem>>[vector<16xi32>, vector<16xi32>], vector<16xf32>,
        %add3A_1965 = arith.addf %add3A_1961, %gather3A_1964 : vector<16xf32>
        %broadcast_in_dim3A_1966 = arith.constant 10 : i32
        %broadcast_in_dim3A_1967 = vector.broadcast %broadcast_in_dim3A_1966 : i32 to vector<16xi32>
        %gather3A_1968 = tpu.vector_load_idx %arg10[%iota3A, %broadcast_in_dim3A_1967] : memref<16x16xf32, #tpu.memory_space<vmem>>[vector<16xi32>, vector<16xi32>], vector<16xf32>,
        %add3A_1969 = arith.addf %add3A_1965, %gather3A_1968 : vector<16xf32>
        %broadcast_in_dim3A_1970 = arith.constant 11 : i32
        %broadcast_in_dim3A_1971 = vector.broadcast %broadcast_in_dim3A_1970 : i32 to vector<16xi32>
        %gather3A_1972 = tpu.vector_load_idx %arg10[%iota3A, %broadcast_in_dim3A_1971] : memref<16x16xf32, #tpu.memory_space<vmem>>[vector<16xi32>, vector<16xi32>], vector<16xf32>,
        %add3A_1973 = arith.addf %add3A_1969, %gather3A_1972 : vector<16xf32>
        %broadcast_in_dim3A_1974 = arith.constant 12 : i32
        %broadcast_in_dim3A_1975 = vector.broadcast %broadcast_in_dim3A_1974 : i32 to vector<16xi32>
        %gather3A_1976 = tpu.vector_load_idx %arg10[%iota3A, %broadcast_in_dim3A_1975] : memref<16x16xf32, #tpu.memory_space<vmem>>[vector<16xi32>, vector<16xi32>], vector<16xf32>,
        %add3A_1977 = arith.addf %add3A_1973, %gather3A_1976 : vector<16xf32>
        %broadcast_in_dim3A_1978 = arith.constant 13 : i32
        %broadcast_in_dim3A_1979 = vector.broadcast %broadcast_in_dim3A_1978 : i32 to vector<16xi32>
        %gather3A_1980 = tpu.vector_load_idx %arg10[%iota3A, %broadcast_in_dim3A_1979] : memref<16x16xf32, #tpu.memory_space<vmem>>[vector<16xi32>, vector<16xi32>], vector<16xf32>,
        %add3A_1981 = arith.addf %add3A_1977, %gather3A_1980 : vector<16xf32>
        %broadcast_in_dim3A_1982 = arith.constant 14 : i32
        %broadcast_in_dim3A_1983 = vector.broadcast %broadcast_in_dim3A_1982 : i32 to vector<16xi32>
        %gather3A_1984 = tpu.vector_load_idx %arg10[%iota3A, %broadcast_in_dim3A_1983] : memref<16x16xf32, #tpu.memory_space<vmem>>[vector<16xi32>, vector<16xi32>], vector<16xf32>,
        %add3A_1985 = arith.addf %add3A_1981, %gather3A_1984 : vector<16xf32>
        %broadcast_in_dim3A_1986 = arith.constant 15 : i32
        %broadcast_in_dim3A_1987 = vector.broadcast %broadcast_in_dim3A_1986 : i32 to vector<16xi32>
        %gather3A_1988 = tpu.vector_load_idx %arg10[%iota3A, %broadcast_in_dim3A_1987] : memref<16x16xf32, #tpu.memory_space<vmem>>[vector<16xi32>, vector<16xi32>], vector<16xf32>,
        %add3A_1989 = arith.addf %add3A_1985, %gather3A_1988 : vector<16xf32>
        %neg3A = arith.constant 0.000000e+00 : f32
        %neg3A_1990 = vector.broadcast %neg3A : f32 to vector<16xf32>
        %neg3A_1991 = arith.subf %neg3A_1990, %add3A_1989 : vector<16xf32>
        %exp3A = math.exp %neg3A_1991 : vector<16xf32>
        %add3A_1992 = arith.constant 1.000000e+00 : f32
        %add3A_1993 = vector.broadcast %add3A_1992 : f32 to vector<16xf32>
        %add3A_1994 = arith.addf %add3A_1993, %exp3A : vector<16xf32>
        %div3A = arith.constant 1.000000e+00 : f32
        %div3A_1995 = vector.broadcast %div3A : f32 to vector<16xf32>
        %div3A_1996 = arith.divf %div3A_1995, %add3A_1994 : vector<16xf32>
        %swap3A_1997 = arith.index_cast %add3A_90 : i32 to index
        %swap3A_1998 = tpu.vector_load %arg9[%swap3A_1997] {strides = array<i32>} : memref<64xf32, #tpu.memory_space<vmem>>, vector<16xf32>,
        tpu.vector_store %arg9[%swap3A_1997], %div3A_1996 {strides = array<i32>} : memref<64xf32, #tpu.memory_space<vmem>>, vector<16xf32>,
      }
      %scan3A_75 = arith.constant 4 : i32
      %mul3A_76 = arith.constant 64 : i32
      %mul3A_77 = arith.muli %add3A_59, %mul3A_76 : i32
      %add3A_78 = arith.addi %mul3A_2, %mul3A_77 : i32
      %dma_start3A_79 = tpu.memref_slice %arg4[%add3A_78] : memref<16384xf32, #tpu.memory_space<hbm>> -> memref<64xf32, #tpu.memory_space<hbm>>
      %dma_start3A_80 = tpu.memref_slice %arg4[%add3A_78] : memref<16384xf32, #tpu.memory_space<hbm>> -> memref<64xf32, #tpu.memory_space<hbm>>
      tpu.enqueue_dma source(%arg9 : memref<64xf32, #tpu.memory_space<vmem>>) target(%dma_start3A_80 : memref<64xf32, #tpu.memory_space<hbm>>) target_semaphore(%arg14 : memref<!tpu.dma_semaphore, #tpu.memory_space<semaphore_mem>>)
      %lt3A_81 = arith.constant 3 : i32
      %lt3A_82 = arith.cmpi slt, %add3A_29, %lt3A_81 : i32
      %convert_element_type3A_83 = arith.extui %lt3A_82 : i1 to i32
      %cond3A_84 = arith.constant 0 : i32
      %cond3A_85 = arith.cmpi ne, %convert_element_type3A_83, %cond3A_84 : i32
      scf.if %cond3A_85 {
        %add3A_86 = arith.constant 2 : i32
        %add3A_87 = arith.addi %add3A_59, %add3A_86 : i32
        %mul3A_88 = arith.constant 128 : i32
        %mul3A_89 = arith.muli %add3A_87, %mul3A_88 : i32
        %dma_start3A_90 = tpu.memref_slice %arg5[%mul3A_89] : memref<1024xi32, #tpu.memory_space<vmem>> -> memref<128xi32, #tpu.memory_space<vmem>>
        %dma_start3A_91 = arith.constant 0 : i32
        %dma_start3A_92 = arith.constant 0 : i32
        %dma_start3A_93 = tpu.memref_slice %arg3[%dma_start3A_91, %dma_start3A_92] : memref<100000x128xf32, #tpu.memory_space<hbm>> -> memref<100000x128xf32, #tpu.memory_space<hbm>>
        tpu.enqueue_indirect_dma source(%dma_start3A_93 : memref<100000x128xf32, #tpu.memory_space<hbm>>) target(%arg7 : memref<128x128xf32, #tpu.memory_space<vmem>>) offsets(%dma_start3A_90 : memref<128xi32, #tpu.memory_space<vmem>>) semaphore(%arg12 : memref<!tpu.dma_semaphore, #tpu.memory_space<semaphore_mem>>)
      } else {
      }
    }
    %scan3A_17 = arith.constant 4 : i32
    %add3A_18 = arith.constant 384 : i32
    %add3A_19 = arith.addi %mul3A_2, %add3A_18 : i32
    %dma_wait3A = tpu.memref_slice %arg4[%add3A_19] : memref<16384xf32, #tpu.memory_space<hbm>> -> memref<64xf32, #tpu.memory_space<hbm>>
    %dma_wait3A_20 = tpu.memref_slice %arg4[%add3A_19] : memref<16384xf32, #tpu.memory_space<hbm>> -> memref<64xf32, #tpu.memory_space<hbm>>
    tpu.wait_dma2 semaphore(%arg13 : memref<!tpu.dma_semaphore, #tpu.memory_space<semaphore_mem>>) src(%arg8 : memref<64xf32, #tpu.memory_space<vmem>>) dst(%dma_wait3A_20 : memref<64xf32, #tpu.memory_space<hbm>>)
    %add3A_21 = arith.constant 448 : i32
    %add3A_22 = arith.addi %mul3A_2, %add3A_21 : i32
    %dma_wait3A_23 = tpu.memref_slice %arg4[%add3A_22] : memref<16384xf32, #tpu.memory_space<hbm>> -> memref<64xf32, #tpu.memory_space<hbm>>
    %dma_wait3A_24 = tpu.memref_slice %arg4[%add3A_22] : memref<16384xf32, #tpu.memory_space<hbm>> -> memref<64xf32, #tpu.memory_space<hbm>>
    tpu.wait_dma2 semaphore(%arg14 : memref<!tpu.dma_semaphore, #tpu.memory_space<semaphore_mem>>) src(%arg9 : memref<64xf32, #tpu.memory_space<vmem>>) dst(%dma_wait3A_24 : memref<64xf32, #tpu.memory_space<hbm>>)
    return
  }
}

</mosaic_0001>

<sc_bundles>
// kernel: kernel.4.cloned.1.call-start
scs
__scs_entry_jumppad:
0x0: {  	(pc) =	sbr.rel $0x88, $3  }
0x1: {  	(tag) =	ssettag $0x0;
	lr =	simm.s32 $0x1  }
0x2: {  	[smem:$0x3F9F] =	sst lr;
	_ =	strace $0xD0000000  }
0x3: {  	_ = 	snop  }
0x4: {  	_ = 	snop  }
0x5: {  	_ = 	snop  }
0x6: {  	_ = 	snop  }
0x7: {  	_ = 	snop  }
__scs_overlays_trampoline_lowered:
0x8: {  	[smem:$0x3FAE] =	sst s0  }
0x9: {  	[smem:$0x3FAF] =	sst s1  }
0xa: {  	[smem:$0x3FB0] =	sst s2  }
0xb: {  	[smem:$0x3FB1] =	sst s3  }
0xc: {  	[smem:$0x3FB2] =	sst s4  }
0xd: {  	[smem:$0x3FB3] =	sst s5  }
0xe: {  	[smem:$0x3FB4] =	sst s6  }
0xf: {  	[smem:$0x3FB5] =	sst s7  }
0x10: {  	[smem:$0x3FB6] =	sst s8  }
0x11: {  	[smem:$0x3FB7] =	sst s9;
	s0 =	simm.s32 @!p0 $0x0  }
0x12: {  	s1 =	sld [smem:$0x3F9D];
	s0 =	simm.s32 @p0 $0x1  }
0x13: {  	[smem:$0x3FB8] =	sst s0;
	s0 =	simm.s32 @!p1 $0x0  }
0x14: {  	s2 =	sld [smem:$0x3F9C];
	s0 =	simm.s32 @p1 $0x1  }
0x15: {  	[smem:$0x3FB9] =	sst s0;
	s0 =	simm.s32 @!p2 $0x0  }
0x16: {  	s3 =	sld [smem:$0x3FDB];
	s0 =	simm.s32 @p2 $0x1  }
0x17: {  	s4 =	simm.s32 $0x1BF5;
	[smem:$0x3FBB] =	sst s0  }
0x18: {  	s0 =	sld [smem:$0x3F9E];
	_ =	swait.ge [sflag:s4], $0x0  }
0x19: {  	s7 =	sld [smem:$0x3F9F]  }
0x1a: {  	s8 =	sadd.s32 $0xFFFFE003, lr  }
0x1b: {  	s9 =	sadd.s32 $0xFFFFFEF7, lr;
	s5 =	simm.s32 $0xFFFFFFFF;
	p2 =	slt.u32 s8, $0xFFFFF086  }
0x1c: {  	p1 =	slt.u32 s9, $0xF7A;
	s5 =	simm.s32 @!p2 $0x0  }
0x1d: {  	s5 =	simm.s32 @p1 $0x1;
	p0 =	seq.s32 s7, s2  }
0x1e: {  	s7 =	smul.u32 @!p0 $0xF7A, s2;
	p2 =	seq.s32 @!p0 s5, $0x0  }
0x1f: {  	s9 =	smul.u32 $0xF7A, s1;
	s8 =	simm.s32 @!p0 $0x1BF5;
	p2 =	por !p2, p0  }
0x20: {  	[sflag:s8] =	ssyncset.s32 @!p0 $0xFFFFF086;
	s6 =	sadd.s32 @!p0 s3, s7;
	s7 =	simm.s32 @!p0 $0x108  }
0x21: {  	s3 =	sadd.s32 s3, s9;
	s6 =	sadd.s32 @!p0 $0x88, s6;
	s7 =	simm.s32 @p2 $0x1082  }
0x22: {  	[simem:s7], [sflag:s8] =	dma.local @!p0 [hbm:s6], $0xF7A  }
0x23: {  	s9 =	sor.u32 $0xD0000000, s2;
	s6 =	simm.s32 $0x108;
	_ =	swait.ge @!p0 [sflag:s8], $0x0  }
0x24: {  	s3 =	sadd.s32 $0x88, s3;
	s6 =	simm.s32 @!p1 $0x1082;
	[sflag:s4] =	ssyncset.s32 $0xFFFFF086  }
0x25: {  	[simem:s6], [sflag:s4] =	dma.local [hbm:s3], $0xF7A  }
0x26: {  	[smem:$0x3F9F] =	sst s1;
	(tag) =	ssettag s2;
	_ =	strace s9  }
0x27: {  	s1 =	sld [smem:$0x3FAF]  }
0x28: {  	s2 =	sld [smem:$0x3FB0]  }
0x29: {  	s4 =	sld [smem:$0x3FB2]  }
0x2a: {  	p0 =	seq.s32 s5, $0x0;
	s5 =	sld [smem:$0x3FB3]  }
0x2b: {  	s6 =	sld [smem:$0x3FB4]  }
0x2c: {  	s7 =	sld [smem:$0x3FB5]  }
0x2d: {  	s3 =	simm.s32 $0x108;
	s8 =	sld [smem:$0x3FB6]  }
0x2e: {  	s3 =	simm.s32 @!p0 $0x1082;
	s9 =	sld [smem:$0x3FB7]  }
0x2f: {  	lr =	sadd.s32 s0, s3;
	s0 =	sld [smem:$0x3FAE]  }
0x30: {  	s3 =	sld [smem:$0x3FB1]  }
0x31: {  	[smem:$0x3FBA] =	sst s10  }
0x32: {  	s10 =	sld [smem:$0x3FB8];
	_ =	sdelay $0x3  }
0x33: {  	p0 =	seq.s32 s10, $0x1;
	s10 =	sld [smem:$0x3FBA];
	_ =	sdelay $0x3  }
0x34: {  	[smem:$0x3FBA] =	sst s10  }
0x35: {  	s10 =	sld [smem:$0x3FB9];
	_ =	sdelay $0x3  }
0x36: {  	p1 =	seq.s32 s10, $0x1;
	s10 =	sld [smem:$0x3FBA];
	_ =	sdelay $0x3  }
0x37: {  	[smem:$0x3FBA] =	sst s10  }
0x38: {  	s10 =	sld [smem:$0x3FBB]  }
0x39: {  	_ = 	snop;
	(pc) =	sbr.ind lr, $3  }
0x3a: {  	_ = 	snop  }
0x3b: {  	_ = 	snop  }
0x3c: {  	p2 =	seq.s32 s10, $0x1;
	s10 =	sld [smem:$0x3FBA]  }
0x3d: {  	_ =	shalt  }
0x3e: {  	_ =	shalt  }
0x3f: {  	_ =	shalt  }
0x40: {  	_ =	shalt  }
0x41: {  	_ =	shalt  }
0x42: {  	_ =	shalt  }
0x43: {  	_ =	shalt  }
0x44: {  	_ =	shalt  }
0x45: {  	_ =	shalt  }
0x46: {  	_ =	shalt  }
0x47: {  	_ =	shalt  }
0x48: {  	_ =	shalt  }
0x49: {  	_ =	shalt  }
0x4a: {  	_ =	shalt  }
0x4b: {  	_ =	shalt  }
0x4c: {  	_ =	shalt  }
0x4d: {  	_ =	shalt  }
0x4e: {  	_ =	shalt  }
0x4f: {  	_ =	shalt  }
0x50: {  	_ =	shalt  }
0x51: {  	_ =	shalt  }
0x52: {  	_ =	shalt  }
0x53: {  	_ =	shalt  }
0x54: {  	_ =	shalt  }
0x55: {  	_ =	shalt  }
0x56: {  	_ =	shalt  }
0x57: {  	_ =	shalt  }
0x58: {  	_ =	shalt  }
0x59: {  	_ =	shalt  }
0x5a: {  	_ =	shalt  }
0x5b: {  	_ =	shalt  }
0x5c: {  	_ =	shalt  }
0x5d: {  	_ =	shalt  }
0x5e: {  	_ =	shalt  }
0x5f: {  	_ =	shalt  }
0x60: {  	_ =	shalt  }
0x61: {  	_ =	shalt  }
0x62: {  	_ =	shalt  }
0x63: {  	_ =	shalt  }
0x64: {  	_ =	shalt  }
0x65: {  	_ =	shalt  }
0x66: {  	_ =	shalt  }
0x67: {  	_ =	shalt  }
0x68: {  	_ =	shalt  }
0x69: {  	_ =	shalt  }
0x6a: {  	_ =	shalt  }
0x6b: {  	_ =	shalt  }
0x6c: {  	_ =	shalt  }
0x6d: {  	_ =	shalt  }
0x6e: {  	_ =	shalt  }
0x6f: {  	_ =	shalt  }
0x70: {  	_ =	shalt  }
0x71: {  	_ =	shalt  }
0x72: {  	_ =	shalt  }
0x73: {  	_ =	shalt  }
0x74: {  	_ =	shalt  }
0x75: {  	_ =	shalt  }
0x76: {  	_ =	shalt  }
0x77: {  	_ =	shalt  }
0x78: {  	_ =	shalt  }
0x79: {  	_ =	shalt  }
0x7a: {  	_ =	shalt  }
0x7b: {  	_ =	shalt  }
0x7c: {  	_ =	shalt  }
0x7d: {  	_ =	shalt  }
0x7e: {  	_ =	shalt  }
0x7f: {  	_ =	shalt  }
0x80: {  	_ =	shalt  }
0x81: {  	_ =	shalt  }
0x82: {  	_ =	shalt  }
0x83: {  	_ =	shalt  }
0x84: {  	_ =	shalt  }
0x85: {  	_ =	shalt  }
0x86: {  	_ =	shalt  }
0x87: {  	_ =	shalt  }
.Lfunc_end0:
.L_simem_size_0:
called_computation_lowered:
.L_overlay_start_0:
0x88: {  	s2 =	sld [smem:$0x3FD9]  }
0x89: {  	s3 =	sld [smem:$0x3FFE];
	_ =	sdelay $0x1  }
0x8a: {  	s1 =	srdreg.scid  }
0x8b: {  	s0 =	sand.u32 $0x1, s1  }
0x8c: {  	s17 =	sshll.u32 s0, $0xA;
	s2 =	sadd.s32 s3, s2  }
0x8d: {  	s2 =	sadd.s32 s2, s17  }
0x8e: {  	[smem:$0x3FC6] =	sst s2  }
0x8f: {  	_ = 	snop  }
0x90: {  	s2 =	sld [smem:$0x3FC8]  }
0x91: {  	s18 =	sld [smem:$0x3FD0];
	(tm) =	ssettm $0x1  }
0x92: {  	s4 =	sld [smem:$0x3FFB];
	_ =	sdelay $0x3  }
0x93: {  	_ =	strace s4  }
0x94: {  	s4 =	sld [smem:$0x3FFC];
	_ =	sdelay $0x3  }
0x95: {  	_ =	strace s4  }
0x96: {  	s4 =	sld [smem:$0x3FFD];
	_ =	sdelay $0x3  }
0x97: {  	_ =	strace s4  }
0x98: {  	_ =	strace $0x8FFFFFFF  }
0x99: {  	s19 =	sld [smem:$0x3FDB];
	_ =	sdelay $0x1  }
0x9a: {  	s5 =	simm.s32 $_scs_section_size  }
0x9b: {  	s6 =	simm.s32 $_size__tile_overlayer_lowered;
	s7 =	simm.s32 $_tile_overlayer_lowered  }
0x9c: {  	s22 =	simm.s32 $0x1BFF;
	s21 =	sshll.u32 s7, $0x1;
	s4 =	sadd.s32 s5, s19  }
0x9d: {  	s8 =	simm.s32 $0x0;
	s20 =	sshll.u32 s6, $0x1;
	s6 =	sadd.s32 s21, s4  }
0x9e: {  	[timem:s8], [sflag:s22] =	dma.local [hbm:s6], s20  }
0x9f: {  	_ =	swait.ge [sflag:s22], s20  }
0xa0: {  	s5 =	ssub.s32 $0x0, s20;
	[sflag:s22] =	ssyncset.done $0x0  }
0xa1: {  	[sflag:s22] =	ssyncadd.s32 s5;
	_ =	sdelay $0x1  }
0xa2: {  	s23 =	simm.s32 $0x1B8B  }
0xa3: {  	_ =	swait.ge [sflag:s23], $0x1  }
0xa4: {  	[sflag:s23] =	ssyncset.done $0x0  }
0xa5: {  	s25 =	simm.s32 $0x1B8E;
	s24 =	sld [smem:$0x3FFE];
	[sflag:s23] =	ssyncadd.s32 $0xFFFFFFFF  }
0xa6: {  	s26 =	simm.s32 $execute0_lowered;
	[smem:$0x3FD2] =	sst s25  }
0xa7: {  	s6 =	sshll.u32 s26, $0x1;
	_ =	strace $0x80000046;
	[dreg:$0x1] =	wrdreg $0xFFFFFFFF  }
0xa8: {  	s28 =	simm.s32 $_size_execute0_lowered;
	s4 =	sadd.s32 s4, s6;
	[dreg:$0x0] =	wrdreg $0x0  }
0xa9: {  	s6 =	sshll.u32 s28, $0x1;
	[dreg:$0x2] =	wrdreg s4  }
0xaa: {  	[dreg:$0x3] =	wrdreg s6  }
0xab: {  	[dreg:$0x4] =	wrdreg $0xC0  }
0xac: {  	_ =	task [dreg:s8], $0x5FFFF  }
0xad: {  	[dreg:$0x1] =	wrdreg $0xFFFFFFFF  }
0xae: {  	[dreg:$0x0] =	wrdreg $0x60  }
0xaf: {  	[dreg:$0x2] =	wrdreg s24  }
0xb0: {  	[dreg:$0x3] =	wrdreg s2  }
0xb1: {  	[dreg:$0x4] =	wrdreg s18  }
0xb2: {  	[dreg:$0x5] =	wrdreg $0x9  }
0xb3: {  	_ =	task.clear_ibuf [dreg:s8], $0x6FFFF;
	_ =	strace $0x90000046  }
0xb4: {  	s29 =	simm.s32 $0x9;
	_ =	strace $0x80000048  }
0xb5: {  	_ =	swait.ge [sflag:s29], $0x1  }
0xb6: {  	[sflag:s29] =	ssyncadd.s32 $0xFFFFFFFF  }
0xb7: {  	_ =	strace $0x90000048  }
0xb8: {  	_ =	sfence  }
0xb9: {  	s30 =	sld [smem:$0x0];
	_ =	sdelay $0x2  }
0xba: {  	s31 =	sshll.u32 s1, $0xD;
	s1 =	sshrl.u32 s1, $0x2  }
0xbb: {  	s3 =	sand.u32 $0x4000, s31;
	s1 =	sadd.s32 s1, s30  }
0xbc: {  	s0 =	sor.u32 s3, s0;
	s1 =	sshll.u32 s1, $0x11  }
0xbd: {  	s0 =	sor.u32 s1, s0  }
0xbe: {  	s0 =	sadd.s32 $0x8F2B, s0  }
0xbf: {  	[sflag:s0] =	ssyncadd.remote.s32 $0x1  }
0xc0: {  	_ =	sfence.sel $0xFFFF  }
0xc1: {  	[dreg:$0x0] =	wrdreg $0xFFFFFFFF;
	(pc) =	sbr.abs _section_cstart, $3  }
0xc2: {  	[dreg:$0x1] =	wrdreg $0xFFFFFFFF  }
0xc3: {  	_ =	task.clear_ibuf [dreg:s8], $0x2FFFF;
	_ =	strace $0x9FFFFFFF  }
0xc4: {  	(tm) =	ssettm $0x7FFFFFFF  }
0xc5: {  	_ =	shalt  }
tec
execute0_lowered:
.L_overlay_start_1:
0x0: {  	(tag) =	ssettag $0x1  }
0x1: {  	s5 =	rddreg [dreg:$0x0]  }
0x2: {  	s2 =	rddreg [dreg:$0x1]  }
0x3: {  	s3 =	rddreg [dreg:$0x2];
	s4 =	srdreg.scid  }
0x4: {  	s1 =	stileid.u32;
	s0 =	rddreg [dreg:$0x3]  }
0x5: {  	s10 =	simm.s32 $0x400;
	s11 =	simm.s32 $0x4400;
	s12 =	simm.s32 $0x1  }
0x6: {  	v0 =	vlaneseq.u32;
	s13 =	simm.s32 $0x8500;
	s14 =	simm.s32 $0x8400;
	s15 =	simm.s32 $0x2  }
0x7: {  	s16 =	simm.s32 $0x4;
	s17 =	simm.s32 $0x8480;
	s18 =	simm.s32 $0x3;
	v0 =	vmul.u32 $0x80, v0  }
0x8: {  	s19 =	simm.s32 $0x0;
	s6 =	sand.u32 $0x1, s4;
	s7 =	sshll.u32 s1, $0x1  }
.Ltmp0:
0x9: {  	s4 =	simm.s32 $0x0;
	s7 =	sor.u32 s6, s7;
	v1 =	vor.u32 $0x1, v0;
	v2 =	vor.u32 $0x2, v0;
	v3 =	vor.u32 $0x3, v0;
	(pc) =	sbr.rel .LBB2_1-.Ltmp0, $4  }
0xa: {  	s6 =	ssub.s32 $0x2, s6;
	[smem:$0x7FF] =	sst s4;
	s8 =	sshll.u32 s7, $0x7;
	v4 =	vor.u32 $0x4, v0;
	v5 =	vor.u32 $0x5, v0;
	v6 =	vor.u32 $0x6, v0  }
0xb: {  	s9 =	sshrl.u32 s6, $0x1;
	_ =	strace $0x80000047;
	v7 =	vor.u32 $0x7, v0;
	v8 =	vor.u32 $0x8, v0;
	v9 =	vor.u32 $0x9, v0;
	s8 =	sadd.s32 s8, s5  }
0xc: {  	v10 =	vor.u32 $0xA, v0;
	v11 =	vor.u32 $0xB, v0;
	v12 =	vor.u32 $0xC, v0;
	s9 =	ssub.s32 s6, s9;
	s5 =	sshll.u32 s7, $0x9;
	s6 =	sadd.s32 $0x400, s8  }
0xd: {  	v13 =	vor.u32 $0xD, v0;
	v14 =	vor.u32 $0xE, v0;
	v15 =	vor.u32 $0xF, v0;
	s7 =	smax.u32 s9, $0x1;
	s8 =	simm.s32 $0x5;
	s9 =	simm.s32 $0x80  }
.LBB2_12:
0xe: {  	s19 =	sadd.s32 $0x1, s19  }
0xf: {  	_ =	swait.ge [sflag:s18], $0x40;
	p0 =	sne.s32 s19, s7  }
.Ltmp1:
0x10: {  	[sflag:s18] =	ssyncset.done $0x0;
	(pc) =	sbr.rel @!p0 .LBB2_13-.Ltmp1, $4  }
0x11: {  	[sflag:s18] =	ssyncadd.s32 $0xFFFFFFC0  }
0x12: {  	_ =	swait.ge [sflag:s16], $0x40  }
0x13: {  	[sflag:s16] =	ssyncset.done $0x0  }
0x14: {  	[sflag:s16] =	ssyncadd.s32 $0xFFFFFFC0  }
.LBB2_1:
0x15: {  	[tilespmem:s4], [sflag:$0x5] =	stream.linear.gather [hbm4b:s6+s4], $0x400, $0x38;
	[tilespmem:$0x8D00] =	vst v63  }
0x16: {  	_ =	swait.ge [sflag:s8], $0x400  }
0x17: {  	[sflag:s8] =	ssyncset.done $0x0  }
0x18: {  	[sflag:s8] =	ssyncadd.s32 $0xFFFFFC00  }
0x19: {  	[tilespmem:s10], [sflag:$0x1] =	stream.indirect.gather [hbm4b:s2+s9], $0x80, s4, s9, $0xb8;
	[tilespmem:$0x8D00] =	vst v63  }
0x1a: {  	s20 =	simm.s32 $0x0  }
0x1b: {  	[tilespmem:s11], [sflag:$0x2] =	stream.indirect.gather [hbm4b:s2+s9], $0x80, s9, s9, $0xb8;
	[tilespmem:$0x8D00] =	vst v63  }
.LBB2_2:
0x1c: {  	_ =	swait.ge [sflag:s12], $0x4000  }
0x1d: {  	p0 =	seq.s32 s20, $0x0;
	[sflag:s12] =	ssyncset.done $0x0  }
0x1e: {  	s21 =	simm.s32 @!p0 $0x3;
	[sflag:s12] =	ssyncadd.s32 $0xFFFFC000  }
0x1f: {  	_ =	swait.ge @!p0 [sflag:s21], $0x40  }
0x20: {  	[sflag:s21] =	ssyncset.done @!p0 $0x0  }
0x21: {  	[sflag:s21] =	ssyncadd.s32 @!p0 $0xFFFFFFC0;
	s21 =	simm.s32 $0x0  }
.LBB2_3:
0x22: {  	s22 =	sshll.u32 s21, $0xB  }
0x23: {  	s22 =	sand.u32 $0x3FFFF800, s22  }
0x24: {  	v16 =	vld [tilespmem:s22+$0x400]  }
0x25: {  	v17 =	vld [tilespmem:s22+$0x410]  }
0x26: {  	v18 =	vld [tilespmem:s22+$0x420]  }
0x27: {  	v19 =	vld [tilespmem:s22+$0x430]  }
0x28: {  	v20 =	vld [tilespmem:s22+$0x440]  }
0x29: {  	v21 =	vld [tilespmem:s22+$0x450]  }
0x2a: {  	v22 =	vld [tilespmem:s22+$0x460]  }
0x2b: {  	v23 =	vld [tilespmem:s22+$0x470]  }
0x2c: {  	v24 =	vld [tilespmem:s22+$0x2400]  }
0x2d: {  	v25 =	vld [tilespmem:s22+$0x2410]  }
0x2e: {  	v26 =	vld [tilespmem:s22+$0x2420]  }
0x2f: {  	v27 =	vld [tilespmem:s22+$0x2430]  }
0x30: {  	v28 =	vld [tilespmem:s22+$0x2440]  }
0x31: {  	v29 =	vld [tilespmem:s22+$0x2450]  }
0x32: {  	v30 =	vld [tilespmem:s22+$0x2460]  }
0x33: {  	v31 =	vld [tilespmem:s22+$0x2470]  }
0x34: {  	v32 =	vld [tilespmem:s22+$0x480]  }
0x35: {  	v33 =	vld [tilespmem:s22+$0x490]  }
0x36: {  	v34 =	vld [tilespmem:s22+$0x4A0]  }
0x37: {  	v35 =	vld [tilespmem:s22+$0x4B0]  }
0x38: {  	v36 =	vld [tilespmem:s22+$0x4C0];
	v16 =	vmul.f32 v24, v16;
	v18 =	vmul.f32 v26, v18  }
0x39: {  	v37 =	vld [tilespmem:s22+$0x4D0];
	v17 =	vmul.f32 v25, v17;
	v19 =	vmul.f32 v27, v19  }
0x3a: {  	v49 =	vld [tilespmem:s22+$0x4E0];
	v51 =	vmul.f32 v28, v20  }
0x3b: {  	v50 =	vld [tilespmem:s22+$0x4F0];
	v53 =	vmul.f32 v29, v21;
	v16 =	vadd.f32 v18, v16;
	v17 =	vadd.f32 v19, v17  }
0x3c: {  	v52 =	vld [tilespmem:s22+$0x2480];
	v56 =	vmul.f32 v30, v22  }
0x3d: {  	v54 =	vld [tilespmem:s22+$0x2490];
	v57 =	vmul.f32 v31, v23;
	v16 =	vadd.f32 v51, v16;
	v17 =	vadd.f32 v53, v17  }
0x3e: {  	v55 =	vld [tilespmem:s22+$0x24A0]  }
0x3f: {  	v58 =	vld [tilespmem:s22+$0x24B0];
	v16 =	vadd.f32 v56, v16;
	v17 =	vadd.f32 v57, v17  }
0x40: {  	v59 =	vld [tilespmem:s22+$0x24C0]  }
0x41: {  	v60 =	vld [tilespmem:s22+$0x24D0];
	v16 =	vadd.f32 v17, v16  }
0x42: {  	v61 =	vld [tilespmem:s22+$0x24E0]  }
0x43: {  	v17 =	vld [tilespmem:s22+$0x24F0];
	[tilespmem:$0x8500] =	vst v16  }
0x44: {  	v16 =	vld [tilespmem:s22+$0x500]  }
0x45: {  	v62 =	vld [tilespmem:s22+$0x510]  }
0x46: {  	v63 =	vld [tilespmem:s22+$0x520]  }
0x47: {  	v40 =	vld [tilespmem:s22+$0x530]  }
0x48: {  	v20 =	vmul.f32 v52, v32;
	v21 =	vmul.f32 v54, v33;
	v41 =	vld [tilespmem:s22+$0x540]  }
0x49: {  	v23 =	vmul.f32 v58, v35;
	v18 =	vmul.f32 v55, v34;
	v42 =	vld [tilespmem:s22+$0x550]  }
0x4a: {  	v45 =	vmul.f32 v59, v36;
	v43 =	vld [tilespmem:s22+$0x560]  }
0x4b: {  	v21 =	vadd.f32 v23, v21;
	v19 =	vmul.f32 v60, v37;
	v18 =	vadd.f32 v18, v20;
	v44 =	vld [tilespmem:s22+$0x570]  }
0x4c: {  	v49 =	vmul.f32 v61, v49;
	v46 =	vld [tilespmem:s22+$0x2500]  }
0x4d: {  	v19 =	vadd.f32 v19, v21;
	v18 =	vadd.f32 v45, v18;
	v47 =	vld [tilespmem:s22+$0x2510];
	v17 =	vmul.f32 v17, v50  }
0x4e: {  	v48 =	vld [tilespmem:s22+$0x2520]  }
0x4f: {  	v18 =	vadd.f32 v49, v18;
	v51 =	vld [tilespmem:s22+$0x2540];
	v17 =	vadd.f32 v17, v19  }
0x50: {  	v52 =	vld [tilespmem:s22+$0x2550]  }
0x51: {  	v53 =	vld [tilespmem:s22+$0x2560];
	v17 =	vadd.f32 v17, v18  }
0x52: {  	v54 =	vld [tilespmem:s22+$0x2570]  }
0x53: {  	v50 =	vld [tilespmem:s22+$0x2530];
	[tilespmem:$0x8580] =	vst v17  }
0x54: {  	v17 =	vld [tilespmem:s22+$0x580]  }
0x55: {  	v55 =	vld [tilespmem:s22+$0x590]  }
0x56: {  	v56 =	vld [tilespmem:s22+$0x5A0]  }
0x57: {  	v57 =	vld [tilespmem:s22+$0x5B0]  }
0x58: {  	v16 =	vmul.f32 v46, v16;
	v20 =	vmul.f32 v48, v63;
	v58 =	vld [tilespmem:s22+$0x5C0]  }
0x59: {  	v23 =	vmul.f32 v47, v62;
	v22 =	vmul.f32 v50, v40;
	v59 =	vld [tilespmem:s22+$0x5D0]  }
0x5a: {  	v62 =	vmul.f32 v51, v41;
	v60 =	vld [tilespmem:s22+$0x5E0]  }
0x5b: {  	v19 =	vmul.f32 v52, v42;
	v16 =	vadd.f32 v20, v16;
	v61 =	vld [tilespmem:s22+$0x5F0];
	v22 =	vadd.f32 v22, v23  }
0x5c: {  	v21 =	vmul.f32 v53, v43;
	v63 =	vld [tilespmem:s22+$0x2580]  }
0x5d: {  	v18 =	vmul.f32 v54, v44;
	v38 =	vld [tilespmem:s22+$0x2590];
	v16 =	vadd.f32 v62, v16;
	v19 =	vadd.f32 v19, v22  }
0x5e: {  	v39 =	vld [tilespmem:s22+$0x25A0]  }
0x5f: {  	v40 =	vld [tilespmem:s22+$0x25B0];
	v16 =	vadd.f32 v21, v16;
	v18 =	vadd.f32 v18, v19  }
0x60: {  	v41 =	vld [tilespmem:s22+$0x25C0]  }
0x61: {  	v42 =	vld [tilespmem:s22+$0x25D0];
	v16 =	vadd.f32 v18, v16  }
0x62: {  	v43 =	vld [tilespmem:s22+$0x25E0]  }
0x63: {  	v44 =	vld [tilespmem:s22+$0x25F0];
	[tilespmem:$0x8600] =	vst v16  }
0x64: {  	v16 =	vld [tilespmem:s22+$0x600]  }
0x65: {  	v45 =	vld [tilespmem:s22+$0x610]  }
0x66: {  	v46 =	vld [tilespmem:s22+$0x620]  }
0x67: {  	v47 =	vld [tilespmem:s22+$0x630]  }
0x68: {  	v17 =	vmul.f32 v63, v17;
	v20 =	vmul.f32 v39, v56;
	v48 =	vld [tilespmem:s22+$0x640]  }
0x69: {  	v23 =	vmul.f32 v38, v55;
	v22 =	vmul.f32 v40, v57;
	v49 =	vld [tilespmem:s22+$0x650]  }
0x6a: {  	v52 =	vmul.f32 v41, v58;
	v50 =	vld [tilespmem:s22+$0x660]  }
0x6b: {  	v19 =	vmul.f32 v42, v59;
	v17 =	vadd.f32 v20, v17;
	v22 =	vadd.f32 v22, v23;
	v51 =	vld [tilespmem:s22+$0x670]  }
0x6c: {  	v21 =	vmul.f32 v43, v60;
	v53 =	vld [tilespmem:s22+$0x2600]  }
0x6d: {  	v18 =	vmul.f32 v44, v61;
	v54 =	vld [tilespmem:s22+$0x2610];
	v17 =	vadd.f32 v52, v17;
	v19 =	vadd.f32 v19, v22  }
0x6e: {  	v55 =	vld [tilespmem:s22+$0x2620]  }
0x6f: {  	v56 =	vld [tilespmem:s22+$0x2630];
	v17 =	vadd.f32 v21, v17;
	v18 =	vadd.f32 v18, v19  }
0x70: {  	v57 =	vld [tilespmem:s22+$0x2640]  }
0x71: {  	v58 =	vld [tilespmem:s22+$0x2650];
	v17 =	vadd.f32 v18, v17  }
0x72: {  	v59 =	vld [tilespmem:s22+$0x2660]  }
0x73: {  	v60 =	vld [tilespmem:s22+$0x2670];
	[tilespmem:$0x8680] =	vst v17  }
0x74: {  	v17 =	vld [tilespmem:s22+$0x680]  }
0x75: {  	v61 =	vld [tilespmem:s22+$0x690]  }
0x76: {  	v62 =	vld [tilespmem:s22+$0x6A0]  }
0x77: {  	v63 =	vld [tilespmem:s22+$0x6B0]  }
0x78: {  	v16 =	vmul.f32 v53, v16;
	v20 =	vmul.f32 v55, v46;
	v40 =	vld [tilespmem:s22+$0x6C0]  }
0x79: {  	v23 =	vmul.f32 v54, v45;
	v22 =	vmul.f32 v56, v47;
	v41 =	vld [tilespmem:s22+$0x6D0]  }
0x7a: {  	v44 =	vmul.f32 v57, v48;
	v42 =	vld [tilespmem:s22+$0x6E0]  }
0x7b: {  	v19 =	vmul.f32 v58, v49;
	v43 =	vld [tilespmem:s22+$0x6F0];
	v16 =	vadd.f32 v20, v16;
	v22 =	vadd.f32 v22, v23  }
0x7c: {  	v21 =	vmul.f32 v59, v50;
	v45 =	vld [tilespmem:s22+$0x2680]  }
0x7d: {  	v18 =	vmul.f32 v60, v51;
	v46 =	vld [tilespmem:s22+$0x2690];
	v16 =	vadd.f32 v44, v16;
	v19 =	vadd.f32 v19, v22  }
0x7e: {  	v47 =	vld [tilespmem:s22+$0x26A0]  }
0x7f: {  	v48 =	vld [tilespmem:s22+$0x26B0];
	v16 =	vadd.f32 v21, v16;
	v18 =	vadd.f32 v18, v19  }
0x80: {  	v49 =	vld [tilespmem:s22+$0x26C0]  }
0x81: {  	v50 =	vld [tilespmem:s22+$0x26D0];
	v16 =	vadd.f32 v18, v16  }
0x82: {  	v51 =	vld [tilespmem:s22+$0x26E0]  }
0x83: {  	v52 =	vld [tilespmem:s22+$0x26F0];
	[tilespmem:$0x8700] =	vst v16  }
0x84: {  	v16 =	vld [tilespmem:s22+$0x700]  }
0x85: {  	v53 =	vld [tilespmem:s22+$0x710]  }
0x86: {  	v54 =	vld [tilespmem:s22+$0x720]  }
0x87: {  	v55 =	vld [tilespmem:s22+$0x730]  }
0x88: {  	v17 =	vmul.f32 v45, v17;
	v20 =	vmul.f32 v47, v62;
	v56 =	vld [tilespmem:s22+$0x740]  }
0x89: {  	v23 =	vmul.f32 v46, v61;
	v22 =	vmul.f32 v48, v63;
	v57 =	vld [tilespmem:s22+$0x750]  }
0x8a: {  	v60 =	vmul.f32 v49, v40;
	v58 =	vld [tilespmem:s22+$0x760]  }
0x8b: {  	v19 =	vmul.f32 v50, v41;
	v17 =	vadd.f32 v20, v17;
	v22 =	vadd.f32 v22, v23;
	v59 =	vld [tilespmem:s22+$0x770]  }
0x8c: {  	v21 =	vmul.f32 v51, v42;
	v61 =	vld [tilespmem:s22+$0x2700]  }
0x8d: {  	v18 =	vmul.f32 v52, v43;
	v62 =	vld [tilespmem:s22+$0x2710];
	v17 =	vadd.f32 v60, v17;
	v19 =	vadd.f32 v19, v22  }
0x8e: {  	v63 =	vld [tilespmem:s22+$0x2720]  }
0x8f: {  	v40 =	vld [tilespmem:s22+$0x2730];
	v17 =	vadd.f32 v21, v17;
	v18 =	vadd.f32 v18, v19  }
0x90: {  	v41 =	vld [tilespmem:s22+$0x2740]  }
0x91: {  	v42 =	vld [tilespmem:s22+$0x2750];
	v17 =	vadd.f32 v18, v17  }
0x92: {  	v43 =	vld [tilespmem:s22+$0x2760]  }
0x93: {  	v44 =	vld [tilespmem:s22+$0x2770];
	[tilespmem:$0x8780] =	vst v17  }
0x94: {  	v17 =	vld [tilespmem:s22+$0x780]  }
0x95: {  	v45 =	vld [tilespmem:s22+$0x790]  }
0x96: {  	v46 =	vld [tilespmem:s22+$0x7A0]  }
0x97: {  	v47 =	vld [tilespmem:s22+$0x7B0]  }
0x98: {  	v16 =	vmul.f32 v61, v16;
	v20 =	vmul.f32 v63, v54;
	v48 =	vld [tilespmem:s22+$0x7C0]  }
0x99: {  	v23 =	vmul.f32 v62, v53;
	v22 =	vmul.f32 v40, v55;
	v49 =	vld [tilespmem:s22+$0x7D0]  }
0x9a: {  	v52 =	vmul.f32 v41, v56;
	v50 =	vld [tilespmem:s22+$0x7E0]  }
0x9b: {  	v19 =	vmul.f32 v42, v57;
	v51 =	vld [tilespmem:s22+$0x7F0];
	v16 =	vadd.f32 v20, v16;
	v22 =	vadd.f32 v22, v23  }
0x9c: {  	v21 =	vmul.f32 v43, v58;
	v53 =	vld [tilespmem:s22+$0x2780]  }
0x9d: {  	v18 =	vmul.f32 v44, v59;
	v54 =	vld [tilespmem:s22+$0x2790];
	v16 =	vadd.f32 v52, v16;
	v19 =	vadd.f32 v19, v22  }
0x9e: {  	v55 =	vld [tilespmem:s22+$0x27A0]  }
0x9f: {  	v56 =	vld [tilespmem:s22+$0x27B0];
	v16 =	vadd.f32 v21, v16;
	v18 =	vadd.f32 v18, v19  }
0xa0: {  	v57 =	vld [tilespmem:s22+$0x27C0]  }
0xa1: {  	v58 =	vld [tilespmem:s22+$0x27D0];
	v16 =	vadd.f32 v18, v16  }
0xa2: {  	v59 =	vld [tilespmem:s22+$0x27E0]  }
0xa3: {  	v60 =	vld [tilespmem:s22+$0x27F0];
	[tilespmem:$0x8800] =	vst v16  }
0xa4: {  	v16 =	vld [tilespmem:s22+$0x800]  }
0xa5: {  	v61 =	vld [tilespmem:s22+$0x810]  }
0xa6: {  	v62 =	vld [tilespmem:s22+$0x820]  }
0xa7: {  	v63 =	vld [tilespmem:s22+$0x830]  }
0xa8: {  	v17 =	vmul.f32 v53, v17;
	v20 =	vmul.f32 v55, v46;
	v40 =	vld [tilespmem:s22+$0x840]  }
0xa9: {  	v23 =	vmul.f32 v54, v45;
	v22 =	vmul.f32 v56, v47;
	v41 =	vld [tilespmem:s22+$0x850]  }
0xaa: {  	v44 =	vmul.f32 v57, v48;
	v42 =	vld [tilespmem:s22+$0x860]  }
0xab: {  	v19 =	vmul.f32 v58, v49;
	v17 =	vadd.f32 v20, v17;
	v22 =	vadd.f32 v22, v23;
	v43 =	vld [tilespmem:s22+$0x870]  }
0xac: {  	v21 =	vmul.f32 v59, v50;
	v45 =	vld [tilespmem:s22+$0x2800]  }
0xad: {  	v18 =	vmul.f32 v60, v51;
	v46 =	vld [tilespmem:s22+$0x2810];
	v17 =	vadd.f32 v44, v17;
	v19 =	vadd.f32 v19, v22  }
0xae: {  	v47 =	vld [tilespmem:s22+$0x2820]  }
0xaf: {  	v48 =	vld [tilespmem:s22+$0x2830];
	v17 =	vadd.f32 v21, v17;
	v18 =	vadd.f32 v18, v19  }
0xb0: {  	v49 =	vld [tilespmem:s22+$0x2840]  }
0xb1: {  	v50 =	vld [tilespmem:s22+$0x2850];
	v17 =	vadd.f32 v18, v17  }
0xb2: {  	v51 =	vld [tilespmem:s22+$0x2860]  }
0xb3: {  	v52 =	vld [tilespmem:s22+$0x2870];
	[tilespmem:$0x8880] =	vst v17  }
0xb4: {  	v17 =	vld [tilespmem:s22+$0x880]  }
0xb5: {  	v53 =	vld [tilespmem:s22+$0x890]  }
0xb6: {  	v54 =	vld [tilespmem:s22+$0x8A0]  }
0xb7: {  	v55 =	vld [tilespmem:s22+$0x8B0]  }
0xb8: {  	v16 =	vmul.f32 v45, v16;
	v20 =	vmul.f32 v47, v62;
	v56 =	vld [tilespmem:s22+$0x8C0]  }
0xb9: {  	v23 =	vmul.f32 v46, v61;
	v22 =	vmul.f32 v48, v63;
	v57 =	vld [tilespmem:s22+$0x8D0]  }
0xba: {  	v60 =	vmul.f32 v49, v40;
	v58 =	vld [tilespmem:s22+$0x8E0]  }
0xbb: {  	v19 =	vmul.f32 v50, v41;
	v59 =	vld [tilespmem:s22+$0x8F0];
	v16 =	vadd.f32 v20, v16;
	v22 =	vadd.f32 v22, v23  }
0xbc: {  	v21 =	vmul.f32 v51, v42;
	v61 =	vld [tilespmem:s22+$0x2880]  }
0xbd: {  	v18 =	vmul.f32 v52, v43;
	v62 =	vld [tilespmem:s22+$0x2890];
	v16 =	vadd.f32 v60, v16;
	v19 =	vadd.f32 v19, v22  }
0xbe: {  	v63 =	vld [tilespmem:s22+$0x28A0]  }
0xbf: {  	v38 =	vld [tilespmem:s22+$0x28B0];
	v16 =	vadd.f32 v21, v16;
	v18 =	vadd.f32 v18, v19  }
0xc0: {  	v39 =	vld [tilespmem:s22+$0x28C0]  }
0xc1: {  	v40 =	vld [tilespmem:s22+$0x28D0];
	v16 =	vadd.f32 v18, v16  }
0xc2: {  	v41 =	vld [tilespmem:s22+$0x28E0]  }
0xc3: {  	v42 =	vld [tilespmem:s22+$0x28F0];
	[tilespmem:$0x8900] =	vst v16  }
0xc4: {  	v16 =	vld [tilespmem:s22+$0x900]  }
0xc5: {  	v43 =	vld [tilespmem:s22+$0x910]  }
0xc6: {  	v44 =	vld [tilespmem:s22+$0x920]  }
0xc7: {  	v45 =	vld [tilespmem:s22+$0x930]  }
0xc8: {  	v17 =	vmul.f32 v61, v17;
	v20 =	vmul.f32 v63, v54;
	v46 =	vld [tilespmem:s22+$0x940]  }
0xc9: {  	v23 =	vmul.f32 v62, v53;
	v22 =	vmul.f32 v38, v55;
	v47 =	vld [tilespmem:s22+$0x950]  }
0xca: {  	v50 =	vmul.f32 v39, v56;
	v48 =	vld [tilespmem:s22+$0x960]  }
0xcb: {  	v19 =	vmul.f32 v40, v57;
	v17 =	vadd.f32 v20, v17;
	v22 =	vadd.f32 v22, v23;
	v49 =	vld [tilespmem:s22+$0x970]  }
0xcc: {  	v21 =	vmul.f32 v41, v58;
	v51 =	vld [tilespmem:s22+$0x2900]  }
0xcd: {  	v18 =	vmul.f32 v42, v59;
	v52 =	vld [tilespmem:s22+$0x2910];
	v17 =	vadd.f32 v50, v17;
	v19 =	vadd.f32 v19, v22  }
0xce: {  	v53 =	vld [tilespmem:s22+$0x2920]  }
0xcf: {  	v54 =	vld [tilespmem:s22+$0x2930];
	v17 =	vadd.f32 v21, v17;
	v18 =	vadd.f32 v18, v19  }
0xd0: {  	v55 =	vld [tilespmem:s22+$0x2940]  }
0xd1: {  	v56 =	vld [tilespmem:s22+$0x2950];
	v17 =	vadd.f32 v18, v17  }
0xd2: {  	v57 =	vld [tilespmem:s22+$0x2960]  }
0xd3: {  	v58 =	vld [tilespmem:s22+$0x2970];
	[tilespmem:$0x8980] =	vst v17  }
0xd4: {  	v17 =	vld [tilespmem:s22+$0x980]  }
0xd5: {  	v59 =	vld [tilespmem:s22+$0x990]  }
0xd6: {  	v60 =	vld [tilespmem:s22+$0x9A0]  }
0xd7: {  	v61 =	vld [tilespmem:s22+$0x9B0]  }
0xd8: {  	v16 =	vmul.f32 v51, v16;
	v20 =	vmul.f32 v53, v44;
	v62 =	vld [tilespmem:s22+$0x9C0]  }
0xd9: {  	v23 =	vmul.f32 v52, v43;
	v22 =	vmul.f32 v54, v45;
	v63 =	vld [tilespmem:s22+$0x9D0]  }
0xda: {  	v41 =	vmul.f32 v55, v46;
	v39 =	vld [tilespmem:s22+$0x9E0]  }
0xdb: {  	v19 =	vmul.f32 v56, v47;
	v40 =	vld [tilespmem:s22+$0x9F0];
	v16 =	vadd.f32 v20, v16;
	v22 =	vadd.f32 v22, v23  }
0xdc: {  	v21 =	vmul.f32 v57, v48;
	v42 =	vld [tilespmem:s22+$0x2980]  }
0xdd: {  	v18 =	vmul.f32 v58, v49;
	v43 =	vld [tilespmem:s22+$0x2990];
	v16 =	vadd.f32 v41, v16;
	v19 =	vadd.f32 v19, v22  }
0xde: {  	v44 =	vld [tilespmem:s22+$0x29A0]  }
0xdf: {  	v45 =	vld [tilespmem:s22+$0x29B0];
	v16 =	vadd.f32 v21, v16;
	v18 =	vadd.f32 v18, v19  }
0xe0: {  	v46 =	vld [tilespmem:s22+$0x29C0]  }
0xe1: {  	v47 =	vld [tilespmem:s22+$0x29D0];
	v16 =	vadd.f32 v18, v16  }
0xe2: {  	v52 =	vld [tilespmem:s22+$0x29E0]  }
0xe3: {  	v53 =	vld [tilespmem:s22+$0x29F0];
	[tilespmem:$0x8A00] =	vst v16  }
0xe4: {  	v16 =	vld [tilespmem:s22+$0xA00]  }
0xe5: {  	v54 =	vld [tilespmem:s22+$0xA10]  }
0xe6: {  	v55 =	vld [tilespmem:s22+$0xA20]  }
0xe7: {  	v56 =	vld [tilespmem:s22+$0xA30]  }
0xe8: {  	v17 =	vmul.f32 v42, v17;
	v20 =	vmul.f32 v44, v60;
	v48 =	vld [tilespmem:s22+$0xA40]  }
0xe9: {  	v23 =	vmul.f32 v43, v59;
	v22 =	vmul.f32 v45, v61;
	v49 =	vld [tilespmem:s22+$0xA50]  }
0xea: {  	v57 =	vmul.f32 v46, v62;
	v50 =	vld [tilespmem:s22+$0xA60]  }
0xeb: {  	v19 =	vmul.f32 v47, v63;
	v17 =	vadd.f32 v20, v17;
	v22 =	vadd.f32 v22, v23;
	v51 =	vld [tilespmem:s22+$0xA70]  }
0xec: {  	v21 =	vmul.f32 v52, v39;
	v58 =	vld [tilespmem:s22+$0x2A00]  }
0xed: {  	v18 =	vmul.f32 v53, v40;
	v59 =	vld [tilespmem:s22+$0x2A10];
	v17 =	vadd.f32 v57, v17;
	v19 =	vadd.f32 v19, v22  }
0xee: {  	v60 =	vld [tilespmem:s22+$0x2A20]  }
0xef: {  	v61 =	vld [tilespmem:s22+$0x2A30];
	v17 =	vadd.f32 v21, v17;
	v18 =	vadd.f32 v18, v19  }
0xf0: {  	v62 =	vld [tilespmem:s22+$0x2A40]  }
0xf1: {  	v63 =	vld [tilespmem:s22+$0x2A50];
	v17 =	vadd.f32 v18, v17  }
0xf2: {  	v40 =	vld [tilespmem:s22+$0x2A60]  }
0xf3: {  	v41 =	vld [tilespmem:s22+$0x2A70];
	[tilespmem:$0x8A80] =	vst v17  }
0xf4: {  	v17 =	vld [tilespmem:s22+$0xA80]  }
0xf5: {  	v42 =	vld [tilespmem:s22+$0xA90]  }
0xf6: {  	v43 =	vld [tilespmem:s22+$0xAA0]  }
0xf7: {  	v44 =	vld [tilespmem:s22+$0xAB0]  }
0xf8: {  	v16 =	vmul.f32 v58, v16;
	v20 =	vmul.f32 v60, v55;
	v45 =	vld [tilespmem:s22+$0xAC0]  }
0xf9: {  	v23 =	vmul.f32 v59, v54;
	v22 =	vmul.f32 v61, v56;
	v46 =	vld [tilespmem:s22+$0xAD0]  }
0xfa: {  	v53 =	vmul.f32 v62, v48;
	v47 =	vld [tilespmem:s22+$0xAE0]  }
0xfb: {  	v19 =	vmul.f32 v63, v49;
	v52 =	vld [tilespmem:s22+$0xAF0];
	v16 =	vadd.f32 v20, v16;
	v22 =	vadd.f32 v22, v23  }
0xfc: {  	v21 =	vmul.f32 v40, v50;
	v54 =	vld [tilespmem:s22+$0x2A80]  }
0xfd: {  	v18 =	vmul.f32 v41, v51;
	v55 =	vld [tilespmem:s22+$0x2A90];
	v16 =	vadd.f32 v53, v16;
	v19 =	vadd.f32 v19, v22  }
0xfe: {  	v56 =	vld [tilespmem:s22+$0x2AA0]  }
0xff: {  	v57 =	vld [tilespmem:s22+$0x2AB0];
	v16 =	vadd.f32 v21, v16;
	v18 =	vadd.f32 v18, v19  }
0x100: {  	v58 =	vld [tilespmem:s22+$0x2AC0]  }
0x101: {  	v59 =	vld [tilespmem:s22+$0x2AD0];
	v16 =	vadd.f32 v18, v16  }
0x102: {  	v60 =	vld [tilespmem:s22+$0x2AE0]  }
0x103: {  	v61 =	vld [tilespmem:s22+$0x2AF0];
	[tilespmem:$0x8B00] =	vst v16  }
0x104: {  	v16 =	vld [tilespmem:s22+$0xB00]  }
0x105: {  	v62 =	vld [tilespmem:s22+$0xB10]  }
0x106: {  	v30 =	vld [tilespmem:s22+$0xB20]  }
0x107: {  	v63 =	vld [tilespmem:s22+$0xB30]  }
0x108: {  	v17 =	vmul.f32 v54, v17;
	v20 =	vmul.f32 v56, v43;
	v32 =	vld [tilespmem:s22+$0xB40]  }
0x109: {  	v23 =	vmul.f32 v55, v42;
	v22 =	vmul.f32 v57, v44;
	v33 =	vld [tilespmem:s22+$0xB50]  }
0x10a: {  	v48 =	vmul.f32 v58, v45;
	v28 =	vld [tilespmem:s22+$0xB60]  }
0x10b: {  	v19 =	vmul.f32 v59, v46;
	v17 =	vadd.f32 v20, v17;
	v22 =	vadd.f32 v22, v23;
	v29 =	vld [tilespmem:s22+$0xB70]  }
0x10c: {  	v21 =	vmul.f32 v60, v47;
	v49 =	vld [tilespmem:s22+$0x2B00]  }
0x10d: {  	v18 =	vmul.f32 v61, v52;
	v50 =	vld [tilespmem:s22+$0x2B10];
	v17 =	vadd.f32 v48, v17;
	v19 =	vadd.f32 v19, v22  }
0x10e: {  	v51 =	vld [tilespmem:s22+$0x2B20]  }
0x10f: {  	v52 =	vld [tilespmem:s22+$0x2B30];
	v17 =	vadd.f32 v21, v17;
	v18 =	vadd.f32 v18, v19  }
0x110: {  	v53 =	vld [tilespmem:s22+$0x2B40]  }
0x111: {  	v54 =	vld [tilespmem:s22+$0x2B50];
	v17 =	vadd.f32 v18, v17  }
0x112: {  	v55 =	vld [tilespmem:s22+$0x2B60]  }
0x113: {  	v56 =	vld [tilespmem:s22+$0x2B70];
	[tilespmem:$0x8B80] =	vst v17  }
0x114: {  	v17 =	vld [tilespmem:s22+$0xB80]  }
0x115: {  	v57 =	vld [tilespmem:s22+$0xB90]  }
0x116: {  	v58 =	vld [tilespmem:s22+$0xBA0]  }
0x117: {  	v59 =	vld [tilespmem:s22+$0xBB0]  }
0x118: {  	v60 =	vld [tilespmem:s22+$0xBC0]  }
0x119: {  	v61 =	vld [tilespmem:s22+$0xBD0]  }
0x11a: {  	v38 =	vld [tilespmem:s22+$0xBE0]  }
0x11b: {  	v39 =	vld [tilespmem:s22+$0xBF0]  }
0x11c: {  	v40 =	vld [tilespmem:s22+$0x2B80]  }
0x11d: {  	v41 =	vld [tilespmem:s22+$0x2B90]  }
0x11e: {  	v42 =	vld [tilespmem:s22+$0x2BA0]  }
0x11f: {  	v16 =	vmul.f32 v49, v16;
	v23 =	vmul.f32 v50, v62;
	v43 =	vld [tilespmem:s22+$0x2BB0]  }
0x120: {  	v20 =	vmul.f32 v51, v30;
	v22 =	vmul.f32 v52, v63;
	v44 =	vld [tilespmem:s22+$0x2BC0]  }
0x121: {  	v24 =	vmul.f32 v53, v32;
	v19 =	vmul.f32 v54, v33;
	v62 =	vld [tilespmem:s22+$0x2BD0]  }
0x122: {  	v21 =	vmul.f32 v55, v28;
	v18 =	vmul.f32 v56, v29;
	v63 =	vld [tilespmem:s22+$0x2BE0]  }
0x123: {  	v33 =	vld [tilespmem:s22+$0x2BF0];
	v17 =	vmul.f32 v40, v17;
	v42 =	vmul.f32 v42, v58  }
0x124: {  	v45 =	vmul.f32 v41, v57;
	v46 =	vmul.f32 v43, v59  }
0x125: {  	v16 =	vadd.f32 v20, v16;
	v22 =	vadd.f32 v22, v23;
	v47 =	vmul.f32 v44, v60  }
0x126: {  	v49 =	vmul.f32 v62, v61;
	v17 =	vadd.f32 v42, v17;
	v48 =	vadd.f32 v46, v45  }
0x127: {  	v16 =	vadd.f32 v24, v16;
	v19 =	vadd.f32 v19, v22;
	v51 =	vmul.f32 v63, v38  }
0x128: {  	v52 =	vmul.f32 v33, v39;
	v17 =	vadd.f32 v47, v17;
	v50 =	vadd.f32 v49, v48  }
0x129: {  	v16 =	vadd.f32 v21, v16;
	v18 =	vadd.f32 v18, v19  }
0x12a: {  	v17 =	vadd.f32 v51, v17;
	v53 =	vadd.f32 v52, v50  }
0x12b: {  	v16 =	vadd.f32 v18, v16  }
0x12c: {  	v17 =	vadd.f32 v53, v17  }
0x12d: {  	[tilespmem:$0x8C00] =	vst v16  }
0x12e: {  	[tilespmem:$0x8C80] =	vst v17  }
0x12f: {  	v16 =	vld.idx.msk [tilespmem:v0+s13+$0x0], $0xffff  }
0x130: {  	v17 =	vld.idx.msk [tilespmem:v1+s13+$0x0], $0xffff;
	_ =	sdelay $0x1  }
0x131: {  	v54 =	vld.idx.msk [tilespmem:v2+s13+$0x0], $0xffff;
	_ =	sdelay $0x1  }
0x132: {  	v55 =	vld.idx.msk [tilespmem:v3+s13+$0x0], $0xffff  }
0x133: {  	v16 =	vadd.f32 v17, v16  }
0x134: {  	v17 =	vld.idx.msk [tilespmem:v4+s13+$0x0], $0xffff  }
0x135: {  	v16 =	vadd.f32 v54, v16  }
0x136: {  	v56 =	vld.idx.msk [tilespmem:v5+s13+$0x0], $0xffff  }
0x137: {  	v16 =	vadd.f32 v55, v16  }
0x138: {  	v57 =	vld.idx.msk [tilespmem:v6+s13+$0x0], $0xffff  }
0x139: {  	v16 =	vadd.f32 v17, v16  }
0x13a: {  	v17 =	vld.idx.msk [tilespmem:v7+s13+$0x0], $0xffff  }
0x13b: {  	v16 =	vadd.f32 v56, v16  }
0x13c: {  	v58 =	vld.idx.msk [tilespmem:v8+s13+$0x0], $0xffff  }
0x13d: {  	v16 =	vadd.f32 v57, v16  }
0x13e: {  	v59 =	vld.idx.msk [tilespmem:v9+s13+$0x0], $0xffff  }
0x13f: {  	v16 =	vadd.f32 v17, v16  }
0x140: {  	v17 =	vld.idx.msk [tilespmem:v10+s13+$0x0], $0xffff  }
0x141: {  	v16 =	vadd.f32 v58, v16  }
0x142: {  	v60 =	vld.idx.msk [tilespmem:v11+s13+$0x0], $0xffff  }
0x143: {  	v16 =	vadd.f32 v59, v16  }
0x144: {  	v61 =	vld.idx.msk [tilespmem:v12+s13+$0x0], $0xffff  }
0x145: {  	v16 =	vadd.f32 v17, v16  }
0x146: {  	v17 =	vld.idx.msk [tilespmem:v13+s13+$0x0], $0xffff  }
0x147: {  	v16 =	vadd.f32 v60, v16  }
0x148: {  	v62 =	vld.idx.msk [tilespmem:v14+s13+$0x0], $0xffff  }
0x149: {  	v16 =	vadd.f32 v61, v16  }
0x14a: {  	v63 =	vld.idx.msk [tilespmem:v15+s13+$0x0], $0xffff  }
0x14b: {  	v16 =	vadd.f32 v17, v16;
	_ =	sdelay $0x1  }
0x14c: {  	v16 =	vadd.f32 v62, v16;
	_ =	sdelay $0x1  }
0x14d: {  	v16 =	vadd.f32 v63, v16;
	_ =	sdelay $0x1  }
0x14e: {  	v16 =	vsub.f32 $0.0e+00, v16;
	_ =	sdelay $0x1  }
0x14f: {  	v16 =	vmul.f32 $1.442695020e+00, v16;
	_ =	sdelay $0x1  }
0x150: {  	(erf) = vpow2.f32 v16;
	_ =	sdelay $0x8  }
0x151: {  	v16 =	vpop (erf)  }
0x152: {  	v16 =	vadd.f32 $1.000000000e+00, v16;
	_ =	sdelay $0x1  }
0x153: {  	(erf) = vrcp.f32 v16;
	_ =	sdelay $0x4  }
0x154: {  	p1 =	sne.s32 s21, $0x3  }
.Ltmp2:
0x155: {  	_ = 	snop;
	(pc) =	sbr.rel @p1 .LBB2_3-.Ltmp2, $4  }
0x156: {  	_ = 	snop  }
0x157: {  	s31 =	sshll.u32 s21, $0x4  }
0x158: {  	s22 =	sand.u32 $0x3FFFFFF0, s31;
	v16 =	vpop (erf)  }
0x159: {  	s21 =	sadd.s32 $0x1, s21;
	[tilespmem:s22+$0x8400] =	vst v16  }
0x15a: {  	p1 =	sne.s32 s20, $0x3  }
.Ltmp3:
0x15b: {  	s21 =	sshll.u32 s20, $0x7;
	(pc) =	sbr.rel @p1 .LBB2_6-.Ltmp3, $4  }
0x15c: {  	s21 =	sor.u32 s5, s21  }
0x15d: {  	s21 =	sshrl.u32 s21, $0x3  }
0x15e: {  	s22 =	sadd.s32 s3, s21  }
0x15f: {  	[hbm4b:s22+s4] =	stream.linear.scatter [tilespmem:s14], [sflag:$0x3], $0x40, $0x38;
	[tilespmem:$0x8D00] =	vst v63  }
.Ltmp4:
0x160: {  	(pc) =	sbr.rel .LBB2_7-.Ltmp4, $4  }
0x161: {  	_ = 	snop  }
0x162: {  	_ =	swait.ge [sflag:s15], $0x4000  }
0x163: {  	[sflag:s15] =	ssyncset.done $0x0  }
0x164: {  	[sflag:s15] =	ssyncadd.s32 $0xFFFFC000  }
.LBB2_6:
0x165: {  	s22 =	sshll.u32 s20, $0x8  }
0x166: {  	s22 =	sand.u32 $0x3FFFFF00, s22  }
.Ltmp5:
0x167: {  	s22 =	sadd.s32 $0x100, s22;
	(pc) =	sbr.rel @p0 .LBB2_8-.Ltmp5, $4  }
0x168: {  	[tilespmem:s10], [sflag:$0x1] =	stream.indirect.gather [hbm4b:s2+s9], $0x80, s22, s9, $0xb8;
	[tilespmem:$0x8D00] =	vst v63  }
0x169: {  	_ =	swait.ge [sflag:s15], $0x4000  }
0x16a: {  	[sflag:s15] =	ssyncset.done $0x0  }
0x16b: {  	[sflag:s15] =	ssyncadd.s32 $0xFFFFC000  }
.LBB2_7:
0x16c: {  	_ =	swait.ge [sflag:s16], $0x40  }
0x16d: {  	[sflag:s16] =	ssyncset.done $0x0  }
0x16e: {  	[sflag:s16] =	ssyncadd.s32 $0xFFFFFFC0  }
.LBB2_8:
0x16f: {  	s22 =	simm.s32 $0x0  }
.LBB2_9:
0x170: {  	s23 =	sshll.u32 s22, $0xB  }
0x171: {  	s23 =	sand.u32 $0x3FFFF800, s23  }
0x172: {  	v16 =	vld [tilespmem:s23+$0x4400]  }
0x173: {  	v17 =	vld [tilespmem:s23+$0x4410]  }
0x174: {  	v18 =	vld [tilespmem:s23+$0x4420]  }
0x175: {  	v19 =	vld [tilespmem:s23+$0x4430]  }
0x176: {  	v20 =	vld [tilespmem:s23+$0x4440]  }
0x177: {  	v21 =	vld [tilespmem:s23+$0x4450]  }
0x178: {  	v22 =	vld [tilespmem:s23+$0x4460]  }
0x179: {  	v23 =	vld [tilespmem:s23+$0x4470]  }
0x17a: {  	v24 =	vld [tilespmem:s23+$0x6400]  }
0x17b: {  	v25 =	vld [tilespmem:s23+$0x6410]  }
0x17c: {  	v26 =	vld [tilespmem:s23+$0x6420]  }
0x17d: {  	v27 =	vld [tilespmem:s23+$0x6430]  }
0x17e: {  	v28 =	vld [tilespmem:s23+$0x6440]  }
0x17f: {  	v29 =	vld [tilespmem:s23+$0x6450]  }
0x180: {  	v30 =	vld [tilespmem:s23+$0x6460]  }
0x181: {  	v31 =	vld [tilespmem:s23+$0x6470]  }
0x182: {  	v32 =	vld [tilespmem:s23+$0x4480]  }
0x183: {  	v33 =	vld [tilespmem:s23+$0x4490]  }
0x184: {  	v34 =	vld [tilespmem:s23+$0x44A0]  }
0x185: {  	v35 =	vld [tilespmem:s23+$0x44B0]  }
0x186: {  	v36 =	vld [tilespmem:s23+$0x44C0];
	v16 =	vmul.f32 v24, v16;
	v18 =	vmul.f32 v26, v18  }
0x187: {  	v37 =	vld [tilespmem:s23+$0x44D0];
	v17 =	vmul.f32 v25, v17;
	v19 =	vmul.f32 v27, v19  }
0x188: {  	v49 =	vld [tilespmem:s23+$0x44E0];
	v51 =	vmul.f32 v28, v20  }
0x189: {  	v50 =	vld [tilespmem:s23+$0x44F0];
	v53 =	vmul.f32 v29, v21;
	v16 =	vadd.f32 v18, v16;
	v17 =	vadd.f32 v19, v17  }
0x18a: {  	v52 =	vld [tilespmem:s23+$0x6480];
	v56 =	vmul.f32 v30, v22  }
0x18b: {  	v54 =	vld [tilespmem:s23+$0x6490];
	v57 =	vmul.f32 v31, v23;
	v16 =	vadd.f32 v51, v16;
	v17 =	vadd.f32 v53, v17  }
0x18c: {  	v55 =	vld [tilespmem:s23+$0x64A0]  }
0x18d: {  	v58 =	vld [tilespmem:s23+$0x64B0];
	v16 =	vadd.f32 v56, v16;
	v17 =	vadd.f32 v57, v17  }
0x18e: {  	v59 =	vld [tilespmem:s23+$0x64C0]  }
0x18f: {  	v60 =	vld [tilespmem:s23+$0x64D0];
	v16 =	vadd.f32 v17, v16  }
0x190: {  	v61 =	vld [tilespmem:s23+$0x64E0]  }
0x191: {  	v17 =	vld [tilespmem:s23+$0x64F0];
	[tilespmem:$0x8500] =	vst v16  }
0x192: {  	v16 =	vld [tilespmem:s23+$0x4500]  }
0x193: {  	v62 =	vld [tilespmem:s23+$0x4510]  }
0x194: {  	v63 =	vld [tilespmem:s23+$0x4520]  }
0x195: {  	v40 =	vld [tilespmem:s23+$0x4530]  }
0x196: {  	v20 =	vmul.f32 v52, v32;
	v21 =	vmul.f32 v54, v33;
	v41 =	vld [tilespmem:s23+$0x4540]  }
0x197: {  	v23 =	vmul.f32 v58, v35;
	v18 =	vmul.f32 v55, v34;
	v42 =	vld [tilespmem:s23+$0x4550]  }
0x198: {  	v45 =	vmul.f32 v59, v36;
	v43 =	vld [tilespmem:s23+$0x4560]  }
0x199: {  	v21 =	vadd.f32 v23, v21;
	v19 =	vmul.f32 v60, v37;
	v18 =	vadd.f32 v18, v20;
	v44 =	vld [tilespmem:s23+$0x4570]  }
0x19a: {  	v49 =	vmul.f32 v61, v49;
	v46 =	vld [tilespmem:s23+$0x6500]  }
0x19b: {  	v19 =	vadd.f32 v19, v21;
	v18 =	vadd.f32 v45, v18;
	v47 =	vld [tilespmem:s23+$0x6510];
	v17 =	vmul.f32 v17, v50  }
0x19c: {  	v48 =	vld [tilespmem:s23+$0x6520]  }
0x19d: {  	v18 =	vadd.f32 v49, v18;
	v51 =	vld [tilespmem:s23+$0x6540];
	v17 =	vadd.f32 v17, v19  }
0x19e: {  	v52 =	vld [tilespmem:s23+$0x6550]  }
0x19f: {  	v53 =	vld [tilespmem:s23+$0x6560];
	v17 =	vadd.f32 v17, v18  }
0x1a0: {  	v54 =	vld [tilespmem:s23+$0x6570]  }
0x1a1: {  	v50 =	vld [tilespmem:s23+$0x6530];
	[tilespmem:$0x8580] =	vst v17  }
0x1a2: {  	v17 =	vld [tilespmem:s23+$0x4580]  }
0x1a3: {  	v55 =	vld [tilespmem:s23+$0x4590]  }
0x1a4: {  	v56 =	vld [tilespmem:s23+$0x45A0]  }
0x1a5: {  	v57 =	vld [tilespmem:s23+$0x45B0]  }
0x1a6: {  	v16 =	vmul.f32 v46, v16;
	v20 =	vmul.f32 v48, v63;
	v58 =	vld [tilespmem:s23+$0x45C0]  }
0x1a7: {  	v23 =	vmul.f32 v47, v62;
	v22 =	vmul.f32 v50, v40;
	v59 =	vld [tilespmem:s23+$0x45D0]  }
0x1a8: {  	v62 =	vmul.f32 v51, v41;
	v60 =	vld [tilespmem:s23+$0x45E0]  }
0x1a9: {  	v19 =	vmul.f32 v52, v42;
	v16 =	vadd.f32 v20, v16;
	v61 =	vld [tilespmem:s23+$0x45F0];
	v22 =	vadd.f32 v22, v23  }
0x1aa: {  	v21 =	vmul.f32 v53, v43;
	v63 =	vld [tilespmem:s23+$0x6580]  }
0x1ab: {  	v18 =	vmul.f32 v54, v44;
	v38 =	vld [tilespmem:s23+$0x6590];
	v16 =	vadd.f32 v62, v16;
	v19 =	vadd.f32 v19, v22  }
0x1ac: {  	v39 =	vld [tilespmem:s23+$0x65A0]  }
0x1ad: {  	v40 =	vld [tilespmem:s23+$0x65B0];
	v16 =	vadd.f32 v21, v16;
	v18 =	vadd.f32 v18, v19  }
0x1ae: {  	v41 =	vld [tilespmem:s23+$0x65C0]  }
0x1af: {  	v42 =	vld [tilespmem:s23+$0x65D0];
	v16 =	vadd.f32 v18, v16  }
0x1b0: {  	v43 =	vld [tilespmem:s23+$0x65E0]  }
0x1b1: {  	v44 =	vld [tilespmem:s23+$0x65F0];
	[tilespmem:$0x8600] =	vst v16  }
0x1b2: {  	v16 =	vld [tilespmem:s23+$0x4600]  }
0x1b3: {  	v45 =	vld [tilespmem:s23+$0x4610]  }
0x1b4: {  	v46 =	vld [tilespmem:s23+$0x4620]  }
0x1b5: {  	v47 =	vld [tilespmem:s23+$0x4630]  }
0x1b6: {  	v17 =	vmul.f32 v63, v17;
	v20 =	vmul.f32 v39, v56;
	v48 =	vld [tilespmem:s23+$0x4640]  }
0x1b7: {  	v23 =	vmul.f32 v38, v55;
	v22 =	vmul.f32 v40, v57;
	v49 =	vld [tilespmem:s23+$0x4650]  }
0x1b8: {  	v52 =	vmul.f32 v41, v58;
	v50 =	vld [tilespmem:s23+$0x4660]  }
0x1b9: {  	v19 =	vmul.f32 v42, v59;
	v17 =	vadd.f32 v20, v17;
	v22 =	vadd.f32 v22, v23;
	v51 =	vld [tilespmem:s23+$0x4670]  }
0x1ba: {  	v21 =	vmul.f32 v43, v60;
	v53 =	vld [tilespmem:s23+$0x6600]  }
0x1bb: {  	v18 =	vmul.f32 v44, v61;
	v54 =	vld [tilespmem:s23+$0x6610];
	v17 =	vadd.f32 v52, v17;
	v19 =	vadd.f32 v19, v22  }
0x1bc: {  	v55 =	vld [tilespmem:s23+$0x6620]  }
0x1bd: {  	v56 =	vld [tilespmem:s23+$0x6630];
	v17 =	vadd.f32 v21, v17;
	v18 =	vadd.f32 v18, v19  }
0x1be: {  	v57 =	vld [tilespmem:s23+$0x6640]  }
0x1bf: {  	v58 =	vld [tilespmem:s23+$0x6650];
	v17 =	vadd.f32 v18, v17  }
0x1c0: {  	v59 =	vld [tilespmem:s23+$0x6660]  }
0x1c1: {  	v60 =	vld [tilespmem:s23+$0x6670];
	[tilespmem:$0x8680] =	vst v17  }
0x1c2: {  	v17 =	vld [tilespmem:s23+$0x4680]  }
0x1c3: {  	v61 =	vld [tilespmem:s23+$0x4690]  }
0x1c4: {  	v62 =	vld [tilespmem:s23+$0x46A0]  }
0x1c5: {  	v63 =	vld [tilespmem:s23+$0x46B0]  }
0x1c6: {  	v16 =	vmul.f32 v53, v16;
	v20 =	vmul.f32 v55, v46;
	v40 =	vld [tilespmem:s23+$0x46C0]  }
0x1c7: {  	v23 =	vmul.f32 v54, v45;
	v22 =	vmul.f32 v56, v47;
	v41 =	vld [tilespmem:s23+$0x46D0]  }
0x1c8: {  	v44 =	vmul.f32 v57, v48;
	v42 =	vld [tilespmem:s23+$0x46E0]  }
0x1c9: {  	v19 =	vmul.f32 v58, v49;
	v43 =	vld [tilespmem:s23+$0x46F0];
	v16 =	vadd.f32 v20, v16;
	v22 =	vadd.f32 v22, v23  }
0x1ca: {  	v21 =	vmul.f32 v59, v50;
	v45 =	vld [tilespmem:s23+$0x6680]  }
0x1cb: {  	v18 =	vmul.f32 v60, v51;
	v46 =	vld [tilespmem:s23+$0x6690];
	v16 =	vadd.f32 v44, v16;
	v19 =	vadd.f32 v19, v22  }
0x1cc: {  	v47 =	vld [tilespmem:s23+$0x66A0]  }
0x1cd: {  	v48 =	vld [tilespmem:s23+$0x66B0];
	v16 =	vadd.f32 v21, v16;
	v18 =	vadd.f32 v18, v19  }
0x1ce: {  	v49 =	vld [tilespmem:s23+$0x66C0]  }
0x1cf: {  	v50 =	vld [tilespmem:s23+$0x66D0];
	v16 =	vadd.f32 v18, v16  }
0x1d0: {  	v51 =	vld [tilespmem:s23+$0x66E0]  }
0x1d1: {  	v52 =	vld [tilespmem:s23+$0x66F0];
	[tilespmem:$0x8700] =	vst v16  }
0x1d2: {  	v16 =	vld [tilespmem:s23+$0x4700]  }
0x1d3: {  	v53 =	vld [tilespmem:s23+$0x4710]  }
0x1d4: {  	v54 =	vld [tilespmem:s23+$0x4720]  }
0x1d5: {  	v55 =	vld [tilespmem:s23+$0x4730]  }
0x1d6: {  	v17 =	vmul.f32 v45, v17;
	v20 =	vmul.f32 v47, v62;
	v56 =	vld [tilespmem:s23+$0x4740]  }
0x1d7: {  	v23 =	vmul.f32 v46, v61;
	v22 =	vmul.f32 v48, v63;
	v57 =	vld [tilespmem:s23+$0x4750]  }
0x1d8: {  	v60 =	vmul.f32 v49, v40;
	v58 =	vld [tilespmem:s23+$0x4760]  }
0x1d9: {  	v19 =	vmul.f32 v50, v41;
	v17 =	vadd.f32 v20, v17;
	v22 =	vadd.f32 v22, v23;
	v59 =	vld [tilespmem:s23+$0x4770]  }
0x1da: {  	v21 =	vmul.f32 v51, v42;
	v61 =	vld [tilespmem:s23+$0x6700]  }
0x1db: {  	v18 =	vmul.f32 v52, v43;
	v62 =	vld [tilespmem:s23+$0x6710];
	v17 =	vadd.f32 v60, v17;
	v19 =	vadd.f32 v19, v22  }
0x1dc: {  	v63 =	vld [tilespmem:s23+$0x6720]  }
0x1dd: {  	v40 =	vld [tilespmem:s23+$0x6730];
	v17 =	vadd.f32 v21, v17;
	v18 =	vadd.f32 v18, v19  }
0x1de: {  	v41 =	vld [tilespmem:s23+$0x6740]  }
0x1df: {  	v42 =	vld [tilespmem:s23+$0x6750];
	v17 =	vadd.f32 v18, v17  }
0x1e0: {  	v43 =	vld [tilespmem:s23+$0x6760]  }
0x1e1: {  	v44 =	vld [tilespmem:s23+$0x6770];
	[tilespmem:$0x8780] =	vst v17  }
0x1e2: {  	v17 =	vld [tilespmem:s23+$0x4780]  }
0x1e3: {  	v45 =	vld [tilespmem:s23+$0x4790]  }
0x1e4: {  	v46 =	vld [tilespmem:s23+$0x47A0]  }
0x1e5: {  	v47 =	vld [tilespmem:s23+$0x47B0]  }
0x1e6: {  	v16 =	vmul.f32 v61, v16;
	v20 =	vmul.f32 v63, v54;
	v48 =	vld [tilespmem:s23+$0x47C0]  }
0x1e7: {  	v23 =	vmul.f32 v62, v53;
	v22 =	vmul.f32 v40, v55;
	v49 =	vld [tilespmem:s23+$0x47D0]  }
0x1e8: {  	v52 =	vmul.f32 v41, v56;
	v50 =	vld [tilespmem:s23+$0x47E0]  }
0x1e9: {  	v19 =	vmul.f32 v42, v57;
	v51 =	vld [tilespmem:s23+$0x47F0];
	v16 =	vadd.f32 v20, v16;
	v22 =	vadd.f32 v22, v23  }
0x1ea: {  	v21 =	vmul.f32 v43, v58;
	v53 =	vld [tilespmem:s23+$0x6780]  }
0x1eb: {  	v18 =	vmul.f32 v44, v59;
	v54 =	vld [tilespmem:s23+$0x6790];
	v16 =	vadd.f32 v52, v16;
	v19 =	vadd.f32 v19, v22  }
0x1ec: {  	v55 =	vld [tilespmem:s23+$0x67A0]  }
0x1ed: {  	v56 =	vld [tilespmem:s23+$0x67B0];
	v16 =	vadd.f32 v21, v16;
	v18 =	vadd.f32 v18, v19  }
0x1ee: {  	v57 =	vld [tilespmem:s23+$0x67C0]  }
0x1ef: {  	v58 =	vld [tilespmem:s23+$0x67D0];
	v16 =	vadd.f32 v18, v16  }
0x1f0: {  	v59 =	vld [tilespmem:s23+$0x67E0]  }
0x1f1: {  	v60 =	vld [tilespmem:s23+$0x67F0];
	[tilespmem:$0x8800] =	vst v16  }
0x1f2: {  	v16 =	vld [tilespmem:s23+$0x4800]  }
0x1f3: {  	v61 =	vld [tilespmem:s23+$0x4810]  }
0x1f4: {  	v62 =	vld [tilespmem:s23+$0x4820]  }
0x1f5: {  	v63 =	vld [tilespmem:s23+$0x4830]  }
0x1f6: {  	v17 =	vmul.f32 v53, v17;
	v20 =	vmul.f32 v55, v46;
	v40 =	vld [tilespmem:s23+$0x4840]  }
0x1f7: {  	v23 =	vmul.f32 v54, v45;
	v22 =	vmul.f32 v56, v47;
	v41 =	vld [tilespmem:s23+$0x4850]  }
0x1f8: {  	v44 =	vmul.f32 v57, v48;
	v42 =	vld [tilespmem:s23+$0x4860]  }
0x1f9: {  	v19 =	vmul.f32 v58, v49;
	v17 =	vadd.f32 v20, v17;
	v22 =	vadd.f32 v22, v23;
	v43 =	vld [tilespmem:s23+$0x4870]  }
0x1fa: {  	v21 =	vmul.f32 v59, v50;
	v45 =	vld [tilespmem:s23+$0x6800]  }
0x1fb: {  	v18 =	vmul.f32 v60, v51;
	v46 =	vld [tilespmem:s23+$0x6810];
	v17 =	vadd.f32 v44, v17;
	v19 =	vadd.f32 v19, v22  }
0x1fc: {  	v47 =	vld [tilespmem:s23+$0x6820]  }
0x1fd: {  	v48 =	vld [tilespmem:s23+$0x6830];
	v17 =	vadd.f32 v21, v17;
	v18 =	vadd.f32 v18, v19  }
0x1fe: {  	v49 =	vld [tilespmem:s23+$0x6840]  }
0x1ff: {  	v50 =	vld [tilespmem:s23+$0x6850];
	v17 =	vadd.f32 v18, v17  }
0x200: {  	v51 =	vld [tilespmem:s23+$0x6860]  }
0x201: {  	v52 =	vld [tilespmem:s23+$0x6870];
	[tilespmem:$0x8880] =	vst v17  }
0x202: {  	v17 =	vld [tilespmem:s23+$0x4880]  }
0x203: {  	v53 =	vld [tilespmem:s23+$0x4890]  }
0x204: {  	v54 =	vld [tilespmem:s23+$0x48A0]  }
0x205: {  	v55 =	vld [tilespmem:s23+$0x48B0]  }
0x206: {  	v16 =	vmul.f32 v45, v16;
	v20 =	vmul.f32 v47, v62;
	v56 =	vld [tilespmem:s23+$0x48C0]  }
0x207: {  	v23 =	vmul.f32 v46, v61;
	v22 =	vmul.f32 v48, v63;
	v57 =	vld [tilespmem:s23+$0x48D0]  }
0x208: {  	v60 =	vmul.f32 v49, v40;
	v58 =	vld [tilespmem:s23+$0x48E0]  }
0x209: {  	v19 =	vmul.f32 v50, v41;
	v59 =	vld [tilespmem:s23+$0x48F0];
	v16 =	vadd.f32 v20, v16;
	v22 =	vadd.f32 v22, v23  }
0x20a: {  	v21 =	vmul.f32 v51, v42;
	v61 =	vld [tilespmem:s23+$0x6880]  }
0x20b: {  	v18 =	vmul.f32 v52, v43;
	v62 =	vld [tilespmem:s23+$0x6890];
	v16 =	vadd.f32 v60, v16;
	v19 =	vadd.f32 v19, v22  }
0x20c: {  	v63 =	vld [tilespmem:s23+$0x68A0]  }
0x20d: {  	v38 =	vld [tilespmem:s23+$0x68B0];
	v16 =	vadd.f32 v21, v16;
	v18 =	vadd.f32 v18, v19  }
0x20e: {  	v39 =	vld [tilespmem:s23+$0x68C0]  }
0x20f: {  	v40 =	vld [tilespmem:s23+$0x68D0];
	v16 =	vadd.f32 v18, v16  }
0x210: {  	v41 =	vld [tilespmem:s23+$0x68E0]  }
0x211: {  	v42 =	vld [tilespmem:s23+$0x68F0];
	[tilespmem:$0x8900] =	vst v16  }
0x212: {  	v16 =	vld [tilespmem:s23+$0x4900]  }
0x213: {  	v43 =	vld [tilespmem:s23+$0x4910]  }
0x214: {  	v44 =	vld [tilespmem:s23+$0x4920]  }
0x215: {  	v45 =	vld [tilespmem:s23+$0x4930]  }
0x216: {  	v17 =	vmul.f32 v61, v17;
	v20 =	vmul.f32 v63, v54;
	v46 =	vld [tilespmem:s23+$0x4940]  }
0x217: {  	v23 =	vmul.f32 v62, v53;
	v22 =	vmul.f32 v38, v55;
	v47 =	vld [tilespmem:s23+$0x4950]  }
0x218: {  	v50 =	vmul.f32 v39, v56;
	v48 =	vld [tilespmem:s23+$0x4960]  }
0x219: {  	v19 =	vmul.f32 v40, v57;
	v17 =	vadd.f32 v20, v17;
	v22 =	vadd.f32 v22, v23;
	v49 =	vld [tilespmem:s23+$0x4970]  }
0x21a: {  	v21 =	vmul.f32 v41, v58;
	v51 =	vld [tilespmem:s23+$0x6900]  }
0x21b: {  	v18 =	vmul.f32 v42, v59;
	v52 =	vld [tilespmem:s23+$0x6910];
	v17 =	vadd.f32 v50, v17;
	v19 =	vadd.f32 v19, v22  }
0x21c: {  	v53 =	vld [tilespmem:s23+$0x6920]  }
0x21d: {  	v54 =	vld [tilespmem:s23+$0x6930];
	v17 =	vadd.f32 v21, v17;
	v18 =	vadd.f32 v18, v19  }
0x21e: {  	v55 =	vld [tilespmem:s23+$0x6940]  }
0x21f: {  	v56 =	vld [tilespmem:s23+$0x6950];
	v17 =	vadd.f32 v18, v17  }
0x220: {  	v57 =	vld [tilespmem:s23+$0x6960]  }
0x221: {  	v58 =	vld [tilespmem:s23+$0x6970];
	[tilespmem:$0x8980] =	vst v17  }
0x222: {  	v17 =	vld [tilespmem:s23+$0x4980]  }
0x223: {  	v59 =	vld [tilespmem:s23+$0x4990]  }
0x224: {  	v60 =	vld [tilespmem:s23+$0x49A0]  }
0x225: {  	v61 =	vld [tilespmem:s23+$0x49B0]  }
0x226: {  	v16 =	vmul.f32 v51, v16;
	v20 =	vmul.f32 v53, v44;
	v62 =	vld [tilespmem:s23+$0x49C0]  }
0x227: {  	v23 =	vmul.f32 v52, v43;
	v22 =	vmul.f32 v54, v45;
	v63 =	vld [tilespmem:s23+$0x49D0]  }
0x228: {  	v41 =	vmul.f32 v55, v46;
	v39 =	vld [tilespmem:s23+$0x49E0]  }
0x229: {  	v19 =	vmul.f32 v56, v47;
	v40 =	vld [tilespmem:s23+$0x49F0];
	v16 =	vadd.f32 v20, v16;
	v22 =	vadd.f32 v22, v23  }
0x22a: {  	v21 =	vmul.f32 v57, v48;
	v42 =	vld [tilespmem:s23+$0x6980]  }
0x22b: {  	v18 =	vmul.f32 v58, v49;
	v43 =	vld [tilespmem:s23+$0x6990];
	v16 =	vadd.f32 v41, v16;
	v19 =	vadd.f32 v19, v22  }
0x22c: {  	v44 =	vld [tilespmem:s23+$0x69A0]  }
0x22d: {  	v45 =	vld [tilespmem:s23+$0x69B0];
	v16 =	vadd.f32 v21, v16;
	v18 =	vadd.f32 v18, v19  }
0x22e: {  	v46 =	vld [tilespmem:s23+$0x69C0]  }
0x22f: {  	v47 =	vld [tilespmem:s23+$0x69D0];
	v16 =	vadd.f32 v18, v16  }
0x230: {  	v52 =	vld [tilespmem:s23+$0x69E0]  }
0x231: {  	v53 =	vld [tilespmem:s23+$0x69F0];
	[tilespmem:$0x8A00] =	vst v16  }
0x232: {  	v16 =	vld [tilespmem:s23+$0x4A00]  }
0x233: {  	v54 =	vld [tilespmem:s23+$0x4A10]  }
0x234: {  	v55 =	vld [tilespmem:s23+$0x4A20]  }
0x235: {  	v56 =	vld [tilespmem:s23+$0x4A30]  }
0x236: {  	v17 =	vmul.f32 v42, v17;
	v20 =	vmul.f32 v44, v60;
	v48 =	vld [tilespmem:s23+$0x4A40]  }
0x237: {  	v23 =	vmul.f32 v43, v59;
	v22 =	vmul.f32 v45, v61;
	v49 =	vld [tilespmem:s23+$0x4A50]  }
0x238: {  	v57 =	vmul.f32 v46, v62;
	v50 =	vld [tilespmem:s23+$0x4A60]  }
0x239: {  	v19 =	vmul.f32 v47, v63;
	v17 =	vadd.f32 v20, v17;
	v22 =	vadd.f32 v22, v23;
	v51 =	vld [tilespmem:s23+$0x4A70]  }
0x23a: {  	v21 =	vmul.f32 v52, v39;
	v58 =	vld [tilespmem:s23+$0x6A00]  }
0x23b: {  	v18 =	vmul.f32 v53, v40;
	v59 =	vld [tilespmem:s23+$0x6A10];
	v17 =	vadd.f32 v57, v17;
	v19 =	vadd.f32 v19, v22  }
0x23c: {  	v60 =	vld [tilespmem:s23+$0x6A20]  }
0x23d: {  	v61 =	vld [tilespmem:s23+$0x6A30];
	v17 =	vadd.f32 v21, v17;
	v18 =	vadd.f32 v18, v19  }
0x23e: {  	v62 =	vld [tilespmem:s23+$0x6A40]  }
0x23f: {  	v63 =	vld [tilespmem:s23+$0x6A50];
	v17 =	vadd.f32 v18, v17  }
0x240: {  	v40 =	vld [tilespmem:s23+$0x6A60]  }
0x241: {  	v41 =	vld [tilespmem:s23+$0x6A70];
	[tilespmem:$0x8A80] =	vst v17  }
0x242: {  	v17 =	vld [tilespmem:s23+$0x4A80]  }
0x243: {  	v42 =	vld [tilespmem:s23+$0x4A90]  }
0x244: {  	v43 =	vld [tilespmem:s23+$0x4AA0]  }
0x245: {  	v44 =	vld [tilespmem:s23+$0x4AB0]  }
0x246: {  	v16 =	vmul.f32 v58, v16;
	v20 =	vmul.f32 v60, v55;
	v45 =	vld [tilespmem:s23+$0x4AC0]  }
0x247: {  	v23 =	vmul.f32 v59, v54;
	v22 =	vmul.f32 v61, v56;
	v46 =	vld [tilespmem:s23+$0x4AD0]  }
0x248: {  	v53 =	vmul.f32 v62, v48;
	v47 =	vld [tilespmem:s23+$0x4AE0]  }
0x249: {  	v19 =	vmul.f32 v63, v49;
	v52 =	vld [tilespmem:s23+$0x4AF0];
	v16 =	vadd.f32 v20, v16;
	v22 =	vadd.f32 v22, v23  }
0x24a: {  	v21 =	vmul.f32 v40, v50;
	v54 =	vld [tilespmem:s23+$0x6A80]  }
0x24b: {  	v18 =	vmul.f32 v41, v51;
	v55 =	vld [tilespmem:s23+$0x6A90];
	v16 =	vadd.f32 v53, v16;
	v19 =	vadd.f32 v19, v22  }
0x24c: {  	v56 =	vld [tilespmem:s23+$0x6AA0]  }
0x24d: {  	v57 =	vld [tilespmem:s23+$0x6AB0];
	v16 =	vadd.f32 v21, v16;
	v18 =	vadd.f32 v18, v19  }
0x24e: {  	v58 =	vld [tilespmem:s23+$0x6AC0]  }
0x24f: {  	v59 =	vld [tilespmem:s23+$0x6AD0];
	v16 =	vadd.f32 v18, v16  }
0x250: {  	v60 =	vld [tilespmem:s23+$0x6AE0]  }
0x251: {  	v61 =	vld [tilespmem:s23+$0x6AF0];
	[tilespmem:$0x8B00] =	vst v16  }
0x252: {  	v16 =	vld [tilespmem:s23+$0x4B00]  }
0x253: {  	v62 =	vld [tilespmem:s23+$0x4B10]  }
0x254: {  	v30 =	vld [tilespmem:s23+$0x4B20]  }
0x255: {  	v63 =	vld [tilespmem:s23+$0x4B30]  }
0x256: {  	v17 =	vmul.f32 v54, v17;
	v20 =	vmul.f32 v56, v43;
	v32 =	vld [tilespmem:s23+$0x4B40]  }
0x257: {  	v23 =	vmul.f32 v55, v42;
	v22 =	vmul.f32 v57, v44;
	v33 =	vld [tilespmem:s23+$0x4B50]  }
0x258: {  	v48 =	vmul.f32 v58, v45;
	v28 =	vld [tilespmem:s23+$0x4B60]  }
0x259: {  	v19 =	vmul.f32 v59, v46;
	v17 =	vadd.f32 v20, v17;
	v22 =	vadd.f32 v22, v23;
	v29 =	vld [tilespmem:s23+$0x4B70]  }
0x25a: {  	v21 =	vmul.f32 v60, v47;
	v49 =	vld [tilespmem:s23+$0x6B00]  }
0x25b: {  	v18 =	vmul.f32 v61, v52;
	v50 =	vld [tilespmem:s23+$0x6B10];
	v17 =	vadd.f32 v48, v17;
	v19 =	vadd.f32 v19, v22  }
0x25c: {  	v51 =	vld [tilespmem:s23+$0x6B20]  }
0x25d: {  	v52 =	vld [tilespmem:s23+$0x6B30];
	v17 =	vadd.f32 v21, v17;
	v18 =	vadd.f32 v18, v19  }
0x25e: {  	v53 =	vld [tilespmem:s23+$0x6B40]  }
0x25f: {  	v54 =	vld [tilespmem:s23+$0x6B50];
	v17 =	vadd.f32 v18, v17  }
0x260: {  	v55 =	vld [tilespmem:s23+$0x6B60]  }
0x261: {  	v56 =	vld [tilespmem:s23+$0x6B70];
	[tilespmem:$0x8B80] =	vst v17  }
0x262: {  	v17 =	vld [tilespmem:s23+$0x4B80]  }
0x263: {  	v57 =	vld [tilespmem:s23+$0x4B90]  }
0x264: {  	v58 =	vld [tilespmem:s23+$0x4BA0]  }
0x265: {  	v59 =	vld [tilespmem:s23+$0x4BB0]  }
0x266: {  	v60 =	vld [tilespmem:s23+$0x4BC0]  }
0x267: {  	v61 =	vld [tilespmem:s23+$0x4BD0]  }
0x268: {  	v38 =	vld [tilespmem:s23+$0x4BE0]  }
0x269: {  	v39 =	vld [tilespmem:s23+$0x4BF0]  }
0x26a: {  	v40 =	vld [tilespmem:s23+$0x6B80]  }
0x26b: {  	v41 =	vld [tilespmem:s23+$0x6B90]  }
0x26c: {  	v42 =	vld [tilespmem:s23+$0x6BA0]  }
0x26d: {  	v16 =	vmul.f32 v49, v16;
	v23 =	vmul.f32 v50, v62;
	v43 =	vld [tilespmem:s23+$0x6BB0]  }
0x26e: {  	v20 =	vmul.f32 v51, v30;
	v22 =	vmul.f32 v52, v63;
	v44 =	vld [tilespmem:s23+$0x6BC0]  }
0x26f: {  	v24 =	vmul.f32 v53, v32;
	v19 =	vmul.f32 v54, v33;
	v62 =	vld [tilespmem:s23+$0x6BD0]  }
0x270: {  	v21 =	vmul.f32 v55, v28;
	v18 =	vmul.f32 v56, v29;
	v63 =	vld [tilespmem:s23+$0x6BE0]  }
0x271: {  	v33 =	vld [tilespmem:s23+$0x6BF0];
	v17 =	vmul.f32 v40, v17;
	v42 =	vmul.f32 v42, v58  }
0x272: {  	v45 =	vmul.f32 v41, v57;
	v46 =	vmul.f32 v43, v59  }
0x273: {  	v16 =	vadd.f32 v20, v16;
	v22 =	vadd.f32 v22, v23;
	v47 =	vmul.f32 v44, v60  }
0x274: {  	v49 =	vmul.f32 v62, v61;
	v17 =	vadd.f32 v42, v17;
	v48 =	vadd.f32 v46, v45  }
0x275: {  	v16 =	vadd.f32 v24, v16;
	v19 =	vadd.f32 v19, v22;
	v51 =	vmul.f32 v63, v38  }
0x276: {  	v52 =	vmul.f32 v33, v39;
	v17 =	vadd.f32 v47, v17;
	v50 =	vadd.f32 v49, v48  }
0x277: {  	v16 =	vadd.f32 v21, v16;
	v18 =	vadd.f32 v18, v19  }
0x278: {  	v17 =	vadd.f32 v51, v17;
	v53 =	vadd.f32 v52, v50  }
0x279: {  	v16 =	vadd.f32 v18, v16  }
0x27a: {  	v17 =	vadd.f32 v53, v17  }
0x27b: {  	[tilespmem:$0x8C00] =	vst v16  }
0x27c: {  	[tilespmem:$0x8C80] =	vst v17  }
0x27d: {  	v16 =	vld.idx.msk [tilespmem:v0+s13+$0x0], $0xffff  }
0x27e: {  	v17 =	vld.idx.msk [tilespmem:v1+s13+$0x0], $0xffff;
	_ =	sdelay $0x1  }
0x27f: {  	v54 =	vld.idx.msk [tilespmem:v2+s13+$0x0], $0xffff;
	_ =	sdelay $0x1  }
0x280: {  	v55 =	vld.idx.msk [tilespmem:v3+s13+$0x0], $0xffff  }
0x281: {  	v16 =	vadd.f32 v17, v16  }
0x282: {  	v17 =	vld.idx.msk [tilespmem:v4+s13+$0x0], $0xffff  }
0x283: {  	v16 =	vadd.f32 v54, v16  }
0x284: {  	v56 =	vld.idx.msk [tilespmem:v5+s13+$0x0], $0xffff  }
0x285: {  	v16 =	vadd.f32 v55, v16  }
0x286: {  	v57 =	vld.idx.msk [tilespmem:v6+s13+$0x0], $0xffff  }
0x287: {  	v16 =	vadd.f32 v17, v16  }
0x288: {  	v17 =	vld.idx.msk [tilespmem:v7+s13+$0x0], $0xffff  }
0x289: {  	v16 =	vadd.f32 v56, v16  }
0x28a: {  	v58 =	vld.idx.msk [tilespmem:v8+s13+$0x0], $0xffff  }
0x28b: {  	v16 =	vadd.f32 v57, v16  }
0x28c: {  	v59 =	vld.idx.msk [tilespmem:v9+s13+$0x0], $0xffff  }
0x28d: {  	v16 =	vadd.f32 v17, v16  }
0x28e: {  	v17 =	vld.idx.msk [tilespmem:v10+s13+$0x0], $0xffff  }
0x28f: {  	v16 =	vadd.f32 v58, v16  }
0x290: {  	v60 =	vld.idx.msk [tilespmem:v11+s13+$0x0], $0xffff  }
0x291: {  	v16 =	vadd.f32 v59, v16  }
0x292: {  	v61 =	vld.idx.msk [tilespmem:v12+s13+$0x0], $0xffff  }
0x293: {  	v16 =	vadd.f32 v17, v16  }
0x294: {  	v17 =	vld.idx.msk [tilespmem:v13+s13+$0x0], $0xffff  }
0x295: {  	v16 =	vadd.f32 v60, v16  }
0x296: {  	v62 =	vld.idx.msk [tilespmem:v14+s13+$0x0], $0xffff  }
0x297: {  	v16 =	vadd.f32 v61, v16  }
0x298: {  	v63 =	vld.idx.msk [tilespmem:v15+s13+$0x0], $0xffff  }
0x299: {  	v16 =	vadd.f32 v17, v16;
	_ =	sdelay $0x1  }
0x29a: {  	v16 =	vadd.f32 v62, v16;
	_ =	sdelay $0x1  }
0x29b: {  	v16 =	vadd.f32 v63, v16;
	_ =	sdelay $0x1  }
0x29c: {  	v16 =	vsub.f32 $0.0e+00, v16;
	_ =	sdelay $0x1  }
0x29d: {  	v16 =	vmul.f32 $1.442695020e+00, v16;
	_ =	sdelay $0x1  }
0x29e: {  	(erf) = vpow2.f32 v16;
	_ =	sdelay $0x8  }
0x29f: {  	v16 =	vpop (erf)  }
0x2a0: {  	v16 =	vadd.f32 $1.000000000e+00, v16;
	_ =	sdelay $0x1  }
0x2a1: {  	(erf) = vrcp.f32 v16;
	_ =	sdelay $0x4  }
0x2a2: {  	p0 =	sne.s32 s22, $0x3  }
.Ltmp6:
0x2a3: {  	_ = 	snop;
	(pc) =	sbr.rel @p0 .LBB2_9-.Ltmp6, $4  }
0x2a4: {  	_ = 	snop  }
0x2a5: {  	s31 =	sshll.u32 s22, $0x4  }
0x2a6: {  	s23 =	sand.u32 $0x3FFFFFF0, s31;
	v16 =	vpop (erf)  }
0x2a7: {  	s22 =	sadd.s32 $0x1, s22;
	[tilespmem:s23+$0x8480] =	vst v16  }
0x2a8: {  	p0 =	seq.s32 s20, $0x3  }
.Ltmp7:
0x2a9: {  	_ = 	snop;
	(pc) =	sbr.rel @p0 .LBB2_12-.Ltmp7, $4  }
0x2aa: {  	_ = 	snop  }
0x2ab: {  	s21 =	sadd.s32 s21, s3  }
0x2ac: {  	s21 =	sadd.s32 $0x8, s21  }
0x2ad: {  	[hbm4b:s21+s4] =	stream.linear.scatter [tilespmem:s17], [sflag:$0x4], $0x40, $0x38;
	[tilespmem:$0x8D00] =	vst v63  }
.Ltmp8:
0x2ae: {  	(pc) =	sbr.rel .LBB2_2-.Ltmp8, $4  }
0x2af: {  	s21 =	sshll.u32 s20, $0x8  }
0x2b0: {  	s21 =	sand.u32 $0x3FFFFF00, s21  }
0x2b1: {  	s20 =	sadd.s32 $0x1, s20;
	s21 =	sadd.s32 $0x180, s21  }
0x2b2: {  	[tilespmem:s11], [sflag:$0x2] =	stream.indirect.gather [hbm4b:s2+s9], $0x80, s21, s9, $0xb8;
	[tilespmem:$0x8D00] =	vst v63  }
.LBB2_13:
0x2b3: {  	_ =	sfence.sel $0x180000  }
0x2b4: {  	[bflag:$0x0] =	sbarrier.arrive $0xFFFF  }
0x2b5: {  	p0 =	sne.s32 s1, $0x0;
	_ =	strace $0x90000047  }
0x2b6: {  	s0 =	sadd.s32 @!p0 $0x100000, s0;
	[bflag:$0x2] =	sbarrier.arrive $0xFFFF  }
0x2b7: {  	[sflag:s0] =	ssyncadd.tile.s32 @!p0 $0x1;
	_ =	shalt  }
.Lfunc_end2:
_tile_overlayer_lowered:
.L_overlay_start_2:
0x2b8: {  	(tag) =	ssettag $0x2  }
0x2b9: {  	s0 =	rddreg [dreg:$0x0];
	s2 =	stileid.u32  }
0x2ba: {  	s1 =	rddreg [dreg:$0x1];
	p0 =	sne.s32 s2, $0x0  }
0x2bb: {  	s3 =	rddreg [dreg:$0x2];
	[bflag:$0x3] =	sbarrier.arrive $0xFFFF;
	s2 =	simm.s32 @!p0 $0x1C05  }
0x2bc: {  	[timem:s3], [sflag:s2] =	dma.local @!p0 [hbm:s0], s1  }
0x2bd: {  	s0 =	simm.s32 @!p0 $0x5  }
0x2be: {  	_ =	swait.ge @!p0 [sflag:s0], s1  }
0x2bf: {  	s1 =	ssub.s32 @!p0 $0x0, s1;
	[sflag:s0] =	ssyncset.done @!p0 $0x0  }
0x2c0: {  	[sflag:s0] =	ssyncadd.s32 @!p0 s1  }
0x2c1: {  	[bflag:$0x3] =	sbarrier.arrive $0xFFFF  }
0x2c2: {  	_ =	shalt  }

</sc_bundles>
